<compile_context>
chip_gen: v7x
topology: tpu7x:2x2x1
jax: 0.10.2.dev20260603
libtpu: 0.0.44.dev20260713+nightly
codegen_flags: <defaults>
</compile_context>

<pallas_src>
import functools

import jax
import jax.numpy as jnp
from jax import lax
from jax.experimental import pallas as pl
from jax.experimental.pallas import tpu as pltpu
from jax.experimental.pallas import tpu_sc as plsc

_E = 64
_C = 2
_NC = 2
_NS = 16
_NW = _NC * _NS
_G = 128
_BLKV = 32768


def _project_kernel(x_ref, w_ref, b_ref, out0_ref, out1_ref):
    res = lax.dot_general(
        w_ref[...], x_ref[...], (((1,), (0,)), ((), ())),
        preferred_element_type=jnp.float32)
    res = res + b_ref[...]
    out0_ref[...] = res[0]
    out1_ref[...] = res[1]


def _project(tt, Wq, bq):
    vocab = tt.shape[1]
    grid = (vocab + _BLKV - 1) // _BLKV
    return pl.pallas_call(
        _project_kernel,
        grid=(grid,),
        in_specs=[
            pl.BlockSpec((_E, _BLKV), lambda i: (0, i)),
            pl.BlockSpec((_C, _E), lambda i: (0, 0)),
            pl.BlockSpec((_C, 1), lambda i: (0, 0)),
        ],
        out_specs=[
            pl.BlockSpec((_BLKV,), lambda i: (i,)),
            pl.BlockSpec((_BLKV,), lambda i: (i,)),
        ],
        out_shape=[
            jax.ShapeDtypeStruct((vocab,), jnp.float32),
            jax.ShapeDtypeStruct((vocab,), jnp.float32),
        ],
    )(tt, Wq, bq)


def _make_gather(n_tokens):
    tok_per_w = n_tokens // _NW
    n_groups = tok_per_w // _G
    mesh = plsc.VectorSubcoreMesh(core_axis_name="c", subcore_axis_name="s")

    @functools.partial(
        pl.kernel,
        out_type=jax.ShapeDtypeStruct((_C, _NW, tok_per_w), jnp.float32),
        mesh=mesh,
        compiler_params=pltpu.CompilerParams(
            needs_layout_passes=False, use_tc_tiling_on_sc=False),
        scratch_types=[
            pltpu.VMEM((tok_per_w,), jnp.int32),
            pltpu.VMEM((tok_per_w,), jnp.float32),
            pltpu.VMEM((tok_per_w,), jnp.float32),
            pltpu.SemaphoreType.DMA,
        ],
    )
    def k(p0_hbm, p1_hbm, idx_hbm, out_hbm, idx_v, s0_v, s1_v, sem):
        wid = lax.axis_index("s") * _NC + lax.axis_index("c")
        pltpu.sync_copy(idx_hbm.at[wid], idx_v)
        handles = []
        for j in range(n_groups):
            sl = pl.ds(j * _G, _G)
            handles.append(
                pltpu.async_copy(p0_hbm.at[idx_v.at[sl]], s0_v.at[sl], sem))
            handles.append(
                pltpu.async_copy(p1_hbm.at[idx_v.at[sl]], s1_v.at[sl], sem))
        for h in handles:
            h.wait()
        pltpu.sync_copy(s0_v, out_hbm.at[0, wid])
        pltpu.sync_copy(s1_v, out_hbm.at[1, wid])

    return k


@jax.jit
def kernel(sentence1, emb_table, W, b):
    batch, seq = sentence1.shape
    n_tokens = batch * seq
    tt = emb_table.T
    p0, p1 = _project(tt, W, b.reshape(_C, 1))
    idx = sentence1.reshape(_NW, n_tokens // _NW)
    out = _make_gather(n_tokens)(p0, p1, idx)
    return jnp.moveaxis(out.reshape(_C, batch, seq), 0, 2)

# --- scband reference (transcript-rebuilt; emitter-appended) ---
"""Pipeline reference for scband-selector-49022756717171 (READ-ONLY COPY).

The authoritative reference and input builder live on the scoring server;
editing this copy changes nothing except your own understanding.
"""

import jax, jax.numpy as jnp
import numpy as np

VOCAB = 1000000
EMSIZE = 64
NUM_CLASS = 2
BATCH = 4096
SEQ = 50

def setup_inputs(seed: int = 0) -> dict:
    key = jax.random.key(seed)
    k1, k2, k3 = jax.random.split(key, 3)
    sentence1 = jax.random.randint(k1, (BATCH, SEQ), 0, VOCAB, dtype=jnp.int64 if jax.config.jax_enable_x64 else jnp.int32).astype(jnp.int32)
    emb_table = jax.random.normal(k2, (VOCAB, EMSIZE), dtype=jnp.float32) * 0.02
    W = jax.random.normal(k3, (NUM_CLASS, EMSIZE), dtype=jnp.float32) * (1.0 / np.sqrt(EMSIZE))
    b = jnp.zeros((NUM_CLASS,), dtype=jnp.float32)
    return {"sentence1": sentence1, "emb_table": emb_table, "W": W, "b": b}

def reference(sentence1, emb_table, W, b):
    # embedding lookup: [B, L] -> [B, L, E]
    embedded_x1 = jnp.take(emb_table, sentence1, axis=0)
    # linear: [B, L, E] @ [E, C] + [C] -> [B, L, C]
    score = embedded_x1 @ W.T + b
    # torch .squeeze(1): only squeezes if dim 1 has size 1
    if score.shape[1] == 1:
        score = jnp.squeeze(score, axis=1)
    return score

if __name__ == "__main__":
    import jax
    _d = setup_inputs()
    print(jax.jit(kernel)(*tuple(_d.values())))

</pallas_src>

<mosaic_0001>
#map = affine_map<(d0, d1) -> (0)>
#map1 = affine_map<(d0, d1) -> (0, 0)>
#map2 = affine_map<(d0, d1) -> (0, 0, 0)>
module attributes {stable_mosaic.version = 14 : i64} {
  func.func @k(%arg0: i32, %arg1: i32, %arg2: memref<1000000xf32, #tpu.memory_space<hbm>>, %arg3: memref<1000000xf32, #tpu.memory_space<hbm>>, %arg4: memref<32x6400xi32, #tpu.memory_space<hbm>>, %arg5: memref<2x32x6400xf32, #tpu.memory_space<hbm>>, %arg6: memref<6400xi32, #tpu.memory_space<vmem>>, %arg7: memref<6400xf32, #tpu.memory_space<vmem>>, %arg8: memref<6400xf32, #tpu.memory_space<vmem>>, %arg9: memref<!tpu.dma_semaphore, #tpu.memory_space<semaphore_mem>>) attributes {dimension_semantics = [#tpu.dimension_semantics<core_parallel>, #tpu.dimension_semantics<subcore_parallel>], iteration_bounds = array<i64: 2, 16>, scalar_prefetch = 0 : i64, scratch_operands = 4 : i64, tpu.core_type = #tpu.core_type<sc_vector_subcore>, window_params = [{transform_indices = #map}, {transform_indices = #map}, {transform_indices = #map1}, {transform_indices = #map2}]} {
    %mul3A = arith.constant 2 : i32
    %mul3A_0 = arith.muli %arg1, %mul3A : i32
    %add3A = arith.addi %mul3A_0, %arg0 : i32
    "tpu.region"() ({
      %run_scoped3A_1200 = tpu.sem_alloc : memref<!tpu.dma_semaphore, #tpu.memory_space<semaphore_mem>>
      %dma_start3A_1201 = arith.constant 0 : i32
      %dma_start3A_1202 = tpu.memref_slice %arg4[%add3A, %dma_start3A_1201] : memref<32x6400xi32, #tpu.memory_space<hbm>> -> memref<1x6400xi32, #tpu.memory_space<hbm>>
      %dma_start3A_1203 = tpu.memref_squeeze %dma_start3A_1202 : memref<1x6400xi32, #tpu.memory_space<hbm>> -> memref<6400xi32, #tpu.memory_space<hbm>>
      %dma_start3A_1204 = arith.constant 0 : i32
      %dma_start3A_1205 = tpu.memref_slice %arg4[%add3A, %dma_start3A_1204] : memref<32x6400xi32, #tpu.memory_space<hbm>> -> memref<1x6400xi32, #tpu.memory_space<hbm>>
      %dma_start3A_1206 = tpu.memref_squeeze %dma_start3A_1205 : memref<1x6400xi32, #tpu.memory_space<hbm>> -> memref<6400xi32, #tpu.memory_space<hbm>>
      tpu.enqueue_dma source(%dma_start3A_1206 : memref<6400xi32, #tpu.memory_space<hbm>>) target(%arg6 : memref<6400xi32, #tpu.memory_space<vmem>>) target_semaphore(%run_scoped3A_1200 : memref<!tpu.dma_semaphore, #tpu.memory_space<semaphore_mem>>)
      %dma_wait3A_1207 = arith.constant 0 : i32
      %dma_wait3A_1208 = tpu.memref_slice %arg4[%add3A, %dma_wait3A_1207] : memref<32x6400xi32, #tpu.memory_space<hbm>> -> memref<1x6400xi32, #tpu.memory_space<hbm>>
      %dma_wait3A_1209 = tpu.memref_squeeze %dma_wait3A_1208 : memref<1x6400xi32, #tpu.memory_space<hbm>> -> memref<6400xi32, #tpu.memory_space<hbm>>
      %dma_wait3A_1210 = arith.constant 0 : i32
      %dma_wait3A_1211 = tpu.memref_slice %arg4[%add3A, %dma_wait3A_1210] : memref<32x6400xi32, #tpu.memory_space<hbm>> -> memref<1x6400xi32, #tpu.memory_space<hbm>>
      %dma_wait3A_1212 = tpu.memref_squeeze %dma_wait3A_1211 : memref<1x6400xi32, #tpu.memory_space<hbm>> -> memref<6400xi32, #tpu.memory_space<hbm>>
      tpu.wait_dma2 semaphore(%run_scoped3A_1200 : memref<!tpu.dma_semaphore, #tpu.memory_space<semaphore_mem>>) src(%dma_wait3A_1212 : memref<6400xi32, #tpu.memory_space<hbm>>) dst(%arg6 : memref<6400xi32, #tpu.memory_space<vmem>>)
      tpu.yield
    }) : () -> ()
    %dma_start3A = arith.constant 0 : i32
    %dma_start3A_1 = tpu.memref_slice %arg7[%dma_start3A] : memref<6400xf32, #tpu.memory_space<vmem>> -> memref<128xf32, #tpu.memory_space<vmem>>
    %dma_start3A_2 = arith.constant 0 : i32
    %dma_start3A_3 = tpu.memref_slice %arg6[%dma_start3A_2] : memref<6400xi32, #tpu.memory_space<vmem>> -> memref<128xi32, #tpu.memory_space<vmem>>
    %dma_start3A_4 = arith.constant 0 : i32
    %dma_start3A_5 = tpu.memref_slice %arg2[%dma_start3A_4] : memref<1000000xf32, #tpu.memory_space<hbm>> -> memref<1000000xf32, #tpu.memory_space<hbm>>
    tpu.enqueue_indirect_dma source(%dma_start3A_5 : memref<1000000xf32, #tpu.memory_space<hbm>>) target(%dma_start3A_1 : memref<128xf32, #tpu.memory_space<vmem>>) offsets(%dma_start3A_3 : memref<128xi32, #tpu.memory_space<vmem>>) semaphore(%arg9 : memref<!tpu.dma_semaphore, #tpu.memory_space<semaphore_mem>>)
    %dma_start3A_6 = arith.constant 0 : i32
    %dma_start3A_7 = tpu.memref_slice %arg8[%dma_start3A_6] : memref<6400xf32, #tpu.memory_space<vmem>> -> memref<128xf32, #tpu.memory_space<vmem>>
    %dma_start3A_8 = arith.constant 0 : i32
    %dma_start3A_9 = tpu.memref_slice %arg6[%dma_start3A_8] : memref<6400xi32, #tpu.memory_space<vmem>> -> memref<128xi32, #tpu.memory_space<vmem>>
    %dma_start3A_10 = arith.constant 0 : i32
    %dma_start3A_11 = tpu.memref_slice %arg3[%dma_start3A_10] : memref<1000000xf32, #tpu.memory_space<hbm>> -> memref<1000000xf32, #tpu.memory_space<hbm>>
    tpu.enqueue_indirect_dma source(%dma_start3A_11 : memref<1000000xf32, #tpu.memory_space<hbm>>) target(%dma_start3A_7 : memref<128xf32, #tpu.memory_space<vmem>>) offsets(%dma_start3A_9 : memref<128xi32, #tpu.memory_space<vmem>>) semaphore(%arg9 : memref<!tpu.dma_semaphore, #tpu.memory_space<semaphore_mem>>)
    %dma_start3A_12 = arith.constant 128 : i32
    %dma_start3A_13 = tpu.memref_slice %arg7[%dma_start3A_12] : memref<6400xf32, #tpu.memory_space<vmem>> -> memref<128xf32, #tpu.memory_space<vmem>>
    %dma_start3A_14 = arith.constant 128 : i32
    %dma_start3A_15 = tpu.memref_slice %arg6[%dma_start3A_14] : memref<6400xi32, #tpu.memory_space<vmem>> -> memref<128xi32, #tpu.memory_space<vmem>>
    %dma_start3A_16 = arith.constant 0 : i32
    %dma_start3A_17 = tpu.memref_slice %arg2[%dma_start3A_16] : memref<1000000xf32, #tpu.memory_space<hbm>> -> memref<1000000xf32, #tpu.memory_space<hbm>>
    tpu.enqueue_indirect_dma source(%dma_start3A_17 : memref<1000000xf32, #tpu.memory_space<hbm>>) target(%dma_start3A_13 : memref<128xf32, #tpu.memory_space<vmem>>) offsets(%dma_start3A_15 : memref<128xi32, #tpu.memory_space<vmem>>) semaphore(%arg9 : memref<!tpu.dma_semaphore, #tpu.memory_space<semaphore_mem>>)
    %dma_start3A_18 = arith.constant 128 : i32
    %dma_start3A_19 = tpu.memref_slice %arg8[%dma_start3A_18] : memref<6400xf32, #tpu.memory_space<vmem>> -> memref<128xf32, #tpu.memory_space<vmem>>
    %dma_start3A_20 = arith.constant 128 : i32
    %dma_start3A_21 = tpu.memref_slice %arg6[%dma_start3A_20] : memref<6400xi32, #tpu.memory_space<vmem>> -> memref<128xi32, #tpu.memory_space<vmem>>
    %dma_start3A_22 = arith.constant 0 : i32
    %dma_start3A_23 = tpu.memref_slice %arg3[%dma_start3A_22] : memref<1000000xf32, #tpu.memory_space<hbm>> -> memref<1000000xf32, #tpu.memory_space<hbm>>
    tpu.enqueue_indirect_dma source(%dma_start3A_23 : memref<1000000xf32, #tpu.memory_space<hbm>>) target(%dma_start3A_19 : memref<128xf32, #tpu.memory_space<vmem>>) offsets(%dma_start3A_21 : memref<128xi32, #tpu.memory_space<vmem>>) semaphore(%arg9 : memref<!tpu.dma_semaphore, #tpu.memory_space<semaphore_mem>>)
    %dma_start3A_24 = arith.constant 256 : i32
    %dma_start3A_25 = tpu.memref_slice %arg7[%dma_start3A_24] : memref<6400xf32, #tpu.memory_space<vmem>> -> memref<128xf32, #tpu.memory_space<vmem>>
    %dma_start3A_26 = arith.constant 256 : i32
    %dma_start3A_27 = tpu.memref_slice %arg6[%dma_start3A_26] : memref<6400xi32, #tpu.memory_space<vmem>> -> memref<128xi32, #tpu.memory_space<vmem>>
    %dma_start3A_28 = arith.constant 0 : i32
    %dma_start3A_29 = tpu.memref_slice %arg2[%dma_start3A_28] : memref<1000000xf32, #tpu.memory_space<hbm>> -> memref<1000000xf32, #tpu.memory_space<hbm>>
    tpu.enqueue_indirect_dma source(%dma_start3A_29 : memref<1000000xf32, #tpu.memory_space<hbm>>) target(%dma_start3A_25 : memref<128xf32, #tpu.memory_space<vmem>>) offsets(%dma_start3A_27 : memref<128xi32, #tpu.memory_space<vmem>>) semaphore(%arg9 : memref<!tpu.dma_semaphore, #tpu.memory_space<semaphore_mem>>)
    %dma_start3A_30 = arith.constant 256 : i32
    %dma_start3A_31 = tpu.memref_slice %arg8[%dma_start3A_30] : memref<6400xf32, #tpu.memory_space<vmem>> -> memref<128xf32, #tpu.memory_space<vmem>>
    %dma_start3A_32 = arith.constant 256 : i32
    %dma_start3A_33 = tpu.memref_slice %arg6[%dma_start3A_32] : memref<6400xi32, #tpu.memory_space<vmem>> -> memref<128xi32, #tpu.memory_space<vmem>>
    %dma_start3A_34 = arith.constant 0 : i32
    %dma_start3A_35 = tpu.memref_slice %arg3[%dma_start3A_34] : memref<1000000xf32, #tpu.memory_space<hbm>> -> memref<1000000xf32, #tpu.memory_space<hbm>>
    tpu.enqueue_indirect_dma source(%dma_start3A_35 : memref<1000000xf32, #tpu.memory_space<hbm>>) target(%dma_start3A_31 : memref<128xf32, #tpu.memory_space<vmem>>) offsets(%dma_start3A_33 : memref<128xi32, #tpu.memory_space<vmem>>) semaphore(%arg9 : memref<!tpu.dma_semaphore, #tpu.memory_space<semaphore_mem>>)
    %dma_start3A_36 = arith.constant 384 : i32
    %dma_start3A_37 = tpu.memref_slice %arg7[%dma_start3A_36] : memref<6400xf32, #tpu.memory_space<vmem>> -> memref<128xf32, #tpu.memory_space<vmem>>
    %dma_start3A_38 = arith.constant 384 : i32
    %dma_start3A_39 = tpu.memref_slice %arg6[%dma_start3A_38] : memref<6400xi32, #tpu.memory_space<vmem>> -> memref<128xi32, #tpu.memory_space<vmem>>
    %dma_start3A_40 = arith.constant 0 : i32
    %dma_start3A_41 = tpu.memref_slice %arg2[%dma_start3A_40] : memref<1000000xf32, #tpu.memory_space<hbm>> -> memref<1000000xf32, #tpu.memory_space<hbm>>
    tpu.enqueue_indirect_dma source(%dma_start3A_41 : memref<1000000xf32, #tpu.memory_space<hbm>>) target(%dma_start3A_37 : memref<128xf32, #tpu.memory_space<vmem>>) offsets(%dma_start3A_39 : memref<128xi32, #tpu.memory_space<vmem>>) semaphore(%arg9 : memref<!tpu.dma_semaphore, #tpu.memory_space<semaphore_mem>>)
    %dma_start3A_42 = arith.constant 384 : i32
    %dma_start3A_43 = tpu.memref_slice %arg8[%dma_start3A_42] : memref<6400xf32, #tpu.memory_space<vmem>> -> memref<128xf32, #tpu.memory_space<vmem>>
    %dma_start3A_44 = arith.constant 384 : i32
    %dma_start3A_45 = tpu.memref_slice %arg6[%dma_start3A_44] : memref<6400xi32, #tpu.memory_space<vmem>> -> memref<128xi32, #tpu.memory_space<vmem>>
    %dma_start3A_46 = arith.constant 0 : i32
    %dma_start3A_47 = tpu.memref_slice %arg3[%dma_start3A_46] : memref<1000000xf32, #tpu.memory_space<hbm>> -> memref<1000000xf32, #tpu.memory_space<hbm>>
    tpu.enqueue_indirect_dma source(%dma_start3A_47 : memref<1000000xf32, #tpu.memory_space<hbm>>) target(%dma_start3A_43 : memref<128xf32, #tpu.memory_space<vmem>>) offsets(%dma_start3A_45 : memref<128xi32, #tpu.memory_space<vmem>>) semaphore(%arg9 : memref<!tpu.dma_semaphore, #tpu.memory_space<semaphore_mem>>)
    %dma_start3A_48 = arith.constant 512 : i32
    %dma_start3A_49 = tpu.memref_slice %arg7[%dma_start3A_48] : memref<6400xf32, #tpu.memory_space<vmem>> -> memref<128xf32, #tpu.memory_space<vmem>>
    %dma_start3A_50 = arith.constant 512 : i32
    %dma_start3A_51 = tpu.memref_slice %arg6[%dma_start3A_50] : memref<6400xi32, #tpu.memory_space<vmem>> -> memref<128xi32, #tpu.memory_space<vmem>>
    %dma_start3A_52 = arith.constant 0 : i32
    %dma_start3A_53 = tpu.memref_slice %arg2[%dma_start3A_52] : memref<1000000xf32, #tpu.memory_space<hbm>> -> memref<1000000xf32, #tpu.memory_space<hbm>>
    tpu.enqueue_indirect_dma source(%dma_start3A_53 : memref<1000000xf32, #tpu.memory_space<hbm>>) target(%dma_start3A_49 : memref<128xf32, #tpu.memory_space<vmem>>) offsets(%dma_start3A_51 : memref<128xi32, #tpu.memory_space<vmem>>) semaphore(%arg9 : memref<!tpu.dma_semaphore, #tpu.memory_space<semaphore_mem>>)
    %dma_start3A_54 = arith.constant 512 : i32
    %dma_start3A_55 = tpu.memref_slice %arg8[%dma_start3A_54] : memref<6400xf32, #tpu.memory_space<vmem>> -> memref<128xf32, #tpu.memory_space<vmem>>
    %dma_start3A_56 = arith.constant 512 : i32
    %dma_start3A_57 = tpu.memref_slice %arg6[%dma_start3A_56] : memref<6400xi32, #tpu.memory_space<vmem>> -> memref<128xi32, #tpu.memory_space<vmem>>
    %dma_start3A_58 = arith.constant 0 : i32
    %dma_start3A_59 = tpu.memref_slice %arg3[%dma_start3A_58] : memref<1000000xf32, #tpu.memory_space<hbm>> -> memref<1000000xf32, #tpu.memory_space<hbm>>
    tpu.enqueue_indirect_dma source(%dma_start3A_59 : memref<1000000xf32, #tpu.memory_space<hbm>>) target(%dma_start3A_55 : memref<128xf32, #tpu.memory_space<vmem>>) offsets(%dma_start3A_57 : memref<128xi32, #tpu.memory_space<vmem>>) semaphore(%arg9 : memref<!tpu.dma_semaphore, #tpu.memory_space<semaphore_mem>>)
    %dma_start3A_60 = arith.constant 640 : i32
    %dma_start3A_61 = tpu.memref_slice %arg7[%dma_start3A_60] : memref<6400xf32, #tpu.memory_space<vmem>> -> memref<128xf32, #tpu.memory_space<vmem>>
    %dma_start3A_62 = arith.constant 640 : i32
    %dma_start3A_63 = tpu.memref_slice %arg6[%dma_start3A_62] : memref<6400xi32, #tpu.memory_space<vmem>> -> memref<128xi32, #tpu.memory_space<vmem>>
    %dma_start3A_64 = arith.constant 0 : i32
    %dma_start3A_65 = tpu.memref_slice %arg2[%dma_start3A_64] : memref<1000000xf32, #tpu.memory_space<hbm>> -> memref<1000000xf32, #tpu.memory_space<hbm>>
    tpu.enqueue_indirect_dma source(%dma_start3A_65 : memref<1000000xf32, #tpu.memory_space<hbm>>) target(%dma_start3A_61 : memref<128xf32, #tpu.memory_space<vmem>>) offsets(%dma_start3A_63 : memref<128xi32, #tpu.memory_space<vmem>>) semaphore(%arg9 : memref<!tpu.dma_semaphore, #tpu.memory_space<semaphore_mem>>)
    %dma_start3A_66 = arith.constant 640 : i32
    %dma_start3A_67 = tpu.memref_slice %arg8[%dma_start3A_66] : memref<6400xf32, #tpu.memory_space<vmem>> -> memref<128xf32, #tpu.memory_space<vmem>>
    %dma_start3A_68 = arith.constant 640 : i32
    %dma_start3A_69 = tpu.memref_slice %arg6[%dma_start3A_68] : memref<6400xi32, #tpu.memory_space<vmem>> -> memref<128xi32, #tpu.memory_space<vmem>>
    %dma_start3A_70 = arith.constant 0 : i32
    %dma_start3A_71 = tpu.memref_slice %arg3[%dma_start3A_70] : memref<1000000xf32, #tpu.memory_space<hbm>> -> memref<1000000xf32, #tpu.memory_space<hbm>>
    tpu.enqueue_indirect_dma source(%dma_start3A_71 : memref<1000000xf32, #tpu.memory_space<hbm>>) target(%dma_start3A_67 : memref<128xf32, #tpu.memory_space<vmem>>) offsets(%dma_start3A_69 : memref<128xi32, #tpu.memory_space<vmem>>) semaphore(%arg9 : memref<!tpu.dma_semaphore, #tpu.memory_space<semaphore_mem>>)
    %dma_start3A_72 = arith.constant 768 : i32
    %dma_start3A_73 = tpu.memref_slice %arg7[%dma_start3A_72] : memref<6400xf32, #tpu.memory_space<vmem>> -> memref<128xf32, #tpu.memory_space<vmem>>
    %dma_start3A_74 = arith.constant 768 : i32
    %dma_start3A_75 = tpu.memref_slice %arg6[%dma_start3A_74] : memref<6400xi32, #tpu.memory_space<vmem>> -> memref<128xi32, #tpu.memory_space<vmem>>
    %dma_start3A_76 = arith.constant 0 : i32
    %dma_start3A_77 = tpu.memref_slice %arg2[%dma_start3A_76] : memref<1000000xf32, #tpu.memory_space<hbm>> -> memref<1000000xf32, #tpu.memory_space<hbm>>
    tpu.enqueue_indirect_dma source(%dma_start3A_77 : memref<1000000xf32, #tpu.memory_space<hbm>>) target(%dma_start3A_73 : memref<128xf32, #tpu.memory_space<vmem>>) offsets(%dma_start3A_75 : memref<128xi32, #tpu.memory_space<vmem>>) semaphore(%arg9 : memref<!tpu.dma_semaphore, #tpu.memory_space<semaphore_mem>>)
    %dma_start3A_78 = arith.constant 768 : i32
    %dma_start3A_79 = tpu.memref_slice %arg8[%dma_start3A_78] : memref<6400xf32, #tpu.memory_space<vmem>> -> memref<128xf32, #tpu.memory_space<vmem>>
    %dma_start3A_80 = arith.constant 768 : i32
    %dma_start3A_81 = tpu.memref_slice %arg6[%dma_start3A_80] : memref<6400xi32, #tpu.memory_space<vmem>> -> memref<128xi32, #tpu.memory_space<vmem>>
    %dma_start3A_82 = arith.constant 0 : i32
    %dma_start3A_83 = tpu.memref_slice %arg3[%dma_start3A_82] : memref<1000000xf32, #tpu.memory_space<hbm>> -> memref<1000000xf32, #tpu.memory_space<hbm>>
    tpu.enqueue_indirect_dma source(%dma_start3A_83 : memref<1000000xf32, #tpu.memory_space<hbm>>) target(%dma_start3A_79 : memref<128xf32, #tpu.memory_space<vmem>>) offsets(%dma_start3A_81 : memref<128xi32, #tpu.memory_space<vmem>>) semaphore(%arg9 : memref<!tpu.dma_semaphore, #tpu.memory_space<semaphore_mem>>)
    %dma_start3A_84 = arith.constant 896 : i32
    %dma_start3A_85 = tpu.memref_slice %arg7[%dma_start3A_84] : memref<6400xf32, #tpu.memory_space<vmem>> -> memref<128xf32, #tpu.memory_space<vmem>>
    %dma_start3A_86 = arith.constant 896 : i32
    %dma_start3A_87 = tpu.memref_slice %arg6[%dma_start3A_86] : memref<6400xi32, #tpu.memory_space<vmem>> -> memref<128xi32, #tpu.memory_space<vmem>>
    %dma_start3A_88 = arith.constant 0 : i32
    %dma_start3A_89 = tpu.memref_slice %arg2[%dma_start3A_88] : memref<1000000xf32, #tpu.memory_space<hbm>> -> memref<1000000xf32, #tpu.memory_space<hbm>>
    tpu.enqueue_indirect_dma source(%dma_start3A_89 : memref<1000000xf32, #tpu.memory_space<hbm>>) target(%dma_start3A_85 : memref<128xf32, #tpu.memory_space<vmem>>) offsets(%dma_start3A_87 : memref<128xi32, #tpu.memory_space<vmem>>) semaphore(%arg9 : memref<!tpu.dma_semaphore, #tpu.memory_space<semaphore_mem>>)
    %dma_start3A_90 = arith.constant 896 : i32
    %dma_start3A_91 = tpu.memref_slice %arg8[%dma_start3A_90] : memref<6400xf32, #tpu.memory_space<vmem>> -> memref<128xf32, #tpu.memory_space<vmem>>
    %dma_start3A_92 = arith.constant 896 : i32
    %dma_start3A_93 = tpu.memref_slice %arg6[%dma_start3A_92] : memref<6400xi32, #tpu.memory_space<vmem>> -> memref<128xi32, #tpu.memory_space<vmem>>
    %dma_start3A_94 = arith.constant 0 : i32
    %dma_start3A_95 = tpu.memref_slice %arg3[%dma_start3A_94] : memref<1000000xf32, #tpu.memory_space<hbm>> -> memref<1000000xf32, #tpu.memory_space<hbm>>
    tpu.enqueue_indirect_dma source(%dma_start3A_95 : memref<1000000xf32, #tpu.memory_space<hbm>>) target(%dma_start3A_91 : memref<128xf32, #tpu.memory_space<vmem>>) offsets(%dma_start3A_93 : memref<128xi32, #tpu.memory_space<vmem>>) semaphore(%arg9 : memref<!tpu.dma_semaphore, #tpu.memory_space<semaphore_mem>>)
    %dma_start3A_96 = arith.constant 1024 : i32
    %dma_start3A_97 = tpu.memref_slice %arg7[%dma_start3A_96] : memref<6400xf32, #tpu.memory_space<vmem>> -> memref<128xf32, #tpu.memory_space<vmem>>
    %dma_start3A_98 = arith.constant 1024 : i32
    %dma_start3A_99 = tpu.memref_slice %arg6[%dma_start3A_98] : memref<6400xi32, #tpu.memory_space<vmem>> -> memref<128xi32, #tpu.memory_space<vmem>>
    %dma_start3A_100 = arith.constant 0 : i32
    %dma_start3A_101 = tpu.memref_slice %arg2[%dma_start3A_100] : memref<1000000xf32, #tpu.memory_space<hbm>> -> memref<1000000xf32, #tpu.memory_space<hbm>>
    tpu.enqueue_indirect_dma source(%dma_start3A_101 : memref<1000000xf32, #tpu.memory_space<hbm>>) target(%dma_start3A_97 : memref<128xf32, #tpu.memory_space<vmem>>) offsets(%dma_start3A_99 : memref<128xi32, #tpu.memory_space<vmem>>) semaphore(%arg9 : memref<!tpu.dma_semaphore, #tpu.memory_space<semaphore_mem>>)
    %dma_start3A_102 = arith.constant 1024 : i32
    %dma_start3A_103 = tpu.memref_slice %arg8[%dma_start3A_102] : memref<6400xf32, #tpu.memory_space<vmem>> -> memref<128xf32, #tpu.memory_space<vmem>>
    %dma_start3A_104 = arith.constant 1024 : i32
    %dma_start3A_105 = tpu.memref_slice %arg6[%dma_start3A_104] : memref<6400xi32, #tpu.memory_space<vmem>> -> memref<128xi32, #tpu.memory_space<vmem>>
    %dma_start3A_106 = arith.constant 0 : i32
    %dma_start3A_107 = tpu.memref_slice %arg3[%dma_start3A_106] : memref<1000000xf32, #tpu.memory_space<hbm>> -> memref<1000000xf32, #tpu.memory_space<hbm>>
    tpu.enqueue_indirect_dma source(%dma_start3A_107 : memref<1000000xf32, #tpu.memory_space<hbm>>) target(%dma_start3A_103 : memref<128xf32, #tpu.memory_space<vmem>>) offsets(%dma_start3A_105 : memref<128xi32, #tpu.memory_space<vmem>>) semaphore(%arg9 : memref<!tpu.dma_semaphore, #tpu.memory_space<semaphore_mem>>)
    %dma_start3A_108 = arith.constant 1152 : i32
    %dma_start3A_109 = tpu.memref_slice %arg7[%dma_start3A_108] : memref<6400xf32, #tpu.memory_space<vmem>> -> memref<128xf32, #tpu.memory_space<vmem>>
    %dma_start3A_110 = arith.constant 1152 : i32
    %dma_start3A_111 = tpu.memref_slice %arg6[%dma_start3A_110] : memref<6400xi32, #tpu.memory_space<vmem>> -> memref<128xi32, #tpu.memory_space<vmem>>
    %dma_start3A_112 = arith.constant 0 : i32
    %dma_start3A_113 = tpu.memref_slice %arg2[%dma_start3A_112] : memref<1000000xf32, #tpu.memory_space<hbm>> -> memref<1000000xf32, #tpu.memory_space<hbm>>
    tpu.enqueue_indirect_dma source(%dma_start3A_113 : memref<1000000xf32, #tpu.memory_space<hbm>>) target(%dma_start3A_109 : memref<128xf32, #tpu.memory_space<vmem>>) offsets(%dma_start3A_111 : memref<128xi32, #tpu.memory_space<vmem>>) semaphore(%arg9 : memref<!tpu.dma_semaphore, #tpu.memory_space<semaphore_mem>>)
    %dma_start3A_114 = arith.constant 1152 : i32
    %dma_start3A_115 = tpu.memref_slice %arg8[%dma_start3A_114] : memref<6400xf32, #tpu.memory_space<vmem>> -> memref<128xf32, #tpu.memory_space<vmem>>
    %dma_start3A_116 = arith.constant 1152 : i32
    %dma_start3A_117 = tpu.memref_slice %arg6[%dma_start3A_116] : memref<6400xi32, #tpu.memory_space<vmem>> -> memref<128xi32, #tpu.memory_space<vmem>>
    %dma_start3A_118 = arith.constant 0 : i32
    %dma_start3A_119 = tpu.memref_slice %arg3[%dma_start3A_118] : memref<1000000xf32, #tpu.memory_space<hbm>> -> memref<1000000xf32, #tpu.memory_space<hbm>>
    tpu.enqueue_indirect_dma source(%dma_start3A_119 : memref<1000000xf32, #tpu.memory_space<hbm>>) target(%dma_start3A_115 : memref<128xf32, #tpu.memory_space<vmem>>) offsets(%dma_start3A_117 : memref<128xi32, #tpu.memory_space<vmem>>) semaphore(%arg9 : memref<!tpu.dma_semaphore, #tpu.memory_space<semaphore_mem>>)
    %dma_start3A_120 = arith.constant 1280 : i32
    %dma_start3A_121 = tpu.memref_slice %arg7[%dma_start3A_120] : memref<6400xf32, #tpu.memory_space<vmem>> -> memref<128xf32, #tpu.memory_space<vmem>>
    %dma_start3A_122 = arith.constant 1280 : i32
    %dma_start3A_123 = tpu.memref_slice %arg6[%dma_start3A_122] : memref<6400xi32, #tpu.memory_space<vmem>> -> memref<128xi32, #tpu.memory_space<vmem>>
    %dma_start3A_124 = arith.constant 0 : i32
    %dma_start3A_125 = tpu.memref_slice %arg2[%dma_start3A_124] : memref<1000000xf32, #tpu.memory_space<hbm>> -> memref<1000000xf32, #tpu.memory_space<hbm>>
    tpu.enqueue_indirect_dma source(%dma_start3A_125 : memref<1000000xf32, #tpu.memory_space<hbm>>) target(%dma_start3A_121 : memref<128xf32, #tpu.memory_space<vmem>>) offsets(%dma_start3A_123 : memref<128xi32, #tpu.memory_space<vmem>>) semaphore(%arg9 : memref<!tpu.dma_semaphore, #tpu.memory_space<semaphore_mem>>)
    %dma_start3A_126 = arith.constant 1280 : i32
    %dma_start3A_127 = tpu.memref_slice %arg8[%dma_start3A_126] : memref<6400xf32, #tpu.memory_space<vmem>> -> memref<128xf32, #tpu.memory_space<vmem>>
    %dma_start3A_128 = arith.constant 1280 : i32
    %dma_start3A_129 = tpu.memref_slice %arg6[%dma_start3A_128] : memref<6400xi32, #tpu.memory_space<vmem>> -> memref<128xi32, #tpu.memory_space<vmem>>
    %dma_start3A_130 = arith.constant 0 : i32
    %dma_start3A_131 = tpu.memref_slice %arg3[%dma_start3A_130] : memref<1000000xf32, #tpu.memory_space<hbm>> -> memref<1000000xf32, #tpu.memory_space<hbm>>
    tpu.enqueue_indirect_dma source(%dma_start3A_131 : memref<1000000xf32, #tpu.memory_space<hbm>>) target(%dma_start3A_127 : memref<128xf32, #tpu.memory_space<vmem>>) offsets(%dma_start3A_129 : memref<128xi32, #tpu.memory_space<vmem>>) semaphore(%arg9 : memref<!tpu.dma_semaphore, #tpu.memory_space<semaphore_mem>>)
    %dma_start3A_132 = arith.constant 1408 : i32
    %dma_start3A_133 = tpu.memref_slice %arg7[%dma_start3A_132] : memref<6400xf32, #tpu.memory_space<vmem>> -> memref<128xf32, #tpu.memory_space<vmem>>
    %dma_start3A_134 = arith.constant 1408 : i32
    %dma_start3A_135 = tpu.memref_slice %arg6[%dma_start3A_134] : memref<6400xi32, #tpu.memory_space<vmem>> -> memref<128xi32, #tpu.memory_space<vmem>>
    %dma_start3A_136 = arith.constant 0 : i32
    %dma_start3A_137 = tpu.memref_slice %arg2[%dma_start3A_136] : memref<1000000xf32, #tpu.memory_space<hbm>> -> memref<1000000xf32, #tpu.memory_space<hbm>>
    tpu.enqueue_indirect_dma source(%dma_start3A_137 : memref<1000000xf32, #tpu.memory_space<hbm>>) target(%dma_start3A_133 : memref<128xf32, #tpu.memory_space<vmem>>) offsets(%dma_start3A_135 : memref<128xi32, #tpu.memory_space<vmem>>) semaphore(%arg9 : memref<!tpu.dma_semaphore, #tpu.memory_space<semaphore_mem>>)
    %dma_start3A_138 = arith.constant 1408 : i32
    %dma_start3A_139 = tpu.memref_slice %arg8[%dma_start3A_138] : memref<6400xf32, #tpu.memory_space<vmem>> -> memref<128xf32, #tpu.memory_space<vmem>>
    %dma_start3A_140 = arith.constant 1408 : i32
    %dma_start3A_141 = tpu.memref_slice %arg6[%dma_start3A_140] : memref<6400xi32, #tpu.memory_space<vmem>> -> memref<128xi32, #tpu.memory_space<vmem>>
    %dma_start3A_142 = arith.constant 0 : i32
    %dma_start3A_143 = tpu.memref_slice %arg3[%dma_start3A_142] : memref<1000000xf32, #tpu.memory_space<hbm>> -> memref<1000000xf32, #tpu.memory_space<hbm>>
    tpu.enqueue_indirect_dma source(%dma_start3A_143 : memref<1000000xf32, #tpu.memory_space<hbm>>) target(%dma_start3A_139 : memref<128xf32, #tpu.memory_space<vmem>>) offsets(%dma_start3A_141 : memref<128xi32, #tpu.memory_space<vmem>>) semaphore(%arg9 : memref<!tpu.dma_semaphore, #tpu.memory_space<semaphore_mem>>)
    %dma_start3A_144 = arith.constant 1536 : i32
    %dma_start3A_145 = tpu.memref_slice %arg7[%dma_start3A_144] : memref<6400xf32, #tpu.memory_space<vmem>> -> memref<128xf32, #tpu.memory_space<vmem>>
    %dma_start3A_146 = arith.constant 1536 : i32
    %dma_start3A_147 = tpu.memref_slice %arg6[%dma_start3A_146] : memref<6400xi32, #tpu.memory_space<vmem>> -> memref<128xi32, #tpu.memory_space<vmem>>
    %dma_start3A_148 = arith.constant 0 : i32
    %dma_start3A_149 = tpu.memref_slice %arg2[%dma_start3A_148] : memref<1000000xf32, #tpu.memory_space<hbm>> -> memref<1000000xf32, #tpu.memory_space<hbm>>
    tpu.enqueue_indirect_dma source(%dma_start3A_149 : memref<1000000xf32, #tpu.memory_space<hbm>>) target(%dma_start3A_145 : memref<128xf32, #tpu.memory_space<vmem>>) offsets(%dma_start3A_147 : memref<128xi32, #tpu.memory_space<vmem>>) semaphore(%arg9 : memref<!tpu.dma_semaphore, #tpu.memory_space<semaphore_mem>>)
    %dma_start3A_150 = arith.constant 1536 : i32
    %dma_start3A_151 = tpu.memref_slice %arg8[%dma_start3A_150] : memref<6400xf32, #tpu.memory_space<vmem>> -> memref<128xf32, #tpu.memory_space<vmem>>
    %dma_start3A_152 = arith.constant 1536 : i32
    %dma_start3A_153 = tpu.memref_slice %arg6[%dma_start3A_152] : memref<6400xi32, #tpu.memory_space<vmem>> -> memref<128xi32, #tpu.memory_space<vmem>>
    %dma_start3A_154 = arith.constant 0 : i32
    %dma_start3A_155 = tpu.memref_slice %arg3[%dma_start3A_154] : memref<1000000xf32, #tpu.memory_space<hbm>> -> memref<1000000xf32, #tpu.memory_space<hbm>>
    tpu.enqueue_indirect_dma source(%dma_start3A_155 : memref<1000000xf32, #tpu.memory_space<hbm>>) target(%dma_start3A_151 : memref<128xf32, #tpu.memory_space<vmem>>) offsets(%dma_start3A_153 : memref<128xi32, #tpu.memory_space<vmem>>) semaphore(%arg9 : memref<!tpu.dma_semaphore, #tpu.memory_space<semaphore_mem>>)
    %dma_start3A_156 = arith.constant 1664 : i32
    %dma_start3A_157 = tpu.memref_slice %arg7[%dma_start3A_156] : memref<6400xf32, #tpu.memory_space<vmem>> -> memref<128xf32, #tpu.memory_space<vmem>>
    %dma_start3A_158 = arith.constant 1664 : i32
    %dma_start3A_159 = tpu.memref_slice %arg6[%dma_start3A_158] : memref<6400xi32, #tpu.memory_space<vmem>> -> memref<128xi32, #tpu.memory_space<vmem>>
    %dma_start3A_160 = arith.constant 0 : i32
    %dma_start3A_161 = tpu.memref_slice %arg2[%dma_start3A_160] : memref<1000000xf32, #tpu.memory_space<hbm>> -> memref<1000000xf32, #tpu.memory_space<hbm>>
    tpu.enqueue_indirect_dma source(%dma_start3A_161 : memref<1000000xf32, #tpu.memory_space<hbm>>) target(%dma_start3A_157 : memref<128xf32, #tpu.memory_space<vmem>>) offsets(%dma_start3A_159 : memref<128xi32, #tpu.memory_space<vmem>>) semaphore(%arg9 : memref<!tpu.dma_semaphore, #tpu.memory_space<semaphore_mem>>)
    %dma_start3A_162 = arith.constant 1664 : i32
    %dma_start3A_163 = tpu.memref_slice %arg8[%dma_start3A_162] : memref<6400xf32, #tpu.memory_space<vmem>> -> memref<128xf32, #tpu.memory_space<vmem>>
    %dma_start3A_164 = arith.constant 1664 : i32
    %dma_start3A_165 = tpu.memref_slice %arg6[%dma_start3A_164] : memref<6400xi32, #tpu.memory_space<vmem>> -> memref<128xi32, #tpu.memory_space<vmem>>
    %dma_start3A_166 = arith.constant 0 : i32
    %dma_start3A_167 = tpu.memref_slice %arg3[%dma_start3A_166] : memref<1000000xf32, #tpu.memory_space<hbm>> -> memref<1000000xf32, #tpu.memory_space<hbm>>
    tpu.enqueue_indirect_dma source(%dma_start3A_167 : memref<1000000xf32, #tpu.memory_space<hbm>>) target(%dma_start3A_163 : memref<128xf32, #tpu.memory_space<vmem>>) offsets(%dma_start3A_165 : memref<128xi32, #tpu.memory_space<vmem>>) semaphore(%arg9 : memref<!tpu.dma_semaphore, #tpu.memory_space<semaphore_mem>>)
    %dma_start3A_168 = arith.constant 1792 : i32
    %dma_start3A_169 = tpu.memref_slice %arg7[%dma_start3A_168] : memref<6400xf32, #tpu.memory_space<vmem>> -> memref<128xf32, #tpu.memory_space<vmem>>
    %dma_start3A_170 = arith.constant 1792 : i32
    %dma_start3A_171 = tpu.memref_slice %arg6[%dma_start3A_170] : memref<6400xi32, #tpu.memory_space<vmem>> -> memref<128xi32, #tpu.memory_space<vmem>>
    %dma_start3A_172 = arith.constant 0 : i32
    %dma_start3A_173 = tpu.memref_slice %arg2[%dma_start3A_172] : memref<1000000xf32, #tpu.memory_space<hbm>> -> memref<1000000xf32, #tpu.memory_space<hbm>>
    tpu.enqueue_indirect_dma source(%dma_start3A_173 : memref<1000000xf32, #tpu.memory_space<hbm>>) target(%dma_start3A_169 : memref<128xf32, #tpu.memory_space<vmem>>) offsets(%dma_start3A_171 : memref<128xi32, #tpu.memory_space<vmem>>) semaphore(%arg9 : memref<!tpu.dma_semaphore, #tpu.memory_space<semaphore_mem>>)
    %dma_start3A_174 = arith.constant 1792 : i32
    %dma_start3A_175 = tpu.memref_slice %arg8[%dma_start3A_174] : memref<6400xf32, #tpu.memory_space<vmem>> -> memref<128xf32, #tpu.memory_space<vmem>>
    %dma_start3A_176 = arith.constant 1792 : i32
    %dma_start3A_177 = tpu.memref_slice %arg6[%dma_start3A_176] : memref<6400xi32, #tpu.memory_space<vmem>> -> memref<128xi32, #tpu.memory_space<vmem>>
    %dma_start3A_178 = arith.constant 0 : i32
    %dma_start3A_179 = tpu.memref_slice %arg3[%dma_start3A_178] : memref<1000000xf32, #tpu.memory_space<hbm>> -> memref<1000000xf32, #tpu.memory_space<hbm>>
    tpu.enqueue_indirect_dma source(%dma_start3A_179 : memref<1000000xf32, #tpu.memory_space<hbm>>) target(%dma_start3A_175 : memref<128xf32, #tpu.memory_space<vmem>>) offsets(%dma_start3A_177 : memref<128xi32, #tpu.memory_space<vmem>>) semaphore(%arg9 : memref<!tpu.dma_semaphore, #tpu.memory_space<semaphore_mem>>)
    %dma_start3A_180 = arith.constant 1920 : i32
    %dma_start3A_181 = tpu.memref_slice %arg7[%dma_start3A_180] : memref<6400xf32, #tpu.memory_space<vmem>> -> memref<128xf32, #tpu.memory_space<vmem>>
    %dma_start3A_182 = arith.constant 1920 : i32
    %dma_start3A_183 = tpu.memref_slice %arg6[%dma_start3A_182] : memref<6400xi32, #tpu.memory_space<vmem>> -> memref<128xi32, #tpu.memory_space<vmem>>
    %dma_start3A_184 = arith.constant 0 : i32
    %dma_start3A_185 = tpu.memref_slice %arg2[%dma_start3A_184] : memref<1000000xf32, #tpu.memory_space<hbm>> -> memref<1000000xf32, #tpu.memory_space<hbm>>
    tpu.enqueue_indirect_dma source(%dma_start3A_185 : memref<1000000xf32, #tpu.memory_space<hbm>>) target(%dma_start3A_181 : memref<128xf32, #tpu.memory_space<vmem>>) offsets(%dma_start3A_183 : memref<128xi32, #tpu.memory_space<vmem>>) semaphore(%arg9 : memref<!tpu.dma_semaphore, #tpu.memory_space<semaphore_mem>>)
    %dma_start3A_186 = arith.constant 1920 : i32
    %dma_start3A_187 = tpu.memref_slice %arg8[%dma_start3A_186] : memref<6400xf32, #tpu.memory_space<vmem>> -> memref<128xf32, #tpu.memory_space<vmem>>
    %dma_start3A_188 = arith.constant 1920 : i32
    %dma_start3A_189 = tpu.memref_slice %arg6[%dma_start3A_188] : memref<6400xi32, #tpu.memory_space<vmem>> -> memref<128xi32, #tpu.memory_space<vmem>>
    %dma_start3A_190 = arith.constant 0 : i32
    %dma_start3A_191 = tpu.memref_slice %arg3[%dma_start3A_190] : memref<1000000xf32, #tpu.memory_space<hbm>> -> memref<1000000xf32, #tpu.memory_space<hbm>>
    tpu.enqueue_indirect_dma source(%dma_start3A_191 : memref<1000000xf32, #tpu.memory_space<hbm>>) target(%dma_start3A_187 : memref<128xf32, #tpu.memory_space<vmem>>) offsets(%dma_start3A_189 : memref<128xi32, #tpu.memory_space<vmem>>) semaphore(%arg9 : memref<!tpu.dma_semaphore, #tpu.memory_space<semaphore_mem>>)
    %dma_start3A_192 = arith.constant 2048 : i32
    %dma_start3A_193 = tpu.memref_slice %arg7[%dma_start3A_192] : memref<6400xf32, #tpu.memory_space<vmem>> -> memref<128xf32, #tpu.memory_space<vmem>>
    %dma_start3A_194 = arith.constant 2048 : i32
    %dma_start3A_195 = tpu.memref_slice %arg6[%dma_start3A_194] : memref<6400xi32, #tpu.memory_space<vmem>> -> memref<128xi32, #tpu.memory_space<vmem>>
    %dma_start3A_196 = arith.constant 0 : i32
    %dma_start3A_197 = tpu.memref_slice %arg2[%dma_start3A_196] : memref<1000000xf32, #tpu.memory_space<hbm>> -> memref<1000000xf32, #tpu.memory_space<hbm>>
    tpu.enqueue_indirect_dma source(%dma_start3A_197 : memref<1000000xf32, #tpu.memory_space<hbm>>) target(%dma_start3A_193 : memref<128xf32, #tpu.memory_space<vmem>>) offsets(%dma_start3A_195 : memref<128xi32, #tpu.memory_space<vmem>>) semaphore(%arg9 : memref<!tpu.dma_semaphore, #tpu.memory_space<semaphore_mem>>)
    %dma_start3A_198 = arith.constant 2048 : i32
    %dma_start3A_199 = tpu.memref_slice %arg8[%dma_start3A_198] : memref<6400xf32, #tpu.memory_space<vmem>> -> memref<128xf32, #tpu.memory_space<vmem>>
    %dma_start3A_200 = arith.constant 2048 : i32
    %dma_start3A_201 = tpu.memref_slice %arg6[%dma_start3A_200] : memref<6400xi32, #tpu.memory_space<vmem>> -> memref<128xi32, #tpu.memory_space<vmem>>
    %dma_start3A_202 = arith.constant 0 : i32
    %dma_start3A_203 = tpu.memref_slice %arg3[%dma_start3A_202] : memref<1000000xf32, #tpu.memory_space<hbm>> -> memref<1000000xf32, #tpu.memory_space<hbm>>
    tpu.enqueue_indirect_dma source(%dma_start3A_203 : memref<1000000xf32, #tpu.memory_space<hbm>>) target(%dma_start3A_199 : memref<128xf32, #tpu.memory_space<vmem>>) offsets(%dma_start3A_201 : memref<128xi32, #tpu.memory_space<vmem>>) semaphore(%arg9 : memref<!tpu.dma_semaphore, #tpu.memory_space<semaphore_mem>>)
    %dma_start3A_204 = arith.constant 2176 : i32
    %dma_start3A_205 = tpu.memref_slice %arg7[%dma_start3A_204] : memref<6400xf32, #tpu.memory_space<vmem>> -> memref<128xf32, #tpu.memory_space<vmem>>
    %dma_start3A_206 = arith.constant 2176 : i32
    %dma_start3A_207 = tpu.memref_slice %arg6[%dma_start3A_206] : memref<6400xi32, #tpu.memory_space<vmem>> -> memref<128xi32, #tpu.memory_space<vmem>>
    %dma_start3A_208 = arith.constant 0 : i32
    %dma_start3A_209 = tpu.memref_slice %arg2[%dma_start3A_208] : memref<1000000xf32, #tpu.memory_space<hbm>> -> memref<1000000xf32, #tpu.memory_space<hbm>>
    tpu.enqueue_indirect_dma source(%dma_start3A_209 : memref<1000000xf32, #tpu.memory_space<hbm>>) target(%dma_start3A_205 : memref<128xf32, #tpu.memory_space<vmem>>) offsets(%dma_start3A_207 : memref<128xi32, #tpu.memory_space<vmem>>) semaphore(%arg9 : memref<!tpu.dma_semaphore, #tpu.memory_space<semaphore_mem>>)
    %dma_start3A_210 = arith.constant 2176 : i32
    %dma_start3A_211 = tpu.memref_slice %arg8[%dma_start3A_210] : memref<6400xf32, #tpu.memory_space<vmem>> -> memref<128xf32, #tpu.memory_space<vmem>>
    %dma_start3A_212 = arith.constant 2176 : i32
    %dma_start3A_213 = tpu.memref_slice %arg6[%dma_start3A_212] : memref<6400xi32, #tpu.memory_space<vmem>> -> memref<128xi32, #tpu.memory_space<vmem>>
    %dma_start3A_214 = arith.constant 0 : i32
    %dma_start3A_215 = tpu.memref_slice %arg3[%dma_start3A_214] : memref<1000000xf32, #tpu.memory_space<hbm>> -> memref<1000000xf32, #tpu.memory_space<hbm>>
    tpu.enqueue_indirect_dma source(%dma_start3A_215 : memref<1000000xf32, #tpu.memory_space<hbm>>) target(%dma_start3A_211 : memref<128xf32, #tpu.memory_space<vmem>>) offsets(%dma_start3A_213 : memref<128xi32, #tpu.memory_space<vmem>>) semaphore(%arg9 : memref<!tpu.dma_semaphore, #tpu.memory_space<semaphore_mem>>)
    %dma_start3A_216 = arith.constant 2304 : i32
    %dma_start3A_217 = tpu.memref_slice %arg7[%dma_start3A_216] : memref<6400xf32, #tpu.memory_space<vmem>> -> memref<128xf32, #tpu.memory_space<vmem>>
    %dma_start3A_218 = arith.constant 2304 : i32
    %dma_start3A_219 = tpu.memref_slice %arg6[%dma_start3A_218] : memref<6400xi32, #tpu.memory_space<vmem>> -> memref<128xi32, #tpu.memory_space<vmem>>
    %dma_start3A_220 = arith.constant 0 : i32
    %dma_start3A_221 = tpu.memref_slice %arg2[%dma_start3A_220] : memref<1000000xf32, #tpu.memory_space<hbm>> -> memref<1000000xf32, #tpu.memory_space<hbm>>
    tpu.enqueue_indirect_dma source(%dma_start3A_221 : memref<1000000xf32, #tpu.memory_space<hbm>>) target(%dma_start3A_217 : memref<128xf32, #tpu.memory_space<vmem>>) offsets(%dma_start3A_219 : memref<128xi32, #tpu.memory_space<vmem>>) semaphore(%arg9 : memref<!tpu.dma_semaphore, #tpu.memory_space<semaphore_mem>>)
    %dma_start3A_222 = arith.constant 2304 : i32
    %dma_start3A_223 = tpu.memref_slice %arg8[%dma_start3A_222] : memref<6400xf32, #tpu.memory_space<vmem>> -> memref<128xf32, #tpu.memory_space<vmem>>
    %dma_start3A_224 = arith.constant 2304 : i32
    %dma_start3A_225 = tpu.memref_slice %arg6[%dma_start3A_224] : memref<6400xi32, #tpu.memory_space<vmem>> -> memref<128xi32, #tpu.memory_space<vmem>>
    %dma_start3A_226 = arith.constant 0 : i32
    %dma_start3A_227 = tpu.memref_slice %arg3[%dma_start3A_226] : memref<1000000xf32, #tpu.memory_space<hbm>> -> memref<1000000xf32, #tpu.memory_space<hbm>>
    tpu.enqueue_indirect_dma source(%dma_start3A_227 : memref<1000000xf32, #tpu.memory_space<hbm>>) target(%dma_start3A_223 : memref<128xf32, #tpu.memory_space<vmem>>) offsets(%dma_start3A_225 : memref<128xi32, #tpu.memory_space<vmem>>) semaphore(%arg9 : memref<!tpu.dma_semaphore, #tpu.memory_space<semaphore_mem>>)
    %dma_start3A_228 = arith.constant 2432 : i32
    %dma_start3A_229 = tpu.memref_slice %arg7[%dma_start3A_228] : memref<6400xf32, #tpu.memory_space<vmem>> -> memref<128xf32, #tpu.memory_space<vmem>>
    %dma_start3A_230 = arith.constant 2432 : i32
    %dma_start3A_231 = tpu.memref_slice %arg6[%dma_start3A_230] : memref<6400xi32, #tpu.memory_space<vmem>> -> memref<128xi32, #tpu.memory_space<vmem>>
    %dma_start3A_232 = arith.constant 0 : i32
    %dma_start3A_233 = tpu.memref_slice %arg2[%dma_start3A_232] : memref<1000000xf32, #tpu.memory_space<hbm>> -> memref<1000000xf32, #tpu.memory_space<hbm>>
    tpu.enqueue_indirect_dma source(%dma_start3A_233 : memref<1000000xf32, #tpu.memory_space<hbm>>) target(%dma_start3A_229 : memref<128xf32, #tpu.memory_space<vmem>>) offsets(%dma_start3A_231 : memref<128xi32, #tpu.memory_space<vmem>>) semaphore(%arg9 : memref<!tpu.dma_semaphore, #tpu.memory_space<semaphore_mem>>)
    %dma_start3A_234 = arith.constant 2432 : i32
    %dma_start3A_235 = tpu.memref_slice %arg8[%dma_start3A_234] : memref<6400xf32, #tpu.memory_space<vmem>> -> memref<128xf32, #tpu.memory_space<vmem>>
    %dma_start3A_236 = arith.constant 2432 : i32
    %dma_start3A_237 = tpu.memref_slice %arg6[%dma_start3A_236] : memref<6400xi32, #tpu.memory_space<vmem>> -> memref<128xi32, #tpu.memory_space<vmem>>
    %dma_start3A_238 = arith.constant 0 : i32
    %dma_start3A_239 = tpu.memref_slice %arg3[%dma_start3A_238] : memref<1000000xf32, #tpu.memory_space<hbm>> -> memref<1000000xf32, #tpu.memory_space<hbm>>
    tpu.enqueue_indirect_dma source(%dma_start3A_239 : memref<1000000xf32, #tpu.memory_space<hbm>>) target(%dma_start3A_235 : memref<128xf32, #tpu.memory_space<vmem>>) offsets(%dma_start3A_237 : memref<128xi32, #tpu.memory_space<vmem>>) semaphore(%arg9 : memref<!tpu.dma_semaphore, #tpu.memory_space<semaphore_mem>>)
    %dma_start3A_240 = arith.constant 2560 : i32
    %dma_start3A_241 = tpu.memref_slice %arg7[%dma_start3A_240] : memref<6400xf32, #tpu.memory_space<vmem>> -> memref<128xf32, #tpu.memory_space<vmem>>
    %dma_start3A_242 = arith.constant 2560 : i32
    %dma_start3A_243 = tpu.memref_slice %arg6[%dma_start3A_242] : memref<6400xi32, #tpu.memory_space<vmem>> -> memref<128xi32, #tpu.memory_space<vmem>>
    %dma_start3A_244 = arith.constant 0 : i32
    %dma_start3A_245 = tpu.memref_slice %arg2[%dma_start3A_244] : memref<1000000xf32, #tpu.memory_space<hbm>> -> memref<1000000xf32, #tpu.memory_space<hbm>>
    tpu.enqueue_indirect_dma source(%dma_start3A_245 : memref<1000000xf32, #tpu.memory_space<hbm>>) target(%dma_start3A_241 : memref<128xf32, #tpu.memory_space<vmem>>) offsets(%dma_start3A_243 : memref<128xi32, #tpu.memory_space<vmem>>) semaphore(%arg9 : memref<!tpu.dma_semaphore, #tpu.memory_space<semaphore_mem>>)
    %dma_start3A_246 = arith.constant 2560 : i32
    %dma_start3A_247 = tpu.memref_slice %arg8[%dma_start3A_246] : memref<6400xf32, #tpu.memory_space<vmem>> -> memref<128xf32, #tpu.memory_space<vmem>>
    %dma_start3A_248 = arith.constant 2560 : i32
    %dma_start3A_249 = tpu.memref_slice %arg6[%dma_start3A_248] : memref<6400xi32, #tpu.memory_space<vmem>> -> memref<128xi32, #tpu.memory_space<vmem>>
    %dma_start3A_250 = arith.constant 0 : i32
    %dma_start3A_251 = tpu.memref_slice %arg3[%dma_start3A_250] : memref<1000000xf32, #tpu.memory_space<hbm>> -> memref<1000000xf32, #tpu.memory_space<hbm>>
    tpu.enqueue_indirect_dma source(%dma_start3A_251 : memref<1000000xf32, #tpu.memory_space<hbm>>) target(%dma_start3A_247 : memref<128xf32, #tpu.memory_space<vmem>>) offsets(%dma_start3A_249 : memref<128xi32, #tpu.memory_space<vmem>>) semaphore(%arg9 : memref<!tpu.dma_semaphore, #tpu.memory_space<semaphore_mem>>)
    %dma_start3A_252 = arith.constant 2688 : i32
    %dma_start3A_253 = tpu.memref_slice %arg7[%dma_start3A_252] : memref<6400xf32, #tpu.memory_space<vmem>> -> memref<128xf32, #tpu.memory_space<vmem>>
    %dma_start3A_254 = arith.constant 2688 : i32
    %dma_start3A_255 = tpu.memref_slice %arg6[%dma_start3A_254] : memref<6400xi32, #tpu.memory_space<vmem>> -> memref<128xi32, #tpu.memory_space<vmem>>
    %dma_start3A_256 = arith.constant 0 : i32
    %dma_start3A_257 = tpu.memref_slice %arg2[%dma_start3A_256] : memref<1000000xf32, #tpu.memory_space<hbm>> -> memref<1000000xf32, #tpu.memory_space<hbm>>
    tpu.enqueue_indirect_dma source(%dma_start3A_257 : memref<1000000xf32, #tpu.memory_space<hbm>>) target(%dma_start3A_253 : memref<128xf32, #tpu.memory_space<vmem>>) offsets(%dma_start3A_255 : memref<128xi32, #tpu.memory_space<vmem>>) semaphore(%arg9 : memref<!tpu.dma_semaphore, #tpu.memory_space<semaphore_mem>>)
    %dma_start3A_258 = arith.constant 2688 : i32
    %dma_start3A_259 = tpu.memref_slice %arg8[%dma_start3A_258] : memref<6400xf32, #tpu.memory_space<vmem>> -> memref<128xf32, #tpu.memory_space<vmem>>
    %dma_start3A_260 = arith.constant 2688 : i32
    %dma_start3A_261 = tpu.memref_slice %arg6[%dma_start3A_260] : memref<6400xi32, #tpu.memory_space<vmem>> -> memref<128xi32, #tpu.memory_space<vmem>>
    %dma_start3A_262 = arith.constant 0 : i32
    %dma_start3A_263 = tpu.memref_slice %arg3[%dma_start3A_262] : memref<1000000xf32, #tpu.memory_space<hbm>> -> memref<1000000xf32, #tpu.memory_space<hbm>>
    tpu.enqueue_indirect_dma source(%dma_start3A_263 : memref<1000000xf32, #tpu.memory_space<hbm>>) target(%dma_start3A_259 : memref<128xf32, #tpu.memory_space<vmem>>) offsets(%dma_start3A_261 : memref<128xi32, #tpu.memory_space<vmem>>) semaphore(%arg9 : memref<!tpu.dma_semaphore, #tpu.memory_space<semaphore_mem>>)
    %dma_start3A_264 = arith.constant 2816 : i32
    %dma_start3A_265 = tpu.memref_slice %arg7[%dma_start3A_264] : memref<6400xf32, #tpu.memory_space<vmem>> -> memref<128xf32, #tpu.memory_space<vmem>>
    %dma_start3A_266 = arith.constant 2816 : i32
    %dma_start3A_267 = tpu.memref_slice %arg6[%dma_start3A_266] : memref<6400xi32, #tpu.memory_space<vmem>> -> memref<128xi32, #tpu.memory_space<vmem>>
    %dma_start3A_268 = arith.constant 0 : i32
    %dma_start3A_269 = tpu.memref_slice %arg2[%dma_start3A_268] : memref<1000000xf32, #tpu.memory_space<hbm>> -> memref<1000000xf32, #tpu.memory_space<hbm>>
    tpu.enqueue_indirect_dma source(%dma_start3A_269 : memref<1000000xf32, #tpu.memory_space<hbm>>) target(%dma_start3A_265 : memref<128xf32, #tpu.memory_space<vmem>>) offsets(%dma_start3A_267 : memref<128xi32, #tpu.memory_space<vmem>>) semaphore(%arg9 : memref<!tpu.dma_semaphore, #tpu.memory_space<semaphore_mem>>)
    %dma_start3A_270 = arith.constant 2816 : i32
    %dma_start3A_271 = tpu.memref_slice %arg8[%dma_start3A_270] : memref<6400xf32, #tpu.memory_space<vmem>> -> memref<128xf32, #tpu.memory_space<vmem>>
    %dma_start3A_272 = arith.constant 2816 : i32
    %dma_start3A_273 = tpu.memref_slice %arg6[%dma_start3A_272] : memref<6400xi32, #tpu.memory_space<vmem>> -> memref<128xi32, #tpu.memory_space<vmem>>
    %dma_start3A_274 = arith.constant 0 : i32
    %dma_start3A_275 = tpu.memref_slice %arg3[%dma_start3A_274] : memref<1000000xf32, #tpu.memory_space<hbm>> -> memref<1000000xf32, #tpu.memory_space<hbm>>
    tpu.enqueue_indirect_dma source(%dma_start3A_275 : memref<1000000xf32, #tpu.memory_space<hbm>>) target(%dma_start3A_271 : memref<128xf32, #tpu.memory_space<vmem>>) offsets(%dma_start3A_273 : memref<128xi32, #tpu.memory_space<vmem>>) semaphore(%arg9 : memref<!tpu.dma_semaphore, #tpu.memory_space<semaphore_mem>>)
    %dma_start3A_276 = arith.constant 2944 : i32
    %dma_start3A_277 = tpu.memref_slice %arg7[%dma_start3A_276] : memref<6400xf32, #tpu.memory_space<vmem>> -> memref<128xf32, #tpu.memory_space<vmem>>
    %dma_start3A_278 = arith.constant 2944 : i32
    %dma_start3A_279 = tpu.memref_slice %arg6[%dma_start3A_278] : memref<6400xi32, #tpu.memory_space<vmem>> -> memref<128xi32, #tpu.memory_space<vmem>>
    %dma_start3A_280 = arith.constant 0 : i32
    %dma_start3A_281 = tpu.memref_slice %arg2[%dma_start3A_280] : memref<1000000xf32, #tpu.memory_space<hbm>> -> memref<1000000xf32, #tpu.memory_space<hbm>>
    tpu.enqueue_indirect_dma source(%dma_start3A_281 : memref<1000000xf32, #tpu.memory_space<hbm>>) target(%dma_start3A_277 : memref<128xf32, #tpu.memory_space<vmem>>) offsets(%dma_start3A_279 : memref<128xi32, #tpu.memory_space<vmem>>) semaphore(%arg9 : memref<!tpu.dma_semaphore, #tpu.memory_space<semaphore_mem>>)
    %dma_start3A_282 = arith.constant 2944 : i32
    %dma_start3A_283 = tpu.memref_slice %arg8[%dma_start3A_282] : memref<6400xf32, #tpu.memory_space<vmem>> -> memref<128xf32, #tpu.memory_space<vmem>>
    %dma_start3A_284 = arith.constant 2944 : i32
    %dma_start3A_285 = tpu.memref_slice %arg6[%dma_start3A_284] : memref<6400xi32, #tpu.memory_space<vmem>> -> memref<128xi32, #tpu.memory_space<vmem>>
    %dma_start3A_286 = arith.constant 0 : i32
    %dma_start3A_287 = tpu.memref_slice %arg3[%dma_start3A_286] : memref<1000000xf32, #tpu.memory_space<hbm>> -> memref<1000000xf32, #tpu.memory_space<hbm>>
    tpu.enqueue_indirect_dma source(%dma_start3A_287 : memref<1000000xf32, #tpu.memory_space<hbm>>) target(%dma_start3A_283 : memref<128xf32, #tpu.memory_space<vmem>>) offsets(%dma_start3A_285 : memref<128xi32, #tpu.memory_space<vmem>>) semaphore(%arg9 : memref<!tpu.dma_semaphore, #tpu.memory_space<semaphore_mem>>)
    %dma_start3A_288 = arith.constant 3072 : i32
    %dma_start3A_289 = tpu.memref_slice %arg7[%dma_start3A_288] : memref<6400xf32, #tpu.memory_space<vmem>> -> memref<128xf32, #tpu.memory_space<vmem>>
    %dma_start3A_290 = arith.constant 3072 : i32
    %dma_start3A_291 = tpu.memref_slice %arg6[%dma_start3A_290] : memref<6400xi32, #tpu.memory_space<vmem>> -> memref<128xi32, #tpu.memory_space<vmem>>
    %dma_start3A_292 = arith.constant 0 : i32
    %dma_start3A_293 = tpu.memref_slice %arg2[%dma_start3A_292] : memref<1000000xf32, #tpu.memory_space<hbm>> -> memref<1000000xf32, #tpu.memory_space<hbm>>
    tpu.enqueue_indirect_dma source(%dma_start3A_293 : memref<1000000xf32, #tpu.memory_space<hbm>>) target(%dma_start3A_289 : memref<128xf32, #tpu.memory_space<vmem>>) offsets(%dma_start3A_291 : memref<128xi32, #tpu.memory_space<vmem>>) semaphore(%arg9 : memref<!tpu.dma_semaphore, #tpu.memory_space<semaphore_mem>>)
    %dma_start3A_294 = arith.constant 3072 : i32
    %dma_start3A_295 = tpu.memref_slice %arg8[%dma_start3A_294] : memref<6400xf32, #tpu.memory_space<vmem>> -> memref<128xf32, #tpu.memory_space<vmem>>
    %dma_start3A_296 = arith.constant 3072 : i32
    %dma_start3A_297 = tpu.memref_slice %arg6[%dma_start3A_296] : memref<6400xi32, #tpu.memory_space<vmem>> -> memref<128xi32, #tpu.memory_space<vmem>>
    %dma_start3A_298 = arith.constant 0 : i32
    %dma_start3A_299 = tpu.memref_slice %arg3[%dma_start3A_298] : memref<1000000xf32, #tpu.memory_space<hbm>> -> memref<1000000xf32, #tpu.memory_space<hbm>>
    tpu.enqueue_indirect_dma source(%dma_start3A_299 : memref<1000000xf32, #tpu.memory_space<hbm>>) target(%dma_start3A_295 : memref<128xf32, #tpu.memory_space<vmem>>) offsets(%dma_start3A_297 : memref<128xi32, #tpu.memory_space<vmem>>) semaphore(%arg9 : memref<!tpu.dma_semaphore, #tpu.memory_space<semaphore_mem>>)
    %dma_start3A_300 = arith.constant 3200 : i32
    %dma_start3A_301 = tpu.memref_slice %arg7[%dma_start3A_300] : memref<6400xf32, #tpu.memory_space<vmem>> -> memref<128xf32, #tpu.memory_space<vmem>>
    %dma_start3A_302 = arith.constant 3200 : i32
    %dma_start3A_303 = tpu.memref_slice %arg6[%dma_start3A_302] : memref<6400xi32, #tpu.memory_space<vmem>> -> memref<128xi32, #tpu.memory_space<vmem>>
    %dma_start3A_304 = arith.constant 0 : i32
    %dma_start3A_305 = tpu.memref_slice %arg2[%dma_start3A_304] : memref<1000000xf32, #tpu.memory_space<hbm>> -> memref<1000000xf32, #tpu.memory_space<hbm>>
    tpu.enqueue_indirect_dma source(%dma_start3A_305 : memref<1000000xf32, #tpu.memory_space<hbm>>) target(%dma_start3A_301 : memref<128xf32, #tpu.memory_space<vmem>>) offsets(%dma_start3A_303 : memref<128xi32, #tpu.memory_space<vmem>>) semaphore(%arg9 : memref<!tpu.dma_semaphore, #tpu.memory_space<semaphore_mem>>)
    %dma_start3A_306 = arith.constant 3200 : i32
    %dma_start3A_307 = tpu.memref_slice %arg8[%dma_start3A_306] : memref<6400xf32, #tpu.memory_space<vmem>> -> memref<128xf32, #tpu.memory_space<vmem>>
    %dma_start3A_308 = arith.constant 3200 : i32
    %dma_start3A_309 = tpu.memref_slice %arg6[%dma_start3A_308] : memref<6400xi32, #tpu.memory_space<vmem>> -> memref<128xi32, #tpu.memory_space<vmem>>
    %dma_start3A_310 = arith.constant 0 : i32
    %dma_start3A_311 = tpu.memref_slice %arg3[%dma_start3A_310] : memref<1000000xf32, #tpu.memory_space<hbm>> -> memref<1000000xf32, #tpu.memory_space<hbm>>
    tpu.enqueue_indirect_dma source(%dma_start3A_311 : memref<1000000xf32, #tpu.memory_space<hbm>>) target(%dma_start3A_307 : memref<128xf32, #tpu.memory_space<vmem>>) offsets(%dma_start3A_309 : memref<128xi32, #tpu.memory_space<vmem>>) semaphore(%arg9 : memref<!tpu.dma_semaphore, #tpu.memory_space<semaphore_mem>>)
    %dma_start3A_312 = arith.constant 3328 : i32
    %dma_start3A_313 = tpu.memref_slice %arg7[%dma_start3A_312] : memref<6400xf32, #tpu.memory_space<vmem>> -> memref<128xf32, #tpu.memory_space<vmem>>
    %dma_start3A_314 = arith.constant 3328 : i32
    %dma_start3A_315 = tpu.memref_slice %arg6[%dma_start3A_314] : memref<6400xi32, #tpu.memory_space<vmem>> -> memref<128xi32, #tpu.memory_space<vmem>>
    %dma_start3A_316 = arith.constant 0 : i32
    %dma_start3A_317 = tpu.memref_slice %arg2[%dma_start3A_316] : memref<1000000xf32, #tpu.memory_space<hbm>> -> memref<1000000xf32, #tpu.memory_space<hbm>>
    tpu.enqueue_indirect_dma source(%dma_start3A_317 : memref<1000000xf32, #tpu.memory_space<hbm>>) target(%dma_start3A_313 : memref<128xf32, #tpu.memory_space<vmem>>) offsets(%dma_start3A_315 : memref<128xi32, #tpu.memory_space<vmem>>) semaphore(%arg9 : memref<!tpu.dma_semaphore, #tpu.memory_space<semaphore_mem>>)
    %dma_start3A_318 = arith.constant 3328 : i32
    %dma_start3A_319 = tpu.memref_slice %arg8[%dma_start3A_318] : memref<6400xf32, #tpu.memory_space<vmem>> -> memref<128xf32, #tpu.memory_space<vmem>>
    %dma_start3A_320 = arith.constant 3328 : i32
    %dma_start3A_321 = tpu.memref_slice %arg6[%dma_start3A_320] : memref<6400xi32, #tpu.memory_space<vmem>> -> memref<128xi32, #tpu.memory_space<vmem>>
    %dma_start3A_322 = arith.constant 0 : i32
    %dma_start3A_323 = tpu.memref_slice %arg3[%dma_start3A_322] : memref<1000000xf32, #tpu.memory_space<hbm>> -> memref<1000000xf32, #tpu.memory_space<hbm>>
    tpu.enqueue_indirect_dma source(%dma_start3A_323 : memref<1000000xf32, #tpu.memory_space<hbm>>) target(%dma_start3A_319 : memref<128xf32, #tpu.memory_space<vmem>>) offsets(%dma_start3A_321 : memref<128xi32, #tpu.memory_space<vmem>>) semaphore(%arg9 : memref<!tpu.dma_semaphore, #tpu.memory_space<semaphore_mem>>)
    %dma_start3A_324 = arith.constant 3456 : i32
    %dma_start3A_325 = tpu.memref_slice %arg7[%dma_start3A_324] : memref<6400xf32, #tpu.memory_space<vmem>> -> memref<128xf32, #tpu.memory_space<vmem>>
    %dma_start3A_326 = arith.constant 3456 : i32
    %dma_start3A_327 = tpu.memref_slice %arg6[%dma_start3A_326] : memref<6400xi32, #tpu.memory_space<vmem>> -> memref<128xi32, #tpu.memory_space<vmem>>
    %dma_start3A_328 = arith.constant 0 : i32
    %dma_start3A_329 = tpu.memref_slice %arg2[%dma_start3A_328] : memref<1000000xf32, #tpu.memory_space<hbm>> -> memref<1000000xf32, #tpu.memory_space<hbm>>
    tpu.enqueue_indirect_dma source(%dma_start3A_329 : memref<1000000xf32, #tpu.memory_space<hbm>>) target(%dma_start3A_325 : memref<128xf32, #tpu.memory_space<vmem>>) offsets(%dma_start3A_327 : memref<128xi32, #tpu.memory_space<vmem>>) semaphore(%arg9 : memref<!tpu.dma_semaphore, #tpu.memory_space<semaphore_mem>>)
    %dma_start3A_330 = arith.constant 3456 : i32
    %dma_start3A_331 = tpu.memref_slice %arg8[%dma_start3A_330] : memref<6400xf32, #tpu.memory_space<vmem>> -> memref<128xf32, #tpu.memory_space<vmem>>
    %dma_start3A_332 = arith.constant 3456 : i32
    %dma_start3A_333 = tpu.memref_slice %arg6[%dma_start3A_332] : memref<6400xi32, #tpu.memory_space<vmem>> -> memref<128xi32, #tpu.memory_space<vmem>>
    %dma_start3A_334 = arith.constant 0 : i32
    %dma_start3A_335 = tpu.memref_slice %arg3[%dma_start3A_334] : memref<1000000xf32, #tpu.memory_space<hbm>> -> memref<1000000xf32, #tpu.memory_space<hbm>>
    tpu.enqueue_indirect_dma source(%dma_start3A_335 : memref<1000000xf32, #tpu.memory_space<hbm>>) target(%dma_start3A_331 : memref<128xf32, #tpu.memory_space<vmem>>) offsets(%dma_start3A_333 : memref<128xi32, #tpu.memory_space<vmem>>) semaphore(%arg9 : memref<!tpu.dma_semaphore, #tpu.memory_space<semaphore_mem>>)
    %dma_start3A_336 = arith.constant 3584 : i32
    %dma_start3A_337 = tpu.memref_slice %arg7[%dma_start3A_336] : memref<6400xf32, #tpu.memory_space<vmem>> -> memref<128xf32, #tpu.memory_space<vmem>>
    %dma_start3A_338 = arith.constant 3584 : i32
    %dma_start3A_339 = tpu.memref_slice %arg6[%dma_start3A_338] : memref<6400xi32, #tpu.memory_space<vmem>> -> memref<128xi32, #tpu.memory_space<vmem>>
    %dma_start3A_340 = arith.constant 0 : i32
    %dma_start3A_341 = tpu.memref_slice %arg2[%dma_start3A_340] : memref<1000000xf32, #tpu.memory_space<hbm>> -> memref<1000000xf32, #tpu.memory_space<hbm>>
    tpu.enqueue_indirect_dma source(%dma_start3A_341 : memref<1000000xf32, #tpu.memory_space<hbm>>) target(%dma_start3A_337 : memref<128xf32, #tpu.memory_space<vmem>>) offsets(%dma_start3A_339 : memref<128xi32, #tpu.memory_space<vmem>>) semaphore(%arg9 : memref<!tpu.dma_semaphore, #tpu.memory_space<semaphore_mem>>)
    %dma_start3A_342 = arith.constant 3584 : i32
    %dma_start3A_343 = tpu.memref_slice %arg8[%dma_start3A_342] : memref<6400xf32, #tpu.memory_space<vmem>> -> memref<128xf32, #tpu.memory_space<vmem>>
    %dma_start3A_344 = arith.constant 3584 : i32
    %dma_start3A_345 = tpu.memref_slice %arg6[%dma_start3A_344] : memref<6400xi32, #tpu.memory_space<vmem>> -> memref<128xi32, #tpu.memory_space<vmem>>
    %dma_start3A_346 = arith.constant 0 : i32
    %dma_start3A_347 = tpu.memref_slice %arg3[%dma_start3A_346] : memref<1000000xf32, #tpu.memory_space<hbm>> -> memref<1000000xf32, #tpu.memory_space<hbm>>
    tpu.enqueue_indirect_dma source(%dma_start3A_347 : memref<1000000xf32, #tpu.memory_space<hbm>>) target(%dma_start3A_343 : memref<128xf32, #tpu.memory_space<vmem>>) offsets(%dma_start3A_345 : memref<128xi32, #tpu.memory_space<vmem>>) semaphore(%arg9 : memref<!tpu.dma_semaphore, #tpu.memory_space<semaphore_mem>>)
    %dma_start3A_348 = arith.constant 3712 : i32
    %dma_start3A_349 = tpu.memref_slice %arg7[%dma_start3A_348] : memref<6400xf32, #tpu.memory_space<vmem>> -> memref<128xf32, #tpu.memory_space<vmem>>
    %dma_start3A_350 = arith.constant 3712 : i32
    %dma_start3A_351 = tpu.memref_slice %arg6[%dma_start3A_350] : memref<6400xi32, #tpu.memory_space<vmem>> -> memref<128xi32, #tpu.memory_space<vmem>>
    %dma_start3A_352 = arith.constant 0 : i32
    %dma_start3A_353 = tpu.memref_slice %arg2[%dma_start3A_352] : memref<1000000xf32, #tpu.memory_space<hbm>> -> memref<1000000xf32, #tpu.memory_space<hbm>>
    tpu.enqueue_indirect_dma source(%dma_start3A_353 : memref<1000000xf32, #tpu.memory_space<hbm>>) target(%dma_start3A_349 : memref<128xf32, #tpu.memory_space<vmem>>) offsets(%dma_start3A_351 : memref<128xi32, #tpu.memory_space<vmem>>) semaphore(%arg9 : memref<!tpu.dma_semaphore, #tpu.memory_space<semaphore_mem>>)
    %dma_start3A_354 = arith.constant 3712 : i32
    %dma_start3A_355 = tpu.memref_slice %arg8[%dma_start3A_354] : memref<6400xf32, #tpu.memory_space<vmem>> -> memref<128xf32, #tpu.memory_space<vmem>>
    %dma_start3A_356 = arith.constant 3712 : i32
    %dma_start3A_357 = tpu.memref_slice %arg6[%dma_start3A_356] : memref<6400xi32, #tpu.memory_space<vmem>> -> memref<128xi32, #tpu.memory_space<vmem>>
    %dma_start3A_358 = arith.constant 0 : i32
    %dma_start3A_359 = tpu.memref_slice %arg3[%dma_start3A_358] : memref<1000000xf32, #tpu.memory_space<hbm>> -> memref<1000000xf32, #tpu.memory_space<hbm>>
    tpu.enqueue_indirect_dma source(%dma_start3A_359 : memref<1000000xf32, #tpu.memory_space<hbm>>) target(%dma_start3A_355 : memref<128xf32, #tpu.memory_space<vmem>>) offsets(%dma_start3A_357 : memref<128xi32, #tpu.memory_space<vmem>>) semaphore(%arg9 : memref<!tpu.dma_semaphore, #tpu.memory_space<semaphore_mem>>)
    %dma_start3A_360 = arith.constant 3840 : i32
    %dma_start3A_361 = tpu.memref_slice %arg7[%dma_start3A_360] : memref<6400xf32, #tpu.memory_space<vmem>> -> memref<128xf32, #tpu.memory_space<vmem>>
    %dma_start3A_362 = arith.constant 3840 : i32
    %dma_start3A_363 = tpu.memref_slice %arg6[%dma_start3A_362] : memref<6400xi32, #tpu.memory_space<vmem>> -> memref<128xi32, #tpu.memory_space<vmem>>
    %dma_start3A_364 = arith.constant 0 : i32
    %dma_start3A_365 = tpu.memref_slice %arg2[%dma_start3A_364] : memref<1000000xf32, #tpu.memory_space<hbm>> -> memref<1000000xf32, #tpu.memory_space<hbm>>
    tpu.enqueue_indirect_dma source(%dma_start3A_365 : memref<1000000xf32, #tpu.memory_space<hbm>>) target(%dma_start3A_361 : memref<128xf32, #tpu.memory_space<vmem>>) offsets(%dma_start3A_363 : memref<128xi32, #tpu.memory_space<vmem>>) semaphore(%arg9 : memref<!tpu.dma_semaphore, #tpu.memory_space<semaphore_mem>>)
    %dma_start3A_366 = arith.constant 3840 : i32
    %dma_start3A_367 = tpu.memref_slice %arg8[%dma_start3A_366] : memref<6400xf32, #tpu.memory_space<vmem>> -> memref<128xf32, #tpu.memory_space<vmem>>
    %dma_start3A_368 = arith.constant 3840 : i32
    %dma_start3A_369 = tpu.memref_slice %arg6[%dma_start3A_368] : memref<6400xi32, #tpu.memory_space<vmem>> -> memref<128xi32, #tpu.memory_space<vmem>>
    %dma_start3A_370 = arith.constant 0 : i32
    %dma_start3A_371 = tpu.memref_slice %arg3[%dma_start3A_370] : memref<1000000xf32, #tpu.memory_space<hbm>> -> memref<1000000xf32, #tpu.memory_space<hbm>>
    tpu.enqueue_indirect_dma source(%dma_start3A_371 : memref<1000000xf32, #tpu.memory_space<hbm>>) target(%dma_start3A_367 : memref<128xf32, #tpu.memory_space<vmem>>) offsets(%dma_start3A_369 : memref<128xi32, #tpu.memory_space<vmem>>) semaphore(%arg9 : memref<!tpu.dma_semaphore, #tpu.memory_space<semaphore_mem>>)
    %dma_start3A_372 = arith.constant 3968 : i32
    %dma_start3A_373 = tpu.memref_slice %arg7[%dma_start3A_372] : memref<6400xf32, #tpu.memory_space<vmem>> -> memref<128xf32, #tpu.memory_space<vmem>>
    %dma_start3A_374 = arith.constant 3968 : i32
    %dma_start3A_375 = tpu.memref_slice %arg6[%dma_start3A_374] : memref<6400xi32, #tpu.memory_space<vmem>> -> memref<128xi32, #tpu.memory_space<vmem>>
    %dma_start3A_376 = arith.constant 0 : i32
    %dma_start3A_377 = tpu.memref_slice %arg2[%dma_start3A_376] : memref<1000000xf32, #tpu.memory_space<hbm>> -> memref<1000000xf32, #tpu.memory_space<hbm>>
    tpu.enqueue_indirect_dma source(%dma_start3A_377 : memref<1000000xf32, #tpu.memory_space<hbm>>) target(%dma_start3A_373 : memref<128xf32, #tpu.memory_space<vmem>>) offsets(%dma_start3A_375 : memref<128xi32, #tpu.memory_space<vmem>>) semaphore(%arg9 : memref<!tpu.dma_semaphore, #tpu.memory_space<semaphore_mem>>)
    %dma_start3A_378 = arith.constant 3968 : i32
    %dma_start3A_379 = tpu.memref_slice %arg8[%dma_start3A_378] : memref<6400xf32, #tpu.memory_space<vmem>> -> memref<128xf32, #tpu.memory_space<vmem>>
    %dma_start3A_380 = arith.constant 3968 : i32
    %dma_start3A_381 = tpu.memref_slice %arg6[%dma_start3A_380] : memref<6400xi32, #tpu.memory_space<vmem>> -> memref<128xi32, #tpu.memory_space<vmem>>
    %dma_start3A_382 = arith.constant 0 : i32
    %dma_start3A_383 = tpu.memref_slice %arg3[%dma_start3A_382] : memref<1000000xf32, #tpu.memory_space<hbm>> -> memref<1000000xf32, #tpu.memory_space<hbm>>
    tpu.enqueue_indirect_dma source(%dma_start3A_383 : memref<1000000xf32, #tpu.memory_space<hbm>>) target(%dma_start3A_379 : memref<128xf32, #tpu.memory_space<vmem>>) offsets(%dma_start3A_381 : memref<128xi32, #tpu.memory_space<vmem>>) semaphore(%arg9 : memref<!tpu.dma_semaphore, #tpu.memory_space<semaphore_mem>>)
    %dma_start3A_384 = arith.constant 4096 : i32
    %dma_start3A_385 = tpu.memref_slice %arg7[%dma_start3A_384] : memref<6400xf32, #tpu.memory_space<vmem>> -> memref<128xf32, #tpu.memory_space<vmem>>
    %dma_start3A_386 = arith.constant 4096 : i32
    %dma_start3A_387 = tpu.memref_slice %arg6[%dma_start3A_386] : memref<6400xi32, #tpu.memory_space<vmem>> -> memref<128xi32, #tpu.memory_space<vmem>>
    %dma_start3A_388 = arith.constant 0 : i32
    %dma_start3A_389 = tpu.memref_slice %arg2[%dma_start3A_388] : memref<1000000xf32, #tpu.memory_space<hbm>> -> memref<1000000xf32, #tpu.memory_space<hbm>>
    tpu.enqueue_indirect_dma source(%dma_start3A_389 : memref<1000000xf32, #tpu.memory_space<hbm>>) target(%dma_start3A_385 : memref<128xf32, #tpu.memory_space<vmem>>) offsets(%dma_start3A_387 : memref<128xi32, #tpu.memory_space<vmem>>) semaphore(%arg9 : memref<!tpu.dma_semaphore, #tpu.memory_space<semaphore_mem>>)
    %dma_start3A_390 = arith.constant 4096 : i32
    %dma_start3A_391 = tpu.memref_slice %arg8[%dma_start3A_390] : memref<6400xf32, #tpu.memory_space<vmem>> -> memref<128xf32, #tpu.memory_space<vmem>>
    %dma_start3A_392 = arith.constant 4096 : i32
    %dma_start3A_393 = tpu.memref_slice %arg6[%dma_start3A_392] : memref<6400xi32, #tpu.memory_space<vmem>> -> memref<128xi32, #tpu.memory_space<vmem>>
    %dma_start3A_394 = arith.constant 0 : i32
    %dma_start3A_395 = tpu.memref_slice %arg3[%dma_start3A_394] : memref<1000000xf32, #tpu.memory_space<hbm>> -> memref<1000000xf32, #tpu.memory_space<hbm>>
    tpu.enqueue_indirect_dma source(%dma_start3A_395 : memref<1000000xf32, #tpu.memory_space<hbm>>) target(%dma_start3A_391 : memref<128xf32, #tpu.memory_space<vmem>>) offsets(%dma_start3A_393 : memref<128xi32, #tpu.memory_space<vmem>>) semaphore(%arg9 : memref<!tpu.dma_semaphore, #tpu.memory_space<semaphore_mem>>)
    %dma_start3A_396 = arith.constant 4224 : i32
    %dma_start3A_397 = tpu.memref_slice %arg7[%dma_start3A_396] : memref<6400xf32, #tpu.memory_space<vmem>> -> memref<128xf32, #tpu.memory_space<vmem>>
    %dma_start3A_398 = arith.constant 4224 : i32
    %dma_start3A_399 = tpu.memref_slice %arg6[%dma_start3A_398] : memref<6400xi32, #tpu.memory_space<vmem>> -> memref<128xi32, #tpu.memory_space<vmem>>
    %dma_start3A_400 = arith.constant 0 : i32
    %dma_start3A_401 = tpu.memref_slice %arg2[%dma_start3A_400] : memref<1000000xf32, #tpu.memory_space<hbm>> -> memref<1000000xf32, #tpu.memory_space<hbm>>
    tpu.enqueue_indirect_dma source(%dma_start3A_401 : memref<1000000xf32, #tpu.memory_space<hbm>>) target(%dma_start3A_397 : memref<128xf32, #tpu.memory_space<vmem>>) offsets(%dma_start3A_399 : memref<128xi32, #tpu.memory_space<vmem>>) semaphore(%arg9 : memref<!tpu.dma_semaphore, #tpu.memory_space<semaphore_mem>>)
    %dma_start3A_402 = arith.constant 4224 : i32
    %dma_start3A_403 = tpu.memref_slice %arg8[%dma_start3A_402] : memref<6400xf32, #tpu.memory_space<vmem>> -> memref<128xf32, #tpu.memory_space<vmem>>
    %dma_start3A_404 = arith.constant 4224 : i32
    %dma_start3A_405 = tpu.memref_slice %arg6[%dma_start3A_404] : memref<6400xi32, #tpu.memory_space<vmem>> -> memref<128xi32, #tpu.memory_space<vmem>>
    %dma_start3A_406 = arith.constant 0 : i32
    %dma_start3A_407 = tpu.memref_slice %arg3[%dma_start3A_406] : memref<1000000xf32, #tpu.memory_space<hbm>> -> memref<1000000xf32, #tpu.memory_space<hbm>>
    tpu.enqueue_indirect_dma source(%dma_start3A_407 : memref<1000000xf32, #tpu.memory_space<hbm>>) target(%dma_start3A_403 : memref<128xf32, #tpu.memory_space<vmem>>) offsets(%dma_start3A_405 : memref<128xi32, #tpu.memory_space<vmem>>) semaphore(%arg9 : memref<!tpu.dma_semaphore, #tpu.memory_space<semaphore_mem>>)
    %dma_start3A_408 = arith.constant 4352 : i32
    %dma_start3A_409 = tpu.memref_slice %arg7[%dma_start3A_408] : memref<6400xf32, #tpu.memory_space<vmem>> -> memref<128xf32, #tpu.memory_space<vmem>>
    %dma_start3A_410 = arith.constant 4352 : i32
    %dma_start3A_411 = tpu.memref_slice %arg6[%dma_start3A_410] : memref<6400xi32, #tpu.memory_space<vmem>> -> memref<128xi32, #tpu.memory_space<vmem>>
    %dma_start3A_412 = arith.constant 0 : i32
    %dma_start3A_413 = tpu.memref_slice %arg2[%dma_start3A_412] : memref<1000000xf32, #tpu.memory_space<hbm>> -> memref<1000000xf32, #tpu.memory_space<hbm>>
    tpu.enqueue_indirect_dma source(%dma_start3A_413 : memref<1000000xf32, #tpu.memory_space<hbm>>) target(%dma_start3A_409 : memref<128xf32, #tpu.memory_space<vmem>>) offsets(%dma_start3A_411 : memref<128xi32, #tpu.memory_space<vmem>>) semaphore(%arg9 : memref<!tpu.dma_semaphore, #tpu.memory_space<semaphore_mem>>)
    %dma_start3A_414 = arith.constant 4352 : i32
    %dma_start3A_415 = tpu.memref_slice %arg8[%dma_start3A_414] : memref<6400xf32, #tpu.memory_space<vmem>> -> memref<128xf32, #tpu.memory_space<vmem>>
    %dma_start3A_416 = arith.constant 4352 : i32
    %dma_start3A_417 = tpu.memref_slice %arg6[%dma_start3A_416] : memref<6400xi32, #tpu.memory_space<vmem>> -> memref<128xi32, #tpu.memory_space<vmem>>
    %dma_start3A_418 = arith.constant 0 : i32
    %dma_start3A_419 = tpu.memref_slice %arg3[%dma_start3A_418] : memref<1000000xf32, #tpu.memory_space<hbm>> -> memref<1000000xf32, #tpu.memory_space<hbm>>
    tpu.enqueue_indirect_dma source(%dma_start3A_419 : memref<1000000xf32, #tpu.memory_space<hbm>>) target(%dma_start3A_415 : memref<128xf32, #tpu.memory_space<vmem>>) offsets(%dma_start3A_417 : memref<128xi32, #tpu.memory_space<vmem>>) semaphore(%arg9 : memref<!tpu.dma_semaphore, #tpu.memory_space<semaphore_mem>>)
    %dma_start3A_420 = arith.constant 4480 : i32
    %dma_start3A_421 = tpu.memref_slice %arg7[%dma_start3A_420] : memref<6400xf32, #tpu.memory_space<vmem>> -> memref<128xf32, #tpu.memory_space<vmem>>
    %dma_start3A_422 = arith.constant 4480 : i32
    %dma_start3A_423 = tpu.memref_slice %arg6[%dma_start3A_422] : memref<6400xi32, #tpu.memory_space<vmem>> -> memref<128xi32, #tpu.memory_space<vmem>>
    %dma_start3A_424 = arith.constant 0 : i32
    %dma_start3A_425 = tpu.memref_slice %arg2[%dma_start3A_424] : memref<1000000xf32, #tpu.memory_space<hbm>> -> memref<1000000xf32, #tpu.memory_space<hbm>>
    tpu.enqueue_indirect_dma source(%dma_start3A_425 : memref<1000000xf32, #tpu.memory_space<hbm>>) target(%dma_start3A_421 : memref<128xf32, #tpu.memory_space<vmem>>) offsets(%dma_start3A_423 : memref<128xi32, #tpu.memory_space<vmem>>) semaphore(%arg9 : memref<!tpu.dma_semaphore, #tpu.memory_space<semaphore_mem>>)
    %dma_start3A_426 = arith.constant 4480 : i32
    %dma_start3A_427 = tpu.memref_slice %arg8[%dma_start3A_426] : memref<6400xf32, #tpu.memory_space<vmem>> -> memref<128xf32, #tpu.memory_space<vmem>>
    %dma_start3A_428 = arith.constant 4480 : i32
    %dma_start3A_429 = tpu.memref_slice %arg6[%dma_start3A_428] : memref<6400xi32, #tpu.memory_space<vmem>> -> memref<128xi32, #tpu.memory_space<vmem>>
    %dma_start3A_430 = arith.constant 0 : i32
    %dma_start3A_431 = tpu.memref_slice %arg3[%dma_start3A_430] : memref<1000000xf32, #tpu.memory_space<hbm>> -> memref<1000000xf32, #tpu.memory_space<hbm>>
    tpu.enqueue_indirect_dma source(%dma_start3A_431 : memref<1000000xf32, #tpu.memory_space<hbm>>) target(%dma_start3A_427 : memref<128xf32, #tpu.memory_space<vmem>>) offsets(%dma_start3A_429 : memref<128xi32, #tpu.memory_space<vmem>>) semaphore(%arg9 : memref<!tpu.dma_semaphore, #tpu.memory_space<semaphore_mem>>)
    %dma_start3A_432 = arith.constant 4608 : i32
    %dma_start3A_433 = tpu.memref_slice %arg7[%dma_start3A_432] : memref<6400xf32, #tpu.memory_space<vmem>> -> memref<128xf32, #tpu.memory_space<vmem>>
    %dma_start3A_434 = arith.constant 4608 : i32
    %dma_start3A_435 = tpu.memref_slice %arg6[%dma_start3A_434] : memref<6400xi32, #tpu.memory_space<vmem>> -> memref<128xi32, #tpu.memory_space<vmem>>
    %dma_start3A_436 = arith.constant 0 : i32
    %dma_start3A_437 = tpu.memref_slice %arg2[%dma_start3A_436] : memref<1000000xf32, #tpu.memory_space<hbm>> -> memref<1000000xf32, #tpu.memory_space<hbm>>
    tpu.enqueue_indirect_dma source(%dma_start3A_437 : memref<1000000xf32, #tpu.memory_space<hbm>>) target(%dma_start3A_433 : memref<128xf32, #tpu.memory_space<vmem>>) offsets(%dma_start3A_435 : memref<128xi32, #tpu.memory_space<vmem>>) semaphore(%arg9 : memref<!tpu.dma_semaphore, #tpu.memory_space<semaphore_mem>>)
    %dma_start3A_438 = arith.constant 4608 : i32
    %dma_start3A_439 = tpu.memref_slice %arg8[%dma_start3A_438] : memref<6400xf32, #tpu.memory_space<vmem>> -> memref<128xf32, #tpu.memory_space<vmem>>
    %dma_start3A_440 = arith.constant 4608 : i32
    %dma_start3A_441 = tpu.memref_slice %arg6[%dma_start3A_440] : memref<6400xi32, #tpu.memory_space<vmem>> -> memref<128xi32, #tpu.memory_space<vmem>>
    %dma_start3A_442 = arith.constant 0 : i32
    %dma_start3A_443 = tpu.memref_slice %arg3[%dma_start3A_442] : memref<1000000xf32, #tpu.memory_space<hbm>> -> memref<1000000xf32, #tpu.memory_space<hbm>>
    tpu.enqueue_indirect_dma source(%dma_start3A_443 : memref<1000000xf32, #tpu.memory_space<hbm>>) target(%dma_start3A_439 : memref<128xf32, #tpu.memory_space<vmem>>) offsets(%dma_start3A_441 : memref<128xi32, #tpu.memory_space<vmem>>) semaphore(%arg9 : memref<!tpu.dma_semaphore, #tpu.memory_space<semaphore_mem>>)
    %dma_start3A_444 = arith.constant 4736 : i32
    %dma_start3A_445 = tpu.memref_slice %arg7[%dma_start3A_444] : memref<6400xf32, #tpu.memory_space<vmem>> -> memref<128xf32, #tpu.memory_space<vmem>>
    %dma_start3A_446 = arith.constant 4736 : i32
    %dma_start3A_447 = tpu.memref_slice %arg6[%dma_start3A_446] : memref<6400xi32, #tpu.memory_space<vmem>> -> memref<128xi32, #tpu.memory_space<vmem>>
    %dma_start3A_448 = arith.constant 0 : i32
    %dma_start3A_449 = tpu.memref_slice %arg2[%dma_start3A_448] : memref<1000000xf32, #tpu.memory_space<hbm>> -> memref<1000000xf32, #tpu.memory_space<hbm>>
    tpu.enqueue_indirect_dma source(%dma_start3A_449 : memref<1000000xf32, #tpu.memory_space<hbm>>) target(%dma_start3A_445 : memref<128xf32, #tpu.memory_space<vmem>>) offsets(%dma_start3A_447 : memref<128xi32, #tpu.memory_space<vmem>>) semaphore(%arg9 : memref<!tpu.dma_semaphore, #tpu.memory_space<semaphore_mem>>)
    %dma_start3A_450 = arith.constant 4736 : i32
    %dma_start3A_451 = tpu.memref_slice %arg8[%dma_start3A_450] : memref<6400xf32, #tpu.memory_space<vmem>> -> memref<128xf32, #tpu.memory_space<vmem>>
    %dma_start3A_452 = arith.constant 4736 : i32
    %dma_start3A_453 = tpu.memref_slice %arg6[%dma_start3A_452] : memref<6400xi32, #tpu.memory_space<vmem>> -> memref<128xi32, #tpu.memory_space<vmem>>
    %dma_start3A_454 = arith.constant 0 : i32
    %dma_start3A_455 = tpu.memref_slice %arg3[%dma_start3A_454] : memref<1000000xf32, #tpu.memory_space<hbm>> -> memref<1000000xf32, #tpu.memory_space<hbm>>
    tpu.enqueue_indirect_dma source(%dma_start3A_455 : memref<1000000xf32, #tpu.memory_space<hbm>>) target(%dma_start3A_451 : memref<128xf32, #tpu.memory_space<vmem>>) offsets(%dma_start3A_453 : memref<128xi32, #tpu.memory_space<vmem>>) semaphore(%arg9 : memref<!tpu.dma_semaphore, #tpu.memory_space<semaphore_mem>>)
    %dma_start3A_456 = arith.constant 4864 : i32
    %dma_start3A_457 = tpu.memref_slice %arg7[%dma_start3A_456] : memref<6400xf32, #tpu.memory_space<vmem>> -> memref<128xf32, #tpu.memory_space<vmem>>
    %dma_start3A_458 = arith.constant 4864 : i32
    %dma_start3A_459 = tpu.memref_slice %arg6[%dma_start3A_458] : memref<6400xi32, #tpu.memory_space<vmem>> -> memref<128xi32, #tpu.memory_space<vmem>>
    %dma_start3A_460 = arith.constant 0 : i32
    %dma_start3A_461 = tpu.memref_slice %arg2[%dma_start3A_460] : memref<1000000xf32, #tpu.memory_space<hbm>> -> memref<1000000xf32, #tpu.memory_space<hbm>>
    tpu.enqueue_indirect_dma source(%dma_start3A_461 : memref<1000000xf32, #tpu.memory_space<hbm>>) target(%dma_start3A_457 : memref<128xf32, #tpu.memory_space<vmem>>) offsets(%dma_start3A_459 : memref<128xi32, #tpu.memory_space<vmem>>) semaphore(%arg9 : memref<!tpu.dma_semaphore, #tpu.memory_space<semaphore_mem>>)
    %dma_start3A_462 = arith.constant 4864 : i32
    %dma_start3A_463 = tpu.memref_slice %arg8[%dma_start3A_462] : memref<6400xf32, #tpu.memory_space<vmem>> -> memref<128xf32, #tpu.memory_space<vmem>>
    %dma_start3A_464 = arith.constant 4864 : i32
    %dma_start3A_465 = tpu.memref_slice %arg6[%dma_start3A_464] : memref<6400xi32, #tpu.memory_space<vmem>> -> memref<128xi32, #tpu.memory_space<vmem>>
    %dma_start3A_466 = arith.constant 0 : i32
    %dma_start3A_467 = tpu.memref_slice %arg3[%dma_start3A_466] : memref<1000000xf32, #tpu.memory_space<hbm>> -> memref<1000000xf32, #tpu.memory_space<hbm>>
    tpu.enqueue_indirect_dma source(%dma_start3A_467 : memref<1000000xf32, #tpu.memory_space<hbm>>) target(%dma_start3A_463 : memref<128xf32, #tpu.memory_space<vmem>>) offsets(%dma_start3A_465 : memref<128xi32, #tpu.memory_space<vmem>>) semaphore(%arg9 : memref<!tpu.dma_semaphore, #tpu.memory_space<semaphore_mem>>)
    %dma_start3A_468 = arith.constant 4992 : i32
    %dma_start3A_469 = tpu.memref_slice %arg7[%dma_start3A_468] : memref<6400xf32, #tpu.memory_space<vmem>> -> memref<128xf32, #tpu.memory_space<vmem>>
    %dma_start3A_470 = arith.constant 4992 : i32
    %dma_start3A_471 = tpu.memref_slice %arg6[%dma_start3A_470] : memref<6400xi32, #tpu.memory_space<vmem>> -> memref<128xi32, #tpu.memory_space<vmem>>
    %dma_start3A_472 = arith.constant 0 : i32
    %dma_start3A_473 = tpu.memref_slice %arg2[%dma_start3A_472] : memref<1000000xf32, #tpu.memory_space<hbm>> -> memref<1000000xf32, #tpu.memory_space<hbm>>
    tpu.enqueue_indirect_dma source(%dma_start3A_473 : memref<1000000xf32, #tpu.memory_space<hbm>>) target(%dma_start3A_469 : memref<128xf32, #tpu.memory_space<vmem>>) offsets(%dma_start3A_471 : memref<128xi32, #tpu.memory_space<vmem>>) semaphore(%arg9 : memref<!tpu.dma_semaphore, #tpu.memory_space<semaphore_mem>>)
    %dma_start3A_474 = arith.constant 4992 : i32
    %dma_start3A_475 = tpu.memref_slice %arg8[%dma_start3A_474] : memref<6400xf32, #tpu.memory_space<vmem>> -> memref<128xf32, #tpu.memory_space<vmem>>
    %dma_start3A_476 = arith.constant 4992 : i32
    %dma_start3A_477 = tpu.memref_slice %arg6[%dma_start3A_476] : memref<6400xi32, #tpu.memory_space<vmem>> -> memref<128xi32, #tpu.memory_space<vmem>>
    %dma_start3A_478 = arith.constant 0 : i32
    %dma_start3A_479 = tpu.memref_slice %arg3[%dma_start3A_478] : memref<1000000xf32, #tpu.memory_space<hbm>> -> memref<1000000xf32, #tpu.memory_space<hbm>>
    tpu.enqueue_indirect_dma source(%dma_start3A_479 : memref<1000000xf32, #tpu.memory_space<hbm>>) target(%dma_start3A_475 : memref<128xf32, #tpu.memory_space<vmem>>) offsets(%dma_start3A_477 : memref<128xi32, #tpu.memory_space<vmem>>) semaphore(%arg9 : memref<!tpu.dma_semaphore, #tpu.memory_space<semaphore_mem>>)
    %dma_start3A_480 = arith.constant 5120 : i32
    %dma_start3A_481 = tpu.memref_slice %arg7[%dma_start3A_480] : memref<6400xf32, #tpu.memory_space<vmem>> -> memref<128xf32, #tpu.memory_space<vmem>>
    %dma_start3A_482 = arith.constant 5120 : i32
    %dma_start3A_483 = tpu.memref_slice %arg6[%dma_start3A_482] : memref<6400xi32, #tpu.memory_space<vmem>> -> memref<128xi32, #tpu.memory_space<vmem>>
    %dma_start3A_484 = arith.constant 0 : i32
    %dma_start3A_485 = tpu.memref_slice %arg2[%dma_start3A_484] : memref<1000000xf32, #tpu.memory_space<hbm>> -> memref<1000000xf32, #tpu.memory_space<hbm>>
    tpu.enqueue_indirect_dma source(%dma_start3A_485 : memref<1000000xf32, #tpu.memory_space<hbm>>) target(%dma_start3A_481 : memref<128xf32, #tpu.memory_space<vmem>>) offsets(%dma_start3A_483 : memref<128xi32, #tpu.memory_space<vmem>>) semaphore(%arg9 : memref<!tpu.dma_semaphore, #tpu.memory_space<semaphore_mem>>)
    %dma_start3A_486 = arith.constant 5120 : i32
    %dma_start3A_487 = tpu.memref_slice %arg8[%dma_start3A_486] : memref<6400xf32, #tpu.memory_space<vmem>> -> memref<128xf32, #tpu.memory_space<vmem>>
    %dma_start3A_488 = arith.constant 5120 : i32
    %dma_start3A_489 = tpu.memref_slice %arg6[%dma_start3A_488] : memref<6400xi32, #tpu.memory_space<vmem>> -> memref<128xi32, #tpu.memory_space<vmem>>
    %dma_start3A_490 = arith.constant 0 : i32
    %dma_start3A_491 = tpu.memref_slice %arg3[%dma_start3A_490] : memref<1000000xf32, #tpu.memory_space<hbm>> -> memref<1000000xf32, #tpu.memory_space<hbm>>
    tpu.enqueue_indirect_dma source(%dma_start3A_491 : memref<1000000xf32, #tpu.memory_space<hbm>>) target(%dma_start3A_487 : memref<128xf32, #tpu.memory_space<vmem>>) offsets(%dma_start3A_489 : memref<128xi32, #tpu.memory_space<vmem>>) semaphore(%arg9 : memref<!tpu.dma_semaphore, #tpu.memory_space<semaphore_mem>>)
    %dma_start3A_492 = arith.constant 5248 : i32
    %dma_start3A_493 = tpu.memref_slice %arg7[%dma_start3A_492] : memref<6400xf32, #tpu.memory_space<vmem>> -> memref<128xf32, #tpu.memory_space<vmem>>
    %dma_start3A_494 = arith.constant 5248 : i32
    %dma_start3A_495 = tpu.memref_slice %arg6[%dma_start3A_494] : memref<6400xi32, #tpu.memory_space<vmem>> -> memref<128xi32, #tpu.memory_space<vmem>>
    %dma_start3A_496 = arith.constant 0 : i32
    %dma_start3A_497 = tpu.memref_slice %arg2[%dma_start3A_496] : memref<1000000xf32, #tpu.memory_space<hbm>> -> memref<1000000xf32, #tpu.memory_space<hbm>>
    tpu.enqueue_indirect_dma source(%dma_start3A_497 : memref<1000000xf32, #tpu.memory_space<hbm>>) target(%dma_start3A_493 : memref<128xf32, #tpu.memory_space<vmem>>) offsets(%dma_start3A_495 : memref<128xi32, #tpu.memory_space<vmem>>) semaphore(%arg9 : memref<!tpu.dma_semaphore, #tpu.memory_space<semaphore_mem>>)
    %dma_start3A_498 = arith.constant 5248 : i32
    %dma_start3A_499 = tpu.memref_slice %arg8[%dma_start3A_498] : memref<6400xf32, #tpu.memory_space<vmem>> -> memref<128xf32, #tpu.memory_space<vmem>>
    %dma_start3A_500 = arith.constant 5248 : i32
    %dma_start3A_501 = tpu.memref_slice %arg6[%dma_start3A_500] : memref<6400xi32, #tpu.memory_space<vmem>> -> memref<128xi32, #tpu.memory_space<vmem>>
    %dma_start3A_502 = arith.constant 0 : i32
    %dma_start3A_503 = tpu.memref_slice %arg3[%dma_start3A_502] : memref<1000000xf32, #tpu.memory_space<hbm>> -> memref<1000000xf32, #tpu.memory_space<hbm>>
    tpu.enqueue_indirect_dma source(%dma_start3A_503 : memref<1000000xf32, #tpu.memory_space<hbm>>) target(%dma_start3A_499 : memref<128xf32, #tpu.memory_space<vmem>>) offsets(%dma_start3A_501 : memref<128xi32, #tpu.memory_space<vmem>>) semaphore(%arg9 : memref<!tpu.dma_semaphore, #tpu.memory_space<semaphore_mem>>)
    %dma_start3A_504 = arith.constant 5376 : i32
    %dma_start3A_505 = tpu.memref_slice %arg7[%dma_start3A_504] : memref<6400xf32, #tpu.memory_space<vmem>> -> memref<128xf32, #tpu.memory_space<vmem>>
    %dma_start3A_506 = arith.constant 5376 : i32
    %dma_start3A_507 = tpu.memref_slice %arg6[%dma_start3A_506] : memref<6400xi32, #tpu.memory_space<vmem>> -> memref<128xi32, #tpu.memory_space<vmem>>
    %dma_start3A_508 = arith.constant 0 : i32
    %dma_start3A_509 = tpu.memref_slice %arg2[%dma_start3A_508] : memref<1000000xf32, #tpu.memory_space<hbm>> -> memref<1000000xf32, #tpu.memory_space<hbm>>
    tpu.enqueue_indirect_dma source(%dma_start3A_509 : memref<1000000xf32, #tpu.memory_space<hbm>>) target(%dma_start3A_505 : memref<128xf32, #tpu.memory_space<vmem>>) offsets(%dma_start3A_507 : memref<128xi32, #tpu.memory_space<vmem>>) semaphore(%arg9 : memref<!tpu.dma_semaphore, #tpu.memory_space<semaphore_mem>>)
    %dma_start3A_510 = arith.constant 5376 : i32
    %dma_start3A_511 = tpu.memref_slice %arg8[%dma_start3A_510] : memref<6400xf32, #tpu.memory_space<vmem>> -> memref<128xf32, #tpu.memory_space<vmem>>
    %dma_start3A_512 = arith.constant 5376 : i32
    %dma_start3A_513 = tpu.memref_slice %arg6[%dma_start3A_512] : memref<6400xi32, #tpu.memory_space<vmem>> -> memref<128xi32, #tpu.memory_space<vmem>>
    %dma_start3A_514 = arith.constant 0 : i32
    %dma_start3A_515 = tpu.memref_slice %arg3[%dma_start3A_514] : memref<1000000xf32, #tpu.memory_space<hbm>> -> memref<1000000xf32, #tpu.memory_space<hbm>>
    tpu.enqueue_indirect_dma source(%dma_start3A_515 : memref<1000000xf32, #tpu.memory_space<hbm>>) target(%dma_start3A_511 : memref<128xf32, #tpu.memory_space<vmem>>) offsets(%dma_start3A_513 : memref<128xi32, #tpu.memory_space<vmem>>) semaphore(%arg9 : memref<!tpu.dma_semaphore, #tpu.memory_space<semaphore_mem>>)
    %dma_start3A_516 = arith.constant 5504 : i32
    %dma_start3A_517 = tpu.memref_slice %arg7[%dma_start3A_516] : memref<6400xf32, #tpu.memory_space<vmem>> -> memref<128xf32, #tpu.memory_space<vmem>>
    %dma_start3A_518 = arith.constant 5504 : i32
    %dma_start3A_519 = tpu.memref_slice %arg6[%dma_start3A_518] : memref<6400xi32, #tpu.memory_space<vmem>> -> memref<128xi32, #tpu.memory_space<vmem>>
    %dma_start3A_520 = arith.constant 0 : i32
    %dma_start3A_521 = tpu.memref_slice %arg2[%dma_start3A_520] : memref<1000000xf32, #tpu.memory_space<hbm>> -> memref<1000000xf32, #tpu.memory_space<hbm>>
    tpu.enqueue_indirect_dma source(%dma_start3A_521 : memref<1000000xf32, #tpu.memory_space<hbm>>) target(%dma_start3A_517 : memref<128xf32, #tpu.memory_space<vmem>>) offsets(%dma_start3A_519 : memref<128xi32, #tpu.memory_space<vmem>>) semaphore(%arg9 : memref<!tpu.dma_semaphore, #tpu.memory_space<semaphore_mem>>)
    %dma_start3A_522 = arith.constant 5504 : i32
    %dma_start3A_523 = tpu.memref_slice %arg8[%dma_start3A_522] : memref<6400xf32, #tpu.memory_space<vmem>> -> memref<128xf32, #tpu.memory_space<vmem>>
    %dma_start3A_524 = arith.constant 5504 : i32
    %dma_start3A_525 = tpu.memref_slice %arg6[%dma_start3A_524] : memref<6400xi32, #tpu.memory_space<vmem>> -> memref<128xi32, #tpu.memory_space<vmem>>
    %dma_start3A_526 = arith.constant 0 : i32
    %dma_start3A_527 = tpu.memref_slice %arg3[%dma_start3A_526] : memref<1000000xf32, #tpu.memory_space<hbm>> -> memref<1000000xf32, #tpu.memory_space<hbm>>
    tpu.enqueue_indirect_dma source(%dma_start3A_527 : memref<1000000xf32, #tpu.memory_space<hbm>>) target(%dma_start3A_523 : memref<128xf32, #tpu.memory_space<vmem>>) offsets(%dma_start3A_525 : memref<128xi32, #tpu.memory_space<vmem>>) semaphore(%arg9 : memref<!tpu.dma_semaphore, #tpu.memory_space<semaphore_mem>>)
    %dma_start3A_528 = arith.constant 5632 : i32
    %dma_start3A_529 = tpu.memref_slice %arg7[%dma_start3A_528] : memref<6400xf32, #tpu.memory_space<vmem>> -> memref<128xf32, #tpu.memory_space<vmem>>
    %dma_start3A_530 = arith.constant 5632 : i32
    %dma_start3A_531 = tpu.memref_slice %arg6[%dma_start3A_530] : memref<6400xi32, #tpu.memory_space<vmem>> -> memref<128xi32, #tpu.memory_space<vmem>>
    %dma_start3A_532 = arith.constant 0 : i32
    %dma_start3A_533 = tpu.memref_slice %arg2[%dma_start3A_532] : memref<1000000xf32, #tpu.memory_space<hbm>> -> memref<1000000xf32, #tpu.memory_space<hbm>>
    tpu.enqueue_indirect_dma source(%dma_start3A_533 : memref<1000000xf32, #tpu.memory_space<hbm>>) target(%dma_start3A_529 : memref<128xf32, #tpu.memory_space<vmem>>) offsets(%dma_start3A_531 : memref<128xi32, #tpu.memory_space<vmem>>) semaphore(%arg9 : memref<!tpu.dma_semaphore, #tpu.memory_space<semaphore_mem>>)
    %dma_start3A_534 = arith.constant 5632 : i32
    %dma_start3A_535 = tpu.memref_slice %arg8[%dma_start3A_534] : memref<6400xf32, #tpu.memory_space<vmem>> -> memref<128xf32, #tpu.memory_space<vmem>>
    %dma_start3A_536 = arith.constant 5632 : i32
    %dma_start3A_537 = tpu.memref_slice %arg6[%dma_start3A_536] : memref<6400xi32, #tpu.memory_space<vmem>> -> memref<128xi32, #tpu.memory_space<vmem>>
    %dma_start3A_538 = arith.constant 0 : i32
    %dma_start3A_539 = tpu.memref_slice %arg3[%dma_start3A_538] : memref<1000000xf32, #tpu.memory_space<hbm>> -> memref<1000000xf32, #tpu.memory_space<hbm>>
    tpu.enqueue_indirect_dma source(%dma_start3A_539 : memref<1000000xf32, #tpu.memory_space<hbm>>) target(%dma_start3A_535 : memref<128xf32, #tpu.memory_space<vmem>>) offsets(%dma_start3A_537 : memref<128xi32, #tpu.memory_space<vmem>>) semaphore(%arg9 : memref<!tpu.dma_semaphore, #tpu.memory_space<semaphore_mem>>)
    %dma_start3A_540 = arith.constant 5760 : i32
    %dma_start3A_541 = tpu.memref_slice %arg7[%dma_start3A_540] : memref<6400xf32, #tpu.memory_space<vmem>> -> memref<128xf32, #tpu.memory_space<vmem>>
    %dma_start3A_542 = arith.constant 5760 : i32
    %dma_start3A_543 = tpu.memref_slice %arg6[%dma_start3A_542] : memref<6400xi32, #tpu.memory_space<vmem>> -> memref<128xi32, #tpu.memory_space<vmem>>
    %dma_start3A_544 = arith.constant 0 : i32
    %dma_start3A_545 = tpu.memref_slice %arg2[%dma_start3A_544] : memref<1000000xf32, #tpu.memory_space<hbm>> -> memref<1000000xf32, #tpu.memory_space<hbm>>
    tpu.enqueue_indirect_dma source(%dma_start3A_545 : memref<1000000xf32, #tpu.memory_space<hbm>>) target(%dma_start3A_541 : memref<128xf32, #tpu.memory_space<vmem>>) offsets(%dma_start3A_543 : memref<128xi32, #tpu.memory_space<vmem>>) semaphore(%arg9 : memref<!tpu.dma_semaphore, #tpu.memory_space<semaphore_mem>>)
    %dma_start3A_546 = arith.constant 5760 : i32
    %dma_start3A_547 = tpu.memref_slice %arg8[%dma_start3A_546] : memref<6400xf32, #tpu.memory_space<vmem>> -> memref<128xf32, #tpu.memory_space<vmem>>
    %dma_start3A_548 = arith.constant 5760 : i32
    %dma_start3A_549 = tpu.memref_slice %arg6[%dma_start3A_548] : memref<6400xi32, #tpu.memory_space<vmem>> -> memref<128xi32, #tpu.memory_space<vmem>>
    %dma_start3A_550 = arith.constant 0 : i32
    %dma_start3A_551 = tpu.memref_slice %arg3[%dma_start3A_550] : memref<1000000xf32, #tpu.memory_space<hbm>> -> memref<1000000xf32, #tpu.memory_space<hbm>>
    tpu.enqueue_indirect_dma source(%dma_start3A_551 : memref<1000000xf32, #tpu.memory_space<hbm>>) target(%dma_start3A_547 : memref<128xf32, #tpu.memory_space<vmem>>) offsets(%dma_start3A_549 : memref<128xi32, #tpu.memory_space<vmem>>) semaphore(%arg9 : memref<!tpu.dma_semaphore, #tpu.memory_space<semaphore_mem>>)
    %dma_start3A_552 = arith.constant 5888 : i32
    %dma_start3A_553 = tpu.memref_slice %arg7[%dma_start3A_552] : memref<6400xf32, #tpu.memory_space<vmem>> -> memref<128xf32, #tpu.memory_space<vmem>>
    %dma_start3A_554 = arith.constant 5888 : i32
    %dma_start3A_555 = tpu.memref_slice %arg6[%dma_start3A_554] : memref<6400xi32, #tpu.memory_space<vmem>> -> memref<128xi32, #tpu.memory_space<vmem>>
    %dma_start3A_556 = arith.constant 0 : i32
    %dma_start3A_557 = tpu.memref_slice %arg2[%dma_start3A_556] : memref<1000000xf32, #tpu.memory_space<hbm>> -> memref<1000000xf32, #tpu.memory_space<hbm>>
    tpu.enqueue_indirect_dma source(%dma_start3A_557 : memref<1000000xf32, #tpu.memory_space<hbm>>) target(%dma_start3A_553 : memref<128xf32, #tpu.memory_space<vmem>>) offsets(%dma_start3A_555 : memref<128xi32, #tpu.memory_space<vmem>>) semaphore(%arg9 : memref<!tpu.dma_semaphore, #tpu.memory_space<semaphore_mem>>)
    %dma_start3A_558 = arith.constant 5888 : i32
    %dma_start3A_559 = tpu.memref_slice %arg8[%dma_start3A_558] : memref<6400xf32, #tpu.memory_space<vmem>> -> memref<128xf32, #tpu.memory_space<vmem>>
    %dma_start3A_560 = arith.constant 5888 : i32
    %dma_start3A_561 = tpu.memref_slice %arg6[%dma_start3A_560] : memref<6400xi32, #tpu.memory_space<vmem>> -> memref<128xi32, #tpu.memory_space<vmem>>
    %dma_start3A_562 = arith.constant 0 : i32
    %dma_start3A_563 = tpu.memref_slice %arg3[%dma_start3A_562] : memref<1000000xf32, #tpu.memory_space<hbm>> -> memref<1000000xf32, #tpu.memory_space<hbm>>
    tpu.enqueue_indirect_dma source(%dma_start3A_563 : memref<1000000xf32, #tpu.memory_space<hbm>>) target(%dma_start3A_559 : memref<128xf32, #tpu.memory_space<vmem>>) offsets(%dma_start3A_561 : memref<128xi32, #tpu.memory_space<vmem>>) semaphore(%arg9 : memref<!tpu.dma_semaphore, #tpu.memory_space<semaphore_mem>>)
    %dma_start3A_564 = arith.constant 6016 : i32
    %dma_start3A_565 = tpu.memref_slice %arg7[%dma_start3A_564] : memref<6400xf32, #tpu.memory_space<vmem>> -> memref<128xf32, #tpu.memory_space<vmem>>
    %dma_start3A_566 = arith.constant 6016 : i32
    %dma_start3A_567 = tpu.memref_slice %arg6[%dma_start3A_566] : memref<6400xi32, #tpu.memory_space<vmem>> -> memref<128xi32, #tpu.memory_space<vmem>>
    %dma_start3A_568 = arith.constant 0 : i32
    %dma_start3A_569 = tpu.memref_slice %arg2[%dma_start3A_568] : memref<1000000xf32, #tpu.memory_space<hbm>> -> memref<1000000xf32, #tpu.memory_space<hbm>>
    tpu.enqueue_indirect_dma source(%dma_start3A_569 : memref<1000000xf32, #tpu.memory_space<hbm>>) target(%dma_start3A_565 : memref<128xf32, #tpu.memory_space<vmem>>) offsets(%dma_start3A_567 : memref<128xi32, #tpu.memory_space<vmem>>) semaphore(%arg9 : memref<!tpu.dma_semaphore, #tpu.memory_space<semaphore_mem>>)
    %dma_start3A_570 = arith.constant 6016 : i32
    %dma_start3A_571 = tpu.memref_slice %arg8[%dma_start3A_570] : memref<6400xf32, #tpu.memory_space<vmem>> -> memref<128xf32, #tpu.memory_space<vmem>>
    %dma_start3A_572 = arith.constant 6016 : i32
    %dma_start3A_573 = tpu.memref_slice %arg6[%dma_start3A_572] : memref<6400xi32, #tpu.memory_space<vmem>> -> memref<128xi32, #tpu.memory_space<vmem>>
    %dma_start3A_574 = arith.constant 0 : i32
    %dma_start3A_575 = tpu.memref_slice %arg3[%dma_start3A_574] : memref<1000000xf32, #tpu.memory_space<hbm>> -> memref<1000000xf32, #tpu.memory_space<hbm>>
    tpu.enqueue_indirect_dma source(%dma_start3A_575 : memref<1000000xf32, #tpu.memory_space<hbm>>) target(%dma_start3A_571 : memref<128xf32, #tpu.memory_space<vmem>>) offsets(%dma_start3A_573 : memref<128xi32, #tpu.memory_space<vmem>>) semaphore(%arg9 : memref<!tpu.dma_semaphore, #tpu.memory_space<semaphore_mem>>)
    %dma_start3A_576 = arith.constant 6144 : i32
    %dma_start3A_577 = tpu.memref_slice %arg7[%dma_start3A_576] : memref<6400xf32, #tpu.memory_space<vmem>> -> memref<128xf32, #tpu.memory_space<vmem>>
    %dma_start3A_578 = arith.constant 6144 : i32
    %dma_start3A_579 = tpu.memref_slice %arg6[%dma_start3A_578] : memref<6400xi32, #tpu.memory_space<vmem>> -> memref<128xi32, #tpu.memory_space<vmem>>
    %dma_start3A_580 = arith.constant 0 : i32
    %dma_start3A_581 = tpu.memref_slice %arg2[%dma_start3A_580] : memref<1000000xf32, #tpu.memory_space<hbm>> -> memref<1000000xf32, #tpu.memory_space<hbm>>
    tpu.enqueue_indirect_dma source(%dma_start3A_581 : memref<1000000xf32, #tpu.memory_space<hbm>>) target(%dma_start3A_577 : memref<128xf32, #tpu.memory_space<vmem>>) offsets(%dma_start3A_579 : memref<128xi32, #tpu.memory_space<vmem>>) semaphore(%arg9 : memref<!tpu.dma_semaphore, #tpu.memory_space<semaphore_mem>>)
    %dma_start3A_582 = arith.constant 6144 : i32
    %dma_start3A_583 = tpu.memref_slice %arg8[%dma_start3A_582] : memref<6400xf32, #tpu.memory_space<vmem>> -> memref<128xf32, #tpu.memory_space<vmem>>
    %dma_start3A_584 = arith.constant 6144 : i32
    %dma_start3A_585 = tpu.memref_slice %arg6[%dma_start3A_584] : memref<6400xi32, #tpu.memory_space<vmem>> -> memref<128xi32, #tpu.memory_space<vmem>>
    %dma_start3A_586 = arith.constant 0 : i32
    %dma_start3A_587 = tpu.memref_slice %arg3[%dma_start3A_586] : memref<1000000xf32, #tpu.memory_space<hbm>> -> memref<1000000xf32, #tpu.memory_space<hbm>>
    tpu.enqueue_indirect_dma source(%dma_start3A_587 : memref<1000000xf32, #tpu.memory_space<hbm>>) target(%dma_start3A_583 : memref<128xf32, #tpu.memory_space<vmem>>) offsets(%dma_start3A_585 : memref<128xi32, #tpu.memory_space<vmem>>) semaphore(%arg9 : memref<!tpu.dma_semaphore, #tpu.memory_space<semaphore_mem>>)
    %dma_start3A_588 = arith.constant 6272 : i32
    %dma_start3A_589 = tpu.memref_slice %arg7[%dma_start3A_588] : memref<6400xf32, #tpu.memory_space<vmem>> -> memref<128xf32, #tpu.memory_space<vmem>>
    %dma_start3A_590 = arith.constant 6272 : i32
    %dma_start3A_591 = tpu.memref_slice %arg6[%dma_start3A_590] : memref<6400xi32, #tpu.memory_space<vmem>> -> memref<128xi32, #tpu.memory_space<vmem>>
    %dma_start3A_592 = arith.constant 0 : i32
    %dma_start3A_593 = tpu.memref_slice %arg2[%dma_start3A_592] : memref<1000000xf32, #tpu.memory_space<hbm>> -> memref<1000000xf32, #tpu.memory_space<hbm>>
    tpu.enqueue_indirect_dma source(%dma_start3A_593 : memref<1000000xf32, #tpu.memory_space<hbm>>) target(%dma_start3A_589 : memref<128xf32, #tpu.memory_space<vmem>>) offsets(%dma_start3A_591 : memref<128xi32, #tpu.memory_space<vmem>>) semaphore(%arg9 : memref<!tpu.dma_semaphore, #tpu.memory_space<semaphore_mem>>)
    %dma_start3A_594 = arith.constant 6272 : i32
    %dma_start3A_595 = tpu.memref_slice %arg8[%dma_start3A_594] : memref<6400xf32, #tpu.memory_space<vmem>> -> memref<128xf32, #tpu.memory_space<vmem>>
    %dma_start3A_596 = arith.constant 6272 : i32
    %dma_start3A_597 = tpu.memref_slice %arg6[%dma_start3A_596] : memref<6400xi32, #tpu.memory_space<vmem>> -> memref<128xi32, #tpu.memory_space<vmem>>
    %dma_start3A_598 = arith.constant 0 : i32
    %dma_start3A_599 = tpu.memref_slice %arg3[%dma_start3A_598] : memref<1000000xf32, #tpu.memory_space<hbm>> -> memref<1000000xf32, #tpu.memory_space<hbm>>
    tpu.enqueue_indirect_dma source(%dma_start3A_599 : memref<1000000xf32, #tpu.memory_space<hbm>>) target(%dma_start3A_595 : memref<128xf32, #tpu.memory_space<vmem>>) offsets(%dma_start3A_597 : memref<128xi32, #tpu.memory_space<vmem>>) semaphore(%arg9 : memref<!tpu.dma_semaphore, #tpu.memory_space<semaphore_mem>>)
    %dma_wait3A = arith.constant 0 : i32
    %dma_wait3A_600 = tpu.memref_slice %arg7[%dma_wait3A] : memref<6400xf32, #tpu.memory_space<vmem>> -> memref<128xf32, #tpu.memory_space<vmem>>
    %dma_wait3A_601 = arith.constant 0 : i32
    %dma_wait3A_602 = tpu.memref_slice %arg6[%dma_wait3A_601] : memref<6400xi32, #tpu.memory_space<vmem>> -> memref<128xi32, #tpu.memory_space<vmem>>
    %dma_wait3A_603 = arith.constant 0 : i32
    %dma_wait3A_604 = tpu.memref_slice %arg2[%dma_wait3A_603] : memref<1000000xf32, #tpu.memory_space<hbm>> -> memref<1000000xf32, #tpu.memory_space<hbm>>
    tpu.wait_indirect_dma semaphore(%arg9 : memref<!tpu.dma_semaphore, #tpu.memory_space<semaphore_mem>>) src(%dma_wait3A_604 : memref<1000000xf32, #tpu.memory_space<hbm>>) dst(%dma_wait3A_600 : memref<128xf32, #tpu.memory_space<vmem>>)
    %dma_wait3A_605 = arith.constant 0 : i32
    %dma_wait3A_606 = tpu.memref_slice %arg8[%dma_wait3A_605] : memref<6400xf32, #tpu.memory_space<vmem>> -> memref<128xf32, #tpu.memory_space<vmem>>
    %dma_wait3A_607 = arith.constant 0 : i32
    %dma_wait3A_608 = tpu.memref_slice %arg6[%dma_wait3A_607] : memref<6400xi32, #tpu.memory_space<vmem>> -> memref<128xi32, #tpu.memory_space<vmem>>
    %dma_wait3A_609 = arith.constant 0 : i32
    %dma_wait3A_610 = tpu.memref_slice %arg3[%dma_wait3A_609] : memref<1000000xf32, #tpu.memory_space<hbm>> -> memref<1000000xf32, #tpu.memory_space<hbm>>
    tpu.wait_indirect_dma semaphore(%arg9 : memref<!tpu.dma_semaphore, #tpu.memory_space<semaphore_mem>>) src(%dma_wait3A_610 : memref<1000000xf32, #tpu.memory_space<hbm>>) dst(%dma_wait3A_606 : memref<128xf32, #tpu.memory_space<vmem>>)
    %dma_wait3A_611 = arith.constant 128 : i32
    %dma_wait3A_612 = tpu.memref_slice %arg7[%dma_wait3A_611] : memref<6400xf32, #tpu.memory_space<vmem>> -> memref<128xf32, #tpu.memory_space<vmem>>
    %dma_wait3A_613 = arith.constant 128 : i32
    %dma_wait3A_614 = tpu.memref_slice %arg6[%dma_wait3A_613] : memref<6400xi32, #tpu.memory_space<vmem>> -> memref<128xi32, #tpu.memory_space<vmem>>
    %dma_wait3A_615 = arith.constant 0 : i32
    %dma_wait3A_616 = tpu.memref_slice %arg2[%dma_wait3A_615] : memref<1000000xf32, #tpu.memory_space<hbm>> -> memref<1000000xf32, #tpu.memory_space<hbm>>
    tpu.wait_indirect_dma semaphore(%arg9 : memref<!tpu.dma_semaphore, #tpu.memory_space<semaphore_mem>>) src(%dma_wait3A_616 : memref<1000000xf32, #tpu.memory_space<hbm>>) dst(%dma_wait3A_612 : memref<128xf32, #tpu.memory_space<vmem>>)
    %dma_wait3A_617 = arith.constant 128 : i32
    %dma_wait3A_618 = tpu.memref_slice %arg8[%dma_wait3A_617] : memref<6400xf32, #tpu.memory_space<vmem>> -> memref<128xf32, #tpu.memory_space<vmem>>
    %dma_wait3A_619 = arith.constant 128 : i32
    %dma_wait3A_620 = tpu.memref_slice %arg6[%dma_wait3A_619] : memref<6400xi32, #tpu.memory_space<vmem>> -> memref<128xi32, #tpu.memory_space<vmem>>
    %dma_wait3A_621 = arith.constant 0 : i32
    %dma_wait3A_622 = tpu.memref_slice %arg3[%dma_wait3A_621] : memref<1000000xf32, #tpu.memory_space<hbm>> -> memref<1000000xf32, #tpu.memory_space<hbm>>
    tpu.wait_indirect_dma semaphore(%arg9 : memref<!tpu.dma_semaphore, #tpu.memory_space<semaphore_mem>>) src(%dma_wait3A_622 : memref<1000000xf32, #tpu.memory_space<hbm>>) dst(%dma_wait3A_618 : memref<128xf32, #tpu.memory_space<vmem>>)
    %dma_wait3A_623 = arith.constant 256 : i32
    %dma_wait3A_624 = tpu.memref_slice %arg7[%dma_wait3A_623] : memref<6400xf32, #tpu.memory_space<vmem>> -> memref<128xf32, #tpu.memory_space<vmem>>
    %dma_wait3A_625 = arith.constant 256 : i32
    %dma_wait3A_626 = tpu.memref_slice %arg6[%dma_wait3A_625] : memref<6400xi32, #tpu.memory_space<vmem>> -> memref<128xi32, #tpu.memory_space<vmem>>
    %dma_wait3A_627 = arith.constant 0 : i32
    %dma_wait3A_628 = tpu.memref_slice %arg2[%dma_wait3A_627] : memref<1000000xf32, #tpu.memory_space<hbm>> -> memref<1000000xf32, #tpu.memory_space<hbm>>
    tpu.wait_indirect_dma semaphore(%arg9 : memref<!tpu.dma_semaphore, #tpu.memory_space<semaphore_mem>>) src(%dma_wait3A_628 : memref<1000000xf32, #tpu.memory_space<hbm>>) dst(%dma_wait3A_624 : memref<128xf32, #tpu.memory_space<vmem>>)
    %dma_wait3A_629 = arith.constant 256 : i32
    %dma_wait3A_630 = tpu.memref_slice %arg8[%dma_wait3A_629] : memref<6400xf32, #tpu.memory_space<vmem>> -> memref<128xf32, #tpu.memory_space<vmem>>
    %dma_wait3A_631 = arith.constant 256 : i32
    %dma_wait3A_632 = tpu.memref_slice %arg6[%dma_wait3A_631] : memref<6400xi32, #tpu.memory_space<vmem>> -> memref<128xi32, #tpu.memory_space<vmem>>
    %dma_wait3A_633 = arith.constant 0 : i32
    %dma_wait3A_634 = tpu.memref_slice %arg3[%dma_wait3A_633] : memref<1000000xf32, #tpu.memory_space<hbm>> -> memref<1000000xf32, #tpu.memory_space<hbm>>
    tpu.wait_indirect_dma semaphore(%arg9 : memref<!tpu.dma_semaphore, #tpu.memory_space<semaphore_mem>>) src(%dma_wait3A_634 : memref<1000000xf32, #tpu.memory_space<hbm>>) dst(%dma_wait3A_630 : memref<128xf32, #tpu.memory_space<vmem>>)
    %dma_wait3A_635 = arith.constant 384 : i32
    %dma_wait3A_636 = tpu.memref_slice %arg7[%dma_wait3A_635] : memref<6400xf32, #tpu.memory_space<vmem>> -> memref<128xf32, #tpu.memory_space<vmem>>
    %dma_wait3A_637 = arith.constant 384 : i32
    %dma_wait3A_638 = tpu.memref_slice %arg6[%dma_wait3A_637] : memref<6400xi32, #tpu.memory_space<vmem>> -> memref<128xi32, #tpu.memory_space<vmem>>
    %dma_wait3A_639 = arith.constant 0 : i32
    %dma_wait3A_640 = tpu.memref_slice %arg2[%dma_wait3A_639] : memref<1000000xf32, #tpu.memory_space<hbm>> -> memref<1000000xf32, #tpu.memory_space<hbm>>
    tpu.wait_indirect_dma semaphore(%arg9 : memref<!tpu.dma_semaphore, #tpu.memory_space<semaphore_mem>>) src(%dma_wait3A_640 : memref<1000000xf32, #tpu.memory_space<hbm>>) dst(%dma_wait3A_636 : memref<128xf32, #tpu.memory_space<vmem>>)
    %dma_wait3A_641 = arith.constant 384 : i32
    %dma_wait3A_642 = tpu.memref_slice %arg8[%dma_wait3A_641] : memref<6400xf32, #tpu.memory_space<vmem>> -> memref<128xf32, #tpu.memory_space<vmem>>
    %dma_wait3A_643 = arith.constant 384 : i32
    %dma_wait3A_644 = tpu.memref_slice %arg6[%dma_wait3A_643] : memref<6400xi32, #tpu.memory_space<vmem>> -> memref<128xi32, #tpu.memory_space<vmem>>
    %dma_wait3A_645 = arith.constant 0 : i32
    %dma_wait3A_646 = tpu.memref_slice %arg3[%dma_wait3A_645] : memref<1000000xf32, #tpu.memory_space<hbm>> -> memref<1000000xf32, #tpu.memory_space<hbm>>
    tpu.wait_indirect_dma semaphore(%arg9 : memref<!tpu.dma_semaphore, #tpu.memory_space<semaphore_mem>>) src(%dma_wait3A_646 : memref<1000000xf32, #tpu.memory_space<hbm>>) dst(%dma_wait3A_642 : memref<128xf32, #tpu.memory_space<vmem>>)
    %dma_wait3A_647 = arith.constant 512 : i32
    %dma_wait3A_648 = tpu.memref_slice %arg7[%dma_wait3A_647] : memref<6400xf32, #tpu.memory_space<vmem>> -> memref<128xf32, #tpu.memory_space<vmem>>
    %dma_wait3A_649 = arith.constant 512 : i32
    %dma_wait3A_650 = tpu.memref_slice %arg6[%dma_wait3A_649] : memref<6400xi32, #tpu.memory_space<vmem>> -> memref<128xi32, #tpu.memory_space<vmem>>
    %dma_wait3A_651 = arith.constant 0 : i32
    %dma_wait3A_652 = tpu.memref_slice %arg2[%dma_wait3A_651] : memref<1000000xf32, #tpu.memory_space<hbm>> -> memref<1000000xf32, #tpu.memory_space<hbm>>
    tpu.wait_indirect_dma semaphore(%arg9 : memref<!tpu.dma_semaphore, #tpu.memory_space<semaphore_mem>>) src(%dma_wait3A_652 : memref<1000000xf32, #tpu.memory_space<hbm>>) dst(%dma_wait3A_648 : memref<128xf32, #tpu.memory_space<vmem>>)
    %dma_wait3A_653 = arith.constant 512 : i32
    %dma_wait3A_654 = tpu.memref_slice %arg8[%dma_wait3A_653] : memref<6400xf32, #tpu.memory_space<vmem>> -> memref<128xf32, #tpu.memory_space<vmem>>
    %dma_wait3A_655 = arith.constant 512 : i32
    %dma_wait3A_656 = tpu.memref_slice %arg6[%dma_wait3A_655] : memref<6400xi32, #tpu.memory_space<vmem>> -> memref<128xi32, #tpu.memory_space<vmem>>
    %dma_wait3A_657 = arith.constant 0 : i32
    %dma_wait3A_658 = tpu.memref_slice %arg3[%dma_wait3A_657] : memref<1000000xf32, #tpu.memory_space<hbm>> -> memref<1000000xf32, #tpu.memory_space<hbm>>
    tpu.wait_indirect_dma semaphore(%arg9 : memref<!tpu.dma_semaphore, #tpu.memory_space<semaphore_mem>>) src(%dma_wait3A_658 : memref<1000000xf32, #tpu.memory_space<hbm>>) dst(%dma_wait3A_654 : memref<128xf32, #tpu.memory_space<vmem>>)
    %dma_wait3A_659 = arith.constant 640 : i32
    %dma_wait3A_660 = tpu.memref_slice %arg7[%dma_wait3A_659] : memref<6400xf32, #tpu.memory_space<vmem>> -> memref<128xf32, #tpu.memory_space<vmem>>
    %dma_wait3A_661 = arith.constant 640 : i32
    %dma_wait3A_662 = tpu.memref_slice %arg6[%dma_wait3A_661] : memref<6400xi32, #tpu.memory_space<vmem>> -> memref<128xi32, #tpu.memory_space<vmem>>
    %dma_wait3A_663 = arith.constant 0 : i32
    %dma_wait3A_664 = tpu.memref_slice %arg2[%dma_wait3A_663] : memref<1000000xf32, #tpu.memory_space<hbm>> -> memref<1000000xf32, #tpu.memory_space<hbm>>
    tpu.wait_indirect_dma semaphore(%arg9 : memref<!tpu.dma_semaphore, #tpu.memory_space<semaphore_mem>>) src(%dma_wait3A_664 : memref<1000000xf32, #tpu.memory_space<hbm>>) dst(%dma_wait3A_660 : memref<128xf32, #tpu.memory_space<vmem>>)
    %dma_wait3A_665 = arith.constant 640 : i32
    %dma_wait3A_666 = tpu.memref_slice %arg8[%dma_wait3A_665] : memref<6400xf32, #tpu.memory_space<vmem>> -> memref<128xf32, #tpu.memory_space<vmem>>
    %dma_wait3A_667 = arith.constant 640 : i32
    %dma_wait3A_668 = tpu.memref_slice %arg6[%dma_wait3A_667] : memref<6400xi32, #tpu.memory_space<vmem>> -> memref<128xi32, #tpu.memory_space<vmem>>
    %dma_wait3A_669 = arith.constant 0 : i32
    %dma_wait3A_670 = tpu.memref_slice %arg3[%dma_wait3A_669] : memref<1000000xf32, #tpu.memory_space<hbm>> -> memref<1000000xf32, #tpu.memory_space<hbm>>
    tpu.wait_indirect_dma semaphore(%arg9 : memref<!tpu.dma_semaphore, #tpu.memory_space<semaphore_mem>>) src(%dma_wait3A_670 : memref<1000000xf32, #tpu.memory_space<hbm>>) dst(%dma_wait3A_666 : memref<128xf32, #tpu.memory_space<vmem>>)
    %dma_wait3A_671 = arith.constant 768 : i32
    %dma_wait3A_672 = tpu.memref_slice %arg7[%dma_wait3A_671] : memref<6400xf32, #tpu.memory_space<vmem>> -> memref<128xf32, #tpu.memory_space<vmem>>
    %dma_wait3A_673 = arith.constant 768 : i32
    %dma_wait3A_674 = tpu.memref_slice %arg6[%dma_wait3A_673] : memref<6400xi32, #tpu.memory_space<vmem>> -> memref<128xi32, #tpu.memory_space<vmem>>
    %dma_wait3A_675 = arith.constant 0 : i32
    %dma_wait3A_676 = tpu.memref_slice %arg2[%dma_wait3A_675] : memref<1000000xf32, #tpu.memory_space<hbm>> -> memref<1000000xf32, #tpu.memory_space<hbm>>
    tpu.wait_indirect_dma semaphore(%arg9 : memref<!tpu.dma_semaphore, #tpu.memory_space<semaphore_mem>>) src(%dma_wait3A_676 : memref<1000000xf32, #tpu.memory_space<hbm>>) dst(%dma_wait3A_672 : memref<128xf32, #tpu.memory_space<vmem>>)
    %dma_wait3A_677 = arith.constant 768 : i32
    %dma_wait3A_678 = tpu.memref_slice %arg8[%dma_wait3A_677] : memref<6400xf32, #tpu.memory_space<vmem>> -> memref<128xf32, #tpu.memory_space<vmem>>
    %dma_wait3A_679 = arith.constant 768 : i32
    %dma_wait3A_680 = tpu.memref_slice %arg6[%dma_wait3A_679] : memref<6400xi32, #tpu.memory_space<vmem>> -> memref<128xi32, #tpu.memory_space<vmem>>
    %dma_wait3A_681 = arith.constant 0 : i32
    %dma_wait3A_682 = tpu.memref_slice %arg3[%dma_wait3A_681] : memref<1000000xf32, #tpu.memory_space<hbm>> -> memref<1000000xf32, #tpu.memory_space<hbm>>
    tpu.wait_indirect_dma semaphore(%arg9 : memref<!tpu.dma_semaphore, #tpu.memory_space<semaphore_mem>>) src(%dma_wait3A_682 : memref<1000000xf32, #tpu.memory_space<hbm>>) dst(%dma_wait3A_678 : memref<128xf32, #tpu.memory_space<vmem>>)
    %dma_wait3A_683 = arith.constant 896 : i32
    %dma_wait3A_684 = tpu.memref_slice %arg7[%dma_wait3A_683] : memref<6400xf32, #tpu.memory_space<vmem>> -> memref<128xf32, #tpu.memory_space<vmem>>
    %dma_wait3A_685 = arith.constant 896 : i32
    %dma_wait3A_686 = tpu.memref_slice %arg6[%dma_wait3A_685] : memref<6400xi32, #tpu.memory_space<vmem>> -> memref<128xi32, #tpu.memory_space<vmem>>
    %dma_wait3A_687 = arith.constant 0 : i32
    %dma_wait3A_688 = tpu.memref_slice %arg2[%dma_wait3A_687] : memref<1000000xf32, #tpu.memory_space<hbm>> -> memref<1000000xf32, #tpu.memory_space<hbm>>
    tpu.wait_indirect_dma semaphore(%arg9 : memref<!tpu.dma_semaphore, #tpu.memory_space<semaphore_mem>>) src(%dma_wait3A_688 : memref<1000000xf32, #tpu.memory_space<hbm>>) dst(%dma_wait3A_684 : memref<128xf32, #tpu.memory_space<vmem>>)
    %dma_wait3A_689 = arith.constant 896 : i32
    %dma_wait3A_690 = tpu.memref_slice %arg8[%dma_wait3A_689] : memref<6400xf32, #tpu.memory_space<vmem>> -> memref<128xf32, #tpu.memory_space<vmem>>
    %dma_wait3A_691 = arith.constant 896 : i32
    %dma_wait3A_692 = tpu.memref_slice %arg6[%dma_wait3A_691] : memref<6400xi32, #tpu.memory_space<vmem>> -> memref<128xi32, #tpu.memory_space<vmem>>
    %dma_wait3A_693 = arith.constant 0 : i32
    %dma_wait3A_694 = tpu.memref_slice %arg3[%dma_wait3A_693] : memref<1000000xf32, #tpu.memory_space<hbm>> -> memref<1000000xf32, #tpu.memory_space<hbm>>
    tpu.wait_indirect_dma semaphore(%arg9 : memref<!tpu.dma_semaphore, #tpu.memory_space<semaphore_mem>>) src(%dma_wait3A_694 : memref<1000000xf32, #tpu.memory_space<hbm>>) dst(%dma_wait3A_690 : memref<128xf32, #tpu.memory_space<vmem>>)
    %dma_wait3A_695 = arith.constant 1024 : i32
    %dma_wait3A_696 = tpu.memref_slice %arg7[%dma_wait3A_695] : memref<6400xf32, #tpu.memory_space<vmem>> -> memref<128xf32, #tpu.memory_space<vmem>>
    %dma_wait3A_697 = arith.constant 1024 : i32
    %dma_wait3A_698 = tpu.memref_slice %arg6[%dma_wait3A_697] : memref<6400xi32, #tpu.memory_space<vmem>> -> memref<128xi32, #tpu.memory_space<vmem>>
    %dma_wait3A_699 = arith.constant 0 : i32
    %dma_wait3A_700 = tpu.memref_slice %arg2[%dma_wait3A_699] : memref<1000000xf32, #tpu.memory_space<hbm>> -> memref<1000000xf32, #tpu.memory_space<hbm>>
    tpu.wait_indirect_dma semaphore(%arg9 : memref<!tpu.dma_semaphore, #tpu.memory_space<semaphore_mem>>) src(%dma_wait3A_700 : memref<1000000xf32, #tpu.memory_space<hbm>>) dst(%dma_wait3A_696 : memref<128xf32, #tpu.memory_space<vmem>>)
    %dma_wait3A_701 = arith.constant 1024 : i32
    %dma_wait3A_702 = tpu.memref_slice %arg8[%dma_wait3A_701] : memref<6400xf32, #tpu.memory_space<vmem>> -> memref<128xf32, #tpu.memory_space<vmem>>
    %dma_wait3A_703 = arith.constant 1024 : i32
    %dma_wait3A_704 = tpu.memref_slice %arg6[%dma_wait3A_703] : memref<6400xi32, #tpu.memory_space<vmem>> -> memref<128xi32, #tpu.memory_space<vmem>>
    %dma_wait3A_705 = arith.constant 0 : i32
    %dma_wait3A_706 = tpu.memref_slice %arg3[%dma_wait3A_705] : memref<1000000xf32, #tpu.memory_space<hbm>> -> memref<1000000xf32, #tpu.memory_space<hbm>>
    tpu.wait_indirect_dma semaphore(%arg9 : memref<!tpu.dma_semaphore, #tpu.memory_space<semaphore_mem>>) src(%dma_wait3A_706 : memref<1000000xf32, #tpu.memory_space<hbm>>) dst(%dma_wait3A_702 : memref<128xf32, #tpu.memory_space<vmem>>)
    %dma_wait3A_707 = arith.constant 1152 : i32
    %dma_wait3A_708 = tpu.memref_slice %arg7[%dma_wait3A_707] : memref<6400xf32, #tpu.memory_space<vmem>> -> memref<128xf32, #tpu.memory_space<vmem>>
    %dma_wait3A_709 = arith.constant 1152 : i32
    %dma_wait3A_710 = tpu.memref_slice %arg6[%dma_wait3A_709] : memref<6400xi32, #tpu.memory_space<vmem>> -> memref<128xi32, #tpu.memory_space<vmem>>
    %dma_wait3A_711 = arith.constant 0 : i32
    %dma_wait3A_712 = tpu.memref_slice %arg2[%dma_wait3A_711] : memref<1000000xf32, #tpu.memory_space<hbm>> -> memref<1000000xf32, #tpu.memory_space<hbm>>
    tpu.wait_indirect_dma semaphore(%arg9 : memref<!tpu.dma_semaphore, #tpu.memory_space<semaphore_mem>>) src(%dma_wait3A_712 : memref<1000000xf32, #tpu.memory_space<hbm>>) dst(%dma_wait3A_708 : memref<128xf32, #tpu.memory_space<vmem>>)
    %dma_wait3A_713 = arith.constant 1152 : i32
    %dma_wait3A_714 = tpu.memref_slice %arg8[%dma_wait3A_713] : memref<6400xf32, #tpu.memory_space<vmem>> -> memref<128xf32, #tpu.memory_space<vmem>>
    %dma_wait3A_715 = arith.constant 1152 : i32
    %dma_wait3A_716 = tpu.memref_slice %arg6[%dma_wait3A_715] : memref<6400xi32, #tpu.memory_space<vmem>> -> memref<128xi32, #tpu.memory_space<vmem>>
    %dma_wait3A_717 = arith.constant 0 : i32
    %dma_wait3A_718 = tpu.memref_slice %arg3[%dma_wait3A_717] : memref<1000000xf32, #tpu.memory_space<hbm>> -> memref<1000000xf32, #tpu.memory_space<hbm>>
    tpu.wait_indirect_dma semaphore(%arg9 : memref<!tpu.dma_semaphore, #tpu.memory_space<semaphore_mem>>) src(%dma_wait3A_718 : memref<1000000xf32, #tpu.memory_space<hbm>>) dst(%dma_wait3A_714 : memref<128xf32, #tpu.memory_space<vmem>>)
    %dma_wait3A_719 = arith.constant 1280 : i32
    %dma_wait3A_720 = tpu.memref_slice %arg7[%dma_wait3A_719] : memref<6400xf32, #tpu.memory_space<vmem>> -> memref<128xf32, #tpu.memory_space<vmem>>
    %dma_wait3A_721 = arith.constant 1280 : i32
    %dma_wait3A_722 = tpu.memref_slice %arg6[%dma_wait3A_721] : memref<6400xi32, #tpu.memory_space<vmem>> -> memref<128xi32, #tpu.memory_space<vmem>>
    %dma_wait3A_723 = arith.constant 0 : i32
    %dma_wait3A_724 = tpu.memref_slice %arg2[%dma_wait3A_723] : memref<1000000xf32, #tpu.memory_space<hbm>> -> memref<1000000xf32, #tpu.memory_space<hbm>>
    tpu.wait_indirect_dma semaphore(%arg9 : memref<!tpu.dma_semaphore, #tpu.memory_space<semaphore_mem>>) src(%dma_wait3A_724 : memref<1000000xf32, #tpu.memory_space<hbm>>) dst(%dma_wait3A_720 : memref<128xf32, #tpu.memory_space<vmem>>)
    %dma_wait3A_725 = arith.constant 1280 : i32
    %dma_wait3A_726 = tpu.memref_slice %arg8[%dma_wait3A_725] : memref<6400xf32, #tpu.memory_space<vmem>> -> memref<128xf32, #tpu.memory_space<vmem>>
    %dma_wait3A_727 = arith.constant 1280 : i32
    %dma_wait3A_728 = tpu.memref_slice %arg6[%dma_wait3A_727] : memref<6400xi32, #tpu.memory_space<vmem>> -> memref<128xi32, #tpu.memory_space<vmem>>
    %dma_wait3A_729 = arith.constant 0 : i32
    %dma_wait3A_730 = tpu.memref_slice %arg3[%dma_wait3A_729] : memref<1000000xf32, #tpu.memory_space<hbm>> -> memref<1000000xf32, #tpu.memory_space<hbm>>
    tpu.wait_indirect_dma semaphore(%arg9 : memref<!tpu.dma_semaphore, #tpu.memory_space<semaphore_mem>>) src(%dma_wait3A_730 : memref<1000000xf32, #tpu.memory_space<hbm>>) dst(%dma_wait3A_726 : memref<128xf32, #tpu.memory_space<vmem>>)
    %dma_wait3A_731 = arith.constant 1408 : i32
    %dma_wait3A_732 = tpu.memref_slice %arg7[%dma_wait3A_731] : memref<6400xf32, #tpu.memory_space<vmem>> -> memref<128xf32, #tpu.memory_space<vmem>>
    %dma_wait3A_733 = arith.constant 1408 : i32
    %dma_wait3A_734 = tpu.memref_slice %arg6[%dma_wait3A_733] : memref<6400xi32, #tpu.memory_space<vmem>> -> memref<128xi32, #tpu.memory_space<vmem>>
    %dma_wait3A_735 = arith.constant 0 : i32
    %dma_wait3A_736 = tpu.memref_slice %arg2[%dma_wait3A_735] : memref<1000000xf32, #tpu.memory_space<hbm>> -> memref<1000000xf32, #tpu.memory_space<hbm>>
    tpu.wait_indirect_dma semaphore(%arg9 : memref<!tpu.dma_semaphore, #tpu.memory_space<semaphore_mem>>) src(%dma_wait3A_736 : memref<1000000xf32, #tpu.memory_space<hbm>>) dst(%dma_wait3A_732 : memref<128xf32, #tpu.memory_space<vmem>>)
    %dma_wait3A_737 = arith.constant 1408 : i32
    %dma_wait3A_738 = tpu.memref_slice %arg8[%dma_wait3A_737] : memref<6400xf32, #tpu.memory_space<vmem>> -> memref<128xf32, #tpu.memory_space<vmem>>
    %dma_wait3A_739 = arith.constant 1408 : i32
    %dma_wait3A_740 = tpu.memref_slice %arg6[%dma_wait3A_739] : memref<6400xi32, #tpu.memory_space<vmem>> -> memref<128xi32, #tpu.memory_space<vmem>>
    %dma_wait3A_741 = arith.constant 0 : i32
    %dma_wait3A_742 = tpu.memref_slice %arg3[%dma_wait3A_741] : memref<1000000xf32, #tpu.memory_space<hbm>> -> memref<1000000xf32, #tpu.memory_space<hbm>>
    tpu.wait_indirect_dma semaphore(%arg9 : memref<!tpu.dma_semaphore, #tpu.memory_space<semaphore_mem>>) src(%dma_wait3A_742 : memref<1000000xf32, #tpu.memory_space<hbm>>) dst(%dma_wait3A_738 : memref<128xf32, #tpu.memory_space<vmem>>)
    %dma_wait3A_743 = arith.constant 1536 : i32
    %dma_wait3A_744 = tpu.memref_slice %arg7[%dma_wait3A_743] : memref<6400xf32, #tpu.memory_space<vmem>> -> memref<128xf32, #tpu.memory_space<vmem>>
    %dma_wait3A_745 = arith.constant 1536 : i32
    %dma_wait3A_746 = tpu.memref_slice %arg6[%dma_wait3A_745] : memref<6400xi32, #tpu.memory_space<vmem>> -> memref<128xi32, #tpu.memory_space<vmem>>
    %dma_wait3A_747 = arith.constant 0 : i32
    %dma_wait3A_748 = tpu.memref_slice %arg2[%dma_wait3A_747] : memref<1000000xf32, #tpu.memory_space<hbm>> -> memref<1000000xf32, #tpu.memory_space<hbm>>
    tpu.wait_indirect_dma semaphore(%arg9 : memref<!tpu.dma_semaphore, #tpu.memory_space<semaphore_mem>>) src(%dma_wait3A_748 : memref<1000000xf32, #tpu.memory_space<hbm>>) dst(%dma_wait3A_744 : memref<128xf32, #tpu.memory_space<vmem>>)
    %dma_wait3A_749 = arith.constant 1536 : i32
    %dma_wait3A_750 = tpu.memref_slice %arg8[%dma_wait3A_749] : memref<6400xf32, #tpu.memory_space<vmem>> -> memref<128xf32, #tpu.memory_space<vmem>>
    %dma_wait3A_751 = arith.constant 1536 : i32
    %dma_wait3A_752 = tpu.memref_slice %arg6[%dma_wait3A_751] : memref<6400xi32, #tpu.memory_space<vmem>> -> memref<128xi32, #tpu.memory_space<vmem>>
    %dma_wait3A_753 = arith.constant 0 : i32
    %dma_wait3A_754 = tpu.memref_slice %arg3[%dma_wait3A_753] : memref<1000000xf32, #tpu.memory_space<hbm>> -> memref<1000000xf32, #tpu.memory_space<hbm>>
    tpu.wait_indirect_dma semaphore(%arg9 : memref<!tpu.dma_semaphore, #tpu.memory_space<semaphore_mem>>) src(%dma_wait3A_754 : memref<1000000xf32, #tpu.memory_space<hbm>>) dst(%dma_wait3A_750 : memref<128xf32, #tpu.memory_space<vmem>>)
    %dma_wait3A_755 = arith.constant 1664 : i32
    %dma_wait3A_756 = tpu.memref_slice %arg7[%dma_wait3A_755] : memref<6400xf32, #tpu.memory_space<vmem>> -> memref<128xf32, #tpu.memory_space<vmem>>
    %dma_wait3A_757 = arith.constant 1664 : i32
    %dma_wait3A_758 = tpu.memref_slice %arg6[%dma_wait3A_757] : memref<6400xi32, #tpu.memory_space<vmem>> -> memref<128xi32, #tpu.memory_space<vmem>>
    %dma_wait3A_759 = arith.constant 0 : i32
    %dma_wait3A_760 = tpu.memref_slice %arg2[%dma_wait3A_759] : memref<1000000xf32, #tpu.memory_space<hbm>> -> memref<1000000xf32, #tpu.memory_space<hbm>>
    tpu.wait_indirect_dma semaphore(%arg9 : memref<!tpu.dma_semaphore, #tpu.memory_space<semaphore_mem>>) src(%dma_wait3A_760 : memref<1000000xf32, #tpu.memory_space<hbm>>) dst(%dma_wait3A_756 : memref<128xf32, #tpu.memory_space<vmem>>)
    %dma_wait3A_761 = arith.constant 1664 : i32
    %dma_wait3A_762 = tpu.memref_slice %arg8[%dma_wait3A_761] : memref<6400xf32, #tpu.memory_space<vmem>> -> memref<128xf32, #tpu.memory_space<vmem>>
    %dma_wait3A_763 = arith.constant 1664 : i32
    %dma_wait3A_764 = tpu.memref_slice %arg6[%dma_wait3A_763] : memref<6400xi32, #tpu.memory_space<vmem>> -> memref<128xi32, #tpu.memory_space<vmem>>
    %dma_wait3A_765 = arith.constant 0 : i32
    %dma_wait3A_766 = tpu.memref_slice %arg3[%dma_wait3A_765] : memref<1000000xf32, #tpu.memory_space<hbm>> -> memref<1000000xf32, #tpu.memory_space<hbm>>
    tpu.wait_indirect_dma semaphore(%arg9 : memref<!tpu.dma_semaphore, #tpu.memory_space<semaphore_mem>>) src(%dma_wait3A_766 : memref<1000000xf32, #tpu.memory_space<hbm>>) dst(%dma_wait3A_762 : memref<128xf32, #tpu.memory_space<vmem>>)
    %dma_wait3A_767 = arith.constant 1792 : i32
    %dma_wait3A_768 = tpu.memref_slice %arg7[%dma_wait3A_767] : memref<6400xf32, #tpu.memory_space<vmem>> -> memref<128xf32, #tpu.memory_space<vmem>>
    %dma_wait3A_769 = arith.constant 1792 : i32
    %dma_wait3A_770 = tpu.memref_slice %arg6[%dma_wait3A_769] : memref<6400xi32, #tpu.memory_space<vmem>> -> memref<128xi32, #tpu.memory_space<vmem>>
    %dma_wait3A_771 = arith.constant 0 : i32
    %dma_wait3A_772 = tpu.memref_slice %arg2[%dma_wait3A_771] : memref<1000000xf32, #tpu.memory_space<hbm>> -> memref<1000000xf32, #tpu.memory_space<hbm>>
    tpu.wait_indirect_dma semaphore(%arg9 : memref<!tpu.dma_semaphore, #tpu.memory_space<semaphore_mem>>) src(%dma_wait3A_772 : memref<1000000xf32, #tpu.memory_space<hbm>>) dst(%dma_wait3A_768 : memref<128xf32, #tpu.memory_space<vmem>>)
    %dma_wait3A_773 = arith.constant 1792 : i32
    %dma_wait3A_774 = tpu.memref_slice %arg8[%dma_wait3A_773] : memref<6400xf32, #tpu.memory_space<vmem>> -> memref<128xf32, #tpu.memory_space<vmem>>
    %dma_wait3A_775 = arith.constant 1792 : i32
    %dma_wait3A_776 = tpu.memref_slice %arg6[%dma_wait3A_775] : memref<6400xi32, #tpu.memory_space<vmem>> -> memref<128xi32, #tpu.memory_space<vmem>>
    %dma_wait3A_777 = arith.constant 0 : i32
    %dma_wait3A_778 = tpu.memref_slice %arg3[%dma_wait3A_777] : memref<1000000xf32, #tpu.memory_space<hbm>> -> memref<1000000xf32, #tpu.memory_space<hbm>>
    tpu.wait_indirect_dma semaphore(%arg9 : memref<!tpu.dma_semaphore, #tpu.memory_space<semaphore_mem>>) src(%dma_wait3A_778 : memref<1000000xf32, #tpu.memory_space<hbm>>) dst(%dma_wait3A_774 : memref<128xf32, #tpu.memory_space<vmem>>)
    %dma_wait3A_779 = arith.constant 1920 : i32
    %dma_wait3A_780 = tpu.memref_slice %arg7[%dma_wait3A_779] : memref<6400xf32, #tpu.memory_space<vmem>> -> memref<128xf32, #tpu.memory_space<vmem>>
    %dma_wait3A_781 = arith.constant 1920 : i32
    %dma_wait3A_782 = tpu.memref_slice %arg6[%dma_wait3A_781] : memref<6400xi32, #tpu.memory_space<vmem>> -> memref<128xi32, #tpu.memory_space<vmem>>
    %dma_wait3A_783 = arith.constant 0 : i32
    %dma_wait3A_784 = tpu.memref_slice %arg2[%dma_wait3A_783] : memref<1000000xf32, #tpu.memory_space<hbm>> -> memref<1000000xf32, #tpu.memory_space<hbm>>
    tpu.wait_indirect_dma semaphore(%arg9 : memref<!tpu.dma_semaphore, #tpu.memory_space<semaphore_mem>>) src(%dma_wait3A_784 : memref<1000000xf32, #tpu.memory_space<hbm>>) dst(%dma_wait3A_780 : memref<128xf32, #tpu.memory_space<vmem>>)
    %dma_wait3A_785 = arith.constant 1920 : i32
    %dma_wait3A_786 = tpu.memref_slice %arg8[%dma_wait3A_785] : memref<6400xf32, #tpu.memory_space<vmem>> -> memref<128xf32, #tpu.memory_space<vmem>>
    %dma_wait3A_787 = arith.constant 1920 : i32
    %dma_wait3A_788 = tpu.memref_slice %arg6[%dma_wait3A_787] : memref<6400xi32, #tpu.memory_space<vmem>> -> memref<128xi32, #tpu.memory_space<vmem>>
    %dma_wait3A_789 = arith.constant 0 : i32
    %dma_wait3A_790 = tpu.memref_slice %arg3[%dma_wait3A_789] : memref<1000000xf32, #tpu.memory_space<hbm>> -> memref<1000000xf32, #tpu.memory_space<hbm>>
    tpu.wait_indirect_dma semaphore(%arg9 : memref<!tpu.dma_semaphore, #tpu.memory_space<semaphore_mem>>) src(%dma_wait3A_790 : memref<1000000xf32, #tpu.memory_space<hbm>>) dst(%dma_wait3A_786 : memref<128xf32, #tpu.memory_space<vmem>>)
    %dma_wait3A_791 = arith.constant 2048 : i32
    %dma_wait3A_792 = tpu.memref_slice %arg7[%dma_wait3A_791] : memref<6400xf32, #tpu.memory_space<vmem>> -> memref<128xf32, #tpu.memory_space<vmem>>
    %dma_wait3A_793 = arith.constant 2048 : i32
    %dma_wait3A_794 = tpu.memref_slice %arg6[%dma_wait3A_793] : memref<6400xi32, #tpu.memory_space<vmem>> -> memref<128xi32, #tpu.memory_space<vmem>>
    %dma_wait3A_795 = arith.constant 0 : i32
    %dma_wait3A_796 = tpu.memref_slice %arg2[%dma_wait3A_795] : memref<1000000xf32, #tpu.memory_space<hbm>> -> memref<1000000xf32, #tpu.memory_space<hbm>>
    tpu.wait_indirect_dma semaphore(%arg9 : memref<!tpu.dma_semaphore, #tpu.memory_space<semaphore_mem>>) src(%dma_wait3A_796 : memref<1000000xf32, #tpu.memory_space<hbm>>) dst(%dma_wait3A_792 : memref<128xf32, #tpu.memory_space<vmem>>)
    %dma_wait3A_797 = arith.constant 2048 : i32
    %dma_wait3A_798 = tpu.memref_slice %arg8[%dma_wait3A_797] : memref<6400xf32, #tpu.memory_space<vmem>> -> memref<128xf32, #tpu.memory_space<vmem>>
    %dma_wait3A_799 = arith.constant 2048 : i32
    %dma_wait3A_800 = tpu.memref_slice %arg6[%dma_wait3A_799] : memref<6400xi32, #tpu.memory_space<vmem>> -> memref<128xi32, #tpu.memory_space<vmem>>
    %dma_wait3A_801 = arith.constant 0 : i32
    %dma_wait3A_802 = tpu.memref_slice %arg3[%dma_wait3A_801] : memref<1000000xf32, #tpu.memory_space<hbm>> -> memref<1000000xf32, #tpu.memory_space<hbm>>
    tpu.wait_indirect_dma semaphore(%arg9 : memref<!tpu.dma_semaphore, #tpu.memory_space<semaphore_mem>>) src(%dma_wait3A_802 : memref<1000000xf32, #tpu.memory_space<hbm>>) dst(%dma_wait3A_798 : memref<128xf32, #tpu.memory_space<vmem>>)
    %dma_wait3A_803 = arith.constant 2176 : i32
    %dma_wait3A_804 = tpu.memref_slice %arg7[%dma_wait3A_803] : memref<6400xf32, #tpu.memory_space<vmem>> -> memref<128xf32, #tpu.memory_space<vmem>>
    %dma_wait3A_805 = arith.constant 2176 : i32
    %dma_wait3A_806 = tpu.memref_slice %arg6[%dma_wait3A_805] : memref<6400xi32, #tpu.memory_space<vmem>> -> memref<128xi32, #tpu.memory_space<vmem>>
    %dma_wait3A_807 = arith.constant 0 : i32
    %dma_wait3A_808 = tpu.memref_slice %arg2[%dma_wait3A_807] : memref<1000000xf32, #tpu.memory_space<hbm>> -> memref<1000000xf32, #tpu.memory_space<hbm>>
    tpu.wait_indirect_dma semaphore(%arg9 : memref<!tpu.dma_semaphore, #tpu.memory_space<semaphore_mem>>) src(%dma_wait3A_808 : memref<1000000xf32, #tpu.memory_space<hbm>>) dst(%dma_wait3A_804 : memref<128xf32, #tpu.memory_space<vmem>>)
    %dma_wait3A_809 = arith.constant 2176 : i32
    %dma_wait3A_810 = tpu.memref_slice %arg8[%dma_wait3A_809] : memref<6400xf32, #tpu.memory_space<vmem>> -> memref<128xf32, #tpu.memory_space<vmem>>
    %dma_wait3A_811 = arith.constant 2176 : i32
    %dma_wait3A_812 = tpu.memref_slice %arg6[%dma_wait3A_811] : memref<6400xi32, #tpu.memory_space<vmem>> -> memref<128xi32, #tpu.memory_space<vmem>>
    %dma_wait3A_813 = arith.constant 0 : i32
    %dma_wait3A_814 = tpu.memref_slice %arg3[%dma_wait3A_813] : memref<1000000xf32, #tpu.memory_space<hbm>> -> memref<1000000xf32, #tpu.memory_space<hbm>>
    tpu.wait_indirect_dma semaphore(%arg9 : memref<!tpu.dma_semaphore, #tpu.memory_space<semaphore_mem>>) src(%dma_wait3A_814 : memref<1000000xf32, #tpu.memory_space<hbm>>) dst(%dma_wait3A_810 : memref<128xf32, #tpu.memory_space<vmem>>)
    %dma_wait3A_815 = arith.constant 2304 : i32
    %dma_wait3A_816 = tpu.memref_slice %arg7[%dma_wait3A_815] : memref<6400xf32, #tpu.memory_space<vmem>> -> memref<128xf32, #tpu.memory_space<vmem>>
    %dma_wait3A_817 = arith.constant 2304 : i32
    %dma_wait3A_818 = tpu.memref_slice %arg6[%dma_wait3A_817] : memref<6400xi32, #tpu.memory_space<vmem>> -> memref<128xi32, #tpu.memory_space<vmem>>
    %dma_wait3A_819 = arith.constant 0 : i32
    %dma_wait3A_820 = tpu.memref_slice %arg2[%dma_wait3A_819] : memref<1000000xf32, #tpu.memory_space<hbm>> -> memref<1000000xf32, #tpu.memory_space<hbm>>
    tpu.wait_indirect_dma semaphore(%arg9 : memref<!tpu.dma_semaphore, #tpu.memory_space<semaphore_mem>>) src(%dma_wait3A_820 : memref<1000000xf32, #tpu.memory_space<hbm>>) dst(%dma_wait3A_816 : memref<128xf32, #tpu.memory_space<vmem>>)
    %dma_wait3A_821 = arith.constant 2304 : i32
    %dma_wait3A_822 = tpu.memref_slice %arg8[%dma_wait3A_821] : memref<6400xf32, #tpu.memory_space<vmem>> -> memref<128xf32, #tpu.memory_space<vmem>>
    %dma_wait3A_823 = arith.constant 2304 : i32
    %dma_wait3A_824 = tpu.memref_slice %arg6[%dma_wait3A_823] : memref<6400xi32, #tpu.memory_space<vmem>> -> memref<128xi32, #tpu.memory_space<vmem>>
    %dma_wait3A_825 = arith.constant 0 : i32
    %dma_wait3A_826 = tpu.memref_slice %arg3[%dma_wait3A_825] : memref<1000000xf32, #tpu.memory_space<hbm>> -> memref<1000000xf32, #tpu.memory_space<hbm>>
    tpu.wait_indirect_dma semaphore(%arg9 : memref<!tpu.dma_semaphore, #tpu.memory_space<semaphore_mem>>) src(%dma_wait3A_826 : memref<1000000xf32, #tpu.memory_space<hbm>>) dst(%dma_wait3A_822 : memref<128xf32, #tpu.memory_space<vmem>>)
    %dma_wait3A_827 = arith.constant 2432 : i32
    %dma_wait3A_828 = tpu.memref_slice %arg7[%dma_wait3A_827] : memref<6400xf32, #tpu.memory_space<vmem>> -> memref<128xf32, #tpu.memory_space<vmem>>
    %dma_wait3A_829 = arith.constant 2432 : i32
    %dma_wait3A_830 = tpu.memref_slice %arg6[%dma_wait3A_829] : memref<6400xi32, #tpu.memory_space<vmem>> -> memref<128xi32, #tpu.memory_space<vmem>>
    %dma_wait3A_831 = arith.constant 0 : i32
    %dma_wait3A_832 = tpu.memref_slice %arg2[%dma_wait3A_831] : memref<1000000xf32, #tpu.memory_space<hbm>> -> memref<1000000xf32, #tpu.memory_space<hbm>>
    tpu.wait_indirect_dma semaphore(%arg9 : memref<!tpu.dma_semaphore, #tpu.memory_space<semaphore_mem>>) src(%dma_wait3A_832 : memref<1000000xf32, #tpu.memory_space<hbm>>) dst(%dma_wait3A_828 : memref<128xf32, #tpu.memory_space<vmem>>)
    %dma_wait3A_833 = arith.constant 2432 : i32
    %dma_wait3A_834 = tpu.memref_slice %arg8[%dma_wait3A_833] : memref<6400xf32, #tpu.memory_space<vmem>> -> memref<128xf32, #tpu.memory_space<vmem>>
    %dma_wait3A_835 = arith.constant 2432 : i32
    %dma_wait3A_836 = tpu.memref_slice %arg6[%dma_wait3A_835] : memref<6400xi32, #tpu.memory_space<vmem>> -> memref<128xi32, #tpu.memory_space<vmem>>
    %dma_wait3A_837 = arith.constant 0 : i32
    %dma_wait3A_838 = tpu.memref_slice %arg3[%dma_wait3A_837] : memref<1000000xf32, #tpu.memory_space<hbm>> -> memref<1000000xf32, #tpu.memory_space<hbm>>
    tpu.wait_indirect_dma semaphore(%arg9 : memref<!tpu.dma_semaphore, #tpu.memory_space<semaphore_mem>>) src(%dma_wait3A_838 : memref<1000000xf32, #tpu.memory_space<hbm>>) dst(%dma_wait3A_834 : memref<128xf32, #tpu.memory_space<vmem>>)
    %dma_wait3A_839 = arith.constant 2560 : i32
    %dma_wait3A_840 = tpu.memref_slice %arg7[%dma_wait3A_839] : memref<6400xf32, #tpu.memory_space<vmem>> -> memref<128xf32, #tpu.memory_space<vmem>>
    %dma_wait3A_841 = arith.constant 2560 : i32
    %dma_wait3A_842 = tpu.memref_slice %arg6[%dma_wait3A_841] : memref<6400xi32, #tpu.memory_space<vmem>> -> memref<128xi32, #tpu.memory_space<vmem>>
    %dma_wait3A_843 = arith.constant 0 : i32
    %dma_wait3A_844 = tpu.memref_slice %arg2[%dma_wait3A_843] : memref<1000000xf32, #tpu.memory_space<hbm>> -> memref<1000000xf32, #tpu.memory_space<hbm>>
    tpu.wait_indirect_dma semaphore(%arg9 : memref<!tpu.dma_semaphore, #tpu.memory_space<semaphore_mem>>) src(%dma_wait3A_844 : memref<1000000xf32, #tpu.memory_space<hbm>>) dst(%dma_wait3A_840 : memref<128xf32, #tpu.memory_space<vmem>>)
    %dma_wait3A_845 = arith.constant 2560 : i32
    %dma_wait3A_846 = tpu.memref_slice %arg8[%dma_wait3A_845] : memref<6400xf32, #tpu.memory_space<vmem>> -> memref<128xf32, #tpu.memory_space<vmem>>
    %dma_wait3A_847 = arith.constant 2560 : i32
    %dma_wait3A_848 = tpu.memref_slice %arg6[%dma_wait3A_847] : memref<6400xi32, #tpu.memory_space<vmem>> -> memref<128xi32, #tpu.memory_space<vmem>>
    %dma_wait3A_849 = arith.constant 0 : i32
    %dma_wait3A_850 = tpu.memref_slice %arg3[%dma_wait3A_849] : memref<1000000xf32, #tpu.memory_space<hbm>> -> memref<1000000xf32, #tpu.memory_space<hbm>>
    tpu.wait_indirect_dma semaphore(%arg9 : memref<!tpu.dma_semaphore, #tpu.memory_space<semaphore_mem>>) src(%dma_wait3A_850 : memref<1000000xf32, #tpu.memory_space<hbm>>) dst(%dma_wait3A_846 : memref<128xf32, #tpu.memory_space<vmem>>)
    %dma_wait3A_851 = arith.constant 2688 : i32
    %dma_wait3A_852 = tpu.memref_slice %arg7[%dma_wait3A_851] : memref<6400xf32, #tpu.memory_space<vmem>> -> memref<128xf32, #tpu.memory_space<vmem>>
    %dma_wait3A_853 = arith.constant 2688 : i32
    %dma_wait3A_854 = tpu.memref_slice %arg6[%dma_wait3A_853] : memref<6400xi32, #tpu.memory_space<vmem>> -> memref<128xi32, #tpu.memory_space<vmem>>
    %dma_wait3A_855 = arith.constant 0 : i32
    %dma_wait3A_856 = tpu.memref_slice %arg2[%dma_wait3A_855] : memref<1000000xf32, #tpu.memory_space<hbm>> -> memref<1000000xf32, #tpu.memory_space<hbm>>
    tpu.wait_indirect_dma semaphore(%arg9 : memref<!tpu.dma_semaphore, #tpu.memory_space<semaphore_mem>>) src(%dma_wait3A_856 : memref<1000000xf32, #tpu.memory_space<hbm>>) dst(%dma_wait3A_852 : memref<128xf32, #tpu.memory_space<vmem>>)
    %dma_wait3A_857 = arith.constant 2688 : i32
    %dma_wait3A_858 = tpu.memref_slice %arg8[%dma_wait3A_857] : memref<6400xf32, #tpu.memory_space<vmem>> -> memref<128xf32, #tpu.memory_space<vmem>>
    %dma_wait3A_859 = arith.constant 2688 : i32
    %dma_wait3A_860 = tpu.memref_slice %arg6[%dma_wait3A_859] : memref<6400xi32, #tpu.memory_space<vmem>> -> memref<128xi32, #tpu.memory_space<vmem>>
    %dma_wait3A_861 = arith.constant 0 : i32
    %dma_wait3A_862 = tpu.memref_slice %arg3[%dma_wait3A_861] : memref<1000000xf32, #tpu.memory_space<hbm>> -> memref<1000000xf32, #tpu.memory_space<hbm>>
    tpu.wait_indirect_dma semaphore(%arg9 : memref<!tpu.dma_semaphore, #tpu.memory_space<semaphore_mem>>) src(%dma_wait3A_862 : memref<1000000xf32, #tpu.memory_space<hbm>>) dst(%dma_wait3A_858 : memref<128xf32, #tpu.memory_space<vmem>>)
    %dma_wait3A_863 = arith.constant 2816 : i32
    %dma_wait3A_864 = tpu.memref_slice %arg7[%dma_wait3A_863] : memref<6400xf32, #tpu.memory_space<vmem>> -> memref<128xf32, #tpu.memory_space<vmem>>
    %dma_wait3A_865 = arith.constant 2816 : i32
    %dma_wait3A_866 = tpu.memref_slice %arg6[%dma_wait3A_865] : memref<6400xi32, #tpu.memory_space<vmem>> -> memref<128xi32, #tpu.memory_space<vmem>>
    %dma_wait3A_867 = arith.constant 0 : i32
    %dma_wait3A_868 = tpu.memref_slice %arg2[%dma_wait3A_867] : memref<1000000xf32, #tpu.memory_space<hbm>> -> memref<1000000xf32, #tpu.memory_space<hbm>>
    tpu.wait_indirect_dma semaphore(%arg9 : memref<!tpu.dma_semaphore, #tpu.memory_space<semaphore_mem>>) src(%dma_wait3A_868 : memref<1000000xf32, #tpu.memory_space<hbm>>) dst(%dma_wait3A_864 : memref<128xf32, #tpu.memory_space<vmem>>)
    %dma_wait3A_869 = arith.constant 2816 : i32
    %dma_wait3A_870 = tpu.memref_slice %arg8[%dma_wait3A_869] : memref<6400xf32, #tpu.memory_space<vmem>> -> memref<128xf32, #tpu.memory_space<vmem>>
    %dma_wait3A_871 = arith.constant 2816 : i32
    %dma_wait3A_872 = tpu.memref_slice %arg6[%dma_wait3A_871] : memref<6400xi32, #tpu.memory_space<vmem>> -> memref<128xi32, #tpu.memory_space<vmem>>
    %dma_wait3A_873 = arith.constant 0 : i32
    %dma_wait3A_874 = tpu.memref_slice %arg3[%dma_wait3A_873] : memref<1000000xf32, #tpu.memory_space<hbm>> -> memref<1000000xf32, #tpu.memory_space<hbm>>
    tpu.wait_indirect_dma semaphore(%arg9 : memref<!tpu.dma_semaphore, #tpu.memory_space<semaphore_mem>>) src(%dma_wait3A_874 : memref<1000000xf32, #tpu.memory_space<hbm>>) dst(%dma_wait3A_870 : memref<128xf32, #tpu.memory_space<vmem>>)
    %dma_wait3A_875 = arith.constant 2944 : i32
    %dma_wait3A_876 = tpu.memref_slice %arg7[%dma_wait3A_875] : memref<6400xf32, #tpu.memory_space<vmem>> -> memref<128xf32, #tpu.memory_space<vmem>>
    %dma_wait3A_877 = arith.constant 2944 : i32
    %dma_wait3A_878 = tpu.memref_slice %arg6[%dma_wait3A_877] : memref<6400xi32, #tpu.memory_space<vmem>> -> memref<128xi32, #tpu.memory_space<vmem>>
    %dma_wait3A_879 = arith.constant 0 : i32
    %dma_wait3A_880 = tpu.memref_slice %arg2[%dma_wait3A_879] : memref<1000000xf32, #tpu.memory_space<hbm>> -> memref<1000000xf32, #tpu.memory_space<hbm>>
    tpu.wait_indirect_dma semaphore(%arg9 : memref<!tpu.dma_semaphore, #tpu.memory_space<semaphore_mem>>) src(%dma_wait3A_880 : memref<1000000xf32, #tpu.memory_space<hbm>>) dst(%dma_wait3A_876 : memref<128xf32, #tpu.memory_space<vmem>>)
    %dma_wait3A_881 = arith.constant 2944 : i32
    %dma_wait3A_882 = tpu.memref_slice %arg8[%dma_wait3A_881] : memref<6400xf32, #tpu.memory_space<vmem>> -> memref<128xf32, #tpu.memory_space<vmem>>
    %dma_wait3A_883 = arith.constant 2944 : i32
    %dma_wait3A_884 = tpu.memref_slice %arg6[%dma_wait3A_883] : memref<6400xi32, #tpu.memory_space<vmem>> -> memref<128xi32, #tpu.memory_space<vmem>>
    %dma_wait3A_885 = arith.constant 0 : i32
    %dma_wait3A_886 = tpu.memref_slice %arg3[%dma_wait3A_885] : memref<1000000xf32, #tpu.memory_space<hbm>> -> memref<1000000xf32, #tpu.memory_space<hbm>>
    tpu.wait_indirect_dma semaphore(%arg9 : memref<!tpu.dma_semaphore, #tpu.memory_space<semaphore_mem>>) src(%dma_wait3A_886 : memref<1000000xf32, #tpu.memory_space<hbm>>) dst(%dma_wait3A_882 : memref<128xf32, #tpu.memory_space<vmem>>)
    %dma_wait3A_887 = arith.constant 3072 : i32
    %dma_wait3A_888 = tpu.memref_slice %arg7[%dma_wait3A_887] : memref<6400xf32, #tpu.memory_space<vmem>> -> memref<128xf32, #tpu.memory_space<vmem>>
    %dma_wait3A_889 = arith.constant 3072 : i32
    %dma_wait3A_890 = tpu.memref_slice %arg6[%dma_wait3A_889] : memref<6400xi32, #tpu.memory_space<vmem>> -> memref<128xi32, #tpu.memory_space<vmem>>
    %dma_wait3A_891 = arith.constant 0 : i32
    %dma_wait3A_892 = tpu.memref_slice %arg2[%dma_wait3A_891] : memref<1000000xf32, #tpu.memory_space<hbm>> -> memref<1000000xf32, #tpu.memory_space<hbm>>
    tpu.wait_indirect_dma semaphore(%arg9 : memref<!tpu.dma_semaphore, #tpu.memory_space<semaphore_mem>>) src(%dma_wait3A_892 : memref<1000000xf32, #tpu.memory_space<hbm>>) dst(%dma_wait3A_888 : memref<128xf32, #tpu.memory_space<vmem>>)
    %dma_wait3A_893 = arith.constant 3072 : i32
    %dma_wait3A_894 = tpu.memref_slice %arg8[%dma_wait3A_893] : memref<6400xf32, #tpu.memory_space<vmem>> -> memref<128xf32, #tpu.memory_space<vmem>>
    %dma_wait3A_895 = arith.constant 3072 : i32
    %dma_wait3A_896 = tpu.memref_slice %arg6[%dma_wait3A_895] : memref<6400xi32, #tpu.memory_space<vmem>> -> memref<128xi32, #tpu.memory_space<vmem>>
    %dma_wait3A_897 = arith.constant 0 : i32
    %dma_wait3A_898 = tpu.memref_slice %arg3[%dma_wait3A_897] : memref<1000000xf32, #tpu.memory_space<hbm>> -> memref<1000000xf32, #tpu.memory_space<hbm>>
    tpu.wait_indirect_dma semaphore(%arg9 : memref<!tpu.dma_semaphore, #tpu.memory_space<semaphore_mem>>) src(%dma_wait3A_898 : memref<1000000xf32, #tpu.memory_space<hbm>>) dst(%dma_wait3A_894 : memref<128xf32, #tpu.memory_space<vmem>>)
    %dma_wait3A_899 = arith.constant 3200 : i32
    %dma_wait3A_900 = tpu.memref_slice %arg7[%dma_wait3A_899] : memref<6400xf32, #tpu.memory_space<vmem>> -> memref<128xf32, #tpu.memory_space<vmem>>
    %dma_wait3A_901 = arith.constant 3200 : i32
    %dma_wait3A_902 = tpu.memref_slice %arg6[%dma_wait3A_901] : memref<6400xi32, #tpu.memory_space<vmem>> -> memref<128xi32, #tpu.memory_space<vmem>>
    %dma_wait3A_903 = arith.constant 0 : i32
    %dma_wait3A_904 = tpu.memref_slice %arg2[%dma_wait3A_903] : memref<1000000xf32, #tpu.memory_space<hbm>> -> memref<1000000xf32, #tpu.memory_space<hbm>>
    tpu.wait_indirect_dma semaphore(%arg9 : memref<!tpu.dma_semaphore, #tpu.memory_space<semaphore_mem>>) src(%dma_wait3A_904 : memref<1000000xf32, #tpu.memory_space<hbm>>) dst(%dma_wait3A_900 : memref<128xf32, #tpu.memory_space<vmem>>)
    %dma_wait3A_905 = arith.constant 3200 : i32
    %dma_wait3A_906 = tpu.memref_slice %arg8[%dma_wait3A_905] : memref<6400xf32, #tpu.memory_space<vmem>> -> memref<128xf32, #tpu.memory_space<vmem>>
    %dma_wait3A_907 = arith.constant 3200 : i32
    %dma_wait3A_908 = tpu.memref_slice %arg6[%dma_wait3A_907] : memref<6400xi32, #tpu.memory_space<vmem>> -> memref<128xi32, #tpu.memory_space<vmem>>
    %dma_wait3A_909 = arith.constant 0 : i32
    %dma_wait3A_910 = tpu.memref_slice %arg3[%dma_wait3A_909] : memref<1000000xf32, #tpu.memory_space<hbm>> -> memref<1000000xf32, #tpu.memory_space<hbm>>
    tpu.wait_indirect_dma semaphore(%arg9 : memref<!tpu.dma_semaphore, #tpu.memory_space<semaphore_mem>>) src(%dma_wait3A_910 : memref<1000000xf32, #tpu.memory_space<hbm>>) dst(%dma_wait3A_906 : memref<128xf32, #tpu.memory_space<vmem>>)
    %dma_wait3A_911 = arith.constant 3328 : i32
    %dma_wait3A_912 = tpu.memref_slice %arg7[%dma_wait3A_911] : memref<6400xf32, #tpu.memory_space<vmem>> -> memref<128xf32, #tpu.memory_space<vmem>>
    %dma_wait3A_913 = arith.constant 3328 : i32
    %dma_wait3A_914 = tpu.memref_slice %arg6[%dma_wait3A_913] : memref<6400xi32, #tpu.memory_space<vmem>> -> memref<128xi32, #tpu.memory_space<vmem>>
    %dma_wait3A_915 = arith.constant 0 : i32
    %dma_wait3A_916 = tpu.memref_slice %arg2[%dma_wait3A_915] : memref<1000000xf32, #tpu.memory_space<hbm>> -> memref<1000000xf32, #tpu.memory_space<hbm>>
    tpu.wait_indirect_dma semaphore(%arg9 : memref<!tpu.dma_semaphore, #tpu.memory_space<semaphore_mem>>) src(%dma_wait3A_916 : memref<1000000xf32, #tpu.memory_space<hbm>>) dst(%dma_wait3A_912 : memref<128xf32, #tpu.memory_space<vmem>>)
    %dma_wait3A_917 = arith.constant 3328 : i32
    %dma_wait3A_918 = tpu.memref_slice %arg8[%dma_wait3A_917] : memref<6400xf32, #tpu.memory_space<vmem>> -> memref<128xf32, #tpu.memory_space<vmem>>
    %dma_wait3A_919 = arith.constant 3328 : i32
    %dma_wait3A_920 = tpu.memref_slice %arg6[%dma_wait3A_919] : memref<6400xi32, #tpu.memory_space<vmem>> -> memref<128xi32, #tpu.memory_space<vmem>>
    %dma_wait3A_921 = arith.constant 0 : i32
    %dma_wait3A_922 = tpu.memref_slice %arg3[%dma_wait3A_921] : memref<1000000xf32, #tpu.memory_space<hbm>> -> memref<1000000xf32, #tpu.memory_space<hbm>>
    tpu.wait_indirect_dma semaphore(%arg9 : memref<!tpu.dma_semaphore, #tpu.memory_space<semaphore_mem>>) src(%dma_wait3A_922 : memref<1000000xf32, #tpu.memory_space<hbm>>) dst(%dma_wait3A_918 : memref<128xf32, #tpu.memory_space<vmem>>)
    %dma_wait3A_923 = arith.constant 3456 : i32
    %dma_wait3A_924 = tpu.memref_slice %arg7[%dma_wait3A_923] : memref<6400xf32, #tpu.memory_space<vmem>> -> memref<128xf32, #tpu.memory_space<vmem>>
    %dma_wait3A_925 = arith.constant 3456 : i32
    %dma_wait3A_926 = tpu.memref_slice %arg6[%dma_wait3A_925] : memref<6400xi32, #tpu.memory_space<vmem>> -> memref<128xi32, #tpu.memory_space<vmem>>
    %dma_wait3A_927 = arith.constant 0 : i32
    %dma_wait3A_928 = tpu.memref_slice %arg2[%dma_wait3A_927] : memref<1000000xf32, #tpu.memory_space<hbm>> -> memref<1000000xf32, #tpu.memory_space<hbm>>
    tpu.wait_indirect_dma semaphore(%arg9 : memref<!tpu.dma_semaphore, #tpu.memory_space<semaphore_mem>>) src(%dma_wait3A_928 : memref<1000000xf32, #tpu.memory_space<hbm>>) dst(%dma_wait3A_924 : memref<128xf32, #tpu.memory_space<vmem>>)
    %dma_wait3A_929 = arith.constant 3456 : i32
    %dma_wait3A_930 = tpu.memref_slice %arg8[%dma_wait3A_929] : memref<6400xf32, #tpu.memory_space<vmem>> -> memref<128xf32, #tpu.memory_space<vmem>>
    %dma_wait3A_931 = arith.constant 3456 : i32
    %dma_wait3A_932 = tpu.memref_slice %arg6[%dma_wait3A_931] : memref<6400xi32, #tpu.memory_space<vmem>> -> memref<128xi32, #tpu.memory_space<vmem>>
    %dma_wait3A_933 = arith.constant 0 : i32
    %dma_wait3A_934 = tpu.memref_slice %arg3[%dma_wait3A_933] : memref<1000000xf32, #tpu.memory_space<hbm>> -> memref<1000000xf32, #tpu.memory_space<hbm>>
    tpu.wait_indirect_dma semaphore(%arg9 : memref<!tpu.dma_semaphore, #tpu.memory_space<semaphore_mem>>) src(%dma_wait3A_934 : memref<1000000xf32, #tpu.memory_space<hbm>>) dst(%dma_wait3A_930 : memref<128xf32, #tpu.memory_space<vmem>>)
    %dma_wait3A_935 = arith.constant 3584 : i32
    %dma_wait3A_936 = tpu.memref_slice %arg7[%dma_wait3A_935] : memref<6400xf32, #tpu.memory_space<vmem>> -> memref<128xf32, #tpu.memory_space<vmem>>
    %dma_wait3A_937 = arith.constant 3584 : i32
    %dma_wait3A_938 = tpu.memref_slice %arg6[%dma_wait3A_937] : memref<6400xi32, #tpu.memory_space<vmem>> -> memref<128xi32, #tpu.memory_space<vmem>>
    %dma_wait3A_939 = arith.constant 0 : i32
    %dma_wait3A_940 = tpu.memref_slice %arg2[%dma_wait3A_939] : memref<1000000xf32, #tpu.memory_space<hbm>> -> memref<1000000xf32, #tpu.memory_space<hbm>>
    tpu.wait_indirect_dma semaphore(%arg9 : memref<!tpu.dma_semaphore, #tpu.memory_space<semaphore_mem>>) src(%dma_wait3A_940 : memref<1000000xf32, #tpu.memory_space<hbm>>) dst(%dma_wait3A_936 : memref<128xf32, #tpu.memory_space<vmem>>)
    %dma_wait3A_941 = arith.constant 3584 : i32
    %dma_wait3A_942 = tpu.memref_slice %arg8[%dma_wait3A_941] : memref<6400xf32, #tpu.memory_space<vmem>> -> memref<128xf32, #tpu.memory_space<vmem>>
    %dma_wait3A_943 = arith.constant 3584 : i32
    %dma_wait3A_944 = tpu.memref_slice %arg6[%dma_wait3A_943] : memref<6400xi32, #tpu.memory_space<vmem>> -> memref<128xi32, #tpu.memory_space<vmem>>
    %dma_wait3A_945 = arith.constant 0 : i32
    %dma_wait3A_946 = tpu.memref_slice %arg3[%dma_wait3A_945] : memref<1000000xf32, #tpu.memory_space<hbm>> -> memref<1000000xf32, #tpu.memory_space<hbm>>
    tpu.wait_indirect_dma semaphore(%arg9 : memref<!tpu.dma_semaphore, #tpu.memory_space<semaphore_mem>>) src(%dma_wait3A_946 : memref<1000000xf32, #tpu.memory_space<hbm>>) dst(%dma_wait3A_942 : memref<128xf32, #tpu.memory_space<vmem>>)
    %dma_wait3A_947 = arith.constant 3712 : i32
    %dma_wait3A_948 = tpu.memref_slice %arg7[%dma_wait3A_947] : memref<6400xf32, #tpu.memory_space<vmem>> -> memref<128xf32, #tpu.memory_space<vmem>>
    %dma_wait3A_949 = arith.constant 3712 : i32
    %dma_wait3A_950 = tpu.memref_slice %arg6[%dma_wait3A_949] : memref<6400xi32, #tpu.memory_space<vmem>> -> memref<128xi32, #tpu.memory_space<vmem>>
    %dma_wait3A_951 = arith.constant 0 : i32
    %dma_wait3A_952 = tpu.memref_slice %arg2[%dma_wait3A_951] : memref<1000000xf32, #tpu.memory_space<hbm>> -> memref<1000000xf32, #tpu.memory_space<hbm>>
    tpu.wait_indirect_dma semaphore(%arg9 : memref<!tpu.dma_semaphore, #tpu.memory_space<semaphore_mem>>) src(%dma_wait3A_952 : memref<1000000xf32, #tpu.memory_space<hbm>>) dst(%dma_wait3A_948 : memref<128xf32, #tpu.memory_space<vmem>>)
    %dma_wait3A_953 = arith.constant 3712 : i32
    %dma_wait3A_954 = tpu.memref_slice %arg8[%dma_wait3A_953] : memref<6400xf32, #tpu.memory_space<vmem>> -> memref<128xf32, #tpu.memory_space<vmem>>
    %dma_wait3A_955 = arith.constant 3712 : i32
    %dma_wait3A_956 = tpu.memref_slice %arg6[%dma_wait3A_955] : memref<6400xi32, #tpu.memory_space<vmem>> -> memref<128xi32, #tpu.memory_space<vmem>>
    %dma_wait3A_957 = arith.constant 0 : i32
    %dma_wait3A_958 = tpu.memref_slice %arg3[%dma_wait3A_957] : memref<1000000xf32, #tpu.memory_space<hbm>> -> memref<1000000xf32, #tpu.memory_space<hbm>>
    tpu.wait_indirect_dma semaphore(%arg9 : memref<!tpu.dma_semaphore, #tpu.memory_space<semaphore_mem>>) src(%dma_wait3A_958 : memref<1000000xf32, #tpu.memory_space<hbm>>) dst(%dma_wait3A_954 : memref<128xf32, #tpu.memory_space<vmem>>)
    %dma_wait3A_959 = arith.constant 3840 : i32
    %dma_wait3A_960 = tpu.memref_slice %arg7[%dma_wait3A_959] : memref<6400xf32, #tpu.memory_space<vmem>> -> memref<128xf32, #tpu.memory_space<vmem>>
    %dma_wait3A_961 = arith.constant 3840 : i32
    %dma_wait3A_962 = tpu.memref_slice %arg6[%dma_wait3A_961] : memref<6400xi32, #tpu.memory_space<vmem>> -> memref<128xi32, #tpu.memory_space<vmem>>
    %dma_wait3A_963 = arith.constant 0 : i32
    %dma_wait3A_964 = tpu.memref_slice %arg2[%dma_wait3A_963] : memref<1000000xf32, #tpu.memory_space<hbm>> -> memref<1000000xf32, #tpu.memory_space<hbm>>
    tpu.wait_indirect_dma semaphore(%arg9 : memref<!tpu.dma_semaphore, #tpu.memory_space<semaphore_mem>>) src(%dma_wait3A_964 : memref<1000000xf32, #tpu.memory_space<hbm>>) dst(%dma_wait3A_960 : memref<128xf32, #tpu.memory_space<vmem>>)
    %dma_wait3A_965 = arith.constant 3840 : i32
    %dma_wait3A_966 = tpu.memref_slice %arg8[%dma_wait3A_965] : memref<6400xf32, #tpu.memory_space<vmem>> -> memref<128xf32, #tpu.memory_space<vmem>>
    %dma_wait3A_967 = arith.constant 3840 : i32
    %dma_wait3A_968 = tpu.memref_slice %arg6[%dma_wait3A_967] : memref<6400xi32, #tpu.memory_space<vmem>> -> memref<128xi32, #tpu.memory_space<vmem>>
    %dma_wait3A_969 = arith.constant 0 : i32
    %dma_wait3A_970 = tpu.memref_slice %arg3[%dma_wait3A_969] : memref<1000000xf32, #tpu.memory_space<hbm>> -> memref<1000000xf32, #tpu.memory_space<hbm>>
    tpu.wait_indirect_dma semaphore(%arg9 : memref<!tpu.dma_semaphore, #tpu.memory_space<semaphore_mem>>) src(%dma_wait3A_970 : memref<1000000xf32, #tpu.memory_space<hbm>>) dst(%dma_wait3A_966 : memref<128xf32, #tpu.memory_space<vmem>>)
    %dma_wait3A_971 = arith.constant 3968 : i32
    %dma_wait3A_972 = tpu.memref_slice %arg7[%dma_wait3A_971] : memref<6400xf32, #tpu.memory_space<vmem>> -> memref<128xf32, #tpu.memory_space<vmem>>
    %dma_wait3A_973 = arith.constant 3968 : i32
    %dma_wait3A_974 = tpu.memref_slice %arg6[%dma_wait3A_973] : memref<6400xi32, #tpu.memory_space<vmem>> -> memref<128xi32, #tpu.memory_space<vmem>>
    %dma_wait3A_975 = arith.constant 0 : i32
    %dma_wait3A_976 = tpu.memref_slice %arg2[%dma_wait3A_975] : memref<1000000xf32, #tpu.memory_space<hbm>> -> memref<1000000xf32, #tpu.memory_space<hbm>>
    tpu.wait_indirect_dma semaphore(%arg9 : memref<!tpu.dma_semaphore, #tpu.memory_space<semaphore_mem>>) src(%dma_wait3A_976 : memref<1000000xf32, #tpu.memory_space<hbm>>) dst(%dma_wait3A_972 : memref<128xf32, #tpu.memory_space<vmem>>)
    %dma_wait3A_977 = arith.constant 3968 : i32
    %dma_wait3A_978 = tpu.memref_slice %arg8[%dma_wait3A_977] : memref<6400xf32, #tpu.memory_space<vmem>> -> memref<128xf32, #tpu.memory_space<vmem>>
    %dma_wait3A_979 = arith.constant 3968 : i32
    %dma_wait3A_980 = tpu.memref_slice %arg6[%dma_wait3A_979] : memref<6400xi32, #tpu.memory_space<vmem>> -> memref<128xi32, #tpu.memory_space<vmem>>
    %dma_wait3A_981 = arith.constant 0 : i32
    %dma_wait3A_982 = tpu.memref_slice %arg3[%dma_wait3A_981] : memref<1000000xf32, #tpu.memory_space<hbm>> -> memref<1000000xf32, #tpu.memory_space<hbm>>
    tpu.wait_indirect_dma semaphore(%arg9 : memref<!tpu.dma_semaphore, #tpu.memory_space<semaphore_mem>>) src(%dma_wait3A_982 : memref<1000000xf32, #tpu.memory_space<hbm>>) dst(%dma_wait3A_978 : memref<128xf32, #tpu.memory_space<vmem>>)
    %dma_wait3A_983 = arith.constant 4096 : i32
    %dma_wait3A_984 = tpu.memref_slice %arg7[%dma_wait3A_983] : memref<6400xf32, #tpu.memory_space<vmem>> -> memref<128xf32, #tpu.memory_space<vmem>>
    %dma_wait3A_985 = arith.constant 4096 : i32
    %dma_wait3A_986 = tpu.memref_slice %arg6[%dma_wait3A_985] : memref<6400xi32, #tpu.memory_space<vmem>> -> memref<128xi32, #tpu.memory_space<vmem>>
    %dma_wait3A_987 = arith.constant 0 : i32
    %dma_wait3A_988 = tpu.memref_slice %arg2[%dma_wait3A_987] : memref<1000000xf32, #tpu.memory_space<hbm>> -> memref<1000000xf32, #tpu.memory_space<hbm>>
    tpu.wait_indirect_dma semaphore(%arg9 : memref<!tpu.dma_semaphore, #tpu.memory_space<semaphore_mem>>) src(%dma_wait3A_988 : memref<1000000xf32, #tpu.memory_space<hbm>>) dst(%dma_wait3A_984 : memref<128xf32, #tpu.memory_space<vmem>>)
    %dma_wait3A_989 = arith.constant 4096 : i32
    %dma_wait3A_990 = tpu.memref_slice %arg8[%dma_wait3A_989] : memref<6400xf32, #tpu.memory_space<vmem>> -> memref<128xf32, #tpu.memory_space<vmem>>
    %dma_wait3A_991 = arith.constant 4096 : i32
    %dma_wait3A_992 = tpu.memref_slice %arg6[%dma_wait3A_991] : memref<6400xi32, #tpu.memory_space<vmem>> -> memref<128xi32, #tpu.memory_space<vmem>>
    %dma_wait3A_993 = arith.constant 0 : i32
    %dma_wait3A_994 = tpu.memref_slice %arg3[%dma_wait3A_993] : memref<1000000xf32, #tpu.memory_space<hbm>> -> memref<1000000xf32, #tpu.memory_space<hbm>>
    tpu.wait_indirect_dma semaphore(%arg9 : memref<!tpu.dma_semaphore, #tpu.memory_space<semaphore_mem>>) src(%dma_wait3A_994 : memref<1000000xf32, #tpu.memory_space<hbm>>) dst(%dma_wait3A_990 : memref<128xf32, #tpu.memory_space<vmem>>)
    %dma_wait3A_995 = arith.constant 4224 : i32
    %dma_wait3A_996 = tpu.memref_slice %arg7[%dma_wait3A_995] : memref<6400xf32, #tpu.memory_space<vmem>> -> memref<128xf32, #tpu.memory_space<vmem>>
    %dma_wait3A_997 = arith.constant 4224 : i32
    %dma_wait3A_998 = tpu.memref_slice %arg6[%dma_wait3A_997] : memref<6400xi32, #tpu.memory_space<vmem>> -> memref<128xi32, #tpu.memory_space<vmem>>
    %dma_wait3A_999 = arith.constant 0 : i32
    %dma_wait3A_1000 = tpu.memref_slice %arg2[%dma_wait3A_999] : memref<1000000xf32, #tpu.memory_space<hbm>> -> memref<1000000xf32, #tpu.memory_space<hbm>>
    tpu.wait_indirect_dma semaphore(%arg9 : memref<!tpu.dma_semaphore, #tpu.memory_space<semaphore_mem>>) src(%dma_wait3A_1000 : memref<1000000xf32, #tpu.memory_space<hbm>>) dst(%dma_wait3A_996 : memref<128xf32, #tpu.memory_space<vmem>>)
    %dma_wait3A_1001 = arith.constant 4224 : i32
    %dma_wait3A_1002 = tpu.memref_slice %arg8[%dma_wait3A_1001] : memref<6400xf32, #tpu.memory_space<vmem>> -> memref<128xf32, #tpu.memory_space<vmem>>
    %dma_wait3A_1003 = arith.constant 4224 : i32
    %dma_wait3A_1004 = tpu.memref_slice %arg6[%dma_wait3A_1003] : memref<6400xi32, #tpu.memory_space<vmem>> -> memref<128xi32, #tpu.memory_space<vmem>>
    %dma_wait3A_1005 = arith.constant 0 : i32
    %dma_wait3A_1006 = tpu.memref_slice %arg3[%dma_wait3A_1005] : memref<1000000xf32, #tpu.memory_space<hbm>> -> memref<1000000xf32, #tpu.memory_space<hbm>>
    tpu.wait_indirect_dma semaphore(%arg9 : memref<!tpu.dma_semaphore, #tpu.memory_space<semaphore_mem>>) src(%dma_wait3A_1006 : memref<1000000xf32, #tpu.memory_space<hbm>>) dst(%dma_wait3A_1002 : memref<128xf32, #tpu.memory_space<vmem>>)
    %dma_wait3A_1007 = arith.constant 4352 : i32
    %dma_wait3A_1008 = tpu.memref_slice %arg7[%dma_wait3A_1007] : memref<6400xf32, #tpu.memory_space<vmem>> -> memref<128xf32, #tpu.memory_space<vmem>>
    %dma_wait3A_1009 = arith.constant 4352 : i32
    %dma_wait3A_1010 = tpu.memref_slice %arg6[%dma_wait3A_1009] : memref<6400xi32, #tpu.memory_space<vmem>> -> memref<128xi32, #tpu.memory_space<vmem>>
    %dma_wait3A_1011 = arith.constant 0 : i32
    %dma_wait3A_1012 = tpu.memref_slice %arg2[%dma_wait3A_1011] : memref<1000000xf32, #tpu.memory_space<hbm>> -> memref<1000000xf32, #tpu.memory_space<hbm>>
    tpu.wait_indirect_dma semaphore(%arg9 : memref<!tpu.dma_semaphore, #tpu.memory_space<semaphore_mem>>) src(%dma_wait3A_1012 : memref<1000000xf32, #tpu.memory_space<hbm>>) dst(%dma_wait3A_1008 : memref<128xf32, #tpu.memory_space<vmem>>)
    %dma_wait3A_1013 = arith.constant 4352 : i32
    %dma_wait3A_1014 = tpu.memref_slice %arg8[%dma_wait3A_1013] : memref<6400xf32, #tpu.memory_space<vmem>> -> memref<128xf32, #tpu.memory_space<vmem>>
    %dma_wait3A_1015 = arith.constant 4352 : i32
    %dma_wait3A_1016 = tpu.memref_slice %arg6[%dma_wait3A_1015] : memref<6400xi32, #tpu.memory_space<vmem>> -> memref<128xi32, #tpu.memory_space<vmem>>
    %dma_wait3A_1017 = arith.constant 0 : i32
    %dma_wait3A_1018 = tpu.memref_slice %arg3[%dma_wait3A_1017] : memref<1000000xf32, #tpu.memory_space<hbm>> -> memref<1000000xf32, #tpu.memory_space<hbm>>
    tpu.wait_indirect_dma semaphore(%arg9 : memref<!tpu.dma_semaphore, #tpu.memory_space<semaphore_mem>>) src(%dma_wait3A_1018 : memref<1000000xf32, #tpu.memory_space<hbm>>) dst(%dma_wait3A_1014 : memref<128xf32, #tpu.memory_space<vmem>>)
    %dma_wait3A_1019 = arith.constant 4480 : i32
    %dma_wait3A_1020 = tpu.memref_slice %arg7[%dma_wait3A_1019] : memref<6400xf32, #tpu.memory_space<vmem>> -> memref<128xf32, #tpu.memory_space<vmem>>
    %dma_wait3A_1021 = arith.constant 4480 : i32
    %dma_wait3A_1022 = tpu.memref_slice %arg6[%dma_wait3A_1021] : memref<6400xi32, #tpu.memory_space<vmem>> -> memref<128xi32, #tpu.memory_space<vmem>>
    %dma_wait3A_1023 = arith.constant 0 : i32
    %dma_wait3A_1024 = tpu.memref_slice %arg2[%dma_wait3A_1023] : memref<1000000xf32, #tpu.memory_space<hbm>> -> memref<1000000xf32, #tpu.memory_space<hbm>>
    tpu.wait_indirect_dma semaphore(%arg9 : memref<!tpu.dma_semaphore, #tpu.memory_space<semaphore_mem>>) src(%dma_wait3A_1024 : memref<1000000xf32, #tpu.memory_space<hbm>>) dst(%dma_wait3A_1020 : memref<128xf32, #tpu.memory_space<vmem>>)
    %dma_wait3A_1025 = arith.constant 4480 : i32
    %dma_wait3A_1026 = tpu.memref_slice %arg8[%dma_wait3A_1025] : memref<6400xf32, #tpu.memory_space<vmem>> -> memref<128xf32, #tpu.memory_space<vmem>>
    %dma_wait3A_1027 = arith.constant 4480 : i32
    %dma_wait3A_1028 = tpu.memref_slice %arg6[%dma_wait3A_1027] : memref<6400xi32, #tpu.memory_space<vmem>> -> memref<128xi32, #tpu.memory_space<vmem>>
    %dma_wait3A_1029 = arith.constant 0 : i32
    %dma_wait3A_1030 = tpu.memref_slice %arg3[%dma_wait3A_1029] : memref<1000000xf32, #tpu.memory_space<hbm>> -> memref<1000000xf32, #tpu.memory_space<hbm>>
    tpu.wait_indirect_dma semaphore(%arg9 : memref<!tpu.dma_semaphore, #tpu.memory_space<semaphore_mem>>) src(%dma_wait3A_1030 : memref<1000000xf32, #tpu.memory_space<hbm>>) dst(%dma_wait3A_1026 : memref<128xf32, #tpu.memory_space<vmem>>)
    %dma_wait3A_1031 = arith.constant 4608 : i32
    %dma_wait3A_1032 = tpu.memref_slice %arg7[%dma_wait3A_1031] : memref<6400xf32, #tpu.memory_space<vmem>> -> memref<128xf32, #tpu.memory_space<vmem>>
    %dma_wait3A_1033 = arith.constant 4608 : i32
    %dma_wait3A_1034 = tpu.memref_slice %arg6[%dma_wait3A_1033] : memref<6400xi32, #tpu.memory_space<vmem>> -> memref<128xi32, #tpu.memory_space<vmem>>
    %dma_wait3A_1035 = arith.constant 0 : i32
    %dma_wait3A_1036 = tpu.memref_slice %arg2[%dma_wait3A_1035] : memref<1000000xf32, #tpu.memory_space<hbm>> -> memref<1000000xf32, #tpu.memory_space<hbm>>
    tpu.wait_indirect_dma semaphore(%arg9 : memref<!tpu.dma_semaphore, #tpu.memory_space<semaphore_mem>>) src(%dma_wait3A_1036 : memref<1000000xf32, #tpu.memory_space<hbm>>) dst(%dma_wait3A_1032 : memref<128xf32, #tpu.memory_space<vmem>>)
    %dma_wait3A_1037 = arith.constant 4608 : i32
    %dma_wait3A_1038 = tpu.memref_slice %arg8[%dma_wait3A_1037] : memref<6400xf32, #tpu.memory_space<vmem>> -> memref<128xf32, #tpu.memory_space<vmem>>
    %dma_wait3A_1039 = arith.constant 4608 : i32
    %dma_wait3A_1040 = tpu.memref_slice %arg6[%dma_wait3A_1039] : memref<6400xi32, #tpu.memory_space<vmem>> -> memref<128xi32, #tpu.memory_space<vmem>>
    %dma_wait3A_1041 = arith.constant 0 : i32
    %dma_wait3A_1042 = tpu.memref_slice %arg3[%dma_wait3A_1041] : memref<1000000xf32, #tpu.memory_space<hbm>> -> memref<1000000xf32, #tpu.memory_space<hbm>>
    tpu.wait_indirect_dma semaphore(%arg9 : memref<!tpu.dma_semaphore, #tpu.memory_space<semaphore_mem>>) src(%dma_wait3A_1042 : memref<1000000xf32, #tpu.memory_space<hbm>>) dst(%dma_wait3A_1038 : memref<128xf32, #tpu.memory_space<vmem>>)
    %dma_wait3A_1043 = arith.constant 4736 : i32
    %dma_wait3A_1044 = tpu.memref_slice %arg7[%dma_wait3A_1043] : memref<6400xf32, #tpu.memory_space<vmem>> -> memref<128xf32, #tpu.memory_space<vmem>>
    %dma_wait3A_1045 = arith.constant 4736 : i32
    %dma_wait3A_1046 = tpu.memref_slice %arg6[%dma_wait3A_1045] : memref<6400xi32, #tpu.memory_space<vmem>> -> memref<128xi32, #tpu.memory_space<vmem>>
    %dma_wait3A_1047 = arith.constant 0 : i32
    %dma_wait3A_1048 = tpu.memref_slice %arg2[%dma_wait3A_1047] : memref<1000000xf32, #tpu.memory_space<hbm>> -> memref<1000000xf32, #tpu.memory_space<hbm>>
    tpu.wait_indirect_dma semaphore(%arg9 : memref<!tpu.dma_semaphore, #tpu.memory_space<semaphore_mem>>) src(%dma_wait3A_1048 : memref<1000000xf32, #tpu.memory_space<hbm>>) dst(%dma_wait3A_1044 : memref<128xf32, #tpu.memory_space<vmem>>)
    %dma_wait3A_1049 = arith.constant 4736 : i32
    %dma_wait3A_1050 = tpu.memref_slice %arg8[%dma_wait3A_1049] : memref<6400xf32, #tpu.memory_space<vmem>> -> memref<128xf32, #tpu.memory_space<vmem>>
    %dma_wait3A_1051 = arith.constant 4736 : i32
    %dma_wait3A_1052 = tpu.memref_slice %arg6[%dma_wait3A_1051] : memref<6400xi32, #tpu.memory_space<vmem>> -> memref<128xi32, #tpu.memory_space<vmem>>
    %dma_wait3A_1053 = arith.constant 0 : i32
    %dma_wait3A_1054 = tpu.memref_slice %arg3[%dma_wait3A_1053] : memref<1000000xf32, #tpu.memory_space<hbm>> -> memref<1000000xf32, #tpu.memory_space<hbm>>
    tpu.wait_indirect_dma semaphore(%arg9 : memref<!tpu.dma_semaphore, #tpu.memory_space<semaphore_mem>>) src(%dma_wait3A_1054 : memref<1000000xf32, #tpu.memory_space<hbm>>) dst(%dma_wait3A_1050 : memref<128xf32, #tpu.memory_space<vmem>>)
    %dma_wait3A_1055 = arith.constant 4864 : i32
    %dma_wait3A_1056 = tpu.memref_slice %arg7[%dma_wait3A_1055] : memref<6400xf32, #tpu.memory_space<vmem>> -> memref<128xf32, #tpu.memory_space<vmem>>
    %dma_wait3A_1057 = arith.constant 4864 : i32
    %dma_wait3A_1058 = tpu.memref_slice %arg6[%dma_wait3A_1057] : memref<6400xi32, #tpu.memory_space<vmem>> -> memref<128xi32, #tpu.memory_space<vmem>>
    %dma_wait3A_1059 = arith.constant 0 : i32
    %dma_wait3A_1060 = tpu.memref_slice %arg2[%dma_wait3A_1059] : memref<1000000xf32, #tpu.memory_space<hbm>> -> memref<1000000xf32, #tpu.memory_space<hbm>>
    tpu.wait_indirect_dma semaphore(%arg9 : memref<!tpu.dma_semaphore, #tpu.memory_space<semaphore_mem>>) src(%dma_wait3A_1060 : memref<1000000xf32, #tpu.memory_space<hbm>>) dst(%dma_wait3A_1056 : memref<128xf32, #tpu.memory_space<vmem>>)
    %dma_wait3A_1061 = arith.constant 4864 : i32
    %dma_wait3A_1062 = tpu.memref_slice %arg8[%dma_wait3A_1061] : memref<6400xf32, #tpu.memory_space<vmem>> -> memref<128xf32, #tpu.memory_space<vmem>>
    %dma_wait3A_1063 = arith.constant 4864 : i32
    %dma_wait3A_1064 = tpu.memref_slice %arg6[%dma_wait3A_1063] : memref<6400xi32, #tpu.memory_space<vmem>> -> memref<128xi32, #tpu.memory_space<vmem>>
    %dma_wait3A_1065 = arith.constant 0 : i32
    %dma_wait3A_1066 = tpu.memref_slice %arg3[%dma_wait3A_1065] : memref<1000000xf32, #tpu.memory_space<hbm>> -> memref<1000000xf32, #tpu.memory_space<hbm>>
    tpu.wait_indirect_dma semaphore(%arg9 : memref<!tpu.dma_semaphore, #tpu.memory_space<semaphore_mem>>) src(%dma_wait3A_1066 : memref<1000000xf32, #tpu.memory_space<hbm>>) dst(%dma_wait3A_1062 : memref<128xf32, #tpu.memory_space<vmem>>)
    %dma_wait3A_1067 = arith.constant 4992 : i32
    %dma_wait3A_1068 = tpu.memref_slice %arg7[%dma_wait3A_1067] : memref<6400xf32, #tpu.memory_space<vmem>> -> memref<128xf32, #tpu.memory_space<vmem>>
    %dma_wait3A_1069 = arith.constant 4992 : i32
    %dma_wait3A_1070 = tpu.memref_slice %arg6[%dma_wait3A_1069] : memref<6400xi32, #tpu.memory_space<vmem>> -> memref<128xi32, #tpu.memory_space<vmem>>
    %dma_wait3A_1071 = arith.constant 0 : i32
    %dma_wait3A_1072 = tpu.memref_slice %arg2[%dma_wait3A_1071] : memref<1000000xf32, #tpu.memory_space<hbm>> -> memref<1000000xf32, #tpu.memory_space<hbm>>
    tpu.wait_indirect_dma semaphore(%arg9 : memref<!tpu.dma_semaphore, #tpu.memory_space<semaphore_mem>>) src(%dma_wait3A_1072 : memref<1000000xf32, #tpu.memory_space<hbm>>) dst(%dma_wait3A_1068 : memref<128xf32, #tpu.memory_space<vmem>>)
    %dma_wait3A_1073 = arith.constant 4992 : i32
    %dma_wait3A_1074 = tpu.memref_slice %arg8[%dma_wait3A_1073] : memref<6400xf32, #tpu.memory_space<vmem>> -> memref<128xf32, #tpu.memory_space<vmem>>
    %dma_wait3A_1075 = arith.constant 4992 : i32
    %dma_wait3A_1076 = tpu.memref_slice %arg6[%dma_wait3A_1075] : memref<6400xi32, #tpu.memory_space<vmem>> -> memref<128xi32, #tpu.memory_space<vmem>>
    %dma_wait3A_1077 = arith.constant 0 : i32
    %dma_wait3A_1078 = tpu.memref_slice %arg3[%dma_wait3A_1077] : memref<1000000xf32, #tpu.memory_space<hbm>> -> memref<1000000xf32, #tpu.memory_space<hbm>>
    tpu.wait_indirect_dma semaphore(%arg9 : memref<!tpu.dma_semaphore, #tpu.memory_space<semaphore_mem>>) src(%dma_wait3A_1078 : memref<1000000xf32, #tpu.memory_space<hbm>>) dst(%dma_wait3A_1074 : memref<128xf32, #tpu.memory_space<vmem>>)
    %dma_wait3A_1079 = arith.constant 5120 : i32
    %dma_wait3A_1080 = tpu.memref_slice %arg7[%dma_wait3A_1079] : memref<6400xf32, #tpu.memory_space<vmem>> -> memref<128xf32, #tpu.memory_space<vmem>>
    %dma_wait3A_1081 = arith.constant 5120 : i32
    %dma_wait3A_1082 = tpu.memref_slice %arg6[%dma_wait3A_1081] : memref<6400xi32, #tpu.memory_space<vmem>> -> memref<128xi32, #tpu.memory_space<vmem>>
    %dma_wait3A_1083 = arith.constant 0 : i32
    %dma_wait3A_1084 = tpu.memref_slice %arg2[%dma_wait3A_1083] : memref<1000000xf32, #tpu.memory_space<hbm>> -> memref<1000000xf32, #tpu.memory_space<hbm>>
    tpu.wait_indirect_dma semaphore(%arg9 : memref<!tpu.dma_semaphore, #tpu.memory_space<semaphore_mem>>) src(%dma_wait3A_1084 : memref<1000000xf32, #tpu.memory_space<hbm>>) dst(%dma_wait3A_1080 : memref<128xf32, #tpu.memory_space<vmem>>)
    %dma_wait3A_1085 = arith.constant 5120 : i32
    %dma_wait3A_1086 = tpu.memref_slice %arg8[%dma_wait3A_1085] : memref<6400xf32, #tpu.memory_space<vmem>> -> memref<128xf32, #tpu.memory_space<vmem>>
    %dma_wait3A_1087 = arith.constant 5120 : i32
    %dma_wait3A_1088 = tpu.memref_slice %arg6[%dma_wait3A_1087] : memref<6400xi32, #tpu.memory_space<vmem>> -> memref<128xi32, #tpu.memory_space<vmem>>
    %dma_wait3A_1089 = arith.constant 0 : i32
    %dma_wait3A_1090 = tpu.memref_slice %arg3[%dma_wait3A_1089] : memref<1000000xf32, #tpu.memory_space<hbm>> -> memref<1000000xf32, #tpu.memory_space<hbm>>
    tpu.wait_indirect_dma semaphore(%arg9 : memref<!tpu.dma_semaphore, #tpu.memory_space<semaphore_mem>>) src(%dma_wait3A_1090 : memref<1000000xf32, #tpu.memory_space<hbm>>) dst(%dma_wait3A_1086 : memref<128xf32, #tpu.memory_space<vmem>>)
    %dma_wait3A_1091 = arith.constant 5248 : i32
    %dma_wait3A_1092 = tpu.memref_slice %arg7[%dma_wait3A_1091] : memref<6400xf32, #tpu.memory_space<vmem>> -> memref<128xf32, #tpu.memory_space<vmem>>
    %dma_wait3A_1093 = arith.constant 5248 : i32
    %dma_wait3A_1094 = tpu.memref_slice %arg6[%dma_wait3A_1093] : memref<6400xi32, #tpu.memory_space<vmem>> -> memref<128xi32, #tpu.memory_space<vmem>>
    %dma_wait3A_1095 = arith.constant 0 : i32
    %dma_wait3A_1096 = tpu.memref_slice %arg2[%dma_wait3A_1095] : memref<1000000xf32, #tpu.memory_space<hbm>> -> memref<1000000xf32, #tpu.memory_space<hbm>>
    tpu.wait_indirect_dma semaphore(%arg9 : memref<!tpu.dma_semaphore, #tpu.memory_space<semaphore_mem>>) src(%dma_wait3A_1096 : memref<1000000xf32, #tpu.memory_space<hbm>>) dst(%dma_wait3A_1092 : memref<128xf32, #tpu.memory_space<vmem>>)
    %dma_wait3A_1097 = arith.constant 5248 : i32
    %dma_wait3A_1098 = tpu.memref_slice %arg8[%dma_wait3A_1097] : memref<6400xf32, #tpu.memory_space<vmem>> -> memref<128xf32, #tpu.memory_space<vmem>>
    %dma_wait3A_1099 = arith.constant 5248 : i32
    %dma_wait3A_1100 = tpu.memref_slice %arg6[%dma_wait3A_1099] : memref<6400xi32, #tpu.memory_space<vmem>> -> memref<128xi32, #tpu.memory_space<vmem>>
    %dma_wait3A_1101 = arith.constant 0 : i32
    %dma_wait3A_1102 = tpu.memref_slice %arg3[%dma_wait3A_1101] : memref<1000000xf32, #tpu.memory_space<hbm>> -> memref<1000000xf32, #tpu.memory_space<hbm>>
    tpu.wait_indirect_dma semaphore(%arg9 : memref<!tpu.dma_semaphore, #tpu.memory_space<semaphore_mem>>) src(%dma_wait3A_1102 : memref<1000000xf32, #tpu.memory_space<hbm>>) dst(%dma_wait3A_1098 : memref<128xf32, #tpu.memory_space<vmem>>)
    %dma_wait3A_1103 = arith.constant 5376 : i32
    %dma_wait3A_1104 = tpu.memref_slice %arg7[%dma_wait3A_1103] : memref<6400xf32, #tpu.memory_space<vmem>> -> memref<128xf32, #tpu.memory_space<vmem>>
    %dma_wait3A_1105 = arith.constant 5376 : i32
    %dma_wait3A_1106 = tpu.memref_slice %arg6[%dma_wait3A_1105] : memref<6400xi32, #tpu.memory_space<vmem>> -> memref<128xi32, #tpu.memory_space<vmem>>
    %dma_wait3A_1107 = arith.constant 0 : i32
    %dma_wait3A_1108 = tpu.memref_slice %arg2[%dma_wait3A_1107] : memref<1000000xf32, #tpu.memory_space<hbm>> -> memref<1000000xf32, #tpu.memory_space<hbm>>
    tpu.wait_indirect_dma semaphore(%arg9 : memref<!tpu.dma_semaphore, #tpu.memory_space<semaphore_mem>>) src(%dma_wait3A_1108 : memref<1000000xf32, #tpu.memory_space<hbm>>) dst(%dma_wait3A_1104 : memref<128xf32, #tpu.memory_space<vmem>>)
    %dma_wait3A_1109 = arith.constant 5376 : i32
    %dma_wait3A_1110 = tpu.memref_slice %arg8[%dma_wait3A_1109] : memref<6400xf32, #tpu.memory_space<vmem>> -> memref<128xf32, #tpu.memory_space<vmem>>
    %dma_wait3A_1111 = arith.constant 5376 : i32
    %dma_wait3A_1112 = tpu.memref_slice %arg6[%dma_wait3A_1111] : memref<6400xi32, #tpu.memory_space<vmem>> -> memref<128xi32, #tpu.memory_space<vmem>>
    %dma_wait3A_1113 = arith.constant 0 : i32
    %dma_wait3A_1114 = tpu.memref_slice %arg3[%dma_wait3A_1113] : memref<1000000xf32, #tpu.memory_space<hbm>> -> memref<1000000xf32, #tpu.memory_space<hbm>>
    tpu.wait_indirect_dma semaphore(%arg9 : memref<!tpu.dma_semaphore, #tpu.memory_space<semaphore_mem>>) src(%dma_wait3A_1114 : memref<1000000xf32, #tpu.memory_space<hbm>>) dst(%dma_wait3A_1110 : memref<128xf32, #tpu.memory_space<vmem>>)
    %dma_wait3A_1115 = arith.constant 5504 : i32
    %dma_wait3A_1116 = tpu.memref_slice %arg7[%dma_wait3A_1115] : memref<6400xf32, #tpu.memory_space<vmem>> -> memref<128xf32, #tpu.memory_space<vmem>>
    %dma_wait3A_1117 = arith.constant 5504 : i32
    %dma_wait3A_1118 = tpu.memref_slice %arg6[%dma_wait3A_1117] : memref<6400xi32, #tpu.memory_space<vmem>> -> memref<128xi32, #tpu.memory_space<vmem>>
    %dma_wait3A_1119 = arith.constant 0 : i32
    %dma_wait3A_1120 = tpu.memref_slice %arg2[%dma_wait3A_1119] : memref<1000000xf32, #tpu.memory_space<hbm>> -> memref<1000000xf32, #tpu.memory_space<hbm>>
    tpu.wait_indirect_dma semaphore(%arg9 : memref<!tpu.dma_semaphore, #tpu.memory_space<semaphore_mem>>) src(%dma_wait3A_1120 : memref<1000000xf32, #tpu.memory_space<hbm>>) dst(%dma_wait3A_1116 : memref<128xf32, #tpu.memory_space<vmem>>)
    %dma_wait3A_1121 = arith.constant 5504 : i32
    %dma_wait3A_1122 = tpu.memref_slice %arg8[%dma_wait3A_1121] : memref<6400xf32, #tpu.memory_space<vmem>> -> memref<128xf32, #tpu.memory_space<vmem>>
    %dma_wait3A_1123 = arith.constant 5504 : i32
    %dma_wait3A_1124 = tpu.memref_slice %arg6[%dma_wait3A_1123] : memref<6400xi32, #tpu.memory_space<vmem>> -> memref<128xi32, #tpu.memory_space<vmem>>
    %dma_wait3A_1125 = arith.constant 0 : i32
    %dma_wait3A_1126 = tpu.memref_slice %arg3[%dma_wait3A_1125] : memref<1000000xf32, #tpu.memory_space<hbm>> -> memref<1000000xf32, #tpu.memory_space<hbm>>
    tpu.wait_indirect_dma semaphore(%arg9 : memref<!tpu.dma_semaphore, #tpu.memory_space<semaphore_mem>>) src(%dma_wait3A_1126 : memref<1000000xf32, #tpu.memory_space<hbm>>) dst(%dma_wait3A_1122 : memref<128xf32, #tpu.memory_space<vmem>>)
    %dma_wait3A_1127 = arith.constant 5632 : i32
    %dma_wait3A_1128 = tpu.memref_slice %arg7[%dma_wait3A_1127] : memref<6400xf32, #tpu.memory_space<vmem>> -> memref<128xf32, #tpu.memory_space<vmem>>
    %dma_wait3A_1129 = arith.constant 5632 : i32
    %dma_wait3A_1130 = tpu.memref_slice %arg6[%dma_wait3A_1129] : memref<6400xi32, #tpu.memory_space<vmem>> -> memref<128xi32, #tpu.memory_space<vmem>>
    %dma_wait3A_1131 = arith.constant 0 : i32
    %dma_wait3A_1132 = tpu.memref_slice %arg2[%dma_wait3A_1131] : memref<1000000xf32, #tpu.memory_space<hbm>> -> memref<1000000xf32, #tpu.memory_space<hbm>>
    tpu.wait_indirect_dma semaphore(%arg9 : memref<!tpu.dma_semaphore, #tpu.memory_space<semaphore_mem>>) src(%dma_wait3A_1132 : memref<1000000xf32, #tpu.memory_space<hbm>>) dst(%dma_wait3A_1128 : memref<128xf32, #tpu.memory_space<vmem>>)
    %dma_wait3A_1133 = arith.constant 5632 : i32
    %dma_wait3A_1134 = tpu.memref_slice %arg8[%dma_wait3A_1133] : memref<6400xf32, #tpu.memory_space<vmem>> -> memref<128xf32, #tpu.memory_space<vmem>>
    %dma_wait3A_1135 = arith.constant 5632 : i32
    %dma_wait3A_1136 = tpu.memref_slice %arg6[%dma_wait3A_1135] : memref<6400xi32, #tpu.memory_space<vmem>> -> memref<128xi32, #tpu.memory_space<vmem>>
    %dma_wait3A_1137 = arith.constant 0 : i32
    %dma_wait3A_1138 = tpu.memref_slice %arg3[%dma_wait3A_1137] : memref<1000000xf32, #tpu.memory_space<hbm>> -> memref<1000000xf32, #tpu.memory_space<hbm>>
    tpu.wait_indirect_dma semaphore(%arg9 : memref<!tpu.dma_semaphore, #tpu.memory_space<semaphore_mem>>) src(%dma_wait3A_1138 : memref<1000000xf32, #tpu.memory_space<hbm>>) dst(%dma_wait3A_1134 : memref<128xf32, #tpu.memory_space<vmem>>)
    %dma_wait3A_1139 = arith.constant 5760 : i32
    %dma_wait3A_1140 = tpu.memref_slice %arg7[%dma_wait3A_1139] : memref<6400xf32, #tpu.memory_space<vmem>> -> memref<128xf32, #tpu.memory_space<vmem>>
    %dma_wait3A_1141 = arith.constant 5760 : i32
    %dma_wait3A_1142 = tpu.memref_slice %arg6[%dma_wait3A_1141] : memref<6400xi32, #tpu.memory_space<vmem>> -> memref<128xi32, #tpu.memory_space<vmem>>
    %dma_wait3A_1143 = arith.constant 0 : i32
    %dma_wait3A_1144 = tpu.memref_slice %arg2[%dma_wait3A_1143] : memref<1000000xf32, #tpu.memory_space<hbm>> -> memref<1000000xf32, #tpu.memory_space<hbm>>
    tpu.wait_indirect_dma semaphore(%arg9 : memref<!tpu.dma_semaphore, #tpu.memory_space<semaphore_mem>>) src(%dma_wait3A_1144 : memref<1000000xf32, #tpu.memory_space<hbm>>) dst(%dma_wait3A_1140 : memref<128xf32, #tpu.memory_space<vmem>>)
    %dma_wait3A_1145 = arith.constant 5760 : i32
    %dma_wait3A_1146 = tpu.memref_slice %arg8[%dma_wait3A_1145] : memref<6400xf32, #tpu.memory_space<vmem>> -> memref<128xf32, #tpu.memory_space<vmem>>
    %dma_wait3A_1147 = arith.constant 5760 : i32
    %dma_wait3A_1148 = tpu.memref_slice %arg6[%dma_wait3A_1147] : memref<6400xi32, #tpu.memory_space<vmem>> -> memref<128xi32, #tpu.memory_space<vmem>>
    %dma_wait3A_1149 = arith.constant 0 : i32
    %dma_wait3A_1150 = tpu.memref_slice %arg3[%dma_wait3A_1149] : memref<1000000xf32, #tpu.memory_space<hbm>> -> memref<1000000xf32, #tpu.memory_space<hbm>>
    tpu.wait_indirect_dma semaphore(%arg9 : memref<!tpu.dma_semaphore, #tpu.memory_space<semaphore_mem>>) src(%dma_wait3A_1150 : memref<1000000xf32, #tpu.memory_space<hbm>>) dst(%dma_wait3A_1146 : memref<128xf32, #tpu.memory_space<vmem>>)
    %dma_wait3A_1151 = arith.constant 5888 : i32
    %dma_wait3A_1152 = tpu.memref_slice %arg7[%dma_wait3A_1151] : memref<6400xf32, #tpu.memory_space<vmem>> -> memref<128xf32, #tpu.memory_space<vmem>>
    %dma_wait3A_1153 = arith.constant 5888 : i32
    %dma_wait3A_1154 = tpu.memref_slice %arg6[%dma_wait3A_1153] : memref<6400xi32, #tpu.memory_space<vmem>> -> memref<128xi32, #tpu.memory_space<vmem>>
    %dma_wait3A_1155 = arith.constant 0 : i32
    %dma_wait3A_1156 = tpu.memref_slice %arg2[%dma_wait3A_1155] : memref<1000000xf32, #tpu.memory_space<hbm>> -> memref<1000000xf32, #tpu.memory_space<hbm>>
    tpu.wait_indirect_dma semaphore(%arg9 : memref<!tpu.dma_semaphore, #tpu.memory_space<semaphore_mem>>) src(%dma_wait3A_1156 : memref<1000000xf32, #tpu.memory_space<hbm>>) dst(%dma_wait3A_1152 : memref<128xf32, #tpu.memory_space<vmem>>)
    %dma_wait3A_1157 = arith.constant 5888 : i32
    %dma_wait3A_1158 = tpu.memref_slice %arg8[%dma_wait3A_1157] : memref<6400xf32, #tpu.memory_space<vmem>> -> memref<128xf32, #tpu.memory_space<vmem>>
    %dma_wait3A_1159 = arith.constant 5888 : i32
    %dma_wait3A_1160 = tpu.memref_slice %arg6[%dma_wait3A_1159] : memref<6400xi32, #tpu.memory_space<vmem>> -> memref<128xi32, #tpu.memory_space<vmem>>
    %dma_wait3A_1161 = arith.constant 0 : i32
    %dma_wait3A_1162 = tpu.memref_slice %arg3[%dma_wait3A_1161] : memref<1000000xf32, #tpu.memory_space<hbm>> -> memref<1000000xf32, #tpu.memory_space<hbm>>
    tpu.wait_indirect_dma semaphore(%arg9 : memref<!tpu.dma_semaphore, #tpu.memory_space<semaphore_mem>>) src(%dma_wait3A_1162 : memref<1000000xf32, #tpu.memory_space<hbm>>) dst(%dma_wait3A_1158 : memref<128xf32, #tpu.memory_space<vmem>>)
    %dma_wait3A_1163 = arith.constant 6016 : i32
    %dma_wait3A_1164 = tpu.memref_slice %arg7[%dma_wait3A_1163] : memref<6400xf32, #tpu.memory_space<vmem>> -> memref<128xf32, #tpu.memory_space<vmem>>
    %dma_wait3A_1165 = arith.constant 6016 : i32
    %dma_wait3A_1166 = tpu.memref_slice %arg6[%dma_wait3A_1165] : memref<6400xi32, #tpu.memory_space<vmem>> -> memref<128xi32, #tpu.memory_space<vmem>>
    %dma_wait3A_1167 = arith.constant 0 : i32
    %dma_wait3A_1168 = tpu.memref_slice %arg2[%dma_wait3A_1167] : memref<1000000xf32, #tpu.memory_space<hbm>> -> memref<1000000xf32, #tpu.memory_space<hbm>>
    tpu.wait_indirect_dma semaphore(%arg9 : memref<!tpu.dma_semaphore, #tpu.memory_space<semaphore_mem>>) src(%dma_wait3A_1168 : memref<1000000xf32, #tpu.memory_space<hbm>>) dst(%dma_wait3A_1164 : memref<128xf32, #tpu.memory_space<vmem>>)
    %dma_wait3A_1169 = arith.constant 6016 : i32
    %dma_wait3A_1170 = tpu.memref_slice %arg8[%dma_wait3A_1169] : memref<6400xf32, #tpu.memory_space<vmem>> -> memref<128xf32, #tpu.memory_space<vmem>>
    %dma_wait3A_1171 = arith.constant 6016 : i32
    %dma_wait3A_1172 = tpu.memref_slice %arg6[%dma_wait3A_1171] : memref<6400xi32, #tpu.memory_space<vmem>> -> memref<128xi32, #tpu.memory_space<vmem>>
    %dma_wait3A_1173 = arith.constant 0 : i32
    %dma_wait3A_1174 = tpu.memref_slice %arg3[%dma_wait3A_1173] : memref<1000000xf32, #tpu.memory_space<hbm>> -> memref<1000000xf32, #tpu.memory_space<hbm>>
    tpu.wait_indirect_dma semaphore(%arg9 : memref<!tpu.dma_semaphore, #tpu.memory_space<semaphore_mem>>) src(%dma_wait3A_1174 : memref<1000000xf32, #tpu.memory_space<hbm>>) dst(%dma_wait3A_1170 : memref<128xf32, #tpu.memory_space<vmem>>)
    %dma_wait3A_1175 = arith.constant 6144 : i32
    %dma_wait3A_1176 = tpu.memref_slice %arg7[%dma_wait3A_1175] : memref<6400xf32, #tpu.memory_space<vmem>> -> memref<128xf32, #tpu.memory_space<vmem>>
    %dma_wait3A_1177 = arith.constant 6144 : i32
    %dma_wait3A_1178 = tpu.memref_slice %arg6[%dma_wait3A_1177] : memref<6400xi32, #tpu.memory_space<vmem>> -> memref<128xi32, #tpu.memory_space<vmem>>
    %dma_wait3A_1179 = arith.constant 0 : i32
    %dma_wait3A_1180 = tpu.memref_slice %arg2[%dma_wait3A_1179] : memref<1000000xf32, #tpu.memory_space<hbm>> -> memref<1000000xf32, #tpu.memory_space<hbm>>
    tpu.wait_indirect_dma semaphore(%arg9 : memref<!tpu.dma_semaphore, #tpu.memory_space<semaphore_mem>>) src(%dma_wait3A_1180 : memref<1000000xf32, #tpu.memory_space<hbm>>) dst(%dma_wait3A_1176 : memref<128xf32, #tpu.memory_space<vmem>>)
    %dma_wait3A_1181 = arith.constant 6144 : i32
    %dma_wait3A_1182 = tpu.memref_slice %arg8[%dma_wait3A_1181] : memref<6400xf32, #tpu.memory_space<vmem>> -> memref<128xf32, #tpu.memory_space<vmem>>
    %dma_wait3A_1183 = arith.constant 6144 : i32
    %dma_wait3A_1184 = tpu.memref_slice %arg6[%dma_wait3A_1183] : memref<6400xi32, #tpu.memory_space<vmem>> -> memref<128xi32, #tpu.memory_space<vmem>>
    %dma_wait3A_1185 = arith.constant 0 : i32
    %dma_wait3A_1186 = tpu.memref_slice %arg3[%dma_wait3A_1185] : memref<1000000xf32, #tpu.memory_space<hbm>> -> memref<1000000xf32, #tpu.memory_space<hbm>>
    tpu.wait_indirect_dma semaphore(%arg9 : memref<!tpu.dma_semaphore, #tpu.memory_space<semaphore_mem>>) src(%dma_wait3A_1186 : memref<1000000xf32, #tpu.memory_space<hbm>>) dst(%dma_wait3A_1182 : memref<128xf32, #tpu.memory_space<vmem>>)
    %dma_wait3A_1187 = arith.constant 6272 : i32
    %dma_wait3A_1188 = tpu.memref_slice %arg7[%dma_wait3A_1187] : memref<6400xf32, #tpu.memory_space<vmem>> -> memref<128xf32, #tpu.memory_space<vmem>>
    %dma_wait3A_1189 = arith.constant 6272 : i32
    %dma_wait3A_1190 = tpu.memref_slice %arg6[%dma_wait3A_1189] : memref<6400xi32, #tpu.memory_space<vmem>> -> memref<128xi32, #tpu.memory_space<vmem>>
    %dma_wait3A_1191 = arith.constant 0 : i32
    %dma_wait3A_1192 = tpu.memref_slice %arg2[%dma_wait3A_1191] : memref<1000000xf32, #tpu.memory_space<hbm>> -> memref<1000000xf32, #tpu.memory_space<hbm>>
    tpu.wait_indirect_dma semaphore(%arg9 : memref<!tpu.dma_semaphore, #tpu.memory_space<semaphore_mem>>) src(%dma_wait3A_1192 : memref<1000000xf32, #tpu.memory_space<hbm>>) dst(%dma_wait3A_1188 : memref<128xf32, #tpu.memory_space<vmem>>)
    %dma_wait3A_1193 = arith.constant 6272 : i32
    %dma_wait3A_1194 = tpu.memref_slice %arg8[%dma_wait3A_1193] : memref<6400xf32, #tpu.memory_space<vmem>> -> memref<128xf32, #tpu.memory_space<vmem>>
    %dma_wait3A_1195 = arith.constant 6272 : i32
    %dma_wait3A_1196 = tpu.memref_slice %arg6[%dma_wait3A_1195] : memref<6400xi32, #tpu.memory_space<vmem>> -> memref<128xi32, #tpu.memory_space<vmem>>
    %dma_wait3A_1197 = arith.constant 0 : i32
    %dma_wait3A_1198 = tpu.memref_slice %arg3[%dma_wait3A_1197] : memref<1000000xf32, #tpu.memory_space<hbm>> -> memref<1000000xf32, #tpu.memory_space<hbm>>
    tpu.wait_indirect_dma semaphore(%arg9 : memref<!tpu.dma_semaphore, #tpu.memory_space<semaphore_mem>>) src(%dma_wait3A_1198 : memref<1000000xf32, #tpu.memory_space<hbm>>) dst(%dma_wait3A_1194 : memref<128xf32, #tpu.memory_space<vmem>>)
    %run_scoped3A = arith.constant 0 : i32
    "tpu.region"() ({
      %run_scoped3A_1200 = tpu.sem_alloc : memref<!tpu.dma_semaphore, #tpu.memory_space<semaphore_mem>>
      %dma_start3A_1201 = arith.constant 0 : i32
      %dma_start3A_1202 = tpu.memref_slice %arg5[%run_scoped3A, %add3A, %dma_start3A_1201] : memref<2x32x6400xf32, #tpu.memory_space<hbm>> -> memref<1x1x6400xf32, #tpu.memory_space<hbm>>
      %dma_start3A_1203 = tpu.memref_squeeze %dma_start3A_1202 : memref<1x1x6400xf32, #tpu.memory_space<hbm>> -> memref<6400xf32, #tpu.memory_space<hbm>>
      %dma_start3A_1204 = arith.constant 0 : i32
      %dma_start3A_1205 = tpu.memref_slice %arg5[%run_scoped3A, %add3A, %dma_start3A_1204] : memref<2x32x6400xf32, #tpu.memory_space<hbm>> -> memref<1x1x6400xf32, #tpu.memory_space<hbm>>
      %dma_start3A_1206 = tpu.memref_squeeze %dma_start3A_1205 : memref<1x1x6400xf32, #tpu.memory_space<hbm>> -> memref<6400xf32, #tpu.memory_space<hbm>>
      tpu.enqueue_dma source(%arg7 : memref<6400xf32, #tpu.memory_space<vmem>>) target(%dma_start3A_1206 : memref<6400xf32, #tpu.memory_space<hbm>>) target_semaphore(%run_scoped3A_1200 : memref<!tpu.dma_semaphore, #tpu.memory_space<semaphore_mem>>)
      %dma_wait3A_1207 = arith.constant 0 : i32
      %dma_wait3A_1208 = tpu.memref_slice %arg5[%run_scoped3A, %add3A, %dma_wait3A_1207] : memref<2x32x6400xf32, #tpu.memory_space<hbm>> -> memref<1x1x6400xf32, #tpu.memory_space<hbm>>
      %dma_wait3A_1209 = tpu.memref_squeeze %dma_wait3A_1208 : memref<1x1x6400xf32, #tpu.memory_space<hbm>> -> memref<6400xf32, #tpu.memory_space<hbm>>
      %dma_wait3A_1210 = arith.constant 0 : i32
      %dma_wait3A_1211 = tpu.memref_slice %arg5[%run_scoped3A, %add3A, %dma_wait3A_1210] : memref<2x32x6400xf32, #tpu.memory_space<hbm>> -> memref<1x1x6400xf32, #tpu.memory_space<hbm>>
      %dma_wait3A_1212 = tpu.memref_squeeze %dma_wait3A_1211 : memref<1x1x6400xf32, #tpu.memory_space<hbm>> -> memref<6400xf32, #tpu.memory_space<hbm>>
      tpu.wait_dma2 semaphore(%run_scoped3A_1200 : memref<!tpu.dma_semaphore, #tpu.memory_space<semaphore_mem>>) src(%arg7 : memref<6400xf32, #tpu.memory_space<vmem>>) dst(%dma_wait3A_1212 : memref<6400xf32, #tpu.memory_space<hbm>>)
      tpu.yield
    }) : () -> ()
    %run_scoped3A_1199 = arith.constant 1 : i32
    "tpu.region"() ({
      %run_scoped3A_1200 = tpu.sem_alloc : memref<!tpu.dma_semaphore, #tpu.memory_space<semaphore_mem>>
      %dma_start3A_1201 = arith.constant 0 : i32
      %dma_start3A_1202 = tpu.memref_slice %arg5[%run_scoped3A_1199, %add3A, %dma_start3A_1201] : memref<2x32x6400xf32, #tpu.memory_space<hbm>> -> memref<1x1x6400xf32, #tpu.memory_space<hbm>>
      %dma_start3A_1203 = tpu.memref_squeeze %dma_start3A_1202 : memref<1x1x6400xf32, #tpu.memory_space<hbm>> -> memref<6400xf32, #tpu.memory_space<hbm>>
      %dma_start3A_1204 = arith.constant 0 : i32
      %dma_start3A_1205 = tpu.memref_slice %arg5[%run_scoped3A_1199, %add3A, %dma_start3A_1204] : memref<2x32x6400xf32, #tpu.memory_space<hbm>> -> memref<1x1x6400xf32, #tpu.memory_space<hbm>>
      %dma_start3A_1206 = tpu.memref_squeeze %dma_start3A_1205 : memref<1x1x6400xf32, #tpu.memory_space<hbm>> -> memref<6400xf32, #tpu.memory_space<hbm>>
      tpu.enqueue_dma source(%arg8 : memref<6400xf32, #tpu.memory_space<vmem>>) target(%dma_start3A_1206 : memref<6400xf32, #tpu.memory_space<hbm>>) target_semaphore(%run_scoped3A_1200 : memref<!tpu.dma_semaphore, #tpu.memory_space<semaphore_mem>>)
      %dma_wait3A_1207 = arith.constant 0 : i32
      %dma_wait3A_1208 = tpu.memref_slice %arg5[%run_scoped3A_1199, %add3A, %dma_wait3A_1207] : memref<2x32x6400xf32, #tpu.memory_space<hbm>> -> memref<1x1x6400xf32, #tpu.memory_space<hbm>>
      %dma_wait3A_1209 = tpu.memref_squeeze %dma_wait3A_1208 : memref<1x1x6400xf32, #tpu.memory_space<hbm>> -> memref<6400xf32, #tpu.memory_space<hbm>>
      %dma_wait3A_1210 = arith.constant 0 : i32
      %dma_wait3A_1211 = tpu.memref_slice %arg5[%run_scoped3A_1199, %add3A, %dma_wait3A_1210] : memref<2x32x6400xf32, #tpu.memory_space<hbm>> -> memref<1x1x6400xf32, #tpu.memory_space<hbm>>
      %dma_wait3A_1212 = tpu.memref_squeeze %dma_wait3A_1211 : memref<1x1x6400xf32, #tpu.memory_space<hbm>> -> memref<6400xf32, #tpu.memory_space<hbm>>
      tpu.wait_dma2 semaphore(%run_scoped3A_1200 : memref<!tpu.dma_semaphore, #tpu.memory_space<semaphore_mem>>) src(%arg8 : memref<6400xf32, #tpu.memory_space<vmem>>) dst(%dma_wait3A_1212 : memref<6400xf32, #tpu.memory_space<hbm>>)
      tpu.yield
    }) : () -> ()
    return
  }
}

module attributes {stable_mosaic.version = 14 : i64} {
  func.func @_project_kernel(%arg0: i32, %arg1: memref<64x32768xf32, #tpu.memory_space<vmem>>, %arg2: memref<2x64xf32, #tpu.memory_space<vmem>>, %arg3: memref<2x1xf32, #tpu.memory_space<vmem>>, %arg4: memref<32768xf32, #tpu.memory_space<vmem>>, %arg5: memref<32768xf32, #tpu.memory_space<vmem>>) attributes {dimension_semantics = [#tpu.dimension_semantics<arbitrary>], iteration_bounds = array<i64: 31>, scalar_prefetch = 0 : i64, scratch_operands = 0 : i64, tpu.core_type = #tpu.core_type<tc>, window_params = [{transform_indices = @transform_0, window_bounds = array<i64: 64, 32768>}, {pipeline_mode = #tpu.pipeline_mode<synchronous>, transform_indices = @transform_1, window_bounds = array<i64: 2, 64>}, {pipeline_mode = #tpu.pipeline_mode<synchronous>, transform_indices = @transform_2, window_bounds = array<i64: 2, 1>}, {transform_indices = @transform_3, window_bounds = array<i64: 32768>}, {transform_indices = @transform_4, window_bounds = array<i64: 32768>}]} {
    %get3A = arith.constant 0 : index
    %get3A_0 = arith.constant 0 : index
    %get3A_1 = vector.load %arg2[%get3A, %get3A_0] : memref<2x64xf32, #tpu.memory_space<vmem>>, vector<2x64xf32>
    %get3A_2 = arith.constant 0 : index
    %get3A_3 = arith.constant 0 : index
    %get3A_4 = vector.load %arg1[%get3A_2, %get3A_3] : memref<64x32768xf32, #tpu.memory_space<vmem>>, vector<64x32768xf32>
    %dot_general3A = arith.constant dense<0.000000e+00> : vector<2x32768xf32>
    %dot_general3A_5 = tpu.matmul %get3A_1, %get3A_4, %dot_general3A {dimension_numbers = #tpu.dot_dimension_numbers<[1], [0], [0], [1], [0, 0, 1, 1], [], []>, transpose_lhs_hint = false} : vector<2x64xf32>, vector<64x32768xf32>, vector<2x32768xf32> -> vector<2x32768xf32>
    %get3A_6 = arith.constant 0 : index
    %get3A_7 = arith.constant 0 : index
    %get3A_8 = vector.load %arg3[%get3A_6, %get3A_7] : memref<2x1xf32, #tpu.memory_space<vmem>>, vector<2x1xf32>
    %add3A = vector.broadcast %get3A_8 : vector<2x1xf32> to vector<2x32768xf32>
    %add3A_9 = arith.addf %dot_general3A_5, %add3A : vector<2x32768xf32>
    %slice3A = vector.extract_strided_slice %add3A_9 {offsets = [0, 0], sizes = [1, 32768], strides = [1, 1]} : vector<2x32768xf32> to vector<1x32768xf32>
    %squeeze3A = vector.shape_cast %slice3A : vector<1x32768xf32> to vector<32768xf32>
    %swap3A = arith.constant 0 : index
    %swap3A_10 = vector.load %arg4[%swap3A] : memref<32768xf32, #tpu.memory_space<vmem>>, vector<32768xf32>
    tpu.vector_store %arg4[%swap3A], %squeeze3A {strides = array<i32>} : memref<32768xf32, #tpu.memory_space<vmem>>, vector<32768xf32>,
    %slice3A_11 = vector.extract_strided_slice %add3A_9 {offsets = [1, 0], sizes = [1, 32768], strides = [1, 1]} : vector<2x32768xf32> to vector<1x32768xf32>
    %squeeze3A_12 = vector.shape_cast %slice3A_11 : vector<1x32768xf32> to vector<32768xf32>
    %swap3A_13 = arith.constant 0 : index
    %swap3A_14 = vector.load %arg5[%swap3A_13] : memref<32768xf32, #tpu.memory_space<vmem>>, vector<32768xf32>
    tpu.vector_store %arg5[%swap3A_13], %squeeze3A_12 {strides = array<i32>} : memref<32768xf32, #tpu.memory_space<vmem>>, vector<32768xf32>,
    return
  }
  func.func @transform_0(%arg0: i32) -> (i32, i32) {
    %c0_i32 = arith.constant 0 : i32
    %c0_i32_0 = arith.constant 0 : i32
    return %c0_i32, %arg0 : i32, i32
  }
  func.func @transform_1(%arg0: i32) -> (i32, i32) {
    %c0_i32 = arith.constant 0 : i32
    %c0_i32_0 = arith.constant 0 : i32
    %c0_i32_1 = arith.constant 0 : i32
    return %c0_i32, %c0_i32_0 : i32, i32
  }
  func.func @transform_2(%arg0: i32) -> (i32, i32) {
    %c0_i32 = arith.constant 0 : i32
    %c0_i32_0 = arith.constant 0 : i32
    %c0_i32_1 = arith.constant 0 : i32
    return %c0_i32, %c0_i32_0 : i32, i32
  }
  func.func @transform_3(%arg0: i32) -> i32 {
    %c0_i32 = arith.constant 0 : i32
    return %arg0 : i32
  }
  func.func @transform_4(%arg0: i32) -> i32 {
    %c0_i32 = arith.constant 0 : i32
    return %arg0 : i32
  }
}

</mosaic_0001>

<sc_bundles>
// kernel: kernel.4.cloned.1.call-start
scs
__scs_entry_jumppad:
0x0: {  	(pc) =	sbr.rel $0x88, $3  }
0x1: {  	(tag) =	ssettag $0x0;
	lr =	simm.s32 $0x1  }
0x2: {  	[smem:$0x3F9D] =	sst lr;
	_ =	strace $0xD0000000  }
0x3: {  	_ = 	snop  }
0x4: {  	_ = 	snop  }
0x5: {  	_ = 	snop  }
0x6: {  	_ = 	snop  }
0x7: {  	_ = 	snop  }
__scs_overlays_trampoline_lowered:
0x8: {  	[smem:$0x3FAC] =	sst s0  }
0x9: {  	[smem:$0x3FAD] =	sst s1  }
0xa: {  	[smem:$0x3FAE] =	sst s2  }
0xb: {  	[smem:$0x3FAF] =	sst s3  }
0xc: {  	[smem:$0x3FB0] =	sst s4  }
0xd: {  	[smem:$0x3FB1] =	sst s5  }
0xe: {  	[smem:$0x3FB2] =	sst s6  }
0xf: {  	[smem:$0x3FB3] =	sst s7  }
0x10: {  	[smem:$0x3FB4] =	sst s8  }
0x11: {  	[smem:$0x3FB5] =	sst s9;
	s0 =	simm.s32 @!p0 $0x0  }
0x12: {  	s1 =	sld [smem:$0x3F9B];
	s0 =	simm.s32 @p0 $0x1  }
0x13: {  	[smem:$0x3FB6] =	sst s0;
	s0 =	simm.s32 @!p1 $0x0  }
0x14: {  	s2 =	sld [smem:$0x3F9A];
	s0 =	simm.s32 @p1 $0x1  }
0x15: {  	[smem:$0x3FB7] =	sst s0;
	s0 =	simm.s32 @!p2 $0x0  }
0x16: {  	s3 =	sld [smem:$0x3FDB];
	s0 =	simm.s32 @p2 $0x1  }
0x17: {  	s4 =	simm.s32 $0x1BF5;
	[smem:$0x3FB9] =	sst s0  }
0x18: {  	s0 =	sld [smem:$0x3F9C];
	_ =	swait.ge [sflag:s4], $0x0  }
0x19: {  	s7 =	sld [smem:$0x3F9D]  }
0x1a: {  	s8 =	sadd.s32 $0xFFFFE003, lr  }
0x1b: {  	s9 =	sadd.s32 $0xFFFFFEF7, lr;
	s5 =	simm.s32 $0xFFFFFFFF;
	p2 =	slt.u32 s8, $0xFFFFF086  }
0x1c: {  	p1 =	slt.u32 s9, $0xF7A;
	s5 =	simm.s32 @!p2 $0x0  }
0x1d: {  	s5 =	simm.s32 @p1 $0x1;
	p0 =	seq.s32 s7, s2  }
0x1e: {  	s7 =	smul.u32 @!p0 $0xF7A, s2;
	p2 =	seq.s32 @!p0 s5, $0x0  }
0x1f: {  	s9 =	smul.u32 $0xF7A, s1;
	s8 =	simm.s32 @!p0 $0x1BF5;
	p2 =	por !p2, p0  }
0x20: {  	[sflag:s8] =	ssyncset.s32 @!p0 $0xFFFFF086;
	s6 =	sadd.s32 @!p0 s3, s7;
	s7 =	simm.s32 @!p0 $0x108  }
0x21: {  	s3 =	sadd.s32 s3, s9;
	s6 =	sadd.s32 @!p0 $0x88, s6;
	s7 =	simm.s32 @p2 $0x1082  }
0x22: {  	[simem:s7], [sflag:s8] =	dma.local @!p0 [hbm:s6], $0xF7A  }
0x23: {  	s9 =	sor.u32 $0xD0000000, s2;
	s6 =	simm.s32 $0x108;
	_ =	swait.ge @!p0 [sflag:s8], $0x0  }
0x24: {  	s3 =	sadd.s32 $0x88, s3;
	s6 =	simm.s32 @!p1 $0x1082;
	[sflag:s4] =	ssyncset.s32 $0xFFFFF086  }
0x25: {  	[simem:s6], [sflag:s4] =	dma.local [hbm:s3], $0xF7A  }
0x26: {  	[smem:$0x3F9D] =	sst s1;
	(tag) =	ssettag s2;
	_ =	strace s9  }
0x27: {  	s1 =	sld [smem:$0x3FAD]  }
0x28: {  	s2 =	sld [smem:$0x3FAE]  }
0x29: {  	s4 =	sld [smem:$0x3FB0]  }
0x2a: {  	p0 =	seq.s32 s5, $0x0;
	s5 =	sld [smem:$0x3FB1]  }
0x2b: {  	s6 =	sld [smem:$0x3FB2]  }
0x2c: {  	s7 =	sld [smem:$0x3FB3]  }
0x2d: {  	s3 =	simm.s32 $0x108;
	s8 =	sld [smem:$0x3FB4]  }
0x2e: {  	s3 =	simm.s32 @!p0 $0x1082;
	s9 =	sld [smem:$0x3FB5]  }
0x2f: {  	lr =	sadd.s32 s0, s3;
	s0 =	sld [smem:$0x3FAC]  }
0x30: {  	s3 =	sld [smem:$0x3FAF]  }
0x31: {  	[smem:$0x3FB8] =	sst s10  }
0x32: {  	s10 =	sld [smem:$0x3FB6];
	_ =	sdelay $0x3  }
0x33: {  	p0 =	seq.s32 s10, $0x1;
	s10 =	sld [smem:$0x3FB8];
	_ =	sdelay $0x3  }
0x34: {  	[smem:$0x3FB8] =	sst s10  }
0x35: {  	s10 =	sld [smem:$0x3FB7];
	_ =	sdelay $0x3  }
0x36: {  	p1 =	seq.s32 s10, $0x1;
	s10 =	sld [smem:$0x3FB8];
	_ =	sdelay $0x3  }
0x37: {  	[smem:$0x3FB8] =	sst s10  }
0x38: {  	s10 =	sld [smem:$0x3FB9]  }
0x39: {  	_ = 	snop;
	(pc) =	sbr.ind lr, $3  }
0x3a: {  	_ = 	snop  }
0x3b: {  	_ = 	snop  }
0x3c: {  	p2 =	seq.s32 s10, $0x1;
	s10 =	sld [smem:$0x3FB8]  }
0x3d: {  	_ =	shalt  }
0x3e: {  	_ =	shalt  }
0x3f: {  	_ =	shalt  }
0x40: {  	_ =	shalt  }
0x41: {  	_ =	shalt  }
0x42: {  	_ =	shalt  }
0x43: {  	_ =	shalt  }
0x44: {  	_ =	shalt  }
0x45: {  	_ =	shalt  }
0x46: {  	_ =	shalt  }
0x47: {  	_ =	shalt  }
0x48: {  	_ =	shalt  }
0x49: {  	_ =	shalt  }
0x4a: {  	_ =	shalt  }
0x4b: {  	_ =	shalt  }
0x4c: {  	_ =	shalt  }
0x4d: {  	_ =	shalt  }
0x4e: {  	_ =	shalt  }
0x4f: {  	_ =	shalt  }
0x50: {  	_ =	shalt  }
0x51: {  	_ =	shalt  }
0x52: {  	_ =	shalt  }
0x53: {  	_ =	shalt  }
0x54: {  	_ =	shalt  }
0x55: {  	_ =	shalt  }
0x56: {  	_ =	shalt  }
0x57: {  	_ =	shalt  }
0x58: {  	_ =	shalt  }
0x59: {  	_ =	shalt  }
0x5a: {  	_ =	shalt  }
0x5b: {  	_ =	shalt  }
0x5c: {  	_ =	shalt  }
0x5d: {  	_ =	shalt  }
0x5e: {  	_ =	shalt  }
0x5f: {  	_ =	shalt  }
0x60: {  	_ =	shalt  }
0x61: {  	_ =	shalt  }
0x62: {  	_ =	shalt  }
0x63: {  	_ =	shalt  }
0x64: {  	_ =	shalt  }
0x65: {  	_ =	shalt  }
0x66: {  	_ =	shalt  }
0x67: {  	_ =	shalt  }
0x68: {  	_ =	shalt  }
0x69: {  	_ =	shalt  }
0x6a: {  	_ =	shalt  }
0x6b: {  	_ =	shalt  }
0x6c: {  	_ =	shalt  }
0x6d: {  	_ =	shalt  }
0x6e: {  	_ =	shalt  }
0x6f: {  	_ =	shalt  }
0x70: {  	_ =	shalt  }
0x71: {  	_ =	shalt  }
0x72: {  	_ =	shalt  }
0x73: {  	_ =	shalt  }
0x74: {  	_ =	shalt  }
0x75: {  	_ =	shalt  }
0x76: {  	_ =	shalt  }
0x77: {  	_ =	shalt  }
0x78: {  	_ =	shalt  }
0x79: {  	_ =	shalt  }
0x7a: {  	_ =	shalt  }
0x7b: {  	_ =	shalt  }
0x7c: {  	_ =	shalt  }
0x7d: {  	_ =	shalt  }
0x7e: {  	_ =	shalt  }
0x7f: {  	_ =	shalt  }
0x80: {  	_ =	shalt  }
0x81: {  	_ =	shalt  }
0x82: {  	_ =	shalt  }
0x83: {  	_ =	shalt  }
0x84: {  	_ =	shalt  }
0x85: {  	_ =	shalt  }
0x86: {  	_ =	shalt  }
0x87: {  	_ =	shalt  }
.Lfunc_end0:
.L_simem_size_0:
called_computation_lowered:
.L_overlay_start_0:
0x88: {  	s2 =	sld [smem:$0x3FD9]  }
0x89: {  	s3 =	sld [smem:$0x3FFE];
	_ =	sdelay $0x1  }
0x8a: {  	s1 =	srdreg.scid  }
0x8b: {  	s0 =	sand.u32 $0x1, s1  }
0x8c: {  	s17 =	sshll.u32 s0, $0xA;
	s2 =	sadd.s32 s3, s2  }
0x8d: {  	s2 =	sadd.s32 s2, s17  }
0x8e: {  	[smem:$0x3FC4] =	sst s2  }
0x8f: {  	_ = 	snop  }
0x90: {  	s2 =	sld [smem:$0x3FD0];
	(tm) =	ssettm $0x1  }
0x91: {  	s18 =	sld [smem:$0x3FFB];
	_ =	sdelay $0x3  }
0x92: {  	_ =	strace s18  }
0x93: {  	s3 =	sld [smem:$0x3FFC];
	_ =	sdelay $0x3  }
0x94: {  	_ =	strace s3  }
0x95: {  	s3 =	sld [smem:$0x3FFD];
	_ =	sdelay $0x3  }
0x96: {  	_ =	strace s3  }
0x97: {  	_ =	strace $0x8FFFFFFF  }
0x98: {  	s19 =	sld [smem:$0x3FDB];
	_ =	sdelay $0x1  }
0x99: {  	s4 =	simm.s32 $_scs_section_size  }
0x9a: {  	s5 =	simm.s32 $_size__tile_overlayer_lowered;
	s6 =	simm.s32 $_tile_overlayer_lowered  }
0x9b: {  	s22 =	simm.s32 $0x1BFF;
	s21 =	sshll.u32 s6, $0x1;
	s3 =	sadd.s32 s4, s19  }
0x9c: {  	s7 =	simm.s32 $0x0;
	s20 =	sshll.u32 s5, $0x1;
	s5 =	sadd.s32 s21, s3  }
0x9d: {  	[timem:s7], [sflag:s22] =	dma.local [hbm:s5], s20  }
0x9e: {  	_ =	swait.ge [sflag:s22], s20  }
0x9f: {  	s4 =	ssub.s32 $0x0, s20;
	[sflag:s22] =	ssyncset.done $0x0  }
0xa0: {  	[sflag:s22] =	ssyncadd.s32 s4;
	_ =	sdelay $0x1  }
0xa1: {  	s23 =	simm.s32 $0x1B8B  }
0xa2: {  	_ =	swait.ge [sflag:s23], $0x1  }
0xa3: {  	[sflag:s23] =	ssyncset.done $0x0  }
0xa4: {  	s25 =	simm.s32 $0x1B8E;
	s24 =	sld [smem:$0x3FFE];
	[sflag:s23] =	ssyncadd.s32 $0xFFFFFFFF  }
0xa5: {  	s26 =	simm.s32 $execute0_lowered;
	[smem:$0x3FD2] =	sst s25  }
0xa6: {  	s5 =	sshll.u32 s26, $0x1;
	_ =	strace $0x80000046;
	[dreg:$0x1] =	wrdreg $0xFFFFFFFF  }
0xa7: {  	s28 =	simm.s32 $_size_execute0_lowered;
	s3 =	sadd.s32 s3, s5;
	[dreg:$0x0] =	wrdreg $0x0  }
0xa8: {  	s5 =	sshll.u32 s28, $0x1;
	[dreg:$0x2] =	wrdreg s3  }
0xa9: {  	[dreg:$0x3] =	wrdreg s5  }
0xaa: {  	[dreg:$0x4] =	wrdreg $0xC0  }
0xab: {  	_ =	task [dreg:s7], $0x5FFFF  }
0xac: {  	[dreg:$0x1] =	wrdreg $0xFFFFFFFF  }
0xad: {  	[dreg:$0x0] =	wrdreg $0x60  }
0xae: {  	[dreg:$0x2] =	wrdreg s24  }
0xaf: {  	[dreg:$0x3] =	wrdreg s2  }
0xb0: {  	[dreg:$0x4] =	wrdreg $0x9  }
0xb1: {  	_ =	task.clear_ibuf [dreg:s7], $0x5FFFF;
	_ =	strace $0x90000046  }
0xb2: {  	s29 =	simm.s32 $0x9;
	_ =	strace $0x80000048  }
0xb3: {  	_ =	swait.ge [sflag:s29], $0x1  }
0xb4: {  	[sflag:s29] =	ssyncadd.s32 $0xFFFFFFFF  }
0xb5: {  	_ =	strace $0x90000048  }
0xb6: {  	_ =	sfence  }
0xb7: {  	s30 =	sld [smem:$0x0];
	_ =	sdelay $0x2  }
0xb8: {  	s31 =	sshll.u32 s1, $0xD;
	s1 =	sshrl.u32 s1, $0x2  }
0xb9: {  	s3 =	sand.u32 $0x4000, s31;
	s1 =	sadd.s32 s1, s30  }
0xba: {  	s0 =	sor.u32 s3, s0;
	s1 =	sshll.u32 s1, $0x11  }
0xbb: {  	s0 =	sor.u32 s1, s0  }
0xbc: {  	s0 =	sadd.s32 $0x8F2B, s0  }
0xbd: {  	[sflag:s0] =	ssyncadd.remote.s32 $0x1  }
0xbe: {  	_ =	sfence.sel $0xFFFF  }
0xbf: {  	[dreg:$0x0] =	wrdreg $0xFFFFFFFF;
	(pc) =	sbr.abs _section_cstart, $3  }
0xc0: {  	[dreg:$0x1] =	wrdreg $0xFFFFFFFF  }
0xc1: {  	_ =	task.clear_ibuf [dreg:s7], $0x2FFFF;
	_ =	strace $0x9FFFFFFF  }
0xc2: {  	(tm) =	ssettm $0x7FFFFFFF  }
0xc3: {  	_ =	shalt  }
tec
execute0_lowered:
.L_overlay_start_1:
0x0: {  	(tag) =	ssettag $0x1  }
0x1: {  	s0 =	srdreg.scid;
	s11 =	stileid.u32  }
0x2: {  	s0 =	sand.u32 $0x1, s0;
	s1 =	sshll.u32 s11, $0x1  }
0x3: {  	s4 =	rddreg [dreg:$0x1];
	s2 =	sor.u32 s0, s1  }
0x4: {  	s1 =	rddreg [dreg:$0x0];
	s3 =	smul.u32 $0x1900, s2;
	s2 =	simm.s32 $0x0  }
0x5: {  	s15 =	simm.s32 $0x1980;
	[smem:$0x7FF] =	sst s2  }
0x6: {  	s16 =	simm.s32 $0x3280;
	_ =	strace $0x80000047;
	[dreg:$0x5] =	wrdreg s15  }
0x7: {  	s17 =	simm.s32 $0x1A00;
	[dreg:$0x6] =	wrdreg s16  }
0x8: {  	s18 =	simm.s32 $0x3300;
	[dreg:$0x7] =	wrdreg s17  }
0x9: {  	s19 =	simm.s32 $0x1A80;
	[dreg:$0x8] =	wrdreg s18  }
0xa: {  	s20 =	simm.s32 $0x3380;
	[dreg:$0x9] =	wrdreg s19  }
0xb: {  	s21 =	simm.s32 $0x1B00;
	[dreg:$0xa] =	wrdreg s20  }
0xc: {  	s22 =	simm.s32 $0x3400;
	[dreg:$0xb] =	wrdreg s21  }
0xd: {  	s23 =	simm.s32 $0x1B80;
	[dreg:$0xc] =	wrdreg s22  }
0xe: {  	s24 =	simm.s32 $0x3480;
	[dreg:$0xd] =	wrdreg s23  }
0xf: {  	s25 =	simm.s32 $0x1C00;
	[dreg:$0xe] =	wrdreg s24  }
0x10: {  	s26 =	simm.s32 $0x3500;
	[dreg:$0xf] =	wrdreg s25  }
0x11: {  	s6 =	simm.s32 $0x1D00;
	[dreg:$0x10] =	wrdreg s26  }
0x12: {  	s7 =	simm.s32 $0x3600;
	[dreg:$0x13] =	wrdreg s6  }
0x13: {  	s8 =	simm.s32 $0x1D80;
	[dreg:$0x14] =	wrdreg s7  }
0x14: {  	s9 =	simm.s32 $0x3680;
	[dreg:$0x15] =	wrdreg s8  }
0x15: {  	s10 =	simm.s32 $0x1E00;
	[dreg:$0x16] =	wrdreg s9  }
0x16: {  	s12 =	simm.s32 $0x3700;
	[dreg:$0x17] =	wrdreg s10  }
0x17: {  	s13 =	simm.s32 $0x1E80;
	[dreg:$0x18] =	wrdreg s12  }
0x18: {  	s14 =	simm.s32 $0x3780;
	[dreg:$0x19] =	wrdreg s13  }
0x19: {  	[dreg:$0x1a] =	wrdreg s14;
	s15 =	simm.s32 $0x1F00  }
0x1a: {  	s16 =	simm.s32 $0x3800;
	[dreg:$0x1b] =	wrdreg s15  }
0x1b: {  	s17 =	simm.s32 $0x1F80;
	[dreg:$0x1c] =	wrdreg s16  }
0x1c: {  	s18 =	simm.s32 $0x3880;
	[dreg:$0x1d] =	wrdreg s17  }
0x1d: {  	s19 =	simm.s32 $0x2000;
	[dreg:$0x1e] =	wrdreg s18  }
0x1e: {  	s20 =	simm.s32 $0x3900;
	[dreg:$0x1f] =	wrdreg s19  }
0x1f: {  	s21 =	simm.s32 $0x2080;
	[smem:$0x7B7] =	sst s20  }
0x20: {  	s22 =	simm.s32 $0x3980;
	[smem:$0x7B8] =	sst s21  }
0x21: {  	s23 =	simm.s32 $0x2100;
	[smem:$0x7B9] =	sst s22  }
0x22: {  	s24 =	simm.s32 $0x3A00;
	[smem:$0x7BA] =	sst s23  }
0x23: {  	s25 =	simm.s32 $0x2180;
	[smem:$0x7BB] =	sst s24  }
0x24: {  	s26 =	simm.s32 $0x3A80;
	[smem:$0x7BC] =	sst s25  }
0x25: {  	s6 =	simm.s32 $0x2280;
	[smem:$0x7BD] =	sst s26  }
0x26: {  	s7 =	simm.s32 $0x3B80;
	[smem:$0x7C0] =	sst s6  }
0x27: {  	s8 =	simm.s32 $0x2300;
	[smem:$0x7C1] =	sst s7  }
0x28: {  	s9 =	simm.s32 $0x3C00;
	[smem:$0x7C2] =	sst s8  }
0x29: {  	s10 =	simm.s32 $0x2380;
	[smem:$0x7C3] =	sst s9  }
0x2a: {  	s12 =	simm.s32 $0x3C80;
	[smem:$0x7C4] =	sst s10  }
0x2b: {  	s13 =	simm.s32 $0x2400;
	[smem:$0x7C5] =	sst s12  }
0x2c: {  	s3 =	sshrl.u32 s3, $0x3;
	s14 =	simm.s32 $0x3D00;
	[smem:$0x7C6] =	sst s13  }
0x2d: {  	s5 =	sadd.s32 s3, s1;
	s3 =	sadd.s32 s4, s3;
	[smem:$0x7C7] =	sst s14  }
0x2e: {  	s4 =	simm.s32 $0x1C80;
	[smem:$0x7B6] =	sst s3  }
0x2f: {  	s15 =	simm.s32 $0x2480;
	[dreg:$0x11] =	wrdreg s4  }
0x30: {  	s16 =	simm.s32 $0x3D80;
	[smem:$0x7C8] =	sst s15  }
0x31: {  	s17 =	simm.s32 $0x2500;
	[smem:$0x7C9] =	sst s16  }
0x32: {  	s18 =	simm.s32 $0x3E00;
	[smem:$0x7CA] =	sst s17  }
0x33: {  	s19 =	simm.s32 $0x2580;
	[smem:$0x7CB] =	sst s18  }
0x34: {  	s20 =	simm.s32 $0x3E80;
	[smem:$0x7CC] =	sst s19  }
0x35: {  	s21 =	simm.s32 $0x2600;
	[smem:$0x7CD] =	sst s20  }
0x36: {  	s22 =	simm.s32 $0x3F00;
	[smem:$0x7CE] =	sst s21  }
0x37: {  	s23 =	simm.s32 $0x2680;
	[smem:$0x7CF] =	sst s22  }
0x38: {  	s24 =	simm.s32 $0x3F80;
	[smem:$0x7D0] =	sst s23  }
0x39: {  	s25 =	simm.s32 $0x2700;
	[smem:$0x7D1] =	sst s24  }
0x3a: {  	s26 =	simm.s32 $0x4000;
	[smem:$0x7D2] =	sst s25  }
0x3b: {  	s6 =	simm.s32 $0x2800;
	[smem:$0x7D3] =	sst s26  }
0x3c: {  	s7 =	simm.s32 $0x4100;
	[smem:$0x7D6] =	sst s6  }
0x3d: {  	s8 =	simm.s32 $0x2880;
	[smem:$0x7D7] =	sst s7  }
0x3e: {  	s9 =	simm.s32 $0x4180;
	[smem:$0x7D8] =	sst s8  }
0x3f: {  	s10 =	simm.s32 $0x2900;
	[smem:$0x7D9] =	sst s9  }
0x40: {  	s12 =	simm.s32 $0x4200;
	[smem:$0x7DA] =	sst s10  }
0x41: {  	s13 =	simm.s32 $0x2980;
	[smem:$0x7DB] =	sst s12  }
0x42: {  	s14 =	simm.s32 $0x4280;
	[smem:$0x7DC] =	sst s13  }
0x43: {  	s5 =	sadd.s32 $0xC00, s5;
	[smem:$0x7DD] =	sst s14  }
0x44: {  	s3 =	sadd.s32 $0x6400, s3;
	[dreg:$0x3] =	wrdreg s5  }
0x45: {  	s4 =	simm.s32 $0x2200;
	[dreg:$0x4] =	wrdreg s3  }
0x46: {  	s15 =	simm.s32 $0x2A00;
	[smem:$0x7BE] =	sst s4  }
0x47: {  	s16 =	simm.s32 $0x4300;
	[smem:$0x7DE] =	sst s15  }
0x48: {  	s17 =	simm.s32 $0x2A80;
	[smem:$0x7DF] =	sst s16  }
0x49: {  	s18 =	simm.s32 $0x4380;
	[smem:$0x7E0] =	sst s17  }
0x4a: {  	s19 =	simm.s32 $0x2B00;
	[smem:$0x7E1] =	sst s18  }
0x4b: {  	s20 =	simm.s32 $0x4400;
	[smem:$0x7E2] =	sst s19  }
0x4c: {  	s21 =	simm.s32 $0x2B80;
	[smem:$0x7E3] =	sst s20  }
0x4d: {  	s22 =	simm.s32 $0x4480;
	[smem:$0x7E4] =	sst s21  }
0x4e: {  	s23 =	simm.s32 $0x2C00;
	[smem:$0x7E5] =	sst s22  }
0x4f: {  	s24 =	simm.s32 $0x4500;
	[smem:$0x7E6] =	sst s23  }
0x50: {  	s25 =	simm.s32 $0x2C80;
	[smem:$0x7E7] =	sst s24  }
0x51: {  	s26 =	simm.s32 $0x4580;
	[smem:$0x7E8] =	sst s25  }
0x52: {  	s6 =	simm.s32 $0x2D80;
	[smem:$0x7E9] =	sst s26  }
0x53: {  	s10 =	simm.s32 $0x4680;
	[smem:$0x7EC] =	sst s6  }
0x54: {  	s12 =	simm.s32 $0x2E00;
	[smem:$0x7ED] =	sst s10  }
0x55: {  	s13 =	simm.s32 $0x4700;
	[smem:$0x7EE] =	sst s12  }
0x56: {  	s14 =	simm.s32 $0x2E80;
	[smem:$0x7EF] =	sst s13  }
0x57: {  	s5 =	simm.s32 $0x3580;
	[smem:$0x7F0] =	sst s14  }
0x58: {  	p0 =	por $0x0, $0x0;
	s4 =	simm.s32 $0x2780;
	[dreg:$0x12] =	wrdreg s5  }
0x59: {  	s31 =	simm.s32 $0x1000;
	s3 =	simm.s32 $0x2D00;
	[smem:$0x7D4] =	sst s4  }
0x5a: {  	s30 =	simm.s32 $0x1080;
	s15 =	simm.s32 $0x4780;
	[smem:$0x7EA] =	sst s3  }
0x5b: {  	s29 =	simm.s32 $0x1100;
	s16 =	simm.s32 $0x2F00;
	[smem:$0x7F1] =	sst s15  }
0x5c: {  	s28 =	simm.s32 $0x1180;
	s6 =	simm.s32 $0x4800;
	[smem:$0x7F2] =	sst s16  }
0x5d: {  	s0 =	ssub.s32 $0x2, s0;
	s17 =	simm.s32 $0x2F80;
	[smem:$0x7F3] =	sst s6  }
0x5e: {  	s8 =	sadd.s32 $0x7000, s1;
	s18 =	simm.s32 $0x4880;
	[smem:$0x7F4] =	sst s17  }
0x5f: {  	s9 =	sadd.s32 $0x25A00, s1;
	s19 =	simm.s32 $0x3000;
	[smem:$0x7F5] =	sst s18  }
0x60: {  	s10 =	simm.s32 $0x80;
	s20 =	simm.s32 $0x4900;
	[smem:$0x7F6] =	sst s19  }
0x61: {  	s21 =	simm.s32 $0x3080;
	s22 =	simm.s32 $0x4980;
	[smem:$0x7F7] =	sst s20  }
0x62: {  	s23 =	simm.s32 $0x3100;
	s24 =	simm.s32 $0x4A00;
	[smem:$0x7F8] =	sst s21  }
0x63: {  	s25 =	simm.s32 $0x3180;
	s26 =	simm.s32 $0x4A80;
	[smem:$0x7F9] =	sst s22  }
0x64: {  	s12 =	simm.s32 $0xE00;
	s14 =	simm.s32 $0x1800;
	[smem:$0x7FA] =	sst s23  }
0x65: {  	s13 =	simm.s32 $0x1880;
	s5 =	simm.s32 $0x3B00;
	[smem:$0x7FB] =	sst s24  }
0x66: {  	s4 =	sshrl.u32 s0, $0x1;
	s3 =	simm.s32 $0x3200;
	[smem:$0x7FC] =	sst s25  }
0x67: {  	[smem:$0x7FD] =	sst s26;
	s26 =	simm.s32 $0x1200;
	s25 =	simm.s32 $0x1280  }
0x68: {  	s24 =	simm.s32 $0x1300;
	s23 =	simm.s32 $0x1380;
	s0 =	ssub.s32 s0, s4  }
0x69: {  	s22 =	simm.s32 $0x1400;
	s21 =	simm.s32 $0x1480;
	s7 =	smax.u32 s0, $0x1  }
0x6a: {  	s20 =	simm.s32 $0x1500;
	s19 =	simm.s32 $0x1580;
	p1 =	sne.s32 s7, $0x1  }
.Ltmp0:
0x6b: {  	s18 =	simm.s32 $0x1600;
	s17 =	simm.s32 $0x1680;
	(pc) =	sbr.rel @!p1 .LBB2_5-.Ltmp0, $4  }
0x6c: {  	s16 =	simm.s32 $0x1700;
	s15 =	simm.s32 $0x1780;
	s6 =	rddreg [dreg:$0x3]  }
0x6d: {  	[smem:$0x7BF] =	sst s5;
	s5 =	simm.s32 $0x4080;
	s4 =	simm.s32 $0x2  }
0x6e: {  	[smem:$0x7D5] =	sst s5;
	s5 =	simm.s32 $0x4600;
	s0 =	simm.s32 $0x880  }
0x6f: {  	[smem:$0x7EB] =	sst s5;
	s1 =	sadd.s32 $0xFFFFFFFF, s7;
	s7 =	simm.s32 $0x1  }
0x70: {  	[tilespmem:s2], [sflag:$0x2] =	stream.linear.gather [hbm4b:s6+s2], $0x1900, $0x38;
	[tilespmem:$0x4B00] =	vst v63  }
0x71: {  	_ =	swait.ge [sflag:s4], $0x1900  }
0x72: {  	[sflag:s4] =	ssyncset.done $0x0  }
0x73: {  	s5 =	simm.s32 $0x1900;
	[sflag:s4] =	ssyncadd.s32 $0xFFFFE700  }
0x74: {  	[tilespmem:s5], [sflag:$0x1] =	stream.indirect.gather [hbm4b:s8+s10], $0x1, s2, s10, $0xb8;
	[tilespmem:$0x4B00] =	vst v63  }
0x75: {  	s11 =	rddreg [dreg:$0x6]  }
0x76: {  	[tilespmem:s3], [sflag:$0x1] =	stream.indirect.gather [hbm4b:s9+s10], $0x1, s2, s10, $0xb8;
	[tilespmem:$0x4B00] =	vst v63  }
0x77: {  	s5 =	rddreg [dreg:$0x5]  }
0x78: {  	[tilespmem:s5], [sflag:$0x1] =	stream.indirect.gather [hbm4b:s8+s10], $0x1, s10, s10, $0xb8;
	[tilespmem:$0x4B00] =	vst v63  }
0x79: {  	s6 =	rddreg [dreg:$0x7]  }
0x7a: {  	[tilespmem:s11], [sflag:$0x1] =	stream.indirect.gather [hbm4b:s9+s10], $0x1, s10, s10, $0xb8;
	[tilespmem:$0x4B00] =	vst v63  }
0x7b: {  	s3 =	rddreg [dreg:$0x8];
	s11 =	simm.s32 $0x100  }
0x7c: {  	[tilespmem:s6], [sflag:$0x1] =	stream.indirect.gather [hbm4b:s8+s10], $0x1, s11, s10, $0xb8;
	[tilespmem:$0x4B00] =	vst v63  }
0x7d: {  	s5 =	rddreg [dreg:$0xa]  }
0x7e: {  	[tilespmem:s3], [sflag:$0x1] =	stream.indirect.gather [hbm4b:s9+s10], $0x1, s11, s10, $0xb8;
	[tilespmem:$0x4B00] =	vst v63  }
0x7f: {  	s6 =	rddreg [dreg:$0x9];
	s3 =	simm.s32 $0x180  }
0x80: {  	[tilespmem:s6], [sflag:$0x1] =	stream.indirect.gather [hbm4b:s8+s10], $0x1, s3, s10, $0xb8;
	[tilespmem:$0x4B00] =	vst v63  }
0x81: {  	s6 =	rddreg [dreg:$0xb]  }
0x82: {  	[tilespmem:s5], [sflag:$0x1] =	stream.indirect.gather [hbm4b:s9+s10], $0x1, s3, s10, $0xb8;
	[tilespmem:$0x4B00] =	vst v63  }
0x83: {  	s5 =	rddreg [dreg:$0xc];
	s3 =	simm.s32 $0x200  }
0x84: {  	[tilespmem:s6], [sflag:$0x1] =	stream.indirect.gather [hbm4b:s8+s10], $0x1, s3, s10, $0xb8;
	[tilespmem:$0x4B00] =	vst v63  }
0x85: {  	s6 =	rddreg [dreg:$0xd]  }
0x86: {  	[tilespmem:s5], [sflag:$0x1] =	stream.indirect.gather [hbm4b:s9+s10], $0x1, s3, s10, $0xb8;
	[tilespmem:$0x4B00] =	vst v63  }
0x87: {  	s5 =	rddreg [dreg:$0xe];
	s3 =	simm.s32 $0x280  }
0x88: {  	[tilespmem:s6], [sflag:$0x1] =	stream.indirect.gather [hbm4b:s8+s10], $0x1, s3, s10, $0xb8;
	[tilespmem:$0x4B00] =	vst v63  }
0x89: {  	s6 =	rddreg [dreg:$0xf]  }
0x8a: {  	[tilespmem:s5], [sflag:$0x1] =	stream.indirect.gather [hbm4b:s9+s10], $0x1, s3, s10, $0xb8;
	[tilespmem:$0x4B00] =	vst v63  }
0x8b: {  	s5 =	rddreg [dreg:$0x10];
	s3 =	simm.s32 $0x300  }
0x8c: {  	[tilespmem:s6], [sflag:$0x1] =	stream.indirect.gather [hbm4b:s8+s10], $0x1, s3, s10, $0xb8;
	[tilespmem:$0x4B00] =	vst v63  }
0x8d: {  	s6 =	rddreg [dreg:$0x11]  }
0x8e: {  	[tilespmem:s5], [sflag:$0x1] =	stream.indirect.gather [hbm4b:s9+s10], $0x1, s3, s10, $0xb8;
	[tilespmem:$0x4B00] =	vst v63  }
0x8f: {  	s5 =	rddreg [dreg:$0x12];
	s3 =	simm.s32 $0x380  }
0x90: {  	[tilespmem:s6], [sflag:$0x1] =	stream.indirect.gather [hbm4b:s8+s10], $0x1, s3, s10, $0xb8;
	[tilespmem:$0x4B00] =	vst v63  }
0x91: {  	s6 =	rddreg [dreg:$0x13]  }
0x92: {  	[tilespmem:s5], [sflag:$0x1] =	stream.indirect.gather [hbm4b:s9+s10], $0x1, s3, s10, $0xb8;
	[tilespmem:$0x4B00] =	vst v63  }
0x93: {  	s5 =	rddreg [dreg:$0x14];
	s3 =	simm.s32 $0x400  }
0x94: {  	[tilespmem:s6], [sflag:$0x1] =	stream.indirect.gather [hbm4b:s8+s10], $0x1, s3, s10, $0xb8;
	[tilespmem:$0x4B00] =	vst v63  }
0x95: {  	s6 =	rddreg [dreg:$0x15]  }
0x96: {  	[tilespmem:s5], [sflag:$0x1] =	stream.indirect.gather [hbm4b:s9+s10], $0x1, s3, s10, $0xb8;
	[tilespmem:$0x4B00] =	vst v63  }
0x97: {  	s5 =	rddreg [dreg:$0x16];
	s3 =	simm.s32 $0x480  }
0x98: {  	[tilespmem:s6], [sflag:$0x1] =	stream.indirect.gather [hbm4b:s8+s10], $0x1, s3, s10, $0xb8;
	[tilespmem:$0x4B00] =	vst v63  }
0x99: {  	s6 =	rddreg [dreg:$0x17]  }
0x9a: {  	[tilespmem:s5], [sflag:$0x1] =	stream.indirect.gather [hbm4b:s9+s10], $0x1, s3, s10, $0xb8;
	[tilespmem:$0x4B00] =	vst v63  }
0x9b: {  	s5 =	rddreg [dreg:$0x18];
	s3 =	simm.s32 $0x500  }
0x9c: {  	[tilespmem:s6], [sflag:$0x1] =	stream.indirect.gather [hbm4b:s8+s10], $0x1, s3, s10, $0xb8;
	[tilespmem:$0x4B00] =	vst v63  }
0x9d: {  	s6 =	rddreg [dreg:$0x19]  }
0x9e: {  	[tilespmem:s5], [sflag:$0x1] =	stream.indirect.gather [hbm4b:s9+s10], $0x1, s3, s10, $0xb8;
	[tilespmem:$0x4B00] =	vst v63  }
0x9f: {  	s5 =	rddreg [dreg:$0x1a];
	s3 =	simm.s32 $0x580  }
0xa0: {  	[tilespmem:s6], [sflag:$0x1] =	stream.indirect.gather [hbm4b:s8+s10], $0x1, s3, s10, $0xb8;
	[tilespmem:$0x4B00] =	vst v63  }
0xa1: {  	s6 =	rddreg [dreg:$0x1b]  }
0xa2: {  	[tilespmem:s5], [sflag:$0x1] =	stream.indirect.gather [hbm4b:s9+s10], $0x1, s3, s10, $0xb8;
	[tilespmem:$0x4B00] =	vst v63  }
0xa3: {  	s5 =	rddreg [dreg:$0x1c];
	s3 =	simm.s32 $0x600  }
0xa4: {  	[tilespmem:s6], [sflag:$0x1] =	stream.indirect.gather [hbm4b:s8+s10], $0x1, s3, s10, $0xb8;
	[tilespmem:$0x4B00] =	vst v63  }
0xa5: {  	s6 =	rddreg [dreg:$0x1d]  }
0xa6: {  	[tilespmem:s5], [sflag:$0x1] =	stream.indirect.gather [hbm4b:s9+s10], $0x1, s3, s10, $0xb8;
	[tilespmem:$0x4B00] =	vst v63  }
0xa7: {  	s5 =	rddreg [dreg:$0x1e];
	s3 =	simm.s32 $0x680  }
0xa8: {  	[tilespmem:s6], [sflag:$0x1] =	stream.indirect.gather [hbm4b:s8+s10], $0x1, s3, s10, $0xb8;
	[tilespmem:$0x4B00] =	vst v63  }
0xa9: {  	s6 =	rddreg [dreg:$0x1f]  }
0xaa: {  	[tilespmem:s5], [sflag:$0x1] =	stream.indirect.gather [hbm4b:s9+s10], $0x1, s3, s10, $0xb8;
	[tilespmem:$0x4B00] =	vst v63  }
0xab: {  	s5 =	sld [smem:$0x7B7];
	s3 =	simm.s32 $0x700  }
0xac: {  	[tilespmem:s6], [sflag:$0x1] =	stream.indirect.gather [hbm4b:s8+s10], $0x1, s3, s10, $0xb8;
	[tilespmem:$0x4B00] =	vst v63  }
0xad: {  	s6 =	sld [smem:$0x7B8]  }
0xae: {  	[tilespmem:s5], [sflag:$0x1] =	stream.indirect.gather [hbm4b:s9+s10], $0x1, s3, s10, $0xb8;
	[tilespmem:$0x4B00] =	vst v63  }
0xaf: {  	s5 =	sld [smem:$0x7B9];
	s3 =	simm.s32 $0x780  }
0xb0: {  	[tilespmem:s6], [sflag:$0x1] =	stream.indirect.gather [hbm4b:s8+s10], $0x1, s3, s10, $0xb8;
	[tilespmem:$0x4B00] =	vst v63  }
0xb1: {  	s6 =	sld [smem:$0x7BA]  }
0xb2: {  	[tilespmem:s5], [sflag:$0x1] =	stream.indirect.gather [hbm4b:s9+s10], $0x1, s3, s10, $0xb8;
	[tilespmem:$0x4B00] =	vst v63  }
0xb3: {  	s5 =	sld [smem:$0x7BB];
	s3 =	simm.s32 $0x800  }
0xb4: {  	[tilespmem:s6], [sflag:$0x1] =	stream.indirect.gather [hbm4b:s8+s10], $0x1, s3, s10, $0xb8;
	[tilespmem:$0x4B00] =	vst v63  }
0xb5: {  	s6 =	sld [smem:$0x7BC]  }
0xb6: {  	[tilespmem:s5], [sflag:$0x1] =	stream.indirect.gather [hbm4b:s9+s10], $0x1, s3, s10, $0xb8;
	[tilespmem:$0x4B00] =	vst v63  }
0xb7: {  	s3 =	sld [smem:$0x7BD]  }
0xb8: {  	[tilespmem:s6], [sflag:$0x1] =	stream.indirect.gather [hbm4b:s8+s10], $0x1, s0, s10, $0xb8;
	[tilespmem:$0x4B00] =	vst v63  }
0xb9: {  	s6 =	sld [smem:$0x7BE]  }
0xba: {  	[tilespmem:s3], [sflag:$0x1] =	stream.indirect.gather [hbm4b:s9+s10], $0x1, s0, s10, $0xb8;
	[tilespmem:$0x4B00] =	vst v63  }
0xbb: {  	s5 =	sld [smem:$0x7BF];
	s3 =	simm.s32 $0x900  }
0xbc: {  	[tilespmem:s6], [sflag:$0x1] =	stream.indirect.gather [hbm4b:s8+s10], $0x1, s3, s10, $0xb8;
	[tilespmem:$0x4B00] =	vst v63  }
0xbd: {  	s6 =	sld [smem:$0x7C0]  }
0xbe: {  	[tilespmem:s5], [sflag:$0x1] =	stream.indirect.gather [hbm4b:s9+s10], $0x1, s3, s10, $0xb8;
	[tilespmem:$0x4B00] =	vst v63  }
0xbf: {  	s5 =	sld [smem:$0x7C1];
	s3 =	simm.s32 $0x980  }
0xc0: {  	[tilespmem:s6], [sflag:$0x1] =	stream.indirect.gather [hbm4b:s8+s10], $0x1, s3, s10, $0xb8;
	[tilespmem:$0x4B00] =	vst v63  }
0xc1: {  	s6 =	sld [smem:$0x7C2]  }
0xc2: {  	[tilespmem:s5], [sflag:$0x1] =	stream.indirect.gather [hbm4b:s9+s10], $0x1, s3, s10, $0xb8;
	[tilespmem:$0x4B00] =	vst v63  }
0xc3: {  	s5 =	sld [smem:$0x7C3];
	s3 =	simm.s32 $0xA00  }
0xc4: {  	[tilespmem:s6], [sflag:$0x1] =	stream.indirect.gather [hbm4b:s8+s10], $0x1, s3, s10, $0xb8;
	[tilespmem:$0x4B00] =	vst v63  }
0xc5: {  	s6 =	sld [smem:$0x7C4]  }
0xc6: {  	[tilespmem:s5], [sflag:$0x1] =	stream.indirect.gather [hbm4b:s9+s10], $0x1, s3, s10, $0xb8;
	[tilespmem:$0x4B00] =	vst v63  }
0xc7: {  	s5 =	sld [smem:$0x7C5];
	s3 =	simm.s32 $0xA80  }
0xc8: {  	[tilespmem:s6], [sflag:$0x1] =	stream.indirect.gather [hbm4b:s8+s10], $0x1, s3, s10, $0xb8;
	[tilespmem:$0x4B00] =	vst v63  }
0xc9: {  	s6 =	sld [smem:$0x7C6]  }
0xca: {  	[tilespmem:s5], [sflag:$0x1] =	stream.indirect.gather [hbm4b:s9+s10], $0x1, s3, s10, $0xb8;
	[tilespmem:$0x4B00] =	vst v63  }
0xcb: {  	s5 =	sld [smem:$0x7C7];
	s3 =	simm.s32 $0xB00  }
0xcc: {  	[tilespmem:s6], [sflag:$0x1] =	stream.indirect.gather [hbm4b:s8+s10], $0x1, s3, s10, $0xb8;
	[tilespmem:$0x4B00] =	vst v63  }
0xcd: {  	s6 =	sld [smem:$0x7C8]  }
0xce: {  	[tilespmem:s5], [sflag:$0x1] =	stream.indirect.gather [hbm4b:s9+s10], $0x1, s3, s10, $0xb8;
	[tilespmem:$0x4B00] =	vst v63  }
0xcf: {  	s5 =	sld [smem:$0x7C9];
	s3 =	simm.s32 $0xB80  }
0xd0: {  	[tilespmem:s6], [sflag:$0x1] =	stream.indirect.gather [hbm4b:s8+s10], $0x1, s3, s10, $0xb8;
	[tilespmem:$0x4B00] =	vst v63  }
0xd1: {  	s6 =	sld [smem:$0x7CA]  }
0xd2: {  	[tilespmem:s5], [sflag:$0x1] =	stream.indirect.gather [hbm4b:s9+s10], $0x1, s3, s10, $0xb8;
	[tilespmem:$0x4B00] =	vst v63  }
0xd3: {  	s5 =	sld [smem:$0x7CB];
	s3 =	simm.s32 $0xC00  }
0xd4: {  	[tilespmem:s6], [sflag:$0x1] =	stream.indirect.gather [hbm4b:s8+s10], $0x1, s3, s10, $0xb8;
	[tilespmem:$0x4B00] =	vst v63  }
0xd5: {  	s6 =	sld [smem:$0x7CC]  }
0xd6: {  	[tilespmem:s5], [sflag:$0x1] =	stream.indirect.gather [hbm4b:s9+s10], $0x1, s3, s10, $0xb8;
	[tilespmem:$0x4B00] =	vst v63  }
0xd7: {  	s5 =	sld [smem:$0x7CD];
	s3 =	simm.s32 $0xC80  }
0xd8: {  	[tilespmem:s6], [sflag:$0x1] =	stream.indirect.gather [hbm4b:s8+s10], $0x1, s3, s10, $0xb8;
	[tilespmem:$0x4B00] =	vst v63  }
0xd9: {  	s6 =	sld [smem:$0x7CE]  }
0xda: {  	[tilespmem:s5], [sflag:$0x1] =	stream.indirect.gather [hbm4b:s9+s10], $0x1, s3, s10, $0xb8;
	[tilespmem:$0x4B00] =	vst v63  }
0xdb: {  	s5 =	sld [smem:$0x7CF];
	s3 =	simm.s32 $0xD00  }
0xdc: {  	[tilespmem:s6], [sflag:$0x1] =	stream.indirect.gather [hbm4b:s8+s10], $0x1, s3, s10, $0xb8;
	[tilespmem:$0x4B00] =	vst v63  }
0xdd: {  	s6 =	sld [smem:$0x7D0]  }
0xde: {  	[tilespmem:s5], [sflag:$0x1] =	stream.indirect.gather [hbm4b:s9+s10], $0x1, s3, s10, $0xb8;
	[tilespmem:$0x4B00] =	vst v63  }
0xdf: {  	s5 =	sld [smem:$0x7D1];
	s3 =	simm.s32 $0xD80  }
0xe0: {  	[tilespmem:s6], [sflag:$0x1] =	stream.indirect.gather [hbm4b:s8+s10], $0x1, s3, s10, $0xb8;
	[tilespmem:$0x4B00] =	vst v63  }
0xe1: {  	s6 =	sld [smem:$0x7D2]  }
0xe2: {  	[tilespmem:s5], [sflag:$0x1] =	stream.indirect.gather [hbm4b:s9+s10], $0x1, s3, s10, $0xb8;
	[tilespmem:$0x4B00] =	vst v63  }
0xe3: {  	s3 =	sld [smem:$0x7D3]  }
0xe4: {  	[tilespmem:s6], [sflag:$0x1] =	stream.indirect.gather [hbm4b:s8+s10], $0x1, s12, s10, $0xb8;
	[tilespmem:$0x4B00] =	vst v63  }
0xe5: {  	s6 =	sld [smem:$0x7D4]  }
0xe6: {  	[tilespmem:s3], [sflag:$0x1] =	stream.indirect.gather [hbm4b:s9+s10], $0x1, s12, s10, $0xb8;
	[tilespmem:$0x4B00] =	vst v63  }
0xe7: {  	s5 =	sld [smem:$0x7D5];
	s3 =	simm.s32 $0xE80  }
0xe8: {  	[tilespmem:s6], [sflag:$0x1] =	stream.indirect.gather [hbm4b:s8+s10], $0x1, s3, s10, $0xb8;
	[tilespmem:$0x4B00] =	vst v63  }
0xe9: {  	s6 =	sld [smem:$0x7D6]  }
0xea: {  	[tilespmem:s5], [sflag:$0x1] =	stream.indirect.gather [hbm4b:s9+s10], $0x1, s3, s10, $0xb8;
	[tilespmem:$0x4B00] =	vst v63  }
0xeb: {  	s5 =	sld [smem:$0x7D7];
	s3 =	simm.s32 $0xF00  }
0xec: {  	[tilespmem:s6], [sflag:$0x1] =	stream.indirect.gather [hbm4b:s8+s10], $0x1, s3, s10, $0xb8;
	[tilespmem:$0x4B00] =	vst v63  }
0xed: {  	s6 =	sld [smem:$0x7D8]  }
0xee: {  	[tilespmem:s5], [sflag:$0x1] =	stream.indirect.gather [hbm4b:s9+s10], $0x1, s3, s10, $0xb8;
	[tilespmem:$0x4B00] =	vst v63  }
0xef: {  	s5 =	sld [smem:$0x7D9];
	s3 =	simm.s32 $0xF80  }
0xf0: {  	[tilespmem:s6], [sflag:$0x1] =	stream.indirect.gather [hbm4b:s8+s10], $0x1, s3, s10, $0xb8;
	[tilespmem:$0x4B00] =	vst v63  }
0xf1: {  	s6 =	sld [smem:$0x7DA]  }
0xf2: {  	[tilespmem:s5], [sflag:$0x1] =	stream.indirect.gather [hbm4b:s9+s10], $0x1, s3, s10, $0xb8;
	[tilespmem:$0x4B00] =	vst v63  }
0xf3: {  	s3 =	sld [smem:$0x7DB]  }
0xf4: {  	[tilespmem:s6], [sflag:$0x1] =	stream.indirect.gather [hbm4b:s8+s10], $0x1, s31, s10, $0xb8;
	[tilespmem:$0x4B00] =	vst v63  }
0xf5: {  	s6 =	sld [smem:$0x7DC]  }
0xf6: {  	[tilespmem:s3], [sflag:$0x1] =	stream.indirect.gather [hbm4b:s9+s10], $0x1, s31, s10, $0xb8;
	[tilespmem:$0x4B00] =	vst v63  }
0xf7: {  	s3 =	sld [smem:$0x7DD]  }
0xf8: {  	[tilespmem:s6], [sflag:$0x1] =	stream.indirect.gather [hbm4b:s8+s10], $0x1, s30, s10, $0xb8;
	[tilespmem:$0x4B00] =	vst v63  }
0xf9: {  	s6 =	sld [smem:$0x7DE]  }
0xfa: {  	[tilespmem:s3], [sflag:$0x1] =	stream.indirect.gather [hbm4b:s9+s10], $0x1, s30, s10, $0xb8;
	[tilespmem:$0x4B00] =	vst v63  }
0xfb: {  	s3 =	sld [smem:$0x7DF]  }
0xfc: {  	[tilespmem:s6], [sflag:$0x1] =	stream.indirect.gather [hbm4b:s8+s10], $0x1, s29, s10, $0xb8;
	[tilespmem:$0x4B00] =	vst v63  }
0xfd: {  	s6 =	sld [smem:$0x7E0]  }
0xfe: {  	[tilespmem:s3], [sflag:$0x1] =	stream.indirect.gather [hbm4b:s9+s10], $0x1, s29, s10, $0xb8;
	[tilespmem:$0x4B00] =	vst v63  }
0xff: {  	s3 =	sld [smem:$0x7E1]  }
0x100: {  	[tilespmem:s6], [sflag:$0x1] =	stream.indirect.gather [hbm4b:s8+s10], $0x1, s28, s10, $0xb8;
	[tilespmem:$0x4B00] =	vst v63  }
0x101: {  	s6 =	sld [smem:$0x7E2]  }
0x102: {  	[tilespmem:s3], [sflag:$0x1] =	stream.indirect.gather [hbm4b:s9+s10], $0x1, s28, s10, $0xb8;
	[tilespmem:$0x4B00] =	vst v63  }
0x103: {  	s3 =	sld [smem:$0x7E3]  }
0x104: {  	[tilespmem:s6], [sflag:$0x1] =	stream.indirect.gather [hbm4b:s8+s10], $0x1, s26, s10, $0xb8;
	[tilespmem:$0x4B00] =	vst v63  }
0x105: {  	s6 =	sld [smem:$0x7E4]  }
0x106: {  	[tilespmem:s3], [sflag:$0x1] =	stream.indirect.gather [hbm4b:s9+s10], $0x1, s26, s10, $0xb8;
	[tilespmem:$0x4B00] =	vst v63  }
0x107: {  	s3 =	sld [smem:$0x7E5]  }
0x108: {  	[tilespmem:s6], [sflag:$0x1] =	stream.indirect.gather [hbm4b:s8+s10], $0x1, s25, s10, $0xb8;
	[tilespmem:$0x4B00] =	vst v63  }
0x109: {  	s6 =	sld [smem:$0x7E6]  }
0x10a: {  	[tilespmem:s3], [sflag:$0x1] =	stream.indirect.gather [hbm4b:s9+s10], $0x1, s25, s10, $0xb8;
	[tilespmem:$0x4B00] =	vst v63  }
0x10b: {  	s3 =	sld [smem:$0x7E7]  }
0x10c: {  	[tilespmem:s6], [sflag:$0x1] =	stream.indirect.gather [hbm4b:s8+s10], $0x1, s24, s10, $0xb8;
	[tilespmem:$0x4B00] =	vst v63  }
0x10d: {  	s6 =	sld [smem:$0x7E8]  }
0x10e: {  	[tilespmem:s3], [sflag:$0x1] =	stream.indirect.gather [hbm4b:s9+s10], $0x1, s24, s10, $0xb8;
	[tilespmem:$0x4B00] =	vst v63  }
0x10f: {  	s3 =	sld [smem:$0x7E9]  }
0x110: {  	[tilespmem:s6], [sflag:$0x1] =	stream.indirect.gather [hbm4b:s8+s10], $0x1, s23, s10, $0xb8;
	[tilespmem:$0x4B00] =	vst v63  }
0x111: {  	s6 =	sld [smem:$0x7EA]  }
0x112: {  	[tilespmem:s3], [sflag:$0x1] =	stream.indirect.gather [hbm4b:s9+s10], $0x1, s23, s10, $0xb8;
	[tilespmem:$0x4B00] =	vst v63  }
0x113: {  	s3 =	sld [smem:$0x7EB]  }
0x114: {  	[tilespmem:s6], [sflag:$0x1] =	stream.indirect.gather [hbm4b:s8+s10], $0x1, s22, s10, $0xb8;
	[tilespmem:$0x4B00] =	vst v63  }
0x115: {  	s6 =	sld [smem:$0x7EC]  }
0x116: {  	[tilespmem:s3], [sflag:$0x1] =	stream.indirect.gather [hbm4b:s9+s10], $0x1, s22, s10, $0xb8;
	[tilespmem:$0x4B00] =	vst v63  }
0x117: {  	s3 =	sld [smem:$0x7ED]  }
0x118: {  	[tilespmem:s6], [sflag:$0x1] =	stream.indirect.gather [hbm4b:s8+s10], $0x1, s21, s10, $0xb8;
	[tilespmem:$0x4B00] =	vst v63  }
0x119: {  	s6 =	sld [smem:$0x7EE]  }
0x11a: {  	[tilespmem:s3], [sflag:$0x1] =	stream.indirect.gather [hbm4b:s9+s10], $0x1, s21, s10, $0xb8;
	[tilespmem:$0x4B00] =	vst v63  }
0x11b: {  	s3 =	sld [smem:$0x7EF]  }
0x11c: {  	[tilespmem:s6], [sflag:$0x1] =	stream.indirect.gather [hbm4b:s8+s10], $0x1, s20, s10, $0xb8;
	[tilespmem:$0x4B00] =	vst v63  }
0x11d: {  	s6 =	sld [smem:$0x7F0]  }
0x11e: {  	[tilespmem:s3], [sflag:$0x1] =	stream.indirect.gather [hbm4b:s9+s10], $0x1, s20, s10, $0xb8;
	[tilespmem:$0x4B00] =	vst v63  }
0x11f: {  	s3 =	sld [smem:$0x7F1]  }
0x120: {  	[tilespmem:s6], [sflag:$0x1] =	stream.indirect.gather [hbm4b:s8+s10], $0x1, s19, s10, $0xb8;
	[tilespmem:$0x4B00] =	vst v63  }
0x121: {  	s6 =	sld [smem:$0x7F2]  }
0x122: {  	[tilespmem:s3], [sflag:$0x1] =	stream.indirect.gather [hbm4b:s9+s10], $0x1, s19, s10, $0xb8;
	[tilespmem:$0x4B00] =	vst v63  }
0x123: {  	s3 =	sld [smem:$0x7F3]  }
0x124: {  	[tilespmem:s6], [sflag:$0x1] =	stream.indirect.gather [hbm4b:s8+s10], $0x1, s18, s10, $0xb8;
	[tilespmem:$0x4B00] =	vst v63  }
0x125: {  	s6 =	sld [smem:$0x7F4]  }
0x126: {  	[tilespmem:s3], [sflag:$0x1] =	stream.indirect.gather [hbm4b:s9+s10], $0x1, s18, s10, $0xb8;
	[tilespmem:$0x4B00] =	vst v63  }
0x127: {  	s3 =	sld [smem:$0x7F5]  }
0x128: {  	[tilespmem:s6], [sflag:$0x1] =	stream.indirect.gather [hbm4b:s8+s10], $0x1, s17, s10, $0xb8;
	[tilespmem:$0x4B00] =	vst v63  }
0x129: {  	s6 =	sld [smem:$0x7F6]  }
0x12a: {  	[tilespmem:s3], [sflag:$0x1] =	stream.indirect.gather [hbm4b:s9+s10], $0x1, s17, s10, $0xb8;
	[tilespmem:$0x4B00] =	vst v63  }
0x12b: {  	s3 =	sld [smem:$0x7F7]  }
0x12c: {  	[tilespmem:s6], [sflag:$0x1] =	stream.indirect.gather [hbm4b:s8+s10], $0x1, s16, s10, $0xb8;
	[tilespmem:$0x4B00] =	vst v63  }
0x12d: {  	s6 =	sld [smem:$0x7F8]  }
0x12e: {  	[tilespmem:s3], [sflag:$0x1] =	stream.indirect.gather [hbm4b:s9+s10], $0x1, s16, s10, $0xb8;
	[tilespmem:$0x4B00] =	vst v63  }
0x12f: {  	s3 =	sld [smem:$0x7F9]  }
0x130: {  	[tilespmem:s6], [sflag:$0x1] =	stream.indirect.gather [hbm4b:s8+s10], $0x1, s15, s10, $0xb8;
	[tilespmem:$0x4B00] =	vst v63  }
0x131: {  	s6 =	sld [smem:$0x7FA]  }
0x132: {  	[tilespmem:s3], [sflag:$0x1] =	stream.indirect.gather [hbm4b:s9+s10], $0x1, s15, s10, $0xb8;
	[tilespmem:$0x4B00] =	vst v63  }
0x133: {  	s3 =	sld [smem:$0x7FB]  }
0x134: {  	[tilespmem:s6], [sflag:$0x1] =	stream.indirect.gather [hbm4b:s8+s10], $0x1, s14, s10, $0xb8;
	[tilespmem:$0x4B00] =	vst v63  }
0x135: {  	s6 =	sld [smem:$0x7FC]  }
0x136: {  	[tilespmem:s3], [sflag:$0x1] =	stream.indirect.gather [hbm4b:s9+s10], $0x1, s14, s10, $0xb8;
	[tilespmem:$0x4B00] =	vst v63  }
0x137: {  	s3 =	sld [smem:$0x7FD]  }
0x138: {  	[tilespmem:s6], [sflag:$0x1] =	stream.indirect.gather [hbm4b:s8+s10], $0x1, s13, s10, $0xb8;
	[tilespmem:$0x4B00] =	vst v63  }
0x139: {  	_ = 	snop  }
0x13a: {  	[tilespmem:s3], [sflag:$0x1] =	stream.indirect.gather [hbm4b:s9+s10], $0x1, s13, s10, $0xb8;
	[tilespmem:$0x4B00] =	vst v63  }
0x13b: {  	_ =	swait.ge [sflag:s7], $0x80  }
0x13c: {  	[sflag:s7] =	ssyncset.done $0x0  }
0x13d: {  	[sflag:s7] =	ssyncadd.s32 $0xFFFFFF80  }
0x13e: {  	_ =	swait.ge [sflag:s7], $0x80  }
0x13f: {  	[sflag:s7] =	ssyncset.done $0x0  }
0x140: {  	[sflag:s7] =	ssyncadd.s32 $0xFFFFFF80  }
0x141: {  	_ =	swait.ge [sflag:s7], $0x80  }
0x142: {  	[sflag:s7] =	ssyncset.done $0x0  }
0x143: {  	[sflag:s7] =	ssyncadd.s32 $0xFFFFFF80  }
0x144: {  	_ =	swait.ge [sflag:s7], $0x80  }
0x145: {  	[sflag:s7] =	ssyncset.done $0x0  }
0x146: {  	[sflag:s7] =	ssyncadd.s32 $0xFFFFFF80  }
0x147: {  	_ =	swait.ge [sflag:s7], $0x80  }
0x148: {  	[sflag:s7] =	ssyncset.done $0x0  }
0x149: {  	[sflag:s7] =	ssyncadd.s32 $0xFFFFFF80  }
0x14a: {  	_ =	swait.ge [sflag:s7], $0x80  }
0x14b: {  	[sflag:s7] =	ssyncset.done $0x0  }
0x14c: {  	[sflag:s7] =	ssyncadd.s32 $0xFFFFFF80  }
0x14d: {  	_ =	swait.ge [sflag:s7], $0x80  }
0x14e: {  	[sflag:s7] =	ssyncset.done $0x0  }
0x14f: {  	[sflag:s7] =	ssyncadd.s32 $0xFFFFFF80  }
0x150: {  	_ =	swait.ge [sflag:s7], $0x80  }
0x151: {  	[sflag:s7] =	ssyncset.done $0x0  }
0x152: {  	[sflag:s7] =	ssyncadd.s32 $0xFFFFFF80  }
0x153: {  	_ =	swait.ge [sflag:s7], $0x80  }
0x154: {  	[sflag:s7] =	ssyncset.done $0x0  }
0x155: {  	[sflag:s7] =	ssyncadd.s32 $0xFFFFFF80  }
0x156: {  	_ =	swait.ge [sflag:s7], $0x80  }
0x157: {  	[sflag:s7] =	ssyncset.done $0x0  }
0x158: {  	[sflag:s7] =	ssyncadd.s32 $0xFFFFFF80  }
0x159: {  	_ =	swait.ge [sflag:s7], $0x80  }
0x15a: {  	[sflag:s7] =	ssyncset.done $0x0  }
0x15b: {  	[sflag:s7] =	ssyncadd.s32 $0xFFFFFF80  }
0x15c: {  	_ =	swait.ge [sflag:s7], $0x80  }
0x15d: {  	[sflag:s7] =	ssyncset.done $0x0  }
0x15e: {  	[sflag:s7] =	ssyncadd.s32 $0xFFFFFF80  }
0x15f: {  	_ =	swait.ge [sflag:s7], $0x80  }
0x160: {  	[sflag:s7] =	ssyncset.done $0x0  }
0x161: {  	[sflag:s7] =	ssyncadd.s32 $0xFFFFFF80  }
0x162: {  	_ =	swait.ge [sflag:s7], $0x80  }
0x163: {  	[sflag:s7] =	ssyncset.done $0x0  }
0x164: {  	[sflag:s7] =	ssyncadd.s32 $0xFFFFFF80  }
0x165: {  	_ =	swait.ge [sflag:s7], $0x80  }
0x166: {  	[sflag:s7] =	ssyncset.done $0x0  }
0x167: {  	[sflag:s7] =	ssyncadd.s32 $0xFFFFFF80  }
0x168: {  	_ =	swait.ge [sflag:s7], $0x80  }
0x169: {  	[sflag:s7] =	ssyncset.done $0x0  }
0x16a: {  	[sflag:s7] =	ssyncadd.s32 $0xFFFFFF80  }
0x16b: {  	_ =	swait.ge [sflag:s7], $0x80  }
0x16c: {  	[sflag:s7] =	ssyncset.done $0x0  }
0x16d: {  	[sflag:s7] =	ssyncadd.s32 $0xFFFFFF80  }
0x16e: {  	_ =	swait.ge [sflag:s7], $0x80  }
0x16f: {  	[sflag:s7] =	ssyncset.done $0x0  }
0x170: {  	[sflag:s7] =	ssyncadd.s32 $0xFFFFFF80  }
0x171: {  	_ =	swait.ge [sflag:s7], $0x80  }
0x172: {  	[sflag:s7] =	ssyncset.done $0x0  }
0x173: {  	[sflag:s7] =	ssyncadd.s32 $0xFFFFFF80  }
0x174: {  	_ =	swait.ge [sflag:s7], $0x80  }
0x175: {  	[sflag:s7] =	ssyncset.done $0x0  }
0x176: {  	[sflag:s7] =	ssyncadd.s32 $0xFFFFFF80  }
0x177: {  	_ =	swait.ge [sflag:s7], $0x80  }
0x178: {  	[sflag:s7] =	ssyncset.done $0x0  }
0x179: {  	[sflag:s7] =	ssyncadd.s32 $0xFFFFFF80  }
0x17a: {  	_ =	swait.ge [sflag:s7], $0x80  }
0x17b: {  	[sflag:s7] =	ssyncset.done $0x0  }
0x17c: {  	[sflag:s7] =	ssyncadd.s32 $0xFFFFFF80  }
0x17d: {  	_ =	swait.ge [sflag:s7], $0x80  }
0x17e: {  	[sflag:s7] =	ssyncset.done $0x0  }
0x17f: {  	[sflag:s7] =	ssyncadd.s32 $0xFFFFFF80  }
0x180: {  	_ =	swait.ge [sflag:s7], $0x80  }
0x181: {  	[sflag:s7] =	ssyncset.done $0x0  }
0x182: {  	[sflag:s7] =	ssyncadd.s32 $0xFFFFFF80  }
0x183: {  	_ =	swait.ge [sflag:s7], $0x80  }
0x184: {  	[sflag:s7] =	ssyncset.done $0x0  }
0x185: {  	[sflag:s7] =	ssyncadd.s32 $0xFFFFFF80  }
0x186: {  	_ =	swait.ge [sflag:s7], $0x80  }
0x187: {  	[sflag:s7] =	ssyncset.done $0x0  }
0x188: {  	[sflag:s7] =	ssyncadd.s32 $0xFFFFFF80  }
0x189: {  	_ =	swait.ge [sflag:s7], $0x80  }
0x18a: {  	[sflag:s7] =	ssyncset.done $0x0  }
0x18b: {  	[sflag:s7] =	ssyncadd.s32 $0xFFFFFF80  }
0x18c: {  	_ =	swait.ge [sflag:s7], $0x80  }
0x18d: {  	[sflag:s7] =	ssyncset.done $0x0  }
0x18e: {  	[sflag:s7] =	ssyncadd.s32 $0xFFFFFF80  }
0x18f: {  	_ =	swait.ge [sflag:s7], $0x80  }
0x190: {  	[sflag:s7] =	ssyncset.done $0x0  }
0x191: {  	[sflag:s7] =	ssyncadd.s32 $0xFFFFFF80  }
0x192: {  	_ =	swait.ge [sflag:s7], $0x80  }
0x193: {  	[sflag:s7] =	ssyncset.done $0x0  }
0x194: {  	[sflag:s7] =	ssyncadd.s32 $0xFFFFFF80  }
0x195: {  	_ =	swait.ge [sflag:s7], $0x80  }
0x196: {  	[sflag:s7] =	ssyncset.done $0x0  }
0x197: {  	[sflag:s7] =	ssyncadd.s32 $0xFFFFFF80  }
0x198: {  	_ =	swait.ge [sflag:s7], $0x80  }
0x199: {  	[sflag:s7] =	ssyncset.done $0x0  }
0x19a: {  	[sflag:s7] =	ssyncadd.s32 $0xFFFFFF80  }
0x19b: {  	_ =	swait.ge [sflag:s7], $0x80  }
0x19c: {  	[sflag:s7] =	ssyncset.done $0x0  }
0x19d: {  	[sflag:s7] =	ssyncadd.s32 $0xFFFFFF80  }
0x19e: {  	_ =	swait.ge [sflag:s7], $0x80  }
0x19f: {  	[sflag:s7] =	ssyncset.done $0x0  }
0x1a0: {  	[sflag:s7] =	ssyncadd.s32 $0xFFFFFF80  }
0x1a1: {  	_ =	swait.ge [sflag:s7], $0x80  }
0x1a2: {  	[sflag:s7] =	ssyncset.done $0x0  }
0x1a3: {  	[sflag:s7] =	ssyncadd.s32 $0xFFFFFF80  }
0x1a4: {  	_ =	swait.ge [sflag:s7], $0x80  }
0x1a5: {  	[sflag:s7] =	ssyncset.done $0x0  }
0x1a6: {  	[sflag:s7] =	ssyncadd.s32 $0xFFFFFF80  }
0x1a7: {  	_ =	swait.ge [sflag:s7], $0x80  }
0x1a8: {  	[sflag:s7] =	ssyncset.done $0x0  }
0x1a9: {  	[sflag:s7] =	ssyncadd.s32 $0xFFFFFF80  }
0x1aa: {  	_ =	swait.ge [sflag:s7], $0x80  }
0x1ab: {  	[sflag:s7] =	ssyncset.done $0x0  }
0x1ac: {  	[sflag:s7] =	ssyncadd.s32 $0xFFFFFF80  }
0x1ad: {  	_ =	swait.ge [sflag:s7], $0x80  }
0x1ae: {  	[sflag:s7] =	ssyncset.done $0x0  }
0x1af: {  	[sflag:s7] =	ssyncadd.s32 $0xFFFFFF80  }
0x1b0: {  	_ =	swait.ge [sflag:s7], $0x80  }
0x1b1: {  	[sflag:s7] =	ssyncset.done $0x0  }
0x1b2: {  	[sflag:s7] =	ssyncadd.s32 $0xFFFFFF80  }
0x1b3: {  	_ =	swait.ge [sflag:s7], $0x80  }
0x1b4: {  	[sflag:s7] =	ssyncset.done $0x0  }
0x1b5: {  	[sflag:s7] =	ssyncadd.s32 $0xFFFFFF80  }
0x1b6: {  	_ =	swait.ge [sflag:s7], $0x80  }
0x1b7: {  	[sflag:s7] =	ssyncset.done $0x0  }
0x1b8: {  	[sflag:s7] =	ssyncadd.s32 $0xFFFFFF80  }
0x1b9: {  	_ =	swait.ge [sflag:s7], $0x80  }
0x1ba: {  	[sflag:s7] =	ssyncset.done $0x0  }
0x1bb: {  	[sflag:s7] =	ssyncadd.s32 $0xFFFFFF80  }
0x1bc: {  	_ =	swait.ge [sflag:s7], $0x80  }
0x1bd: {  	[sflag:s7] =	ssyncset.done $0x0  }
0x1be: {  	[sflag:s7] =	ssyncadd.s32 $0xFFFFFF80  }
0x1bf: {  	_ =	swait.ge [sflag:s7], $0x80  }
0x1c0: {  	[sflag:s7] =	ssyncset.done $0x0  }
0x1c1: {  	[sflag:s7] =	ssyncadd.s32 $0xFFFFFF80  }
0x1c2: {  	_ =	swait.ge [sflag:s7], $0x80  }
0x1c3: {  	[sflag:s7] =	ssyncset.done $0x0  }
0x1c4: {  	[sflag:s7] =	ssyncadd.s32 $0xFFFFFF80  }
0x1c5: {  	_ =	swait.ge [sflag:s7], $0x80  }
0x1c6: {  	[sflag:s7] =	ssyncset.done $0x0  }
0x1c7: {  	[sflag:s7] =	ssyncadd.s32 $0xFFFFFF80  }
0x1c8: {  	_ =	swait.ge [sflag:s7], $0x80  }
0x1c9: {  	[sflag:s7] =	ssyncset.done $0x0  }
0x1ca: {  	[sflag:s7] =	ssyncadd.s32 $0xFFFFFF80  }
0x1cb: {  	_ =	swait.ge [sflag:s7], $0x80  }
0x1cc: {  	[sflag:s7] =	ssyncset.done $0x0  }
0x1cd: {  	[sflag:s7] =	ssyncadd.s32 $0xFFFFFF80  }
0x1ce: {  	_ =	swait.ge [sflag:s7], $0x80  }
0x1cf: {  	[sflag:s7] =	ssyncset.done $0x0  }
0x1d0: {  	[sflag:s7] =	ssyncadd.s32 $0xFFFFFF80  }
0x1d1: {  	_ =	swait.ge [sflag:s7], $0x80  }
0x1d2: {  	[sflag:s7] =	ssyncset.done $0x0  }
0x1d3: {  	[sflag:s7] =	ssyncadd.s32 $0xFFFFFF80  }
0x1d4: {  	_ =	swait.ge [sflag:s7], $0x80  }
0x1d5: {  	[sflag:s7] =	ssyncset.done $0x0  }
0x1d6: {  	[sflag:s7] =	ssyncadd.s32 $0xFFFFFF80  }
0x1d7: {  	_ =	swait.ge [sflag:s7], $0x80  }
0x1d8: {  	[sflag:s7] =	ssyncset.done $0x0  }
0x1d9: {  	[sflag:s7] =	ssyncadd.s32 $0xFFFFFF80  }
0x1da: {  	_ =	swait.ge [sflag:s7], $0x80  }
0x1db: {  	[sflag:s7] =	ssyncset.done $0x0  }
0x1dc: {  	[sflag:s7] =	ssyncadd.s32 $0xFFFFFF80  }
0x1dd: {  	_ =	swait.ge [sflag:s7], $0x80  }
0x1de: {  	[sflag:s7] =	ssyncset.done $0x0  }
0x1df: {  	[sflag:s7] =	ssyncadd.s32 $0xFFFFFF80  }
0x1e0: {  	_ =	swait.ge [sflag:s7], $0x80  }
0x1e1: {  	[sflag:s7] =	ssyncset.done $0x0  }
0x1e2: {  	[sflag:s7] =	ssyncadd.s32 $0xFFFFFF80  }
0x1e3: {  	_ =	swait.ge [sflag:s7], $0x80  }
0x1e4: {  	[sflag:s7] =	ssyncset.done $0x0  }
0x1e5: {  	[sflag:s7] =	ssyncadd.s32 $0xFFFFFF80  }
0x1e6: {  	_ =	swait.ge [sflag:s7], $0x80  }
0x1e7: {  	[sflag:s7] =	ssyncset.done $0x0  }
0x1e8: {  	[sflag:s7] =	ssyncadd.s32 $0xFFFFFF80  }
0x1e9: {  	_ =	swait.ge [sflag:s7], $0x80  }
0x1ea: {  	[sflag:s7] =	ssyncset.done $0x0  }
0x1eb: {  	[sflag:s7] =	ssyncadd.s32 $0xFFFFFF80  }
0x1ec: {  	_ =	swait.ge [sflag:s7], $0x80  }
0x1ed: {  	[sflag:s7] =	ssyncset.done $0x0  }
0x1ee: {  	[sflag:s7] =	ssyncadd.s32 $0xFFFFFF80  }
0x1ef: {  	_ =	swait.ge [sflag:s7], $0x80  }
0x1f0: {  	[sflag:s7] =	ssyncset.done $0x0  }
0x1f1: {  	[sflag:s7] =	ssyncadd.s32 $0xFFFFFF80  }
0x1f2: {  	_ =	swait.ge [sflag:s7], $0x80  }
0x1f3: {  	[sflag:s7] =	ssyncset.done $0x0  }
0x1f4: {  	[sflag:s7] =	ssyncadd.s32 $0xFFFFFF80  }
0x1f5: {  	_ =	swait.ge [sflag:s7], $0x80  }
0x1f6: {  	[sflag:s7] =	ssyncset.done $0x0  }
0x1f7: {  	[sflag:s7] =	ssyncadd.s32 $0xFFFFFF80  }
0x1f8: {  	_ =	swait.ge [sflag:s7], $0x80  }
0x1f9: {  	[sflag:s7] =	ssyncset.done $0x0  }
0x1fa: {  	[sflag:s7] =	ssyncadd.s32 $0xFFFFFF80  }
0x1fb: {  	_ =	swait.ge [sflag:s7], $0x80  }
0x1fc: {  	[sflag:s7] =	ssyncset.done $0x0  }
0x1fd: {  	[sflag:s7] =	ssyncadd.s32 $0xFFFFFF80  }
0x1fe: {  	_ =	swait.ge [sflag:s7], $0x80  }
0x1ff: {  	[sflag:s7] =	ssyncset.done $0x0  }
0x200: {  	[sflag:s7] =	ssyncadd.s32 $0xFFFFFF80  }
0x201: {  	_ =	swait.ge [sflag:s7], $0x80  }
0x202: {  	[sflag:s7] =	ssyncset.done $0x0  }
0x203: {  	[sflag:s7] =	ssyncadd.s32 $0xFFFFFF80  }
0x204: {  	_ =	swait.ge [sflag:s7], $0x80  }
0x205: {  	[sflag:s7] =	ssyncset.done $0x0  }
0x206: {  	[sflag:s7] =	ssyncadd.s32 $0xFFFFFF80  }
0x207: {  	_ =	swait.ge [sflag:s7], $0x80  }
0x208: {  	[sflag:s7] =	ssyncset.done $0x0  }
0x209: {  	[sflag:s7] =	ssyncadd.s32 $0xFFFFFF80  }
0x20a: {  	_ =	swait.ge [sflag:s7], $0x80  }
0x20b: {  	[sflag:s7] =	ssyncset.done $0x0  }
0x20c: {  	[sflag:s7] =	ssyncadd.s32 $0xFFFFFF80  }
0x20d: {  	_ =	swait.ge [sflag:s7], $0x80  }
0x20e: {  	[sflag:s7] =	ssyncset.done $0x0  }
0x20f: {  	[sflag:s7] =	ssyncadd.s32 $0xFFFFFF80  }
0x210: {  	_ =	swait.ge [sflag:s7], $0x80  }
0x211: {  	[sflag:s7] =	ssyncset.done $0x0  }
0x212: {  	[sflag:s7] =	ssyncadd.s32 $0xFFFFFF80  }
0x213: {  	_ =	swait.ge [sflag:s7], $0x80  }
0x214: {  	[sflag:s7] =	ssyncset.done $0x0  }
0x215: {  	[sflag:s7] =	ssyncadd.s32 $0xFFFFFF80  }
0x216: {  	_ =	swait.ge [sflag:s7], $0x80  }
0x217: {  	[sflag:s7] =	ssyncset.done $0x0  }
0x218: {  	[sflag:s7] =	ssyncadd.s32 $0xFFFFFF80  }
0x219: {  	_ =	swait.ge [sflag:s7], $0x80  }
0x21a: {  	[sflag:s7] =	ssyncset.done $0x0  }
0x21b: {  	[sflag:s7] =	ssyncadd.s32 $0xFFFFFF80  }
0x21c: {  	_ =	swait.ge [sflag:s7], $0x80  }
0x21d: {  	[sflag:s7] =	ssyncset.done $0x0  }
0x21e: {  	[sflag:s7] =	ssyncadd.s32 $0xFFFFFF80  }
0x21f: {  	_ =	swait.ge [sflag:s7], $0x80  }
0x220: {  	[sflag:s7] =	ssyncset.done $0x0  }
0x221: {  	[sflag:s7] =	ssyncadd.s32 $0xFFFFFF80  }
0x222: {  	_ =	swait.ge [sflag:s7], $0x80  }
0x223: {  	[sflag:s7] =	ssyncset.done $0x0  }
0x224: {  	[sflag:s7] =	ssyncadd.s32 $0xFFFFFF80  }
0x225: {  	_ =	swait.ge [sflag:s7], $0x80  }
0x226: {  	[sflag:s7] =	ssyncset.done $0x0  }
0x227: {  	[sflag:s7] =	ssyncadd.s32 $0xFFFFFF80  }
0x228: {  	_ =	swait.ge [sflag:s7], $0x80  }
0x229: {  	[sflag:s7] =	ssyncset.done $0x0  }
0x22a: {  	[sflag:s7] =	ssyncadd.s32 $0xFFFFFF80  }
0x22b: {  	_ =	swait.ge [sflag:s7], $0x80  }
0x22c: {  	[sflag:s7] =	ssyncset.done $0x0  }
0x22d: {  	[sflag:s7] =	ssyncadd.s32 $0xFFFFFF80  }
0x22e: {  	_ =	swait.ge [sflag:s7], $0x80  }
0x22f: {  	[sflag:s7] =	ssyncset.done $0x0  }
0x230: {  	[sflag:s7] =	ssyncadd.s32 $0xFFFFFF80  }
0x231: {  	_ =	swait.ge [sflag:s7], $0x80  }
0x232: {  	[sflag:s7] =	ssyncset.done $0x0  }
0x233: {  	[sflag:s7] =	ssyncadd.s32 $0xFFFFFF80  }
0x234: {  	_ =	swait.ge [sflag:s7], $0x80  }
0x235: {  	[sflag:s7] =	ssyncset.done $0x0  }
0x236: {  	[sflag:s7] =	ssyncadd.s32 $0xFFFFFF80  }
0x237: {  	_ =	swait.ge [sflag:s7], $0x80  }
0x238: {  	[sflag:s7] =	ssyncset.done $0x0  }
0x239: {  	[sflag:s7] =	ssyncadd.s32 $0xFFFFFF80  }
0x23a: {  	_ =	swait.ge [sflag:s7], $0x80  }
0x23b: {  	[sflag:s7] =	ssyncset.done $0x0  }
0x23c: {  	[sflag:s7] =	ssyncadd.s32 $0xFFFFFF80  }
0x23d: {  	_ =	swait.ge [sflag:s7], $0x80  }
0x23e: {  	[sflag:s7] =	ssyncset.done $0x0  }
0x23f: {  	[sflag:s7] =	ssyncadd.s32 $0xFFFFFF80  }
0x240: {  	_ =	swait.ge [sflag:s7], $0x80  }
0x241: {  	[sflag:s7] =	ssyncset.done $0x0  }
0x242: {  	[sflag:s7] =	ssyncadd.s32 $0xFFFFFF80  }
0x243: {  	_ =	swait.ge [sflag:s7], $0x80  }
0x244: {  	[sflag:s7] =	ssyncset.done $0x0  }
0x245: {  	[sflag:s7] =	ssyncadd.s32 $0xFFFFFF80  }
0x246: {  	_ =	swait.ge [sflag:s7], $0x80  }
0x247: {  	[sflag:s7] =	ssyncset.done $0x0  }
0x248: {  	[sflag:s7] =	ssyncadd.s32 $0xFFFFFF80  }
0x249: {  	_ =	swait.ge [sflag:s7], $0x80  }
0x24a: {  	[sflag:s7] =	ssyncset.done $0x0  }
0x24b: {  	[sflag:s7] =	ssyncadd.s32 $0xFFFFFF80  }
0x24c: {  	_ =	swait.ge [sflag:s7], $0x80  }
0x24d: {  	[sflag:s7] =	ssyncset.done $0x0  }
0x24e: {  	[sflag:s7] =	ssyncadd.s32 $0xFFFFFF80  }
0x24f: {  	_ =	swait.ge [sflag:s7], $0x80  }
0x250: {  	[sflag:s7] =	ssyncset.done $0x0  }
0x251: {  	[sflag:s7] =	ssyncadd.s32 $0xFFFFFF80  }
0x252: {  	_ =	swait.ge [sflag:s7], $0x80  }
0x253: {  	[sflag:s7] =	ssyncset.done $0x0  }
0x254: {  	[sflag:s7] =	ssyncadd.s32 $0xFFFFFF80  }
0x255: {  	_ =	swait.ge [sflag:s7], $0x80  }
0x256: {  	[sflag:s7] =	ssyncset.done $0x0  }
0x257: {  	[sflag:s7] =	ssyncadd.s32 $0xFFFFFF80  }
0x258: {  	_ =	swait.ge [sflag:s7], $0x80  }
0x259: {  	[sflag:s7] =	ssyncset.done $0x0  }
0x25a: {  	[sflag:s7] =	ssyncadd.s32 $0xFFFFFF80  }
0x25b: {  	_ =	swait.ge [sflag:s7], $0x80  }
0x25c: {  	[sflag:s7] =	ssyncset.done $0x0  }
0x25d: {  	[sflag:s7] =	ssyncadd.s32 $0xFFFFFF80  }
0x25e: {  	_ =	swait.ge [sflag:s7], $0x80  }
0x25f: {  	[sflag:s7] =	ssyncset.done $0x0  }
0x260: {  	[sflag:s7] =	ssyncadd.s32 $0xFFFFFF80  }
0x261: {  	_ =	swait.ge [sflag:s7], $0x80  }
0x262: {  	[sflag:s7] =	ssyncset.done $0x0  }
0x263: {  	[sflag:s7] =	ssyncadd.s32 $0xFFFFFF80  }
0x264: {  	_ =	swait.ge [sflag:s7], $0x80  }
0x265: {  	s3 =	sld [smem:$0x7B6]  }
0x266: {  	[sflag:s7] =	ssyncset.done $0x0  }
0x267: {  	s6 =	simm.s32 $0x1900;
	[sflag:s7] =	ssyncadd.s32 $0xFFFFFF80  }
0x268: {  	[hbm4b:s3+s2] =	stream.linear.scatter [tilespmem:s6], [sflag:$0x2], $0x1900, $0x38;
	[tilespmem:$0x4B00] =	vst v63  }
0x269: {  	p1 =	sne.s32 s1, $0x1;
	_ =	swait.ge [sflag:s4], $0x1900  }
.Ltmp1:
0x26a: {  	[sflag:s4] =	ssyncset.done $0x0;
	(pc) =	sbr.rel @!p1 .LBB2_6-.Ltmp1, $4  }
0x26b: {  	s11 =	simm.s32 $0x3200;
	s6 =	rddreg [dreg:$0x4];
	[sflag:s4] =	ssyncadd.s32 $0xFFFFE700  }
0x26c: {  	[hbm4b:s6+s2] =	stream.linear.scatter [tilespmem:s11], [sflag:$0x2], $0x1900, $0x38;
	[tilespmem:$0x4B00] =	vst v63  }
0x26d: {  	p0 =	por $0x1, $0x1;
	s5 =	sadd.s32 $0xFFFFFFFF, s1;
	_ =	swait.ge [sflag:s4], $0x1900  }
0x26e: {  	s11 =	simm.s32 $0x3200;
	s6 =	rddreg [dreg:$0x3];
	[sflag:s4] =	ssyncset.done $0x0  }
0x26f: {  	s1 =	simm.s32 $0x1900  }
.LBB2_3:
0x270: {  	[sflag:s4] =	ssyncadd.s32 $0xFFFFE700  }
0x271: {  	[tilespmem:s2], [sflag:$0x2] =	stream.linear.gather [hbm4b:s6+s2], $0x1900, $0x38;
	[tilespmem:$0x4B00] =	vst v63  }
0x272: {  	_ =	swait.ge [sflag:s4], $0x1900  }
0x273: {  	[sflag:s4] =	ssyncset.done $0x0  }
0x274: {  	[sflag:s4] =	ssyncadd.s32 $0xFFFFE700  }
0x275: {  	[tilespmem:s1], [sflag:$0x1] =	stream.indirect.gather [hbm4b:s8+s10], $0x1, s2, s10, $0xb8;
	[tilespmem:$0x4B00] =	vst v63  }
0x276: {  	s6 =	rddreg [dreg:$0x5]  }
0x277: {  	[tilespmem:s11], [sflag:$0x1] =	stream.indirect.gather [hbm4b:s9+s10], $0x1, s2, s10, $0xb8;
	[tilespmem:$0x4B00] =	vst v63  }
0x278: {  	s3 =	rddreg [dreg:$0x6]  }
0x279: {  	[tilespmem:s6], [sflag:$0x1] =	stream.indirect.gather [hbm4b:s8+s10], $0x1, s10, s10, $0xb8;
	[tilespmem:$0x4B00] =	vst v63  }
0x27a: {  	s11 =	rddreg [dreg:$0x8]  }
0x27b: {  	[tilespmem:s3], [sflag:$0x1] =	stream.indirect.gather [hbm4b:s9+s10], $0x1, s10, s10, $0xb8;
	[tilespmem:$0x4B00] =	vst v63  }
0x27c: {  	s6 =	rddreg [dreg:$0x7];
	s3 =	simm.s32 $0x100  }
0x27d: {  	[tilespmem:s6], [sflag:$0x1] =	stream.indirect.gather [hbm4b:s8+s10], $0x1, s3, s10, $0xb8;
	[tilespmem:$0x4B00] =	vst v63  }
0x27e: {  	s6 =	rddreg [dreg:$0x9]  }
0x27f: {  	[tilespmem:s11], [sflag:$0x1] =	stream.indirect.gather [hbm4b:s9+s10], $0x1, s3, s10, $0xb8;
	[tilespmem:$0x4B00] =	vst v63  }
0x280: {  	s11 =	rddreg [dreg:$0xa];
	s3 =	simm.s32 $0x180  }
0x281: {  	[tilespmem:s6], [sflag:$0x1] =	stream.indirect.gather [hbm4b:s8+s10], $0x1, s3, s10, $0xb8;
	[tilespmem:$0x4B00] =	vst v63  }
0x282: {  	s6 =	rddreg [dreg:$0xb]  }
0x283: {  	[tilespmem:s11], [sflag:$0x1] =	stream.indirect.gather [hbm4b:s9+s10], $0x1, s3, s10, $0xb8;
	[tilespmem:$0x4B00] =	vst v63  }
0x284: {  	s11 =	rddreg [dreg:$0xc];
	s3 =	simm.s32 $0x200  }
0x285: {  	[tilespmem:s6], [sflag:$0x1] =	stream.indirect.gather [hbm4b:s8+s10], $0x1, s3, s10, $0xb8;
	[tilespmem:$0x4B00] =	vst v63  }
0x286: {  	s6 =	rddreg [dreg:$0xd]  }
0x287: {  	[tilespmem:s11], [sflag:$0x1] =	stream.indirect.gather [hbm4b:s9+s10], $0x1, s3, s10, $0xb8;
	[tilespmem:$0x4B00] =	vst v63  }
0x288: {  	s11 =	rddreg [dreg:$0xe];
	s3 =	simm.s32 $0x280  }
0x289: {  	[tilespmem:s6], [sflag:$0x1] =	stream.indirect.gather [hbm4b:s8+s10], $0x1, s3, s10, $0xb8;
	[tilespmem:$0x4B00] =	vst v63  }
0x28a: {  	s6 =	rddreg [dreg:$0xf]  }
0x28b: {  	[tilespmem:s11], [sflag:$0x1] =	stream.indirect.gather [hbm4b:s9+s10], $0x1, s3, s10, $0xb8;
	[tilespmem:$0x4B00] =	vst v63  }
0x28c: {  	s11 =	rddreg [dreg:$0x10];
	s3 =	simm.s32 $0x300  }
0x28d: {  	[tilespmem:s6], [sflag:$0x1] =	stream.indirect.gather [hbm4b:s8+s10], $0x1, s3, s10, $0xb8;
	[tilespmem:$0x4B00] =	vst v63  }
0x28e: {  	s6 =	rddreg [dreg:$0x11]  }
0x28f: {  	[tilespmem:s11], [sflag:$0x1] =	stream.indirect.gather [hbm4b:s9+s10], $0x1, s3, s10, $0xb8;
	[tilespmem:$0x4B00] =	vst v63  }
0x290: {  	s11 =	rddreg [dreg:$0x12];
	s3 =	simm.s32 $0x380  }
0x291: {  	[tilespmem:s6], [sflag:$0x1] =	stream.indirect.gather [hbm4b:s8+s10], $0x1, s3, s10, $0xb8;
	[tilespmem:$0x4B00] =	vst v63  }
0x292: {  	s6 =	rddreg [dreg:$0x13]  }
0x293: {  	[tilespmem:s11], [sflag:$0x1] =	stream.indirect.gather [hbm4b:s9+s10], $0x1, s3, s10, $0xb8;
	[tilespmem:$0x4B00] =	vst v63  }
0x294: {  	s11 =	rddreg [dreg:$0x14];
	s3 =	simm.s32 $0x400  }
0x295: {  	[tilespmem:s6], [sflag:$0x1] =	stream.indirect.gather [hbm4b:s8+s10], $0x1, s3, s10, $0xb8;
	[tilespmem:$0x4B00] =	vst v63  }
0x296: {  	s6 =	rddreg [dreg:$0x15]  }
0x297: {  	[tilespmem:s11], [sflag:$0x1] =	stream.indirect.gather [hbm4b:s9+s10], $0x1, s3, s10, $0xb8;
	[tilespmem:$0x4B00] =	vst v63  }
0x298: {  	s11 =	rddreg [dreg:$0x16];
	s3 =	simm.s32 $0x480  }
0x299: {  	[tilespmem:s6], [sflag:$0x1] =	stream.indirect.gather [hbm4b:s8+s10], $0x1, s3, s10, $0xb8;
	[tilespmem:$0x4B00] =	vst v63  }
0x29a: {  	s6 =	rddreg [dreg:$0x17]  }
0x29b: {  	[tilespmem:s11], [sflag:$0x1] =	stream.indirect.gather [hbm4b:s9+s10], $0x1, s3, s10, $0xb8;
	[tilespmem:$0x4B00] =	vst v63  }
0x29c: {  	s11 =	rddreg [dreg:$0x18];
	s3 =	simm.s32 $0x500  }
0x29d: {  	[tilespmem:s6], [sflag:$0x1] =	stream.indirect.gather [hbm4b:s8+s10], $0x1, s3, s10, $0xb8;
	[tilespmem:$0x4B00] =	vst v63  }
0x29e: {  	s6 =	rddreg [dreg:$0x19]  }
0x29f: {  	[tilespmem:s11], [sflag:$0x1] =	stream.indirect.gather [hbm4b:s9+s10], $0x1, s3, s10, $0xb8;
	[tilespmem:$0x4B00] =	vst v63  }
0x2a0: {  	s11 =	rddreg [dreg:$0x1a];
	s3 =	simm.s32 $0x580  }
0x2a1: {  	[tilespmem:s6], [sflag:$0x1] =	stream.indirect.gather [hbm4b:s8+s10], $0x1, s3, s10, $0xb8;
	[tilespmem:$0x4B00] =	vst v63  }
0x2a2: {  	s6 =	rddreg [dreg:$0x1b]  }
0x2a3: {  	[tilespmem:s11], [sflag:$0x1] =	stream.indirect.gather [hbm4b:s9+s10], $0x1, s3, s10, $0xb8;
	[tilespmem:$0x4B00] =	vst v63  }
0x2a4: {  	s11 =	rddreg [dreg:$0x1c];
	s3 =	simm.s32 $0x600  }
0x2a5: {  	[tilespmem:s6], [sflag:$0x1] =	stream.indirect.gather [hbm4b:s8+s10], $0x1, s3, s10, $0xb8;
	[tilespmem:$0x4B00] =	vst v63  }
0x2a6: {  	s6 =	rddreg [dreg:$0x1d]  }
0x2a7: {  	[tilespmem:s11], [sflag:$0x1] =	stream.indirect.gather [hbm4b:s9+s10], $0x1, s3, s10, $0xb8;
	[tilespmem:$0x4B00] =	vst v63  }
0x2a8: {  	s11 =	rddreg [dreg:$0x1e];
	s3 =	simm.s32 $0x680  }
0x2a9: {  	[tilespmem:s6], [sflag:$0x1] =	stream.indirect.gather [hbm4b:s8+s10], $0x1, s3, s10, $0xb8;
	[tilespmem:$0x4B00] =	vst v63  }
0x2aa: {  	s6 =	rddreg [dreg:$0x1f]  }
0x2ab: {  	[tilespmem:s11], [sflag:$0x1] =	stream.indirect.gather [hbm4b:s9+s10], $0x1, s3, s10, $0xb8;
	[tilespmem:$0x4B00] =	vst v63  }
0x2ac: {  	s11 =	sld [smem:$0x7B7];
	s3 =	simm.s32 $0x700  }
0x2ad: {  	[tilespmem:s6], [sflag:$0x1] =	stream.indirect.gather [hbm4b:s8+s10], $0x1, s3, s10, $0xb8;
	[tilespmem:$0x4B00] =	vst v63  }
0x2ae: {  	s6 =	sld [smem:$0x7B8]  }
0x2af: {  	[tilespmem:s11], [sflag:$0x1] =	stream.indirect.gather [hbm4b:s9+s10], $0x1, s3, s10, $0xb8;
	[tilespmem:$0x4B00] =	vst v63  }
0x2b0: {  	s11 =	sld [smem:$0x7B9];
	s3 =	simm.s32 $0x780  }
0x2b1: {  	[tilespmem:s6], [sflag:$0x1] =	stream.indirect.gather [hbm4b:s8+s10], $0x1, s3, s10, $0xb8;
	[tilespmem:$0x4B00] =	vst v63  }
0x2b2: {  	s6 =	sld [smem:$0x7BA]  }
0x2b3: {  	[tilespmem:s11], [sflag:$0x1] =	stream.indirect.gather [hbm4b:s9+s10], $0x1, s3, s10, $0xb8;
	[tilespmem:$0x4B00] =	vst v63  }
0x2b4: {  	s11 =	sld [smem:$0x7BB];
	s3 =	simm.s32 $0x800  }
0x2b5: {  	[tilespmem:s6], [sflag:$0x1] =	stream.indirect.gather [hbm4b:s8+s10], $0x1, s3, s10, $0xb8;
	[tilespmem:$0x4B00] =	vst v63  }
0x2b6: {  	s6 =	sld [smem:$0x7BC]  }
0x2b7: {  	[tilespmem:s11], [sflag:$0x1] =	stream.indirect.gather [hbm4b:s9+s10], $0x1, s3, s10, $0xb8;
	[tilespmem:$0x4B00] =	vst v63  }
0x2b8: {  	s3 =	sld [smem:$0x7BD]  }
0x2b9: {  	[tilespmem:s6], [sflag:$0x1] =	stream.indirect.gather [hbm4b:s8+s10], $0x1, s0, s10, $0xb8;
	[tilespmem:$0x4B00] =	vst v63  }
0x2ba: {  	s6 =	sld [smem:$0x7BE]  }
0x2bb: {  	[tilespmem:s3], [sflag:$0x1] =	stream.indirect.gather [hbm4b:s9+s10], $0x1, s0, s10, $0xb8;
	[tilespmem:$0x4B00] =	vst v63  }
0x2bc: {  	s11 =	sld [smem:$0x7BF];
	s3 =	simm.s32 $0x900  }
0x2bd: {  	[tilespmem:s6], [sflag:$0x1] =	stream.indirect.gather [hbm4b:s8+s10], $0x1, s3, s10, $0xb8;
	[tilespmem:$0x4B00] =	vst v63  }
0x2be: {  	s6 =	sld [smem:$0x7C0]  }
0x2bf: {  	[tilespmem:s11], [sflag:$0x1] =	stream.indirect.gather [hbm4b:s9+s10], $0x1, s3, s10, $0xb8;
	[tilespmem:$0x4B00] =	vst v63  }
0x2c0: {  	s11 =	sld [smem:$0x7C1];
	s3 =	simm.s32 $0x980  }
0x2c1: {  	[tilespmem:s6], [sflag:$0x1] =	stream.indirect.gather [hbm4b:s8+s10], $0x1, s3, s10, $0xb8;
	[tilespmem:$0x4B00] =	vst v63  }
0x2c2: {  	s6 =	sld [smem:$0x7C2]  }
0x2c3: {  	[tilespmem:s11], [sflag:$0x1] =	stream.indirect.gather [hbm4b:s9+s10], $0x1, s3, s10, $0xb8;
	[tilespmem:$0x4B00] =	vst v63  }
0x2c4: {  	s11 =	sld [smem:$0x7C3];
	s3 =	simm.s32 $0xA00  }
0x2c5: {  	[tilespmem:s6], [sflag:$0x1] =	stream.indirect.gather [hbm4b:s8+s10], $0x1, s3, s10, $0xb8;
	[tilespmem:$0x4B00] =	vst v63  }
0x2c6: {  	s6 =	sld [smem:$0x7C4]  }
0x2c7: {  	[tilespmem:s11], [sflag:$0x1] =	stream.indirect.gather [hbm4b:s9+s10], $0x1, s3, s10, $0xb8;
	[tilespmem:$0x4B00] =	vst v63  }
0x2c8: {  	s11 =	sld [smem:$0x7C5];
	s3 =	simm.s32 $0xA80  }
0x2c9: {  	[tilespmem:s6], [sflag:$0x1] =	stream.indirect.gather [hbm4b:s8+s10], $0x1, s3, s10, $0xb8;
	[tilespmem:$0x4B00] =	vst v63  }
0x2ca: {  	s6 =	sld [smem:$0x7C6]  }
0x2cb: {  	[tilespmem:s11], [sflag:$0x1] =	stream.indirect.gather [hbm4b:s9+s10], $0x1, s3, s10, $0xb8;
	[tilespmem:$0x4B00] =	vst v63  }
0x2cc: {  	s11 =	sld [smem:$0x7C7];
	s3 =	simm.s32 $0xB00  }
0x2cd: {  	[tilespmem:s6], [sflag:$0x1] =	stream.indirect.gather [hbm4b:s8+s10], $0x1, s3, s10, $0xb8;
	[tilespmem:$0x4B00] =	vst v63  }
0x2ce: {  	s6 =	sld [smem:$0x7C8]  }
0x2cf: {  	[tilespmem:s11], [sflag:$0x1] =	stream.indirect.gather [hbm4b:s9+s10], $0x1, s3, s10, $0xb8;
	[tilespmem:$0x4B00] =	vst v63  }
0x2d0: {  	s11 =	sld [smem:$0x7C9];
	s3 =	simm.s32 $0xB80  }
0x2d1: {  	[tilespmem:s6], [sflag:$0x1] =	stream.indirect.gather [hbm4b:s8+s10], $0x1, s3, s10, $0xb8;
	[tilespmem:$0x4B00] =	vst v63  }
0x2d2: {  	s6 =	sld [smem:$0x7CA]  }
0x2d3: {  	[tilespmem:s11], [sflag:$0x1] =	stream.indirect.gather [hbm4b:s9+s10], $0x1, s3, s10, $0xb8;
	[tilespmem:$0x4B00] =	vst v63  }
0x2d4: {  	s11 =	sld [smem:$0x7CB];
	s3 =	simm.s32 $0xC00  }
0x2d5: {  	[tilespmem:s6], [sflag:$0x1] =	stream.indirect.gather [hbm4b:s8+s10], $0x1, s3, s10, $0xb8;
	[tilespmem:$0x4B00] =	vst v63  }
0x2d6: {  	s6 =	sld [smem:$0x7CC]  }
0x2d7: {  	[tilespmem:s11], [sflag:$0x1] =	stream.indirect.gather [hbm4b:s9+s10], $0x1, s3, s10, $0xb8;
	[tilespmem:$0x4B00] =	vst v63  }
0x2d8: {  	s11 =	sld [smem:$0x7CD];
	s3 =	simm.s32 $0xC80  }
0x2d9: {  	[tilespmem:s6], [sflag:$0x1] =	stream.indirect.gather [hbm4b:s8+s10], $0x1, s3, s10, $0xb8;
	[tilespmem:$0x4B00] =	vst v63  }
0x2da: {  	s6 =	sld [smem:$0x7CE]  }
0x2db: {  	[tilespmem:s11], [sflag:$0x1] =	stream.indirect.gather [hbm4b:s9+s10], $0x1, s3, s10, $0xb8;
	[tilespmem:$0x4B00] =	vst v63  }
0x2dc: {  	s11 =	sld [smem:$0x7CF];
	s3 =	simm.s32 $0xD00  }
0x2dd: {  	[tilespmem:s6], [sflag:$0x1] =	stream.indirect.gather [hbm4b:s8+s10], $0x1, s3, s10, $0xb8;
	[tilespmem:$0x4B00] =	vst v63  }
0x2de: {  	s6 =	sld [smem:$0x7D0]  }
0x2df: {  	[tilespmem:s11], [sflag:$0x1] =	stream.indirect.gather [hbm4b:s9+s10], $0x1, s3, s10, $0xb8;
	[tilespmem:$0x4B00] =	vst v63  }
0x2e0: {  	s11 =	sld [smem:$0x7D1];
	s3 =	simm.s32 $0xD80  }
0x2e1: {  	[tilespmem:s6], [sflag:$0x1] =	stream.indirect.gather [hbm4b:s8+s10], $0x1, s3, s10, $0xb8;
	[tilespmem:$0x4B00] =	vst v63  }
0x2e2: {  	s6 =	sld [smem:$0x7D2]  }
0x2e3: {  	[tilespmem:s11], [sflag:$0x1] =	stream.indirect.gather [hbm4b:s9+s10], $0x1, s3, s10, $0xb8;
	[tilespmem:$0x4B00] =	vst v63  }
0x2e4: {  	s3 =	sld [smem:$0x7D3]  }
0x2e5: {  	[tilespmem:s6], [sflag:$0x1] =	stream.indirect.gather [hbm4b:s8+s10], $0x1, s12, s10, $0xb8;
	[tilespmem:$0x4B00] =	vst v63  }
0x2e6: {  	s6 =	sld [smem:$0x7D4]  }
0x2e7: {  	[tilespmem:s3], [sflag:$0x1] =	stream.indirect.gather [hbm4b:s9+s10], $0x1, s12, s10, $0xb8;
	[tilespmem:$0x4B00] =	vst v63  }
0x2e8: {  	s11 =	sld [smem:$0x7D5];
	s3 =	simm.s32 $0xE80  }
0x2e9: {  	[tilespmem:s6], [sflag:$0x1] =	stream.indirect.gather [hbm4b:s8+s10], $0x1, s3, s10, $0xb8;
	[tilespmem:$0x4B00] =	vst v63  }
0x2ea: {  	s6 =	sld [smem:$0x7D6]  }
0x2eb: {  	[tilespmem:s11], [sflag:$0x1] =	stream.indirect.gather [hbm4b:s9+s10], $0x1, s3, s10, $0xb8;
	[tilespmem:$0x4B00] =	vst v63  }
0x2ec: {  	s11 =	sld [smem:$0x7D7];
	s3 =	simm.s32 $0xF00  }
0x2ed: {  	[tilespmem:s6], [sflag:$0x1] =	stream.indirect.gather [hbm4b:s8+s10], $0x1, s3, s10, $0xb8;
	[tilespmem:$0x4B00] =	vst v63  }
0x2ee: {  	s6 =	sld [smem:$0x7D8]  }
0x2ef: {  	[tilespmem:s11], [sflag:$0x1] =	stream.indirect.gather [hbm4b:s9+s10], $0x1, s3, s10, $0xb8;
	[tilespmem:$0x4B00] =	vst v63  }
0x2f0: {  	s11 =	sld [smem:$0x7D9];
	s3 =	simm.s32 $0xF80  }
0x2f1: {  	[tilespmem:s6], [sflag:$0x1] =	stream.indirect.gather [hbm4b:s8+s10], $0x1, s3, s10, $0xb8;
	[tilespmem:$0x4B00] =	vst v63  }
0x2f2: {  	s6 =	sld [smem:$0x7DA]  }
0x2f3: {  	[tilespmem:s11], [sflag:$0x1] =	stream.indirect.gather [hbm4b:s9+s10], $0x1, s3, s10, $0xb8;
	[tilespmem:$0x4B00] =	vst v63  }
0x2f4: {  	s3 =	sld [smem:$0x7DB]  }
0x2f5: {  	[tilespmem:s6], [sflag:$0x1] =	stream.indirect.gather [hbm4b:s8+s10], $0x1, s31, s10, $0xb8;
	[tilespmem:$0x4B00] =	vst v63  }
0x2f6: {  	s6 =	sld [smem:$0x7DC]  }
0x2f7: {  	[tilespmem:s3], [sflag:$0x1] =	stream.indirect.gather [hbm4b:s9+s10], $0x1, s31, s10, $0xb8;
	[tilespmem:$0x4B00] =	vst v63  }
0x2f8: {  	s3 =	sld [smem:$0x7DD]  }
0x2f9: {  	[tilespmem:s6], [sflag:$0x1] =	stream.indirect.gather [hbm4b:s8+s10], $0x1, s30, s10, $0xb8;
	[tilespmem:$0x4B00] =	vst v63  }
0x2fa: {  	s6 =	sld [smem:$0x7DE]  }
0x2fb: {  	[tilespmem:s3], [sflag:$0x1] =	stream.indirect.gather [hbm4b:s9+s10], $0x1, s30, s10, $0xb8;
	[tilespmem:$0x4B00] =	vst v63  }
0x2fc: {  	s3 =	sld [smem:$0x7DF]  }
0x2fd: {  	[tilespmem:s6], [sflag:$0x1] =	stream.indirect.gather [hbm4b:s8+s10], $0x1, s29, s10, $0xb8;
	[tilespmem:$0x4B00] =	vst v63  }
0x2fe: {  	s6 =	sld [smem:$0x7E0]  }
0x2ff: {  	[tilespmem:s3], [sflag:$0x1] =	stream.indirect.gather [hbm4b:s9+s10], $0x1, s29, s10, $0xb8;
	[tilespmem:$0x4B00] =	vst v63  }
0x300: {  	s3 =	sld [smem:$0x7E1]  }
0x301: {  	[tilespmem:s6], [sflag:$0x1] =	stream.indirect.gather [hbm4b:s8+s10], $0x1, s28, s10, $0xb8;
	[tilespmem:$0x4B00] =	vst v63  }
0x302: {  	s6 =	sld [smem:$0x7E2]  }
0x303: {  	[tilespmem:s3], [sflag:$0x1] =	stream.indirect.gather [hbm4b:s9+s10], $0x1, s28, s10, $0xb8;
	[tilespmem:$0x4B00] =	vst v63  }
0x304: {  	s3 =	sld [smem:$0x7E3]  }
0x305: {  	[tilespmem:s6], [sflag:$0x1] =	stream.indirect.gather [hbm4b:s8+s10], $0x1, s26, s10, $0xb8;
	[tilespmem:$0x4B00] =	vst v63  }
0x306: {  	s6 =	sld [smem:$0x7E4]  }
0x307: {  	[tilespmem:s3], [sflag:$0x1] =	stream.indirect.gather [hbm4b:s9+s10], $0x1, s26, s10, $0xb8;
	[tilespmem:$0x4B00] =	vst v63  }
0x308: {  	s3 =	sld [smem:$0x7E5]  }
0x309: {  	[tilespmem:s6], [sflag:$0x1] =	stream.indirect.gather [hbm4b:s8+s10], $0x1, s25, s10, $0xb8;
	[tilespmem:$0x4B00] =	vst v63  }
0x30a: {  	s6 =	sld [smem:$0x7E6]  }
0x30b: {  	[tilespmem:s3], [sflag:$0x1] =	stream.indirect.gather [hbm4b:s9+s10], $0x1, s25, s10, $0xb8;
	[tilespmem:$0x4B00] =	vst v63  }
0x30c: {  	s3 =	sld [smem:$0x7E7]  }
0x30d: {  	[tilespmem:s6], [sflag:$0x1] =	stream.indirect.gather [hbm4b:s8+s10], $0x1, s24, s10, $0xb8;
	[tilespmem:$0x4B00] =	vst v63  }
0x30e: {  	s6 =	sld [smem:$0x7E8]  }
0x30f: {  	[tilespmem:s3], [sflag:$0x1] =	stream.indirect.gather [hbm4b:s9+s10], $0x1, s24, s10, $0xb8;
	[tilespmem:$0x4B00] =	vst v63  }
0x310: {  	s3 =	sld [smem:$0x7E9]  }
0x311: {  	[tilespmem:s6], [sflag:$0x1] =	stream.indirect.gather [hbm4b:s8+s10], $0x1, s23, s10, $0xb8;
	[tilespmem:$0x4B00] =	vst v63  }
0x312: {  	s6 =	sld [smem:$0x7EA]  }
0x313: {  	[tilespmem:s3], [sflag:$0x1] =	stream.indirect.gather [hbm4b:s9+s10], $0x1, s23, s10, $0xb8;
	[tilespmem:$0x4B00] =	vst v63  }
0x314: {  	s3 =	sld [smem:$0x7EB]  }
0x315: {  	[tilespmem:s6], [sflag:$0x1] =	stream.indirect.gather [hbm4b:s8+s10], $0x1, s22, s10, $0xb8;
	[tilespmem:$0x4B00] =	vst v63  }
0x316: {  	s6 =	sld [smem:$0x7EC]  }
0x317: {  	[tilespmem:s3], [sflag:$0x1] =	stream.indirect.gather [hbm4b:s9+s10], $0x1, s22, s10, $0xb8;
	[tilespmem:$0x4B00] =	vst v63  }
0x318: {  	s3 =	sld [smem:$0x7ED]  }
0x319: {  	[tilespmem:s6], [sflag:$0x1] =	stream.indirect.gather [hbm4b:s8+s10], $0x1, s21, s10, $0xb8;
	[tilespmem:$0x4B00] =	vst v63  }
0x31a: {  	s6 =	sld [smem:$0x7EE]  }
0x31b: {  	[tilespmem:s3], [sflag:$0x1] =	stream.indirect.gather [hbm4b:s9+s10], $0x1, s21, s10, $0xb8;
	[tilespmem:$0x4B00] =	vst v63  }
0x31c: {  	s3 =	sld [smem:$0x7EF]  }
0x31d: {  	[tilespmem:s6], [sflag:$0x1] =	stream.indirect.gather [hbm4b:s8+s10], $0x1, s20, s10, $0xb8;
	[tilespmem:$0x4B00] =	vst v63  }
0x31e: {  	s6 =	sld [smem:$0x7F0]  }
0x31f: {  	[tilespmem:s3], [sflag:$0x1] =	stream.indirect.gather [hbm4b:s9+s10], $0x1, s20, s10, $0xb8;
	[tilespmem:$0x4B00] =	vst v63  }
0x320: {  	s3 =	sld [smem:$0x7F1]  }
0x321: {  	[tilespmem:s6], [sflag:$0x1] =	stream.indirect.gather [hbm4b:s8+s10], $0x1, s19, s10, $0xb8;
	[tilespmem:$0x4B00] =	vst v63  }
0x322: {  	s6 =	sld [smem:$0x7F2]  }
0x323: {  	[tilespmem:s3], [sflag:$0x1] =	stream.indirect.gather [hbm4b:s9+s10], $0x1, s19, s10, $0xb8;
	[tilespmem:$0x4B00] =	vst v63  }
0x324: {  	s3 =	sld [smem:$0x7F3]  }
0x325: {  	[tilespmem:s6], [sflag:$0x1] =	stream.indirect.gather [hbm4b:s8+s10], $0x1, s18, s10, $0xb8;
	[tilespmem:$0x4B00] =	vst v63  }
0x326: {  	s6 =	sld [smem:$0x7F4]  }
0x327: {  	[tilespmem:s3], [sflag:$0x1] =	stream.indirect.gather [hbm4b:s9+s10], $0x1, s18, s10, $0xb8;
	[tilespmem:$0x4B00] =	vst v63  }
0x328: {  	s3 =	sld [smem:$0x7F5]  }
0x329: {  	[tilespmem:s6], [sflag:$0x1] =	stream.indirect.gather [hbm4b:s8+s10], $0x1, s17, s10, $0xb8;
	[tilespmem:$0x4B00] =	vst v63  }
0x32a: {  	s6 =	sld [smem:$0x7F6]  }
0x32b: {  	[tilespmem:s3], [sflag:$0x1] =	stream.indirect.gather [hbm4b:s9+s10], $0x1, s17, s10, $0xb8;
	[tilespmem:$0x4B00] =	vst v63  }
0x32c: {  	s3 =	sld [smem:$0x7F7]  }
0x32d: {  	[tilespmem:s6], [sflag:$0x1] =	stream.indirect.gather [hbm4b:s8+s10], $0x1, s16, s10, $0xb8;
	[tilespmem:$0x4B00] =	vst v63  }
0x32e: {  	s6 =	sld [smem:$0x7F8]  }
0x32f: {  	[tilespmem:s3], [sflag:$0x1] =	stream.indirect.gather [hbm4b:s9+s10], $0x1, s16, s10, $0xb8;
	[tilespmem:$0x4B00] =	vst v63  }
0x330: {  	s3 =	sld [smem:$0x7F9]  }
0x331: {  	[tilespmem:s6], [sflag:$0x1] =	stream.indirect.gather [hbm4b:s8+s10], $0x1, s15, s10, $0xb8;
	[tilespmem:$0x4B00] =	vst v63  }
0x332: {  	s6 =	sld [smem:$0x7FA]  }
0x333: {  	[tilespmem:s3], [sflag:$0x1] =	stream.indirect.gather [hbm4b:s9+s10], $0x1, s15, s10, $0xb8;
	[tilespmem:$0x4B00] =	vst v63  }
0x334: {  	s3 =	sld [smem:$0x7FB]  }
0x335: {  	[tilespmem:s6], [sflag:$0x1] =	stream.indirect.gather [hbm4b:s8+s10], $0x1, s14, s10, $0xb8;
	[tilespmem:$0x4B00] =	vst v63  }
0x336: {  	s6 =	sld [smem:$0x7FC]  }
0x337: {  	[tilespmem:s3], [sflag:$0x1] =	stream.indirect.gather [hbm4b:s9+s10], $0x1, s14, s10, $0xb8;
	[tilespmem:$0x4B00] =	vst v63  }
0x338: {  	s3 =	sld [smem:$0x7FD]  }
0x339: {  	[tilespmem:s6], [sflag:$0x1] =	stream.indirect.gather [hbm4b:s8+s10], $0x1, s13, s10, $0xb8;
	[tilespmem:$0x4B00] =	vst v63  }
0x33a: {  	_ = 	snop  }
0x33b: {  	[tilespmem:s3], [sflag:$0x1] =	stream.indirect.gather [hbm4b:s9+s10], $0x1, s13, s10, $0xb8;
	[tilespmem:$0x4B00] =	vst v63  }
0x33c: {  	_ =	swait.ge [sflag:s7], $0x80  }
0x33d: {  	[sflag:s7] =	ssyncset.done $0x0  }
0x33e: {  	[sflag:s7] =	ssyncadd.s32 $0xFFFFFF80  }
0x33f: {  	_ =	swait.ge [sflag:s7], $0x80  }
0x340: {  	[sflag:s7] =	ssyncset.done $0x0  }
0x341: {  	[sflag:s7] =	ssyncadd.s32 $0xFFFFFF80  }
0x342: {  	_ =	swait.ge [sflag:s7], $0x80  }
0x343: {  	[sflag:s7] =	ssyncset.done $0x0  }
0x344: {  	[sflag:s7] =	ssyncadd.s32 $0xFFFFFF80  }
0x345: {  	_ =	swait.ge [sflag:s7], $0x80  }
0x346: {  	[sflag:s7] =	ssyncset.done $0x0  }
0x347: {  	[sflag:s7] =	ssyncadd.s32 $0xFFFFFF80  }
0x348: {  	_ =	swait.ge [sflag:s7], $0x80  }
0x349: {  	[sflag:s7] =	ssyncset.done $0x0  }
0x34a: {  	[sflag:s7] =	ssyncadd.s32 $0xFFFFFF80  }
0x34b: {  	_ =	swait.ge [sflag:s7], $0x80  }
0x34c: {  	[sflag:s7] =	ssyncset.done $0x0  }
0x34d: {  	[sflag:s7] =	ssyncadd.s32 $0xFFFFFF80  }
0x34e: {  	_ =	swait.ge [sflag:s7], $0x80  }
0x34f: {  	[sflag:s7] =	ssyncset.done $0x0  }
0x350: {  	[sflag:s7] =	ssyncadd.s32 $0xFFFFFF80  }
0x351: {  	_ =	swait.ge [sflag:s7], $0x80  }
0x352: {  	[sflag:s7] =	ssyncset.done $0x0  }
0x353: {  	[sflag:s7] =	ssyncadd.s32 $0xFFFFFF80  }
0x354: {  	_ =	swait.ge [sflag:s7], $0x80  }
0x355: {  	[sflag:s7] =	ssyncset.done $0x0  }
0x356: {  	[sflag:s7] =	ssyncadd.s32 $0xFFFFFF80  }
0x357: {  	_ =	swait.ge [sflag:s7], $0x80  }
0x358: {  	[sflag:s7] =	ssyncset.done $0x0  }
0x359: {  	[sflag:s7] =	ssyncadd.s32 $0xFFFFFF80  }
0x35a: {  	_ =	swait.ge [sflag:s7], $0x80  }
0x35b: {  	[sflag:s7] =	ssyncset.done $0x0  }
0x35c: {  	[sflag:s7] =	ssyncadd.s32 $0xFFFFFF80  }
0x35d: {  	_ =	swait.ge [sflag:s7], $0x80  }
0x35e: {  	[sflag:s7] =	ssyncset.done $0x0  }
0x35f: {  	[sflag:s7] =	ssyncadd.s32 $0xFFFFFF80  }
0x360: {  	_ =	swait.ge [sflag:s7], $0x80  }
0x361: {  	[sflag:s7] =	ssyncset.done $0x0  }
0x362: {  	[sflag:s7] =	ssyncadd.s32 $0xFFFFFF80  }
0x363: {  	_ =	swait.ge [sflag:s7], $0x80  }
0x364: {  	[sflag:s7] =	ssyncset.done $0x0  }
0x365: {  	[sflag:s7] =	ssyncadd.s32 $0xFFFFFF80  }
0x366: {  	_ =	swait.ge [sflag:s7], $0x80  }
0x367: {  	[sflag:s7] =	ssyncset.done $0x0  }
0x368: {  	[sflag:s7] =	ssyncadd.s32 $0xFFFFFF80  }
0x369: {  	_ =	swait.ge [sflag:s7], $0x80  }
0x36a: {  	[sflag:s7] =	ssyncset.done $0x0  }
0x36b: {  	[sflag:s7] =	ssyncadd.s32 $0xFFFFFF80  }
0x36c: {  	_ =	swait.ge [sflag:s7], $0x80  }
0x36d: {  	[sflag:s7] =	ssyncset.done $0x0  }
0x36e: {  	[sflag:s7] =	ssyncadd.s32 $0xFFFFFF80  }
0x36f: {  	_ =	swait.ge [sflag:s7], $0x80  }
0x370: {  	[sflag:s7] =	ssyncset.done $0x0  }
0x371: {  	[sflag:s7] =	ssyncadd.s32 $0xFFFFFF80  }
0x372: {  	_ =	swait.ge [sflag:s7], $0x80  }
0x373: {  	[sflag:s7] =	ssyncset.done $0x0  }
0x374: {  	[sflag:s7] =	ssyncadd.s32 $0xFFFFFF80  }
0x375: {  	_ =	swait.ge [sflag:s7], $0x80  }
0x376: {  	[sflag:s7] =	ssyncset.done $0x0  }
0x377: {  	[sflag:s7] =	ssyncadd.s32 $0xFFFFFF80  }
0x378: {  	_ =	swait.ge [sflag:s7], $0x80  }
0x379: {  	[sflag:s7] =	ssyncset.done $0x0  }
0x37a: {  	[sflag:s7] =	ssyncadd.s32 $0xFFFFFF80  }
0x37b: {  	_ =	swait.ge [sflag:s7], $0x80  }
0x37c: {  	[sflag:s7] =	ssyncset.done $0x0  }
0x37d: {  	[sflag:s7] =	ssyncadd.s32 $0xFFFFFF80  }
0x37e: {  	_ =	swait.ge [sflag:s7], $0x80  }
0x37f: {  	[sflag:s7] =	ssyncset.done $0x0  }
0x380: {  	[sflag:s7] =	ssyncadd.s32 $0xFFFFFF80  }
0x381: {  	_ =	swait.ge [sflag:s7], $0x80  }
0x382: {  	[sflag:s7] =	ssyncset.done $0x0  }
0x383: {  	[sflag:s7] =	ssyncadd.s32 $0xFFFFFF80  }
0x384: {  	_ =	swait.ge [sflag:s7], $0x80  }
0x385: {  	[sflag:s7] =	ssyncset.done $0x0  }
0x386: {  	[sflag:s7] =	ssyncadd.s32 $0xFFFFFF80  }
0x387: {  	_ =	swait.ge [sflag:s7], $0x80  }
0x388: {  	[sflag:s7] =	ssyncset.done $0x0  }
0x389: {  	[sflag:s7] =	ssyncadd.s32 $0xFFFFFF80  }
0x38a: {  	_ =	swait.ge [sflag:s7], $0x80  }
0x38b: {  	[sflag:s7] =	ssyncset.done $0x0  }
0x38c: {  	[sflag:s7] =	ssyncadd.s32 $0xFFFFFF80  }
0x38d: {  	_ =	swait.ge [sflag:s7], $0x80  }
0x38e: {  	[sflag:s7] =	ssyncset.done $0x0  }
0x38f: {  	[sflag:s7] =	ssyncadd.s32 $0xFFFFFF80  }
0x390: {  	_ =	swait.ge [sflag:s7], $0x80  }
0x391: {  	[sflag:s7] =	ssyncset.done $0x0  }
0x392: {  	[sflag:s7] =	ssyncadd.s32 $0xFFFFFF80  }
0x393: {  	_ =	swait.ge [sflag:s7], $0x80  }
0x394: {  	[sflag:s7] =	ssyncset.done $0x0  }
0x395: {  	[sflag:s7] =	ssyncadd.s32 $0xFFFFFF80  }
0x396: {  	_ =	swait.ge [sflag:s7], $0x80  }
0x397: {  	[sflag:s7] =	ssyncset.done $0x0  }
0x398: {  	[sflag:s7] =	ssyncadd.s32 $0xFFFFFF80  }
0x399: {  	_ =	swait.ge [sflag:s7], $0x80  }
0x39a: {  	[sflag:s7] =	ssyncset.done $0x0  }
0x39b: {  	[sflag:s7] =	ssyncadd.s32 $0xFFFFFF80  }
0x39c: {  	_ =	swait.ge [sflag:s7], $0x80  }
0x39d: {  	[sflag:s7] =	ssyncset.done $0x0  }
0x39e: {  	[sflag:s7] =	ssyncadd.s32 $0xFFFFFF80  }
0x39f: {  	_ =	swait.ge [sflag:s7], $0x80  }
0x3a0: {  	[sflag:s7] =	ssyncset.done $0x0  }
0x3a1: {  	[sflag:s7] =	ssyncadd.s32 $0xFFFFFF80  }
0x3a2: {  	_ =	swait.ge [sflag:s7], $0x80  }
0x3a3: {  	[sflag:s7] =	ssyncset.done $0x0  }
0x3a4: {  	[sflag:s7] =	ssyncadd.s32 $0xFFFFFF80  }
0x3a5: {  	_ =	swait.ge [sflag:s7], $0x80  }
0x3a6: {  	[sflag:s7] =	ssyncset.done $0x0  }
0x3a7: {  	[sflag:s7] =	ssyncadd.s32 $0xFFFFFF80  }
0x3a8: {  	_ =	swait.ge [sflag:s7], $0x80  }
0x3a9: {  	[sflag:s7] =	ssyncset.done $0x0  }
0x3aa: {  	[sflag:s7] =	ssyncadd.s32 $0xFFFFFF80  }
0x3ab: {  	_ =	swait.ge [sflag:s7], $0x80  }
0x3ac: {  	[sflag:s7] =	ssyncset.done $0x0  }
0x3ad: {  	[sflag:s7] =	ssyncadd.s32 $0xFFFFFF80  }
0x3ae: {  	_ =	swait.ge [sflag:s7], $0x80  }
0x3af: {  	[sflag:s7] =	ssyncset.done $0x0  }
0x3b0: {  	[sflag:s7] =	ssyncadd.s32 $0xFFFFFF80  }
0x3b1: {  	_ =	swait.ge [sflag:s7], $0x80  }
0x3b2: {  	[sflag:s7] =	ssyncset.done $0x0  }
0x3b3: {  	[sflag:s7] =	ssyncadd.s32 $0xFFFFFF80  }
0x3b4: {  	_ =	swait.ge [sflag:s7], $0x80  }
0x3b5: {  	[sflag:s7] =	ssyncset.done $0x0  }
0x3b6: {  	[sflag:s7] =	ssyncadd.s32 $0xFFFFFF80  }
0x3b7: {  	_ =	swait.ge [sflag:s7], $0x80  }
0x3b8: {  	[sflag:s7] =	ssyncset.done $0x0  }
0x3b9: {  	[sflag:s7] =	ssyncadd.s32 $0xFFFFFF80  }
0x3ba: {  	_ =	swait.ge [sflag:s7], $0x80  }
0x3bb: {  	[sflag:s7] =	ssyncset.done $0x0  }
0x3bc: {  	[sflag:s7] =	ssyncadd.s32 $0xFFFFFF80  }
0x3bd: {  	_ =	swait.ge [sflag:s7], $0x80  }
0x3be: {  	[sflag:s7] =	ssyncset.done $0x0  }
0x3bf: {  	[sflag:s7] =	ssyncadd.s32 $0xFFFFFF80  }
0x3c0: {  	_ =	swait.ge [sflag:s7], $0x80  }
0x3c1: {  	[sflag:s7] =	ssyncset.done $0x0  }
0x3c2: {  	[sflag:s7] =	ssyncadd.s32 $0xFFFFFF80  }
0x3c3: {  	_ =	swait.ge [sflag:s7], $0x80  }
0x3c4: {  	[sflag:s7] =	ssyncset.done $0x0  }
0x3c5: {  	[sflag:s7] =	ssyncadd.s32 $0xFFFFFF80  }
0x3c6: {  	_ =	swait.ge [sflag:s7], $0x80  }
0x3c7: {  	[sflag:s7] =	ssyncset.done $0x0  }
0x3c8: {  	[sflag:s7] =	ssyncadd.s32 $0xFFFFFF80  }
0x3c9: {  	_ =	swait.ge [sflag:s7], $0x80  }
0x3ca: {  	[sflag:s7] =	ssyncset.done $0x0  }
0x3cb: {  	[sflag:s7] =	ssyncadd.s32 $0xFFFFFF80  }
0x3cc: {  	_ =	swait.ge [sflag:s7], $0x80  }
0x3cd: {  	[sflag:s7] =	ssyncset.done $0x0  }
0x3ce: {  	[sflag:s7] =	ssyncadd.s32 $0xFFFFFF80  }
0x3cf: {  	_ =	swait.ge [sflag:s7], $0x80  }
0x3d0: {  	[sflag:s7] =	ssyncset.done $0x0  }
0x3d1: {  	[sflag:s7] =	ssyncadd.s32 $0xFFFFFF80  }
0x3d2: {  	_ =	swait.ge [sflag:s7], $0x80  }
0x3d3: {  	[sflag:s7] =	ssyncset.done $0x0  }
0x3d4: {  	[sflag:s7] =	ssyncadd.s32 $0xFFFFFF80  }
0x3d5: {  	_ =	swait.ge [sflag:s7], $0x80  }
0x3d6: {  	[sflag:s7] =	ssyncset.done $0x0  }
0x3d7: {  	[sflag:s7] =	ssyncadd.s32 $0xFFFFFF80  }
0x3d8: {  	_ =	swait.ge [sflag:s7], $0x80  }
0x3d9: {  	[sflag:s7] =	ssyncset.done $0x0  }
0x3da: {  	[sflag:s7] =	ssyncadd.s32 $0xFFFFFF80  }
0x3db: {  	_ =	swait.ge [sflag:s7], $0x80  }
0x3dc: {  	[sflag:s7] =	ssyncset.done $0x0  }
0x3dd: {  	[sflag:s7] =	ssyncadd.s32 $0xFFFFFF80  }
0x3de: {  	_ =	swait.ge [sflag:s7], $0x80  }
0x3df: {  	[sflag:s7] =	ssyncset.done $0x0  }
0x3e0: {  	[sflag:s7] =	ssyncadd.s32 $0xFFFFFF80  }
0x3e1: {  	_ =	swait.ge [sflag:s7], $0x80  }
0x3e2: {  	[sflag:s7] =	ssyncset.done $0x0  }
0x3e3: {  	[sflag:s7] =	ssyncadd.s32 $0xFFFFFF80  }
0x3e4: {  	_ =	swait.ge [sflag:s7], $0x80  }
0x3e5: {  	[sflag:s7] =	ssyncset.done $0x0  }
0x3e6: {  	[sflag:s7] =	ssyncadd.s32 $0xFFFFFF80  }
0x3e7: {  	_ =	swait.ge [sflag:s7], $0x80  }
0x3e8: {  	[sflag:s7] =	ssyncset.done $0x0  }
0x3e9: {  	[sflag:s7] =	ssyncadd.s32 $0xFFFFFF80  }
0x3ea: {  	_ =	swait.ge [sflag:s7], $0x80  }
0x3eb: {  	[sflag:s7] =	ssyncset.done $0x0  }
0x3ec: {  	[sflag:s7] =	ssyncadd.s32 $0xFFFFFF80  }
0x3ed: {  	_ =	swait.ge [sflag:s7], $0x80  }
0x3ee: {  	[sflag:s7] =	ssyncset.done $0x0  }
0x3ef: {  	[sflag:s7] =	ssyncadd.s32 $0xFFFFFF80  }
0x3f0: {  	_ =	swait.ge [sflag:s7], $0x80  }
0x3f1: {  	[sflag:s7] =	ssyncset.done $0x0  }
0x3f2: {  	[sflag:s7] =	ssyncadd.s32 $0xFFFFFF80  }
0x3f3: {  	_ =	swait.ge [sflag:s7], $0x80  }
0x3f4: {  	[sflag:s7] =	ssyncset.done $0x0  }
0x3f5: {  	[sflag:s7] =	ssyncadd.s32 $0xFFFFFF80  }
0x3f6: {  	_ =	swait.ge [sflag:s7], $0x80  }
0x3f7: {  	[sflag:s7] =	ssyncset.done $0x0  }
0x3f8: {  	[sflag:s7] =	ssyncadd.s32 $0xFFFFFF80  }
0x3f9: {  	_ =	swait.ge [sflag:s7], $0x80  }
0x3fa: {  	[sflag:s7] =	ssyncset.done $0x0  }
0x3fb: {  	[sflag:s7] =	ssyncadd.s32 $0xFFFFFF80  }
0x3fc: {  	_ =	swait.ge [sflag:s7], $0x80  }
0x3fd: {  	[sflag:s7] =	ssyncset.done $0x0  }
0x3fe: {  	[sflag:s7] =	ssyncadd.s32 $0xFFFFFF80  }
0x3ff: {  	_ =	swait.ge [sflag:s7], $0x80  }
0x400: {  	[sflag:s7] =	ssyncset.done $0x0  }
0x401: {  	[sflag:s7] =	ssyncadd.s32 $0xFFFFFF80  }
0x402: {  	_ =	swait.ge [sflag:s7], $0x80  }
0x403: {  	[sflag:s7] =	ssyncset.done $0x0  }
0x404: {  	[sflag:s7] =	ssyncadd.s32 $0xFFFFFF80  }
0x405: {  	_ =	swait.ge [sflag:s7], $0x80  }
0x406: {  	[sflag:s7] =	ssyncset.done $0x0  }
0x407: {  	[sflag:s7] =	ssyncadd.s32 $0xFFFFFF80  }
0x408: {  	_ =	swait.ge [sflag:s7], $0x80  }
0x409: {  	[sflag:s7] =	ssyncset.done $0x0  }
0x40a: {  	[sflag:s7] =	ssyncadd.s32 $0xFFFFFF80  }
0x40b: {  	_ =	swait.ge [sflag:s7], $0x80  }
0x40c: {  	[sflag:s7] =	ssyncset.done $0x0  }
0x40d: {  	[sflag:s7] =	ssyncadd.s32 $0xFFFFFF80  }
0x40e: {  	_ =	swait.ge [sflag:s7], $0x80  }
0x40f: {  	[sflag:s7] =	ssyncset.done $0x0  }
0x410: {  	[sflag:s7] =	ssyncadd.s32 $0xFFFFFF80  }
0x411: {  	_ =	swait.ge [sflag:s7], $0x80  }
0x412: {  	[sflag:s7] =	ssyncset.done $0x0  }
0x413: {  	[sflag:s7] =	ssyncadd.s32 $0xFFFFFF80  }
0x414: {  	_ =	swait.ge [sflag:s7], $0x80  }
0x415: {  	[sflag:s7] =	ssyncset.done $0x0  }
0x416: {  	[sflag:s7] =	ssyncadd.s32 $0xFFFFFF80  }
0x417: {  	_ =	swait.ge [sflag:s7], $0x80  }
0x418: {  	[sflag:s7] =	ssyncset.done $0x0  }
0x419: {  	[sflag:s7] =	ssyncadd.s32 $0xFFFFFF80  }
0x41a: {  	_ =	swait.ge [sflag:s7], $0x80  }
0x41b: {  	[sflag:s7] =	ssyncset.done $0x0  }
0x41c: {  	[sflag:s7] =	ssyncadd.s32 $0xFFFFFF80  }
0x41d: {  	_ =	swait.ge [sflag:s7], $0x80  }
0x41e: {  	[sflag:s7] =	ssyncset.done $0x0  }
0x41f: {  	[sflag:s7] =	ssyncadd.s32 $0xFFFFFF80  }
0x420: {  	_ =	swait.ge [sflag:s7], $0x80  }
0x421: {  	[sflag:s7] =	ssyncset.done $0x0  }
0x422: {  	[sflag:s7] =	ssyncadd.s32 $0xFFFFFF80  }
0x423: {  	_ =	swait.ge [sflag:s7], $0x80  }
0x424: {  	[sflag:s7] =	ssyncset.done $0x0  }
0x425: {  	[sflag:s7] =	ssyncadd.s32 $0xFFFFFF80  }
0x426: {  	_ =	swait.ge [sflag:s7], $0x80  }
0x427: {  	[sflag:s7] =	ssyncset.done $0x0  }
0x428: {  	[sflag:s7] =	ssyncadd.s32 $0xFFFFFF80  }
0x429: {  	_ =	swait.ge [sflag:s7], $0x80  }
0x42a: {  	[sflag:s7] =	ssyncset.done $0x0  }
0x42b: {  	[sflag:s7] =	ssyncadd.s32 $0xFFFFFF80  }
0x42c: {  	_ =	swait.ge [sflag:s7], $0x80  }
0x42d: {  	[sflag:s7] =	ssyncset.done $0x0  }
0x42e: {  	[sflag:s7] =	ssyncadd.s32 $0xFFFFFF80  }
0x42f: {  	_ =	swait.ge [sflag:s7], $0x80  }
0x430: {  	[sflag:s7] =	ssyncset.done $0x0  }
0x431: {  	[sflag:s7] =	ssyncadd.s32 $0xFFFFFF80  }
0x432: {  	_ =	swait.ge [sflag:s7], $0x80  }
0x433: {  	[sflag:s7] =	ssyncset.done $0x0  }
0x434: {  	[sflag:s7] =	ssyncadd.s32 $0xFFFFFF80  }
0x435: {  	_ =	swait.ge [sflag:s7], $0x80  }
0x436: {  	[sflag:s7] =	ssyncset.done $0x0  }
0x437: {  	[sflag:s7] =	ssyncadd.s32 $0xFFFFFF80  }
0x438: {  	_ =	swait.ge [sflag:s7], $0x80  }
0x439: {  	[sflag:s7] =	ssyncset.done $0x0  }
0x43a: {  	[sflag:s7] =	ssyncadd.s32 $0xFFFFFF80  }
0x43b: {  	_ =	swait.ge [sflag:s7], $0x80  }
0x43c: {  	[sflag:s7] =	ssyncset.done $0x0  }
0x43d: {  	[sflag:s7] =	ssyncadd.s32 $0xFFFFFF80  }
0x43e: {  	_ =	swait.ge [sflag:s7], $0x80  }
0x43f: {  	[sflag:s7] =	ssyncset.done $0x0  }
0x440: {  	[sflag:s7] =	ssyncadd.s32 $0xFFFFFF80  }
0x441: {  	_ =	swait.ge [sflag:s7], $0x80  }
0x442: {  	[sflag:s7] =	ssyncset.done $0x0  }
0x443: {  	[sflag:s7] =	ssyncadd.s32 $0xFFFFFF80  }
0x444: {  	_ =	swait.ge [sflag:s7], $0x80  }
0x445: {  	[sflag:s7] =	ssyncset.done $0x0  }
0x446: {  	[sflag:s7] =	ssyncadd.s32 $0xFFFFFF80  }
0x447: {  	_ =	swait.ge [sflag:s7], $0x80  }
0x448: {  	[sflag:s7] =	ssyncset.done $0x0  }
0x449: {  	[sflag:s7] =	ssyncadd.s32 $0xFFFFFF80  }
0x44a: {  	_ =	swait.ge [sflag:s7], $0x80  }
0x44b: {  	[sflag:s7] =	ssyncset.done $0x0  }
0x44c: {  	[sflag:s7] =	ssyncadd.s32 $0xFFFFFF80  }
0x44d: {  	_ =	swait.ge [sflag:s7], $0x80  }
0x44e: {  	[sflag:s7] =	ssyncset.done $0x0  }
0x44f: {  	[sflag:s7] =	ssyncadd.s32 $0xFFFFFF80  }
0x450: {  	_ =	swait.ge [sflag:s7], $0x80  }
0x451: {  	[sflag:s7] =	ssyncset.done $0x0  }
0x452: {  	[sflag:s7] =	ssyncadd.s32 $0xFFFFFF80  }
0x453: {  	_ =	swait.ge [sflag:s7], $0x80  }
0x454: {  	[sflag:s7] =	ssyncset.done $0x0  }
0x455: {  	[sflag:s7] =	ssyncadd.s32 $0xFFFFFF80  }
0x456: {  	_ =	swait.ge [sflag:s7], $0x80  }
0x457: {  	[sflag:s7] =	ssyncset.done $0x0  }
0x458: {  	[sflag:s7] =	ssyncadd.s32 $0xFFFFFF80  }
0x459: {  	_ =	swait.ge [sflag:s7], $0x80  }
0x45a: {  	[sflag:s7] =	ssyncset.done $0x0  }
0x45b: {  	[sflag:s7] =	ssyncadd.s32 $0xFFFFFF80  }
0x45c: {  	_ =	swait.ge [sflag:s7], $0x80  }
0x45d: {  	[sflag:s7] =	ssyncset.done $0x0  }
0x45e: {  	[sflag:s7] =	ssyncadd.s32 $0xFFFFFF80  }
0x45f: {  	_ =	swait.ge [sflag:s7], $0x80  }
0x460: {  	[sflag:s7] =	ssyncset.done $0x0  }
0x461: {  	[sflag:s7] =	ssyncadd.s32 $0xFFFFFF80  }
0x462: {  	_ =	swait.ge [sflag:s7], $0x80  }
0x463: {  	[sflag:s7] =	ssyncset.done $0x0  }
0x464: {  	[sflag:s7] =	ssyncadd.s32 $0xFFFFFF80  }
0x465: {  	_ =	swait.ge [sflag:s7], $0x80  }
0x466: {  	s3 =	sld [smem:$0x7B6]  }
0x467: {  	[sflag:s7] =	ssyncset.done $0x0  }
0x468: {  	[sflag:s7] =	ssyncadd.s32 $0xFFFFFF80  }
0x469: {  	[hbm4b:s3+s2] =	stream.linear.scatter [tilespmem:s1], [sflag:$0x2], $0x1900, $0x38;
	[tilespmem:$0x4B00] =	vst v63  }
0x46a: {  	p1 =	sne.s32 s5, $0x1;
	_ =	swait.ge [sflag:s4], $0x1900  }
.Ltmp2:
0x46b: {  	[sflag:s4] =	ssyncset.done $0x0;
	(pc) =	sbr.rel @p1 .LBB2_3-.Ltmp2, $4  }
0x46c: {  	s11 =	simm.s32 $0x3200;
	s3 =	rddreg [dreg:$0x4];
	[sflag:s4] =	ssyncadd.s32 $0xFFFFE700  }
0x46d: {  	[hbm4b:s3+s2] =	stream.linear.scatter [tilespmem:s11], [sflag:$0x2], $0x1900, $0x38;
	[tilespmem:$0x4B00] =	vst v63  }
0x46e: {  	_ =	swait.ge [sflag:s4], $0x1900  }
0x46f: {  	s5 =	sadd.s32 $0xFFFFFFFF, s5;
	s6 =	rddreg [dreg:$0x3];
	[sflag:s4] =	ssyncset.done $0x0  }
0x470: {  	s11 =	stileid.u32  }
.LBB2_5:
0x471: {  	[sflag:s4] =	ssyncadd.s32 @p0 $0xFFFFE700  }
0x472: {  	[tilespmem:s2], [sflag:$0x2] =	stream.linear.gather [hbm4b:s6+s2], $0x1900, $0x38;
	[tilespmem:$0x4B00] =	vst v63  }
0x473: {  	_ =	swait.ge [sflag:s4], $0x1900  }
0x474: {  	[sflag:s4] =	ssyncset.done $0x0  }
0x475: {  	s12 =	simm.s32 $0x1900;
	[sflag:s4] =	ssyncadd.s32 $0xFFFFE700  }
0x476: {  	[tilespmem:s12], [sflag:$0x1] =	stream.indirect.gather [hbm4b:s8+s10], $0x1, s2, s10, $0xb8;
	[tilespmem:$0x4B00] =	vst v63  }
0x477: {  	s13 =	simm.s32 $0x3200;
	s5 =	rddreg [dreg:$0x5]  }
0x478: {  	[tilespmem:s13], [sflag:$0x1] =	stream.indirect.gather [hbm4b:s9+s10], $0x1, s2, s10, $0xb8;
	[tilespmem:$0x4B00] =	vst v63  }
0x479: {  	s22 =	rddreg [dreg:$0x6]  }
0x47a: {  	[tilespmem:s5], [sflag:$0x1] =	stream.indirect.gather [hbm4b:s8+s10], $0x1, s10, s10, $0xb8;
	[tilespmem:$0x4B00] =	vst v63  }
0x47b: {  	s23 =	rddreg [dreg:$0x7]  }
0x47c: {  	[tilespmem:s22], [sflag:$0x1] =	stream.indirect.gather [hbm4b:s9+s10], $0x1, s10, s10, $0xb8;
	[tilespmem:$0x4B00] =	vst v63  }
0x47d: {  	s0 =	simm.s32 $0x100;
	s24 =	rddreg [dreg:$0x8]  }
0x47e: {  	[tilespmem:s23], [sflag:$0x1] =	stream.indirect.gather [hbm4b:s8+s10], $0x1, s0, s10, $0xb8;
	[tilespmem:$0x4B00] =	vst v63  }
0x47f: {  	s25 =	rddreg [dreg:$0x9]  }
0x480: {  	[tilespmem:s24], [sflag:$0x1] =	stream.indirect.gather [hbm4b:s9+s10], $0x1, s0, s10, $0xb8;
	[tilespmem:$0x4B00] =	vst v63  }
0x481: {  	s26 =	simm.s32 $0x180;
	s3 =	rddreg [dreg:$0xa]  }
0x482: {  	[tilespmem:s25], [sflag:$0x1] =	stream.indirect.gather [hbm4b:s8+s10], $0x1, s26, s10, $0xb8;
	[tilespmem:$0x4B00] =	vst v63  }
0x483: {  	s28 =	rddreg [dreg:$0xb]  }
0x484: {  	[tilespmem:s3], [sflag:$0x1] =	stream.indirect.gather [hbm4b:s9+s10], $0x1, s26, s10, $0xb8;
	[tilespmem:$0x4B00] =	vst v63  }
0x485: {  	s1 =	simm.s32 $0x200;
	s29 =	rddreg [dreg:$0xc]  }
0x486: {  	[tilespmem:s28], [sflag:$0x1] =	stream.indirect.gather [hbm4b:s8+s10], $0x1, s1, s10, $0xb8;
	[tilespmem:$0x4B00] =	vst v63  }
0x487: {  	s30 =	rddreg [dreg:$0xd]  }
0x488: {  	[tilespmem:s29], [sflag:$0x1] =	stream.indirect.gather [hbm4b:s9+s10], $0x1, s1, s10, $0xb8;
	[tilespmem:$0x4B00] =	vst v63  }
0x489: {  	s31 =	rddreg [dreg:$0xe];
	s1 =	simm.s32 $0x280  }
0x48a: {  	[tilespmem:s30], [sflag:$0x1] =	stream.indirect.gather [hbm4b:s8+s10], $0x1, s1, s10, $0xb8;
	[tilespmem:$0x4B00] =	vst v63  }
0x48b: {  	s6 =	rddreg [dreg:$0xf]  }
0x48c: {  	[tilespmem:s31], [sflag:$0x1] =	stream.indirect.gather [hbm4b:s9+s10], $0x1, s1, s10, $0xb8;
	[tilespmem:$0x4B00] =	vst v63  }
0x48d: {  	s15 =	simm.s32 $0x300;
	s14 =	rddreg [dreg:$0x10]  }
0x48e: {  	[tilespmem:s6], [sflag:$0x1] =	stream.indirect.gather [hbm4b:s8+s10], $0x1, s15, s10, $0xb8;
	[tilespmem:$0x4B00] =	vst v63  }
0x48f: {  	s16 =	rddreg [dreg:$0x11]  }
0x490: {  	[tilespmem:s14], [sflag:$0x1] =	stream.indirect.gather [hbm4b:s9+s10], $0x1, s15, s10, $0xb8;
	[tilespmem:$0x4B00] =	vst v63  }
0x491: {  	s18 =	simm.s32 $0x380;
	s17 =	rddreg [dreg:$0x12]  }
0x492: {  	[tilespmem:s16], [sflag:$0x1] =	stream.indirect.gather [hbm4b:s8+s10], $0x1, s18, s10, $0xb8;
	[tilespmem:$0x4B00] =	vst v63  }
0x493: {  	s19 =	rddreg [dreg:$0x13]  }
0x494: {  	[tilespmem:s17], [sflag:$0x1] =	stream.indirect.gather [hbm4b:s9+s10], $0x1, s18, s10, $0xb8;
	[tilespmem:$0x4B00] =	vst v63  }
0x495: {  	s21 =	simm.s32 $0x400;
	s20 =	rddreg [dreg:$0x14]  }
0x496: {  	[tilespmem:s19], [sflag:$0x1] =	stream.indirect.gather [hbm4b:s8+s10], $0x1, s21, s10, $0xb8;
	[tilespmem:$0x4B00] =	vst v63  }
0x497: {  	s5 =	rddreg [dreg:$0x1b]  }
0x498: {  	[tilespmem:s20], [sflag:$0x1] =	stream.indirect.gather [hbm4b:s9+s10], $0x1, s21, s10, $0xb8;
	[tilespmem:$0x4B00] =	vst v63  }
0x499: {  	s22 =	rddreg [dreg:$0x15];
	s24 =	simm.s32 $0x480  }
0x49a: {  	[tilespmem:s22], [sflag:$0x1] =	stream.indirect.gather [hbm4b:s8+s10], $0x1, s24, s10, $0xb8;
	[tilespmem:$0x4B00] =	vst v63  }
0x49b: {  	s23 =	rddreg [dreg:$0x16]  }
0x49c: {  	[tilespmem:s23], [sflag:$0x1] =	stream.indirect.gather [hbm4b:s9+s10], $0x1, s24, s10, $0xb8;
	[tilespmem:$0x4B00] =	vst v63  }
0x49d: {  	s25 =	rddreg [dreg:$0x17];
	s28 =	simm.s32 $0x500  }
0x49e: {  	[tilespmem:s25], [sflag:$0x1] =	stream.indirect.gather [hbm4b:s8+s10], $0x1, s28, s10, $0xb8;
	[tilespmem:$0x4B00] =	vst v63  }
0x49f: {  	s26 =	rddreg [dreg:$0x18]  }
0x4a0: {  	[tilespmem:s26], [sflag:$0x1] =	stream.indirect.gather [hbm4b:s9+s10], $0x1, s28, s10, $0xb8;
	[tilespmem:$0x4B00] =	vst v63  }
0x4a1: {  	s29 =	rddreg [dreg:$0x19];
	s31 =	simm.s32 $0x580  }
0x4a2: {  	[tilespmem:s29], [sflag:$0x1] =	stream.indirect.gather [hbm4b:s8+s10], $0x1, s31, s10, $0xb8;
	[tilespmem:$0x4B00] =	vst v63  }
0x4a3: {  	s30 =	rddreg [dreg:$0x1a]  }
0x4a4: {  	[tilespmem:s30], [sflag:$0x1] =	stream.indirect.gather [hbm4b:s9+s10], $0x1, s31, s10, $0xb8;
	[tilespmem:$0x4B00] =	vst v63  }
0x4a5: {  	s6 =	rddreg [dreg:$0x1c];
	s14 =	simm.s32 $0x600  }
0x4a6: {  	[tilespmem:s5], [sflag:$0x1] =	stream.indirect.gather [hbm4b:s8+s10], $0x1, s14, s10, $0xb8;
	[tilespmem:$0x4B00] =	vst v63  }
0x4a7: {  	s15 =	rddreg [dreg:$0x1d]  }
0x4a8: {  	[tilespmem:s6], [sflag:$0x1] =	stream.indirect.gather [hbm4b:s9+s10], $0x1, s14, s10, $0xb8;
	[tilespmem:$0x4B00] =	vst v63  }
0x4a9: {  	s16 =	rddreg [dreg:$0x1e];
	s17 =	simm.s32 $0x680  }
0x4aa: {  	[tilespmem:s15], [sflag:$0x1] =	stream.indirect.gather [hbm4b:s8+s10], $0x1, s17, s10, $0xb8;
	[tilespmem:$0x4B00] =	vst v63  }
0x4ab: {  	s18 =	rddreg [dreg:$0x1f]  }
0x4ac: {  	[tilespmem:s16], [sflag:$0x1] =	stream.indirect.gather [hbm4b:s9+s10], $0x1, s17, s10, $0xb8;
	[tilespmem:$0x4B00] =	vst v63  }
0x4ad: {  	s19 =	sld [smem:$0x7B7];
	s20 =	simm.s32 $0x700  }
0x4ae: {  	[tilespmem:s18], [sflag:$0x1] =	stream.indirect.gather [hbm4b:s8+s10], $0x1, s20, s10, $0xb8;
	[tilespmem:$0x4B00] =	vst v63  }
0x4af: {  	s21 =	sld [smem:$0x7B8]  }
0x4b0: {  	[tilespmem:s19], [sflag:$0x1] =	stream.indirect.gather [hbm4b:s9+s10], $0x1, s20, s10, $0xb8;
	[tilespmem:$0x4B00] =	vst v63  }
0x4b1: {  	s22 =	sld [smem:$0x7B9];
	s23 =	simm.s32 $0x780  }
0x4b2: {  	[tilespmem:s21], [sflag:$0x1] =	stream.indirect.gather [hbm4b:s8+s10], $0x1, s23, s10, $0xb8;
	[tilespmem:$0x4B00] =	vst v63  }
0x4b3: {  	s24 =	sld [smem:$0x7BA]  }
0x4b4: {  	[tilespmem:s22], [sflag:$0x1] =	stream.indirect.gather [hbm4b:s9+s10], $0x1, s23, s10, $0xb8;
	[tilespmem:$0x4B00] =	vst v63  }
0x4b5: {  	s25 =	sld [smem:$0x7BB];
	s26 =	simm.s32 $0x800  }
0x4b6: {  	[tilespmem:s24], [sflag:$0x1] =	stream.indirect.gather [hbm4b:s8+s10], $0x1, s26, s10, $0xb8;
	[tilespmem:$0x4B00] =	vst v63  }
0x4b7: {  	s28 =	sld [smem:$0x7BC]  }
0x4b8: {  	[tilespmem:s25], [sflag:$0x1] =	stream.indirect.gather [hbm4b:s9+s10], $0x1, s26, s10, $0xb8;
	[tilespmem:$0x4B00] =	vst v63  }
0x4b9: {  	s29 =	sld [smem:$0x7BD];
	s30 =	simm.s32 $0x880  }
0x4ba: {  	[tilespmem:s28], [sflag:$0x1] =	stream.indirect.gather [hbm4b:s8+s10], $0x1, s30, s10, $0xb8;
	[tilespmem:$0x4B00] =	vst v63  }
0x4bb: {  	s31 =	sld [smem:$0x7BE]  }
0x4bc: {  	[tilespmem:s29], [sflag:$0x1] =	stream.indirect.gather [hbm4b:s9+s10], $0x1, s30, s10, $0xb8;
	[tilespmem:$0x4B00] =	vst v63  }
0x4bd: {  	s3 =	sld [smem:$0x7BF];
	s5 =	simm.s32 $0x900  }
0x4be: {  	[tilespmem:s31], [sflag:$0x1] =	stream.indirect.gather [hbm4b:s8+s10], $0x1, s5, s10, $0xb8;
	[tilespmem:$0x4B00] =	vst v63  }
0x4bf: {  	s6 =	sld [smem:$0x7C0]  }
0x4c0: {  	[tilespmem:s3], [sflag:$0x1] =	stream.indirect.gather [hbm4b:s9+s10], $0x1, s5, s10, $0xb8;
	[tilespmem:$0x4B00] =	vst v63  }
0x4c1: {  	s14 =	sld [smem:$0x7C1];
	s15 =	simm.s32 $0x980  }
0x4c2: {  	[tilespmem:s6], [sflag:$0x1] =	stream.indirect.gather [hbm4b:s8+s10], $0x1, s15, s10, $0xb8;
	[tilespmem:$0x4B00] =	vst v63  }
0x4c3: {  	s16 =	sld [smem:$0x7C2]  }
0x4c4: {  	[tilespmem:s14], [sflag:$0x1] =	stream.indirect.gather [hbm4b:s9+s10], $0x1, s15, s10, $0xb8;
	[tilespmem:$0x4B00] =	vst v63  }
0x4c5: {  	s17 =	sld [smem:$0x7C3];
	s18 =	simm.s32 $0xA00  }
0x4c6: {  	[tilespmem:s16], [sflag:$0x1] =	stream.indirect.gather [hbm4b:s8+s10], $0x1, s18, s10, $0xb8;
	[tilespmem:$0x4B00] =	vst v63  }
0x4c7: {  	s19 =	sld [smem:$0x7C4]  }
0x4c8: {  	[tilespmem:s17], [sflag:$0x1] =	stream.indirect.gather [hbm4b:s9+s10], $0x1, s18, s10, $0xb8;
	[tilespmem:$0x4B00] =	vst v63  }
0x4c9: {  	s20 =	sld [smem:$0x7C5];
	s21 =	simm.s32 $0xA80  }
0x4ca: {  	[tilespmem:s19], [sflag:$0x1] =	stream.indirect.gather [hbm4b:s8+s10], $0x1, s21, s10, $0xb8;
	[tilespmem:$0x4B00] =	vst v63  }
0x4cb: {  	s22 =	sld [smem:$0x7C6]  }
0x4cc: {  	[tilespmem:s20], [sflag:$0x1] =	stream.indirect.gather [hbm4b:s9+s10], $0x1, s21, s10, $0xb8;
	[tilespmem:$0x4B00] =	vst v63  }
0x4cd: {  	s23 =	sld [smem:$0x7C7];
	s24 =	simm.s32 $0xB00  }
0x4ce: {  	[tilespmem:s22], [sflag:$0x1] =	stream.indirect.gather [hbm4b:s8+s10], $0x1, s24, s10, $0xb8;
	[tilespmem:$0x4B00] =	vst v63  }
0x4cf: {  	s25 =	sld [smem:$0x7C8]  }
0x4d0: {  	[tilespmem:s23], [sflag:$0x1] =	stream.indirect.gather [hbm4b:s9+s10], $0x1, s24, s10, $0xb8;
	[tilespmem:$0x4B00] =	vst v63  }
0x4d1: {  	s26 =	sld [smem:$0x7C9];
	s28 =	simm.s32 $0xB80  }
0x4d2: {  	[tilespmem:s25], [sflag:$0x1] =	stream.indirect.gather [hbm4b:s8+s10], $0x1, s28, s10, $0xb8;
	[tilespmem:$0x4B00] =	vst v63  }
0x4d3: {  	s29 =	sld [smem:$0x7CA]  }
0x4d4: {  	[tilespmem:s26], [sflag:$0x1] =	stream.indirect.gather [hbm4b:s9+s10], $0x1, s28, s10, $0xb8;
	[tilespmem:$0x4B00] =	vst v63  }
0x4d5: {  	s30 =	sld [smem:$0x7CB];
	s31 =	simm.s32 $0xC00  }
0x4d6: {  	[tilespmem:s29], [sflag:$0x1] =	stream.indirect.gather [hbm4b:s8+s10], $0x1, s31, s10, $0xb8;
	[tilespmem:$0x4B00] =	vst v63  }
0x4d7: {  	s5 =	sld [smem:$0x7CC]  }
0x4d8: {  	[tilespmem:s30], [sflag:$0x1] =	stream.indirect.gather [hbm4b:s9+s10], $0x1, s31, s10, $0xb8;
	[tilespmem:$0x4B00] =	vst v63  }
0x4d9: {  	s6 =	sld [smem:$0x7CD];
	s14 =	simm.s32 $0xC80  }
0x4da: {  	[tilespmem:s5], [sflag:$0x1] =	stream.indirect.gather [hbm4b:s8+s10], $0x1, s14, s10, $0xb8;
	[tilespmem:$0x4B00] =	vst v63  }
0x4db: {  	s15 =	sld [smem:$0x7CE]  }
0x4dc: {  	[tilespmem:s6], [sflag:$0x1] =	stream.indirect.gather [hbm4b:s9+s10], $0x1, s14, s10, $0xb8;
	[tilespmem:$0x4B00] =	vst v63  }
0x4dd: {  	s16 =	sld [smem:$0x7CF];
	s17 =	simm.s32 $0xD00  }
0x4de: {  	[tilespmem:s15], [sflag:$0x1] =	stream.indirect.gather [hbm4b:s8+s10], $0x1, s17, s10, $0xb8;
	[tilespmem:$0x4B00] =	vst v63  }
0x4df: {  	s18 =	sld [smem:$0x7D0]  }
0x4e0: {  	[tilespmem:s16], [sflag:$0x1] =	stream.indirect.gather [hbm4b:s9+s10], $0x1, s17, s10, $0xb8;
	[tilespmem:$0x4B00] =	vst v63  }
0x4e1: {  	s19 =	sld [smem:$0x7D1];
	s20 =	simm.s32 $0xD80  }
0x4e2: {  	[tilespmem:s18], [sflag:$0x1] =	stream.indirect.gather [hbm4b:s8+s10], $0x1, s20, s10, $0xb8;
	[tilespmem:$0x4B00] =	vst v63  }
0x4e3: {  	s21 =	sld [smem:$0x7D2]  }
0x4e4: {  	[tilespmem:s19], [sflag:$0x1] =	stream.indirect.gather [hbm4b:s9+s10], $0x1, s20, s10, $0xb8;
	[tilespmem:$0x4B00] =	vst v63  }
0x4e5: {  	s22 =	sld [smem:$0x7D3];
	s23 =	simm.s32 $0xE00  }
0x4e6: {  	[tilespmem:s21], [sflag:$0x1] =	stream.indirect.gather [hbm4b:s8+s10], $0x1, s23, s10, $0xb8;
	[tilespmem:$0x4B00] =	vst v63  }
0x4e7: {  	s24 =	sld [smem:$0x7D4]  }
0x4e8: {  	[tilespmem:s22], [sflag:$0x1] =	stream.indirect.gather [hbm4b:s9+s10], $0x1, s23, s10, $0xb8;
	[tilespmem:$0x4B00] =	vst v63  }
0x4e9: {  	s25 =	sld [smem:$0x7D5];
	s26 =	simm.s32 $0xE80  }
0x4ea: {  	[tilespmem:s24], [sflag:$0x1] =	stream.indirect.gather [hbm4b:s8+s10], $0x1, s26, s10, $0xb8;
	[tilespmem:$0x4B00] =	vst v63  }
0x4eb: {  	s28 =	sld [smem:$0x7D6]  }
0x4ec: {  	[tilespmem:s25], [sflag:$0x1] =	stream.indirect.gather [hbm4b:s9+s10], $0x1, s26, s10, $0xb8;
	[tilespmem:$0x4B00] =	vst v63  }
0x4ed: {  	s29 =	sld [smem:$0x7D7];
	s30 =	simm.s32 $0xF00  }
0x4ee: {  	[tilespmem:s28], [sflag:$0x1] =	stream.indirect.gather [hbm4b:s8+s10], $0x1, s30, s10, $0xb8;
	[tilespmem:$0x4B00] =	vst v63  }
0x4ef: {  	s31 =	sld [smem:$0x7D8]  }
0x4f0: {  	[tilespmem:s29], [sflag:$0x1] =	stream.indirect.gather [hbm4b:s9+s10], $0x1, s30, s10, $0xb8;
	[tilespmem:$0x4B00] =	vst v63  }
0x4f1: {  	s3 =	sld [smem:$0x7D9];
	s5 =	simm.s32 $0xF80  }
0x4f2: {  	[tilespmem:s31], [sflag:$0x1] =	stream.indirect.gather [hbm4b:s8+s10], $0x1, s5, s10, $0xb8;
	[tilespmem:$0x4B00] =	vst v63  }
0x4f3: {  	s6 =	sld [smem:$0x7DA]  }
0x4f4: {  	[tilespmem:s3], [sflag:$0x1] =	stream.indirect.gather [hbm4b:s9+s10], $0x1, s5, s10, $0xb8;
	[tilespmem:$0x4B00] =	vst v63  }
0x4f5: {  	s14 =	sld [smem:$0x7DB];
	s15 =	simm.s32 $0x1000  }
0x4f6: {  	[tilespmem:s6], [sflag:$0x1] =	stream.indirect.gather [hbm4b:s8+s10], $0x1, s15, s10, $0xb8;
	[tilespmem:$0x4B00] =	vst v63  }
0x4f7: {  	s16 =	sld [smem:$0x7DC]  }
0x4f8: {  	[tilespmem:s14], [sflag:$0x1] =	stream.indirect.gather [hbm4b:s9+s10], $0x1, s15, s10, $0xb8;
	[tilespmem:$0x4B00] =	vst v63  }
0x4f9: {  	s17 =	sld [smem:$0x7DD];
	s18 =	simm.s32 $0x1080  }
0x4fa: {  	[tilespmem:s16], [sflag:$0x1] =	stream.indirect.gather [hbm4b:s8+s10], $0x1, s18, s10, $0xb8;
	[tilespmem:$0x4B00] =	vst v63  }
0x4fb: {  	s19 =	sld [smem:$0x7DE]  }
0x4fc: {  	[tilespmem:s17], [sflag:$0x1] =	stream.indirect.gather [hbm4b:s9+s10], $0x1, s18, s10, $0xb8;
	[tilespmem:$0x4B00] =	vst v63  }
0x4fd: {  	s20 =	sld [smem:$0x7DF];
	s21 =	simm.s32 $0x1100  }
0x4fe: {  	[tilespmem:s19], [sflag:$0x1] =	stream.indirect.gather [hbm4b:s8+s10], $0x1, s21, s10, $0xb8;
	[tilespmem:$0x4B00] =	vst v63  }
0x4ff: {  	s22 =	sld [smem:$0x7E0]  }
0x500: {  	[tilespmem:s20], [sflag:$0x1] =	stream.indirect.gather [hbm4b:s9+s10], $0x1, s21, s10, $0xb8;
	[tilespmem:$0x4B00] =	vst v63  }
0x501: {  	s23 =	sld [smem:$0x7E1];
	s24 =	simm.s32 $0x1180  }
0x502: {  	[tilespmem:s22], [sflag:$0x1] =	stream.indirect.gather [hbm4b:s8+s10], $0x1, s24, s10, $0xb8;
	[tilespmem:$0x4B00] =	vst v63  }
0x503: {  	s25 =	sld [smem:$0x7E2]  }
0x504: {  	[tilespmem:s23], [sflag:$0x1] =	stream.indirect.gather [hbm4b:s9+s10], $0x1, s24, s10, $0xb8;
	[tilespmem:$0x4B00] =	vst v63  }
0x505: {  	s26 =	sld [smem:$0x7E3];
	s28 =	simm.s32 $0x1200  }
0x506: {  	[tilespmem:s25], [sflag:$0x1] =	stream.indirect.gather [hbm4b:s8+s10], $0x1, s28, s10, $0xb8;
	[tilespmem:$0x4B00] =	vst v63  }
0x507: {  	s29 =	sld [smem:$0x7E4]  }
0x508: {  	[tilespmem:s26], [sflag:$0x1] =	stream.indirect.gather [hbm4b:s9+s10], $0x1, s28, s10, $0xb8;
	[tilespmem:$0x4B00] =	vst v63  }
0x509: {  	s30 =	sld [smem:$0x7E5];
	s31 =	simm.s32 $0x1280  }
0x50a: {  	[tilespmem:s29], [sflag:$0x1] =	stream.indirect.gather [hbm4b:s8+s10], $0x1, s31, s10, $0xb8;
	[tilespmem:$0x4B00] =	vst v63  }
0x50b: {  	s5 =	sld [smem:$0x7E6]  }
0x50c: {  	[tilespmem:s30], [sflag:$0x1] =	stream.indirect.gather [hbm4b:s9+s10], $0x1, s31, s10, $0xb8;
	[tilespmem:$0x4B00] =	vst v63  }
0x50d: {  	s6 =	sld [smem:$0x7E7];
	s14 =	simm.s32 $0x1300  }
0x50e: {  	[tilespmem:s5], [sflag:$0x1] =	stream.indirect.gather [hbm4b:s8+s10], $0x1, s14, s10, $0xb8;
	[tilespmem:$0x4B00] =	vst v63  }
0x50f: {  	s15 =	sld [smem:$0x7E8]  }
0x510: {  	[tilespmem:s6], [sflag:$0x1] =	stream.indirect.gather [hbm4b:s9+s10], $0x1, s14, s10, $0xb8;
	[tilespmem:$0x4B00] =	vst v63  }
0x511: {  	s16 =	sld [smem:$0x7E9];
	s17 =	simm.s32 $0x1380  }
0x512: {  	[tilespmem:s15], [sflag:$0x1] =	stream.indirect.gather [hbm4b:s8+s10], $0x1, s17, s10, $0xb8;
	[tilespmem:$0x4B00] =	vst v63  }
0x513: {  	s18 =	sld [smem:$0x7EA]  }
0x514: {  	[tilespmem:s16], [sflag:$0x1] =	stream.indirect.gather [hbm4b:s9+s10], $0x1, s17, s10, $0xb8;
	[tilespmem:$0x4B00] =	vst v63  }
0x515: {  	s19 =	sld [smem:$0x7EB];
	s20 =	simm.s32 $0x1400  }
0x516: {  	[tilespmem:s18], [sflag:$0x1] =	stream.indirect.gather [hbm4b:s8+s10], $0x1, s20, s10, $0xb8;
	[tilespmem:$0x4B00] =	vst v63  }
0x517: {  	s21 =	sld [smem:$0x7EC]  }
0x518: {  	[tilespmem:s19], [sflag:$0x1] =	stream.indirect.gather [hbm4b:s9+s10], $0x1, s20, s10, $0xb8;
	[tilespmem:$0x4B00] =	vst v63  }
0x519: {  	s22 =	sld [smem:$0x7ED];
	s23 =	simm.s32 $0x1480  }
0x51a: {  	[tilespmem:s21], [sflag:$0x1] =	stream.indirect.gather [hbm4b:s8+s10], $0x1, s23, s10, $0xb8;
	[tilespmem:$0x4B00] =	vst v63  }
0x51b: {  	s24 =	sld [smem:$0x7EE]  }
0x51c: {  	[tilespmem:s22], [sflag:$0x1] =	stream.indirect.gather [hbm4b:s9+s10], $0x1, s23, s10, $0xb8;
	[tilespmem:$0x4B00] =	vst v63  }
0x51d: {  	s25 =	sld [smem:$0x7EF];
	s26 =	simm.s32 $0x1500  }
0x51e: {  	[tilespmem:s24], [sflag:$0x1] =	stream.indirect.gather [hbm4b:s8+s10], $0x1, s26, s10, $0xb8;
	[tilespmem:$0x4B00] =	vst v63  }
0x51f: {  	s28 =	sld [smem:$0x7F0]  }
0x520: {  	[tilespmem:s25], [sflag:$0x1] =	stream.indirect.gather [hbm4b:s9+s10], $0x1, s26, s10, $0xb8;
	[tilespmem:$0x4B00] =	vst v63  }
0x521: {  	s29 =	sld [smem:$0x7F1];
	s30 =	simm.s32 $0x1580  }
0x522: {  	[tilespmem:s28], [sflag:$0x1] =	stream.indirect.gather [hbm4b:s8+s10], $0x1, s30, s10, $0xb8;
	[tilespmem:$0x4B00] =	vst v63  }
0x523: {  	s31 =	sld [smem:$0x7F2]  }
0x524: {  	[tilespmem:s29], [sflag:$0x1] =	stream.indirect.gather [hbm4b:s9+s10], $0x1, s30, s10, $0xb8;
	[tilespmem:$0x4B00] =	vst v63  }
0x525: {  	s5 =	sld [smem:$0x7F3];
	s6 =	simm.s32 $0x1600  }
0x526: {  	[tilespmem:s31], [sflag:$0x1] =	stream.indirect.gather [hbm4b:s8+s10], $0x1, s6, s10, $0xb8;
	[tilespmem:$0x4B00] =	vst v63  }
0x527: {  	s14 =	sld [smem:$0x7F4]  }
0x528: {  	[tilespmem:s5], [sflag:$0x1] =	stream.indirect.gather [hbm4b:s9+s10], $0x1, s6, s10, $0xb8;
	[tilespmem:$0x4B00] =	vst v63  }
0x529: {  	s15 =	sld [smem:$0x7F5];
	s16 =	simm.s32 $0x1680  }
0x52a: {  	[tilespmem:s14], [sflag:$0x1] =	stream.indirect.gather [hbm4b:s8+s10], $0x1, s16, s10, $0xb8;
	[tilespmem:$0x4B00] =	vst v63  }
0x52b: {  	s17 =	sld [smem:$0x7F6]  }
0x52c: {  	[tilespmem:s15], [sflag:$0x1] =	stream.indirect.gather [hbm4b:s9+s10], $0x1, s16, s10, $0xb8;
	[tilespmem:$0x4B00] =	vst v63  }
0x52d: {  	s18 =	sld [smem:$0x7F7];
	s19 =	simm.s32 $0x1700  }
0x52e: {  	[tilespmem:s17], [sflag:$0x1] =	stream.indirect.gather [hbm4b:s8+s10], $0x1, s19, s10, $0xb8;
	[tilespmem:$0x4B00] =	vst v63  }
0x52f: {  	s20 =	sld [smem:$0x7F8]  }
0x530: {  	[tilespmem:s18], [sflag:$0x1] =	stream.indirect.gather [hbm4b:s9+s10], $0x1, s19, s10, $0xb8;
	[tilespmem:$0x4B00] =	vst v63  }
0x531: {  	s21 =	sld [smem:$0x7F9];
	s22 =	simm.s32 $0x1780  }
0x532: {  	[tilespmem:s20], [sflag:$0x1] =	stream.indirect.gather [hbm4b:s8+s10], $0x1, s22, s10, $0xb8;
	[tilespmem:$0x4B00] =	vst v63  }
0x533: {  	s23 =	sld [smem:$0x7FA]  }
0x534: {  	[tilespmem:s21], [sflag:$0x1] =	stream.indirect.gather [hbm4b:s9+s10], $0x1, s22, s10, $0xb8;
	[tilespmem:$0x4B00] =	vst v63  }
0x535: {  	s24 =	sld [smem:$0x7FB];
	s25 =	simm.s32 $0x1800  }
0x536: {  	[tilespmem:s23], [sflag:$0x1] =	stream.indirect.gather [hbm4b:s8+s10], $0x1, s25, s10, $0xb8;
	[tilespmem:$0x4B00] =	vst v63  }
0x537: {  	s26 =	sld [smem:$0x7FC]  }
0x538: {  	[tilespmem:s24], [sflag:$0x1] =	stream.indirect.gather [hbm4b:s9+s10], $0x1, s25, s10, $0xb8;
	[tilespmem:$0x4B00] =	vst v63  }
0x539: {  	s28 =	sld [smem:$0x7FD];
	s29 =	simm.s32 $0x1880  }
0x53a: {  	[tilespmem:s26], [sflag:$0x1] =	stream.indirect.gather [hbm4b:s8+s10], $0x1, s29, s10, $0xb8;
	[tilespmem:$0x4B00] =	vst v63  }
0x53b: {  	_ = 	snop  }
0x53c: {  	[tilespmem:s28], [sflag:$0x1] =	stream.indirect.gather [hbm4b:s9+s10], $0x1, s29, s10, $0xb8;
	[tilespmem:$0x4B00] =	vst v63  }
0x53d: {  	_ =	swait.ge [sflag:s7], $0x80  }
0x53e: {  	[sflag:s7] =	ssyncset.done $0x0  }
0x53f: {  	[sflag:s7] =	ssyncadd.s32 $0xFFFFFF80  }
0x540: {  	_ =	swait.ge [sflag:s7], $0x80  }
0x541: {  	[sflag:s7] =	ssyncset.done $0x0  }
0x542: {  	[sflag:s7] =	ssyncadd.s32 $0xFFFFFF80  }
0x543: {  	_ =	swait.ge [sflag:s7], $0x80  }
0x544: {  	[sflag:s7] =	ssyncset.done $0x0  }
0x545: {  	[sflag:s7] =	ssyncadd.s32 $0xFFFFFF80  }
0x546: {  	_ =	swait.ge [sflag:s7], $0x80  }
0x547: {  	[sflag:s7] =	ssyncset.done $0x0  }
0x548: {  	[sflag:s7] =	ssyncadd.s32 $0xFFFFFF80  }
0x549: {  	_ =	swait.ge [sflag:s7], $0x80  }
0x54a: {  	[sflag:s7] =	ssyncset.done $0x0  }
0x54b: {  	[sflag:s7] =	ssyncadd.s32 $0xFFFFFF80  }
0x54c: {  	_ =	swait.ge [sflag:s7], $0x80  }
0x54d: {  	[sflag:s7] =	ssyncset.done $0x0  }
0x54e: {  	[sflag:s7] =	ssyncadd.s32 $0xFFFFFF80  }
0x54f: {  	_ =	swait.ge [sflag:s7], $0x80  }
0x550: {  	[sflag:s7] =	ssyncset.done $0x0  }
0x551: {  	[sflag:s7] =	ssyncadd.s32 $0xFFFFFF80  }
0x552: {  	_ =	swait.ge [sflag:s7], $0x80  }
0x553: {  	[sflag:s7] =	ssyncset.done $0x0  }
0x554: {  	[sflag:s7] =	ssyncadd.s32 $0xFFFFFF80  }
0x555: {  	_ =	swait.ge [sflag:s7], $0x80  }
0x556: {  	[sflag:s7] =	ssyncset.done $0x0  }
0x557: {  	[sflag:s7] =	ssyncadd.s32 $0xFFFFFF80  }
0x558: {  	_ =	swait.ge [sflag:s7], $0x80  }
0x559: {  	[sflag:s7] =	ssyncset.done $0x0  }
0x55a: {  	[sflag:s7] =	ssyncadd.s32 $0xFFFFFF80  }
0x55b: {  	_ =	swait.ge [sflag:s7], $0x80  }
0x55c: {  	[sflag:s7] =	ssyncset.done $0x0  }
0x55d: {  	[sflag:s7] =	ssyncadd.s32 $0xFFFFFF80  }
0x55e: {  	_ =	swait.ge [sflag:s7], $0x80  }
0x55f: {  	[sflag:s7] =	ssyncset.done $0x0  }
0x560: {  	[sflag:s7] =	ssyncadd.s32 $0xFFFFFF80  }
0x561: {  	_ =	swait.ge [sflag:s7], $0x80  }
0x562: {  	[sflag:s7] =	ssyncset.done $0x0  }
0x563: {  	[sflag:s7] =	ssyncadd.s32 $0xFFFFFF80  }
0x564: {  	_ =	swait.ge [sflag:s7], $0x80  }
0x565: {  	[sflag:s7] =	ssyncset.done $0x0  }
0x566: {  	[sflag:s7] =	ssyncadd.s32 $0xFFFFFF80  }
0x567: {  	_ =	swait.ge [sflag:s7], $0x80  }
0x568: {  	[sflag:s7] =	ssyncset.done $0x0  }
0x569: {  	[sflag:s7] =	ssyncadd.s32 $0xFFFFFF80  }
0x56a: {  	_ =	swait.ge [sflag:s7], $0x80  }
0x56b: {  	[sflag:s7] =	ssyncset.done $0x0  }
0x56c: {  	[sflag:s7] =	ssyncadd.s32 $0xFFFFFF80  }
0x56d: {  	_ =	swait.ge [sflag:s7], $0x80  }
0x56e: {  	[sflag:s7] =	ssyncset.done $0x0  }
0x56f: {  	[sflag:s7] =	ssyncadd.s32 $0xFFFFFF80  }
0x570: {  	_ =	swait.ge [sflag:s7], $0x80  }
0x571: {  	[sflag:s7] =	ssyncset.done $0x0  }
0x572: {  	[sflag:s7] =	ssyncadd.s32 $0xFFFFFF80  }
0x573: {  	_ =	swait.ge [sflag:s7], $0x80  }
0x574: {  	[sflag:s7] =	ssyncset.done $0x0  }
0x575: {  	[sflag:s7] =	ssyncadd.s32 $0xFFFFFF80  }
0x576: {  	_ =	swait.ge [sflag:s7], $0x80  }
0x577: {  	[sflag:s7] =	ssyncset.done $0x0  }
0x578: {  	[sflag:s7] =	ssyncadd.s32 $0xFFFFFF80  }
0x579: {  	_ =	swait.ge [sflag:s7], $0x80  }
0x57a: {  	[sflag:s7] =	ssyncset.done $0x0  }
0x57b: {  	[sflag:s7] =	ssyncadd.s32 $0xFFFFFF80  }
0x57c: {  	_ =	swait.ge [sflag:s7], $0x80  }
0x57d: {  	[sflag:s7] =	ssyncset.done $0x0  }
0x57e: {  	[sflag:s7] =	ssyncadd.s32 $0xFFFFFF80  }
0x57f: {  	_ =	swait.ge [sflag:s7], $0x80  }
0x580: {  	[sflag:s7] =	ssyncset.done $0x0  }
0x581: {  	[sflag:s7] =	ssyncadd.s32 $0xFFFFFF80  }
0x582: {  	_ =	swait.ge [sflag:s7], $0x80  }
0x583: {  	[sflag:s7] =	ssyncset.done $0x0  }
0x584: {  	[sflag:s7] =	ssyncadd.s32 $0xFFFFFF80  }
0x585: {  	_ =	swait.ge [sflag:s7], $0x80  }
0x586: {  	[sflag:s7] =	ssyncset.done $0x0  }
0x587: {  	[sflag:s7] =	ssyncadd.s32 $0xFFFFFF80  }
0x588: {  	_ =	swait.ge [sflag:s7], $0x80  }
0x589: {  	[sflag:s7] =	ssyncset.done $0x0  }
0x58a: {  	[sflag:s7] =	ssyncadd.s32 $0xFFFFFF80  }
0x58b: {  	_ =	swait.ge [sflag:s7], $0x80  }
0x58c: {  	[sflag:s7] =	ssyncset.done $0x0  }
0x58d: {  	[sflag:s7] =	ssyncadd.s32 $0xFFFFFF80  }
0x58e: {  	_ =	swait.ge [sflag:s7], $0x80  }
0x58f: {  	[sflag:s7] =	ssyncset.done $0x0  }
0x590: {  	[sflag:s7] =	ssyncadd.s32 $0xFFFFFF80  }
0x591: {  	_ =	swait.ge [sflag:s7], $0x80  }
0x592: {  	[sflag:s7] =	ssyncset.done $0x0  }
0x593: {  	[sflag:s7] =	ssyncadd.s32 $0xFFFFFF80  }
0x594: {  	_ =	swait.ge [sflag:s7], $0x80  }
0x595: {  	[sflag:s7] =	ssyncset.done $0x0  }
0x596: {  	[sflag:s7] =	ssyncadd.s32 $0xFFFFFF80  }
0x597: {  	_ =	swait.ge [sflag:s7], $0x80  }
0x598: {  	[sflag:s7] =	ssyncset.done $0x0  }
0x599: {  	[sflag:s7] =	ssyncadd.s32 $0xFFFFFF80  }
0x59a: {  	_ =	swait.ge [sflag:s7], $0x80  }
0x59b: {  	[sflag:s7] =	ssyncset.done $0x0  }
0x59c: {  	[sflag:s7] =	ssyncadd.s32 $0xFFFFFF80  }
0x59d: {  	_ =	swait.ge [sflag:s7], $0x80  }
0x59e: {  	[sflag:s7] =	ssyncset.done $0x0  }
0x59f: {  	[sflag:s7] =	ssyncadd.s32 $0xFFFFFF80  }
0x5a0: {  	_ =	swait.ge [sflag:s7], $0x80  }
0x5a1: {  	[sflag:s7] =	ssyncset.done $0x0  }
0x5a2: {  	[sflag:s7] =	ssyncadd.s32 $0xFFFFFF80  }
0x5a3: {  	_ =	swait.ge [sflag:s7], $0x80  }
0x5a4: {  	[sflag:s7] =	ssyncset.done $0x0  }
0x5a5: {  	[sflag:s7] =	ssyncadd.s32 $0xFFFFFF80  }
0x5a6: {  	_ =	swait.ge [sflag:s7], $0x80  }
0x5a7: {  	[sflag:s7] =	ssyncset.done $0x0  }
0x5a8: {  	[sflag:s7] =	ssyncadd.s32 $0xFFFFFF80  }
0x5a9: {  	_ =	swait.ge [sflag:s7], $0x80  }
0x5aa: {  	[sflag:s7] =	ssyncset.done $0x0  }
0x5ab: {  	[sflag:s7] =	ssyncadd.s32 $0xFFFFFF80  }
0x5ac: {  	_ =	swait.ge [sflag:s7], $0x80  }
0x5ad: {  	[sflag:s7] =	ssyncset.done $0x0  }
0x5ae: {  	[sflag:s7] =	ssyncadd.s32 $0xFFFFFF80  }
0x5af: {  	_ =	swait.ge [sflag:s7], $0x80  }
0x5b0: {  	[sflag:s7] =	ssyncset.done $0x0  }
0x5b1: {  	[sflag:s7] =	ssyncadd.s32 $0xFFFFFF80  }
0x5b2: {  	_ =	swait.ge [sflag:s7], $0x80  }
0x5b3: {  	[sflag:s7] =	ssyncset.done $0x0  }
0x5b4: {  	[sflag:s7] =	ssyncadd.s32 $0xFFFFFF80  }
0x5b5: {  	_ =	swait.ge [sflag:s7], $0x80  }
0x5b6: {  	[sflag:s7] =	ssyncset.done $0x0  }
0x5b7: {  	[sflag:s7] =	ssyncadd.s32 $0xFFFFFF80  }
0x5b8: {  	_ =	swait.ge [sflag:s7], $0x80  }
0x5b9: {  	[sflag:s7] =	ssyncset.done $0x0  }
0x5ba: {  	[sflag:s7] =	ssyncadd.s32 $0xFFFFFF80  }
0x5bb: {  	_ =	swait.ge [sflag:s7], $0x80  }
0x5bc: {  	[sflag:s7] =	ssyncset.done $0x0  }
0x5bd: {  	[sflag:s7] =	ssyncadd.s32 $0xFFFFFF80  }
0x5be: {  	_ =	swait.ge [sflag:s7], $0x80  }
0x5bf: {  	[sflag:s7] =	ssyncset.done $0x0  }
0x5c0: {  	[sflag:s7] =	ssyncadd.s32 $0xFFFFFF80  }
0x5c1: {  	_ =	swait.ge [sflag:s7], $0x80  }
0x5c2: {  	[sflag:s7] =	ssyncset.done $0x0  }
0x5c3: {  	[sflag:s7] =	ssyncadd.s32 $0xFFFFFF80  }
0x5c4: {  	_ =	swait.ge [sflag:s7], $0x80  }
0x5c5: {  	[sflag:s7] =	ssyncset.done $0x0  }
0x5c6: {  	[sflag:s7] =	ssyncadd.s32 $0xFFFFFF80  }
0x5c7: {  	_ =	swait.ge [sflag:s7], $0x80  }
0x5c8: {  	[sflag:s7] =	ssyncset.done $0x0  }
0x5c9: {  	[sflag:s7] =	ssyncadd.s32 $0xFFFFFF80  }
0x5ca: {  	_ =	swait.ge [sflag:s7], $0x80  }
0x5cb: {  	[sflag:s7] =	ssyncset.done $0x0  }
0x5cc: {  	[sflag:s7] =	ssyncadd.s32 $0xFFFFFF80  }
0x5cd: {  	_ =	swait.ge [sflag:s7], $0x80  }
0x5ce: {  	[sflag:s7] =	ssyncset.done $0x0  }
0x5cf: {  	[sflag:s7] =	ssyncadd.s32 $0xFFFFFF80  }
0x5d0: {  	_ =	swait.ge [sflag:s7], $0x80  }
0x5d1: {  	[sflag:s7] =	ssyncset.done $0x0  }
0x5d2: {  	[sflag:s7] =	ssyncadd.s32 $0xFFFFFF80  }
0x5d3: {  	_ =	swait.ge [sflag:s7], $0x80  }
0x5d4: {  	[sflag:s7] =	ssyncset.done $0x0  }
0x5d5: {  	[sflag:s7] =	ssyncadd.s32 $0xFFFFFF80  }
0x5d6: {  	_ =	swait.ge [sflag:s7], $0x80  }
0x5d7: {  	[sflag:s7] =	ssyncset.done $0x0  }
0x5d8: {  	[sflag:s7] =	ssyncadd.s32 $0xFFFFFF80  }
0x5d9: {  	_ =	swait.ge [sflag:s7], $0x80  }
0x5da: {  	[sflag:s7] =	ssyncset.done $0x0  }
0x5db: {  	[sflag:s7] =	ssyncadd.s32 $0xFFFFFF80  }
0x5dc: {  	_ =	swait.ge [sflag:s7], $0x80  }
0x5dd: {  	[sflag:s7] =	ssyncset.done $0x0  }
0x5de: {  	[sflag:s7] =	ssyncadd.s32 $0xFFFFFF80  }
0x5df: {  	_ =	swait.ge [sflag:s7], $0x80  }
0x5e0: {  	[sflag:s7] =	ssyncset.done $0x0  }
0x5e1: {  	[sflag:s7] =	ssyncadd.s32 $0xFFFFFF80  }
0x5e2: {  	_ =	swait.ge [sflag:s7], $0x80  }
0x5e3: {  	[sflag:s7] =	ssyncset.done $0x0  }
0x5e4: {  	[sflag:s7] =	ssyncadd.s32 $0xFFFFFF80  }
0x5e5: {  	_ =	swait.ge [sflag:s7], $0x80  }
0x5e6: {  	[sflag:s7] =	ssyncset.done $0x0  }
0x5e7: {  	[sflag:s7] =	ssyncadd.s32 $0xFFFFFF80  }
0x5e8: {  	_ =	swait.ge [sflag:s7], $0x80  }
0x5e9: {  	[sflag:s7] =	ssyncset.done $0x0  }
0x5ea: {  	[sflag:s7] =	ssyncadd.s32 $0xFFFFFF80  }
0x5eb: {  	_ =	swait.ge [sflag:s7], $0x80  }
0x5ec: {  	[sflag:s7] =	ssyncset.done $0x0  }
0x5ed: {  	[sflag:s7] =	ssyncadd.s32 $0xFFFFFF80  }
0x5ee: {  	_ =	swait.ge [sflag:s7], $0x80  }
0x5ef: {  	[sflag:s7] =	ssyncset.done $0x0  }
0x5f0: {  	[sflag:s7] =	ssyncadd.s32 $0xFFFFFF80  }
0x5f1: {  	_ =	swait.ge [sflag:s7], $0x80  }
0x5f2: {  	[sflag:s7] =	ssyncset.done $0x0  }
0x5f3: {  	[sflag:s7] =	ssyncadd.s32 $0xFFFFFF80  }
0x5f4: {  	_ =	swait.ge [sflag:s7], $0x80  }
0x5f5: {  	[sflag:s7] =	ssyncset.done $0x0  }
0x5f6: {  	[sflag:s7] =	ssyncadd.s32 $0xFFFFFF80  }
0x5f7: {  	_ =	swait.ge [sflag:s7], $0x80  }
0x5f8: {  	[sflag:s7] =	ssyncset.done $0x0  }
0x5f9: {  	[sflag:s7] =	ssyncadd.s32 $0xFFFFFF80  }
0x5fa: {  	_ =	swait.ge [sflag:s7], $0x80  }
0x5fb: {  	[sflag:s7] =	ssyncset.done $0x0  }
0x5fc: {  	[sflag:s7] =	ssyncadd.s32 $0xFFFFFF80  }
0x5fd: {  	_ =	swait.ge [sflag:s7], $0x80  }
0x5fe: {  	[sflag:s7] =	ssyncset.done $0x0  }
0x5ff: {  	[sflag:s7] =	ssyncadd.s32 $0xFFFFFF80  }
0x600: {  	_ =	swait.ge [sflag:s7], $0x80  }
0x601: {  	[sflag:s7] =	ssyncset.done $0x0  }
0x602: {  	[sflag:s7] =	ssyncadd.s32 $0xFFFFFF80  }
0x603: {  	_ =	swait.ge [sflag:s7], $0x80  }
0x604: {  	[sflag:s7] =	ssyncset.done $0x0  }
0x605: {  	[sflag:s7] =	ssyncadd.s32 $0xFFFFFF80  }
0x606: {  	_ =	swait.ge [sflag:s7], $0x80  }
0x607: {  	[sflag:s7] =	ssyncset.done $0x0  }
0x608: {  	[sflag:s7] =	ssyncadd.s32 $0xFFFFFF80  }
0x609: {  	_ =	swait.ge [sflag:s7], $0x80  }
0x60a: {  	[sflag:s7] =	ssyncset.done $0x0  }
0x60b: {  	[sflag:s7] =	ssyncadd.s32 $0xFFFFFF80  }
0x60c: {  	_ =	swait.ge [sflag:s7], $0x80  }
0x60d: {  	[sflag:s7] =	ssyncset.done $0x0  }
0x60e: {  	[sflag:s7] =	ssyncadd.s32 $0xFFFFFF80  }
0x60f: {  	_ =	swait.ge [sflag:s7], $0x80  }
0x610: {  	[sflag:s7] =	ssyncset.done $0x0  }
0x611: {  	[sflag:s7] =	ssyncadd.s32 $0xFFFFFF80  }
0x612: {  	_ =	swait.ge [sflag:s7], $0x80  }
0x613: {  	[sflag:s7] =	ssyncset.done $0x0  }
0x614: {  	[sflag:s7] =	ssyncadd.s32 $0xFFFFFF80  }
0x615: {  	_ =	swait.ge [sflag:s7], $0x80  }
0x616: {  	[sflag:s7] =	ssyncset.done $0x0  }
0x617: {  	[sflag:s7] =	ssyncadd.s32 $0xFFFFFF80  }
0x618: {  	_ =	swait.ge [sflag:s7], $0x80  }
0x619: {  	[sflag:s7] =	ssyncset.done $0x0  }
0x61a: {  	[sflag:s7] =	ssyncadd.s32 $0xFFFFFF80  }
0x61b: {  	_ =	swait.ge [sflag:s7], $0x80  }
0x61c: {  	[sflag:s7] =	ssyncset.done $0x0  }
0x61d: {  	[sflag:s7] =	ssyncadd.s32 $0xFFFFFF80  }
0x61e: {  	_ =	swait.ge [sflag:s7], $0x80  }
0x61f: {  	[sflag:s7] =	ssyncset.done $0x0  }
0x620: {  	[sflag:s7] =	ssyncadd.s32 $0xFFFFFF80  }
0x621: {  	_ =	swait.ge [sflag:s7], $0x80  }
0x622: {  	[sflag:s7] =	ssyncset.done $0x0  }
0x623: {  	[sflag:s7] =	ssyncadd.s32 $0xFFFFFF80  }
0x624: {  	_ =	swait.ge [sflag:s7], $0x80  }
0x625: {  	[sflag:s7] =	ssyncset.done $0x0  }
0x626: {  	[sflag:s7] =	ssyncadd.s32 $0xFFFFFF80  }
0x627: {  	_ =	swait.ge [sflag:s7], $0x80  }
0x628: {  	[sflag:s7] =	ssyncset.done $0x0  }
0x629: {  	[sflag:s7] =	ssyncadd.s32 $0xFFFFFF80  }
0x62a: {  	_ =	swait.ge [sflag:s7], $0x80  }
0x62b: {  	[sflag:s7] =	ssyncset.done $0x0  }
0x62c: {  	[sflag:s7] =	ssyncadd.s32 $0xFFFFFF80  }
0x62d: {  	_ =	swait.ge [sflag:s7], $0x80  }
0x62e: {  	[sflag:s7] =	ssyncset.done $0x0  }
0x62f: {  	[sflag:s7] =	ssyncadd.s32 $0xFFFFFF80  }
0x630: {  	_ =	swait.ge [sflag:s7], $0x80  }
0x631: {  	[sflag:s7] =	ssyncset.done $0x0  }
0x632: {  	[sflag:s7] =	ssyncadd.s32 $0xFFFFFF80  }
0x633: {  	_ =	swait.ge [sflag:s7], $0x80  }
0x634: {  	[sflag:s7] =	ssyncset.done $0x0  }
0x635: {  	[sflag:s7] =	ssyncadd.s32 $0xFFFFFF80  }
0x636: {  	_ =	swait.ge [sflag:s7], $0x80  }
0x637: {  	[sflag:s7] =	ssyncset.done $0x0  }
0x638: {  	[sflag:s7] =	ssyncadd.s32 $0xFFFFFF80  }
0x639: {  	_ =	swait.ge [sflag:s7], $0x80  }
0x63a: {  	[sflag:s7] =	ssyncset.done $0x0  }
0x63b: {  	[sflag:s7] =	ssyncadd.s32 $0xFFFFFF80  }
0x63c: {  	_ =	swait.ge [sflag:s7], $0x80  }
0x63d: {  	[sflag:s7] =	ssyncset.done $0x0  }
0x63e: {  	[sflag:s7] =	ssyncadd.s32 $0xFFFFFF80  }
0x63f: {  	_ =	swait.ge [sflag:s7], $0x80  }
0x640: {  	[sflag:s7] =	ssyncset.done $0x0  }
0x641: {  	[sflag:s7] =	ssyncadd.s32 $0xFFFFFF80  }
0x642: {  	_ =	swait.ge [sflag:s7], $0x80  }
0x643: {  	[sflag:s7] =	ssyncset.done $0x0  }
0x644: {  	[sflag:s7] =	ssyncadd.s32 $0xFFFFFF80  }
0x645: {  	_ =	swait.ge [sflag:s7], $0x80  }
0x646: {  	[sflag:s7] =	ssyncset.done $0x0  }
0x647: {  	[sflag:s7] =	ssyncadd.s32 $0xFFFFFF80  }
0x648: {  	_ =	swait.ge [sflag:s7], $0x80  }
0x649: {  	[sflag:s7] =	ssyncset.done $0x0  }
0x64a: {  	[sflag:s7] =	ssyncadd.s32 $0xFFFFFF80  }
0x64b: {  	_ =	swait.ge [sflag:s7], $0x80  }
0x64c: {  	[sflag:s7] =	ssyncset.done $0x0  }
0x64d: {  	[sflag:s7] =	ssyncadd.s32 $0xFFFFFF80  }
0x64e: {  	_ =	swait.ge [sflag:s7], $0x80  }
0x64f: {  	[sflag:s7] =	ssyncset.done $0x0  }
0x650: {  	[sflag:s7] =	ssyncadd.s32 $0xFFFFFF80  }
0x651: {  	_ =	swait.ge [sflag:s7], $0x80  }
0x652: {  	[sflag:s7] =	ssyncset.done $0x0  }
0x653: {  	[sflag:s7] =	ssyncadd.s32 $0xFFFFFF80  }
0x654: {  	_ =	swait.ge [sflag:s7], $0x80  }
0x655: {  	[sflag:s7] =	ssyncset.done $0x0  }
0x656: {  	[sflag:s7] =	ssyncadd.s32 $0xFFFFFF80  }
0x657: {  	_ =	swait.ge [sflag:s7], $0x80  }
0x658: {  	[sflag:s7] =	ssyncset.done $0x0  }
0x659: {  	[sflag:s7] =	ssyncadd.s32 $0xFFFFFF80  }
0x65a: {  	_ =	swait.ge [sflag:s7], $0x80  }
0x65b: {  	[sflag:s7] =	ssyncset.done $0x0  }
0x65c: {  	[sflag:s7] =	ssyncadd.s32 $0xFFFFFF80  }
0x65d: {  	_ =	swait.ge [sflag:s7], $0x80  }
0x65e: {  	[sflag:s7] =	ssyncset.done $0x0  }
0x65f: {  	[sflag:s7] =	ssyncadd.s32 $0xFFFFFF80  }
0x660: {  	_ =	swait.ge [sflag:s7], $0x80  }
0x661: {  	[sflag:s7] =	ssyncset.done $0x0  }
0x662: {  	[sflag:s7] =	ssyncadd.s32 $0xFFFFFF80  }
0x663: {  	_ =	swait.ge [sflag:s7], $0x80  }
0x664: {  	[sflag:s7] =	ssyncset.done $0x0  }
0x665: {  	[sflag:s7] =	ssyncadd.s32 $0xFFFFFF80  }
0x666: {  	_ =	swait.ge [sflag:s7], $0x80  }
0x667: {  	s30 =	sld [smem:$0x7B6]  }
0x668: {  	[sflag:s7] =	ssyncset.done $0x0  }
0x669: {  	[sflag:s7] =	ssyncadd.s32 $0xFFFFFF80  }
0x66a: {  	[hbm4b:s30+s2] =	stream.linear.scatter [tilespmem:s12], [sflag:$0x2], $0x1900, $0x38;
	[tilespmem:$0x4B00] =	vst v63  }
0x66b: {  	_ =	swait.ge [sflag:s4], $0x1900  }
0x66c: {  	[sflag:s4] =	ssyncset.done $0x0  }
0x66d: {  	s31 =	rddreg [dreg:$0x4];
	[sflag:s4] =	ssyncadd.s32 $0xFFFFE700  }
0x66e: {  	[hbm4b:s31+s2] =	stream.linear.scatter [tilespmem:s13], [sflag:$0x2], $0x1900, $0x38;
	[tilespmem:$0x4B00] =	vst v63  }
0x66f: {  	_ =	swait.ge [sflag:s4], $0x1900  }
0x670: {  	[sflag:s4] =	ssyncset.done $0x0  }
0x671: {  	[sflag:s4] =	ssyncadd.s32 $0xFFFFE700  }
0x672: {  	_ =	sfence.sel $0x180000  }
0x673: {  	[bflag:$0x0] =	sbarrier.arrive $0xFFFF  }
0x674: {  	_ =	strace $0x90000047  }
0x675: {  	[bflag:$0x2] =	sbarrier.arrive $0xFFFF  }
0x676: {  	p0 =	sne.s32 s11, $0x0;
	s0 =	rddreg [dreg:$0x2]  }
0x677: {  	s0 =	sadd.s32 @!p0 $0x100000, s0  }
0x678: {  	[sflag:s0] =	ssyncadd.tile.s32 @!p0 $0x1;
	_ =	shalt  }
.LBB2_6:
.Ltmp3:
0x679: {  	(pc) =	sbr.rel .LBB2_5-.Ltmp3, $2  }
0x67a: {  	_ =	sdelay $0x2  }
0x67b: {  	s11 =	stileid.u32  }
.Lfunc_end2:
_tile_overlayer_lowered:
.L_overlay_start_2:
0x67c: {  	(tag) =	ssettag $0x2  }
0x67d: {  	s0 =	rddreg [dreg:$0x0];
	s2 =	stileid.u32  }
0x67e: {  	s1 =	rddreg [dreg:$0x1];
	p0 =	sne.s32 s2, $0x0  }
0x67f: {  	s3 =	rddreg [dreg:$0x2];
	[bflag:$0x3] =	sbarrier.arrive $0xFFFF;
	s2 =	simm.s32 @!p0 $0x1C02  }
0x680: {  	[timem:s3], [sflag:s2] =	dma.local @!p0 [hbm:s0], s1  }
0x681: {  	s0 =	simm.s32 @!p0 $0x2  }
0x682: {  	_ =	swait.ge @!p0 [sflag:s0], s1  }
0x683: {  	s1 =	ssub.s32 @!p0 $0x0, s1;
	[sflag:s0] =	ssyncset.done @!p0 $0x0  }
0x684: {  	[sflag:s0] =	ssyncadd.s32 @!p0 s1  }
0x685: {  	[bflag:$0x3] =	sbarrier.arrive $0xFFFF  }
0x686: {  	_ =	shalt  }

</sc_bundles>
